<compile_context>
chip_gen: v7x
topology: tpu7x:2x2x1
jax: 0.10.2.dev20260603
libtpu: 0.0.44.dev20260713+nightly
codegen_flags: <defaults>
</compile_context>

<pallas_src>
import jax
import jax.numpy as jnp
from jax.experimental import pallas as pl
from jax.experimental.pallas import tpu as pltpu

N = 8192
HIDDEN = 256
HEADS = 8
DHEAD = 32
LATENT = 32
INPUT_DIM = 16
DR2 = 0.2 * 0.2
TWO_PI = 6.283185307179586
NEG = -1e30
LAYERS = 4

TQ = 256
TK = 256
TR = 512
NQ = N // TQ
NR = N // TR


def _dotT(a, b):
    return jax.lax.dot_general(a, b, (((1,), (1,)), ((), ())),
                               preferred_element_type=jnp.float32)


def _ln(x, g, b):
    m = jnp.mean(x, axis=-1, keepdims=True)
    xc = x - m
    v = jnp.mean(xc * xc, axis=-1, keepdims=True)
    return xc / jnp.sqrt(v + 1e-5) * g + b


def _fwd_kernel(kt0_ref, kt1_ref,
                xraw_ref, xrT_ref, batch_ref,
                win_ref, bin_ref,
                ln1g_ref, ln1b_ref, wq_ref, wk_ref, wv_ref, wo_ref, bo_ref,
                ln2g_ref, ln2b_ref, w1_ref, b1_ref, w2_ref, b2_ref,
                lw1_ref, lb1_ref, lw2_ref, lb2_ref,
                bw1_ref, bb1_ref, bw2_ref, bb2_ref,
                beta_ref, z_ref,
                x_scr, k_scr, v_scr, meta_scr):
    def inproj_tile(t, carry):
        r0 = t * TR
        x_scr[pl.ds(r0, TR), :] = (
            _dotT(xraw_ref[pl.ds(r0, TR), :], win_ref[...]) + bin_ref[...])
        return carry

    jax.lax.fori_loop(0, NR, inproj_tile, 0)
    eta = xrT_ref[1:2, :] * (2.62 * 2.0) + (-2.62)
    phi = xrT_ref[2:3, :] * (3.1416 * 2.0) + (-3.1416)
    bf = batch_ref[...].astype(jnp.float32)
    pad = jnp.zeros((5, N), jnp.float32)
    meta_scr[...] = jnp.concatenate([eta, phi, bf, pad], axis=0)

    scale = DHEAD ** -0.5

    for l in range(LAYERS):
        def qkv_tile(t, carry, l=l):
            r0 = t * TR
            h = _ln(x_scr[pl.ds(r0, TR), :], ln1g_ref[l], ln1b_ref[l])
            k_scr[pl.ds(r0, TR), :] = _dotT(h, wk_ref[l])
            v_scr[pl.ds(r0, TR), :] = _dotT(h, wv_ref[l])
            return carry

        jax.lax.fori_loop(0, NR, qkv_tile, 0)

        def attn_tile(t, carry, l=l):
            q0 = t * TQ
            ht = _ln(x_scr[pl.ds(q0, TQ), :], ln1g_ref[l], ln1b_ref[l])
            q = _dotT(ht, wq_ref[l]) * scale
            etaq = meta_scr[0:1, pl.ds(q0, TQ)].reshape(TQ, 1)
            phiq = meta_scr[1:2, pl.ds(q0, TQ)].reshape(TQ, 1)
            bq = meta_scr[2:3, pl.ds(q0, TQ)].reshape(TQ, 1)

            def body(kt, c):
                k0 = kt * TK
                kblk = k_scr[pl.ds(k0, TK), :]
                vblk = v_scr[pl.ds(k0, TK), :]
                deta = etaq - meta_scr[0:1, pl.ds(k0, TK)]
                dphi = jnp.abs(phiq - meta_scr[1:2, pl.ds(k0, TK)])
                w = jnp.minimum(dphi, TWO_PI - dphi)
                d2 = deta * deta + w * w
                ok = (bq == meta_scr[2:3, pl.ds(k0, TK)]) & (d2 <= DR2)
                madd = jnp.where(ok, 0.0, NEG)
                new = []
                for hh in range(HEADS):
                    lsum, acc = c[hh]
                    qh = q[:, hh * DHEAD:(hh + 1) * DHEAD]
                    kh = kblk[:, hh * DHEAD:(hh + 1) * DHEAD]
                    vh = vblk[:, hh * DHEAD:(hh + 1) * DHEAD]
                    p = jnp.exp(_dotT(qh, kh) + madd)
                    lnew = lsum + jnp.sum(p, axis=1, keepdims=True)
                    accn = acc + jax.lax.dot_general(
                        p, vh, (((1,), (0,)), ((), ())),
                        preferred_element_type=jnp.float32)
                    new.append((lnew, accn))
                return tuple(new)

            init = tuple((jnp.zeros((TQ, 1), jnp.float32),
                          jnp.zeros((TQ, DHEAD), jnp.float32))
                         for _ in range(HEADS))
            res = jax.lax.fori_loop(kt0_ref[t], kt1_ref[t], body, init)
            attn = jnp.concatenate([res[hh][1] / res[hh][0]
                                    for hh in range(HEADS)], axis=1)
            xt = x_scr[pl.ds(q0, TQ), :]
            x_scr[pl.ds(q0, TQ), :] = (
                xt + _dotT(attn, wo_ref[l]) + bo_ref[l])
            return carry

        jax.lax.fori_loop(0, NQ, attn_tile, 0)

        def ffn_tile(t, carry, l=l):
            r0 = t * TR
            xt = x_scr[pl.ds(r0, TR), :]
            h2 = _ln(xt, ln2g_ref[l], ln2b_ref[l])
            y = jnp.maximum(_dotT(h2, w1_ref[l]) + b1_ref[l], 0.0)
            x_scr[pl.ds(r0, TR), :] = xt + _dotT(y, w2_ref[l]) + b2_ref[l]
            return carry

        jax.lax.fori_loop(0, NR, ffn_tile, 0)

    def head_tile(t, carry):
        r0 = t * TR
        xt = x_scr[pl.ds(r0, TR), :]
        z1 = jnp.maximum(_dotT(xt, lw1_ref[...]) + lb1_ref[...], 0.0)
        z = _dotT(z1, lw2_ref[...]) + lb2_ref[...]
        nrm = jnp.maximum(jnp.sqrt(jnp.sum(z * z, axis=1, keepdims=True)),
                          1e-12)
        z_ref[pl.ds(r0, TR), :] = z / nrm
        h1 = jnp.maximum(_dotT(xt, bw1_ref[...]) + bb1_ref[...], 0.0)
        logit = jnp.sum(h1 * bw2_ref[...], axis=1, keepdims=True) + bb2_ref[0]
        beta_ref[pl.ds(r0, TR), :] = jnp.clip(jax.nn.sigmoid(logit),
                                              1e-6, 1.0 - 1e-6)
        return carry

    jax.lax.fori_loop(0, NR, head_tile, 0)


def _row2d(v):
    return v.reshape(1, -1)


def kernel(x_raw, batch, params):
    f32 = jnp.float32
    batch = batch.astype(jnp.int32)

    eta = x_raw[:, 1] * (2.62 * 2.0) + (-2.62)
    key = batch.astype(f32) * 8.0 + eta
    perm = jnp.argsort(key)
    x_s = x_raw[perm]
    key_s = key[perm]
    jlo = jnp.searchsorted(key_s, key_s - (0.2 + 1e-3), side='left')
    jhi = jnp.searchsorted(key_s, key_s + (0.2 + 1e-3), side='right')
    kt0 = (jlo[::TQ] // TK).astype(jnp.int32)
    kt1 = ((jhi[TQ - 1::TQ] + TK - 1) // TK).astype(jnp.int32)

    x_raw = x_s
    xrT = x_raw.T
    batch2d = batch[perm].reshape(1, N)

    L = params['layers']
    stack = lambda name: jnp.stack([p[name] for p in L])
    stackr = lambda name: jnp.stack([p[name].reshape(1, -1) for p in L])

    full = lambda arr: pl.BlockSpec(arr.shape,
                                    lambda t, s0, s1, _n=arr.ndim: (0,) * _n)

    ins = [
        x_raw, xrT, batch2d,
        params['W_in'], _row2d(params['b_in']),
        stackr('ln1_g'), stackr('ln1_b'),
        stack('Wq'), stack('Wk'), stack('Wv'), stack('Wo'), stackr('bo'),
        stackr('ln2_g'), stackr('ln2_b'),
        stack('W1'), stackr('b1'), stack('W2'), stackr('b2'),
        params['lh_W1'], _row2d(params['lh_b1']),
        params['lh_W2'], _row2d(params['lh_b2']),
        params['bh_W1'], _row2d(params['bh_b1']),
        params['bh_W2'],
    ]

    in_specs = [full(a) for a in ins]
    in_specs.append(pl.BlockSpec(memory_space=pltpu.SMEM))
    ins.append(params['bh_b2'])

    beta, z = pl.pallas_call(
        _fwd_kernel,
        grid_spec=pltpu.PrefetchScalarGridSpec(
            num_scalar_prefetch=2,
            grid=(1,),
            in_specs=in_specs,
            out_specs=[
                pl.BlockSpec((N, 1), lambda t, s0, s1: (0, 0)),
                pl.BlockSpec((N, LATENT), lambda t, s0, s1: (0, 0)),
            ],
            scratch_shapes=[
                pltpu.VMEM((N, HIDDEN), f32),
                pltpu.VMEM((N, HIDDEN), f32),
                pltpu.VMEM((N, HIDDEN), f32),
                pltpu.VMEM((8, N), f32),
            ],
        ),
        out_shape=[
            jax.ShapeDtypeStruct((N, 1), f32),
            jax.ShapeDtypeStruct((N, LATENT), f32),
        ],
        interpret=False,
    )(kt0, kt1, *ins)

    beta_out = jnp.empty_like(beta).at[perm].set(beta)
    z_out = jnp.empty_like(z).at[perm].set(z)
    return beta_out, z_out

# --- scband reference (transcript-rebuilt; emitter-appended) ---
"""Pipeline reference for scband-transformer-ocmodel-11390253269524 (READ-ONLY COPY).

The authoritative reference and input builder live on the scoring server;
editing this copy changes nothing except your own understanding.
"""

import jax, jax.numpy as jnp
import numpy as np

HIDDEN = 256
HEADS = 8
LAYERS = 4
LATENT = 32
INPUT_DIM = 16
MAX_NEIGHBORS = 32
DR_THRESHOLD = 0.2
N_NODES = 8192
N_GRAPHS = 32


def _init_params(key):
    h, inp, lat = HIDDEN, INPUT_DIM, LATENT
    ks = list(jax.random.split(key, 80))
    it = iter(ks)

    def w(shape, scale=0.02):
        return jax.random.normal(next(it), shape, dtype=jnp.float32) * scale

    params = {
        'W_in': w((h, inp), 0.05), 'b_in': jnp.zeros((h,), jnp.float32),
        'lh_W1': w((h, h)), 'lh_b1': jnp.zeros((h,), jnp.float32),
        'lh_W2': w((lat, h)), 'lh_b2': jnp.zeros((lat,), jnp.float32),
        'bh_W1': w((h // 2, h)), 'bh_b1': jnp.zeros((h // 2,), jnp.float32),
        'bh_W2': w((1, h // 2), 0.002), 'bh_b2': jnp.full((1,), -3.0, jnp.float32),
        'layers': [],
    }
    for _ in range(LAYERS):
        params['layers'].append({
            'ln1_g': jnp.ones((h,), jnp.float32), 'ln1_b': jnp.zeros((h,), jnp.float32),
            'ln2_g': jnp.ones((h,), jnp.float32), 'ln2_b': jnp.zeros((h,), jnp.float32),
            'Wq': w((h, h)), 'Wk': w((h, h)), 'Wv': w((h, h)),
            'Wo': w((h, h)), 'bo': jnp.zeros((h,), jnp.float32),
            'W1': w((2 * h, h)), 'b1': jnp.zeros((2 * h,), jnp.float32),
            'W2': w((h, 2 * h)), 'b2': jnp.zeros((h,), jnp.float32),
        })
    return params


def setup_inputs(seed: int = 0):
    key = jax.random.key(seed)
    k1, k2, k3 = jax.random.split(key, 3)
    x_raw = jax.random.uniform(k1, (N_NODES, INPUT_DIM), dtype=jnp.float32)
    batch = jnp.sort(jax.random.randint(k2, (N_NODES,), 0, N_GRAPHS))
    params = _init_params(k3)
    return {'x_raw': x_raw, 'batch': batch, 'params': params}


def build_neighbor_index(x_raw, batch):
    # Faithful port of TransformerOCModel.build_neighbor_index (torch.no_grad)
    N = x_raw.shape[0]
    k = MAX_NEIGHBORS
    eta = jax.lax.stop_gradient(x_raw[:, 1] * (2.62 - (-2.62)) + (-2.62))
    phi = jax.lax.stop_gradient(x_raw[:, 2] * (3.1416 - (-3.1416)) + (-3.1416))
    chunk = 2048
    actual_k = min(k, N)
    pad = k - actual_k
    idx_chunks = []
    mask_chunks = []
    for i0 in range(0, N, chunk):
        i1 = min(i0 + chunk, N)
        deta = eta[i0:i1, None] - eta[None, :]
        dphi = phi[i0:i1, None] - phi[None, :]
        dphi = jnp.arctan2(jnp.sin(dphi), jnp.cos(dphi))
        dr = jnp.sqrt(deta ** 2 + dphi ** 2)
        cross = (batch[i0:i1, None] != batch[None, :])
        dr = dr + cross.astype(jnp.float32) * 1000000.0
        neg_top, col = jax.lax.top_k(-dr, actual_k)  # smallest-k distances
        topd = -neg_top
        valid = topd <= DR_THRESHOLD
        no_valid = ~jnp.any(valid, axis=1)
        rows = jnp.arange(i0, i1, dtype=col.dtype)
        col = col.at[:, 0].set(jnp.where(no_valid, rows, col[:, 0]))
        valid = valid.at[:, 0].set(jnp.where(no_valid, True, valid[:, 0]))
        idx_c = col.astype(jnp.int32)
        mask_c = ~valid
        if pad > 0:
            idx_c = jnp.concatenate(
                [idx_c, jnp.zeros((i1 - i0, pad), dtype=jnp.int32)], axis=1)
            mask_c = jnp.concatenate(
                [mask_c, jnp.ones((i1 - i0, pad), dtype=bool)], axis=1)
        idx_chunks.append(idx_c)
        mask_chunks.append(mask_c)
    return jnp.concatenate(idx_chunks, axis=0), jnp.concatenate(mask_chunks, axis=0)


def _layernorm(x, g, b):
    m = jnp.mean(x, axis=-1, keepdims=True)
    v = jnp.var(x, axis=-1, keepdims=True)
    return (x - m) / jnp.sqrt(v + 1e-5) * g + b


def _attention(x, nidx, nmask, p):
    N, k = nidx.shape
    H = HEADS
    D = HIDDEN // HEADS
    q = (x @ p['Wq'].T).reshape(N, H, D)
    k_all = x @ p['Wk'].T
    v_all = x @ p['Wv'].T
    flat = nidx.reshape(-1)
    k_n = jnp.take(k_all, flat, axis=0).reshape(N, k, H, D)
    v_n = jnp.take(v_all, flat, axis=0).reshape(N, k, H, D)
    scores = jnp.einsum('nhd,nkhd->nhk', q, k_n) * (D ** -0.5)
    scores = jnp.where(nmask[:, None, :], -jnp.inf, scores)
    attn = jax.nn.softmax(scores, axis=-1)
    attn = jnp.nan_to_num(attn, nan=0.0)
    out = jnp.einsum('nhk,nkhd->nhd', attn, v_n).reshape(N, HIDDEN)
    return out @ p['Wo'].T + p['bo']


def _forward(x_raw, params, nidx, nmask):
    x = x_raw @ params['W_in'].T + params['b_in']
    for p in params['layers']:
        h = _layernorm(x, p['ln1_g'], p['ln1_b'])
        x = x + _attention(h, nidx, nmask, p)
        h = _layernorm(x, p['ln2_g'], p['ln2_b'])
        h = jax.nn.relu(h @ p['W1'].T + p['b1']) @ p['W2'].T + p['b2']
        x = x + h
    z = jax.nn.relu(x @ params['lh_W1'].T + params['lh_b1']) @ params['lh_W2'].T + params['lh_b2']
    norm = jnp.maximum(jnp.linalg.norm(z, axis=-1, keepdims=True), 1e-12)
    z = z / norm
    beta = jax.nn.sigmoid(jax.nn.relu(x @ params['bh_W1'].T + params['bh_b1']) @ params['bh_W2'].T + params['bh_b2'])
    beta = jnp.clip(beta, 1e-6, 1.0 - 1e-6)
    return beta, z


def reference(x_raw, batch, params):
    nidx, nmask = build_neighbor_index(x_raw, batch)
    return _forward(x_raw, params, nidx, nmask)

if __name__ == "__main__":
    import jax
    _d = setup_inputs()
    print(jax.jit(kernel)(*tuple(_d.values())))

</pallas_src>

<mosaic_0001>
module attributes {stable_mosaic.version = 14 : i64} {
  func.func @_fwd_kernel(%arg0: i32, %arg1: memref<32xi32, #tpu.memory_space<smem>>, %arg2: memref<32xi32, #tpu.memory_space<smem>>, %arg3: memref<8192x16xf32, #tpu.memory_space<vmem>>, %arg4: memref<16x8192xf32, #tpu.memory_space<vmem>>, %arg5: memref<1x8192xi32, #tpu.memory_space<vmem>>, %arg6: memref<256x16xf32, #tpu.memory_space<vmem>>, %arg7: memref<1x256xf32, #tpu.memory_space<vmem>>, %arg8: memref<4x1x256xf32, #tpu.memory_space<vmem>>, %arg9: memref<4x1x256xf32, #tpu.memory_space<vmem>>, %arg10: memref<4x256x256xf32, #tpu.memory_space<vmem>>, %arg11: memref<4x256x256xf32, #tpu.memory_space<vmem>>, %arg12: memref<4x256x256xf32, #tpu.memory_space<vmem>>, %arg13: memref<4x256x256xf32, #tpu.memory_space<vmem>>, %arg14: memref<4x1x256xf32, #tpu.memory_space<vmem>>, %arg15: memref<4x1x256xf32, #tpu.memory_space<vmem>>, %arg16: memref<4x1x256xf32, #tpu.memory_space<vmem>>, %arg17: memref<4x512x256xf32, #tpu.memory_space<vmem>>, %arg18: memref<4x1x512xf32, #tpu.memory_space<vmem>>, %arg19: memref<4x256x512xf32, #tpu.memory_space<vmem>>, %arg20: memref<4x1x256xf32, #tpu.memory_space<vmem>>, %arg21: memref<256x256xf32, #tpu.memory_space<vmem>>, %arg22: memref<1x256xf32, #tpu.memory_space<vmem>>, %arg23: memref<32x256xf32, #tpu.memory_space<vmem>>, %arg24: memref<1x32xf32, #tpu.memory_space<vmem>>, %arg25: memref<128x256xf32, #tpu.memory_space<vmem>>, %arg26: memref<1x128xf32, #tpu.memory_space<vmem>>, %arg27: memref<1x128xf32, #tpu.memory_space<vmem>>, %arg28: memref<1xf32, #tpu.memory_space<smem>>, %arg29: memref<8192x1xf32, #tpu.memory_space<vmem>>, %arg30: memref<8192x32xf32, #tpu.memory_space<vmem>>, %arg31: memref<8192x256xf32, #tpu.memory_space<vmem>>, %arg32: memref<8192x256xf32, #tpu.memory_space<vmem>>, %arg33: memref<8192x256xf32, #tpu.memory_space<vmem>>, %arg34: memref<8x8192xf32, #tpu.memory_space<vmem>>) attributes {dimension_semantics = [#tpu.dimension_semantics<arbitrary>], iteration_bounds = array<i64: 1>, scalar_prefetch = 2 : i64, scratch_operands = 4 : i64, tpu.core_type = #tpu.core_type<tc>, window_params = [{pipeline_mode = #tpu.pipeline_mode<synchronous>, transform_indices = @transform_0, window_bounds = array<i64: 8192, 16>}, {pipeline_mode = #tpu.pipeline_mode<synchronous>, transform_indices = @transform_1, window_bounds = array<i64: 16, 8192>}, {pipeline_mode = #tpu.pipeline_mode<synchronous>, transform_indices = @transform_2, window_bounds = array<i64: 1, 8192>}, {pipeline_mode = #tpu.pipeline_mode<synchronous>, transform_indices = @transform_3, window_bounds = array<i64: 256, 16>}, {pipeline_mode = #tpu.pipeline_mode<synchronous>, transform_indices = @transform_4, window_bounds = array<i64: 1, 256>}, {pipeline_mode = #tpu.pipeline_mode<synchronous>, transform_indices = @transform_5, window_bounds = array<i64: 4, 1, 256>}, {pipeline_mode = #tpu.pipeline_mode<synchronous>, transform_indices = @transform_6, window_bounds = array<i64: 4, 1, 256>}, {pipeline_mode = #tpu.pipeline_mode<synchronous>, transform_indices = @transform_7, window_bounds = array<i64: 4, 256, 256>}, {pipeline_mode = #tpu.pipeline_mode<synchronous>, transform_indices = @transform_8, window_bounds = array<i64: 4, 256, 256>}, {pipeline_mode = #tpu.pipeline_mode<synchronous>, transform_indices = @transform_9, window_bounds = array<i64: 4, 256, 256>}, {pipeline_mode = #tpu.pipeline_mode<synchronous>, transform_indices = @transform_10, window_bounds = array<i64: 4, 256, 256>}, {pipeline_mode = #tpu.pipeline_mode<synchronous>, transform_indices = @transform_11, window_bounds = array<i64: 4, 1, 256>}, {pipeline_mode = #tpu.pipeline_mode<synchronous>, transform_indices = @transform_12, window_bounds = array<i64: 4, 1, 256>}, {pipeline_mode = #tpu.pipeline_mode<synchronous>, transform_indices = @transform_13, window_bounds = array<i64: 4, 1, 256>}, {pipeline_mode = #tpu.pipeline_mode<synchronous>, transform_indices = @transform_14, window_bounds = array<i64: 4, 512, 256>}, {pipeline_mode = #tpu.pipeline_mode<synchronous>, transform_indices = @transform_15, window_bounds = array<i64: 4, 1, 512>}, {pipeline_mode = #tpu.pipeline_mode<synchronous>, transform_indices = @transform_16, window_bounds = array<i64: 4, 256, 512>}, {pipeline_mode = #tpu.pipeline_mode<synchronous>, transform_indices = @transform_17, window_bounds = array<i64: 4, 1, 256>}, {pipeline_mode = #tpu.pipeline_mode<synchronous>, transform_indices = @transform_18, window_bounds = array<i64: 256, 256>}, {pipeline_mode = #tpu.pipeline_mode<synchronous>, transform_indices = @transform_19, window_bounds = array<i64: 1, 256>}, {pipeline_mode = #tpu.pipeline_mode<synchronous>, transform_indices = @transform_20, window_bounds = array<i64: 32, 256>}, {pipeline_mode = #tpu.pipeline_mode<synchronous>, transform_indices = @transform_21, window_bounds = array<i64: 1, 32>}, {pipeline_mode = #tpu.pipeline_mode<synchronous>, transform_indices = @transform_22, window_bounds = array<i64: 128, 256>}, {pipeline_mode = #tpu.pipeline_mode<synchronous>, transform_indices = @transform_23, window_bounds = array<i64: 1, 128>}, {pipeline_mode = #tpu.pipeline_mode<synchronous>, transform_indices = @transform_24, window_bounds = array<i64: 1, 128>}, {transform_indices = @transform_25, window_bounds = array<i64: 1>}, {pipeline_mode = #tpu.pipeline_mode<synchronous>, transform_indices = @transform_26, window_bounds = array<i64: 8192, 1>}, {pipeline_mode = #tpu.pipeline_mode<synchronous>, transform_indices = @transform_27, window_bounds = array<i64: 8192, 32>}]} {
    %scan3A = arith.constant 0 : i32
    %scan3A_0 = arith.constant 16 : i32
    %scan3A_1 = arith.addi %scan3A, %scan3A_0 : i32
    %scan3A_2 = arith.constant 1 : i32
    scf.for %scan3A_90 = %scan3A to %scan3A_1 step %scan3A_2  : i32 {
      %mul3A_91 = arith.constant 512 : i32
      %mul3A_92 = arith.muli %scan3A_90, %mul3A_91 : i32
      %get3A_93 = arith.index_cast %mul3A_92 : i32 to index
      %get3A_94 = arith.constant 0 : index
      %get3A_95 = vector.load %arg3[%get3A_93, %get3A_94] : memref<8192x16xf32, #tpu.memory_space<vmem>>, vector<512x16xf32>
      %get3A_96 = arith.constant 0 : index
      %get3A_97 = arith.constant 0 : index
      %get3A_98 = vector.load %arg6[%get3A_96, %get3A_97] : memref<256x16xf32, #tpu.memory_space<vmem>>, vector<256x16xf32>
      %dot_general3A = arith.constant dense<0.000000e+00> : vector<512x256xf32>
      %dot_general3A_99 = tpu.matmul %get3A_95, %get3A_98, %dot_general3A {dimension_numbers = #tpu.dot_dimension_numbers<[1], [1], [0], [0], [0, 0, 1, 0], [], []>, transpose_lhs_hint = false} : vector<512x16xf32>, vector<256x16xf32>, vector<512x256xf32> -> vector<512x256xf32>
      %get3A_100 = arith.constant 0 : index
      %get3A_101 = arith.constant 0 : index
      %get3A_102 = vector.load %arg7[%get3A_100, %get3A_101] : memref<1x256xf32, #tpu.memory_space<vmem>>, vector<1x256xf32>
      %add3A_103 = vector.broadcast %get3A_102 : vector<1x256xf32> to vector<512x256xf32>
      %add3A_104 = arith.addf %dot_general3A_99, %add3A_103 : vector<512x256xf32>
      %swap3A_105 = arith.index_cast %mul3A_92 : i32 to index
      %swap3A_106 = arith.constant 0 : index
      %swap3A_107 = vector.load %arg31[%swap3A_105, %swap3A_106] : memref<8192x256xf32, #tpu.memory_space<vmem>>, vector<512x256xf32>
      tpu.vector_store %arg31[%swap3A_105, %swap3A_106], %add3A_104 {strides = array<i32>} : memref<8192x256xf32, #tpu.memory_space<vmem>>, vector<512x256xf32>,
    }
    %scan3A_3 = arith.constant 16 : i32
    %get3A = arith.constant 1 : index
    %get3A_4 = arith.constant 0 : index
    %get3A_5 = vector.load %arg4[%get3A, %get3A_4] : memref<16x8192xf32, #tpu.memory_space<vmem>>, vector<1x8192xf32>
    %mul3A = arith.constant 5.240000e+00 : f32
    %mul3A_6 = vector.broadcast %mul3A : f32 to vector<1x8192xf32>
    %mul3A_7 = arith.mulf %get3A_5, %mul3A_6 : vector<1x8192xf32>
    %add3A = arith.constant -2.620000e+00 : f32
    %add3A_8 = vector.broadcast %add3A : f32 to vector<1x8192xf32>
    %add3A_9 = arith.addf %mul3A_7, %add3A_8 : vector<1x8192xf32>
    %get3A_10 = arith.constant 2 : index
    %get3A_11 = arith.constant 0 : index
    %get3A_12 = vector.load %arg4[%get3A_10, %get3A_11] : memref<16x8192xf32, #tpu.memory_space<vmem>>, vector<1x8192xf32>
    %mul3A_13 = arith.constant 6.283200e+00 : f32
    %mul3A_14 = vector.broadcast %mul3A_13 : f32 to vector<1x8192xf32>
    %mul3A_15 = arith.mulf %get3A_12, %mul3A_14 : vector<1x8192xf32>
    %add3A_16 = arith.constant -3.141600e+00 : f32
    %add3A_17 = vector.broadcast %add3A_16 : f32 to vector<1x8192xf32>
    %add3A_18 = arith.addf %mul3A_15, %add3A_17 : vector<1x8192xf32>
    %get3A_19 = arith.constant 0 : index
    %get3A_20 = arith.constant 0 : index
    %get3A_21 = vector.load %arg5[%get3A_19, %get3A_20] : memref<1x8192xi32, #tpu.memory_space<vmem>>, vector<1x8192xi32>
    %convert_element_type3A = arith.sitofp %get3A_21 : vector<1x8192xi32> to vector<1x8192xf32>
    %broadcast_in_dim3A = arith.constant 0.000000e+00 : f32
    %broadcast_in_dim3A_22 = vector.broadcast %broadcast_in_dim3A : f32 to vector<5x8192xf32>
    %concatenate3A = tpu.concatenate %add3A_9, %add3A_18, %convert_element_type3A, %broadcast_in_dim3A_22 in 0 : vector<1x8192xf32>, vector<1x8192xf32>, vector<1x8192xf32>, vector<5x8192xf32> -> vector<8x8192xf32>
    %swap3A = arith.constant 0 : index
    %swap3A_23 = arith.constant 0 : index
    %swap3A_24 = vector.load %arg34[%swap3A, %swap3A_23] : memref<8x8192xf32, #tpu.memory_space<vmem>>, vector<8x8192xf32>
    tpu.vector_store %arg34[%swap3A, %swap3A_23], %concatenate3A {strides = array<i32>} : memref<8x8192xf32, #tpu.memory_space<vmem>>, vector<8x8192xf32>,
    %scan3A_25 = arith.constant 0 : i32
    %scan3A_26 = arith.constant 16 : i32
    %scan3A_27 = arith.addi %scan3A_25, %scan3A_26 : i32
    %scan3A_28 = arith.constant 1 : i32
    scf.for %scan3A_90 = %scan3A_25 to %scan3A_27 step %scan3A_28  : i32 {
      %mul3A_91 = arith.constant 512 : i32
      %mul3A_92 = arith.muli %scan3A_90, %mul3A_91 : i32
      %get3A_93 = arith.index_cast %mul3A_92 : i32 to index
      %get3A_94 = arith.constant 0 : index
      %get3A_95 = vector.load %arg31[%get3A_93, %get3A_94] : memref<8192x256xf32, #tpu.memory_space<vmem>>, vector<512x256xf32>
      %get3A_96 = arith.constant 0 : index
      %get3A_97 = arith.constant 0 : index
      %get3A_98 = arith.constant 0 : index
      %get3A_99 = vector.load %arg8[%get3A_96, %get3A_97, %get3A_98] : memref<4x1x256xf32, #tpu.memory_space<vmem>>, vector<1x1x256xf32>
      %get3A_100 = vector.shape_cast %get3A_99 : vector<1x1x256xf32> to vector<1x256xf32>
      %get3A_101 = arith.constant 0 : index
      %get3A_102 = arith.constant 0 : index
      %get3A_103 = arith.constant 0 : index
      %get3A_104 = vector.load %arg9[%get3A_101, %get3A_102, %get3A_103] : memref<4x1x256xf32, #tpu.memory_space<vmem>>, vector<1x1x256xf32>
      %get3A_105 = vector.shape_cast %get3A_104 : vector<1x1x256xf32> to vector<1x256xf32>
      %reduce_sum3A = arith.constant dense<0.000000e+00> : vector<512xf32>
      %reduce_sum3A_106 = vector.multi_reduction <add>, %get3A_95, %reduce_sum3A [1] : vector<512x256xf32> to vector<512xf32>
      %broadcast_in_dim3A_107 = vector.shape_cast %reduce_sum3A_106 : vector<512xf32> to vector<512x1xf32>
      %div3A = arith.constant 2.560000e+02 : f32
      %div3A_108 = vector.broadcast %div3A : f32 to vector<512x1xf32>
      %div3A_109 = arith.divf %broadcast_in_dim3A_107, %div3A_108 : vector<512x1xf32>
      %sub3A = vector.broadcast %div3A_109 : vector<512x1xf32> to vector<512x256xf32>
      %sub3A_110 = arith.subf %get3A_95, %sub3A : vector<512x256xf32>
      %mul3A_111 = arith.mulf %sub3A_110, %sub3A_110 : vector<512x256xf32>
      %reduce_sum3A_112 = arith.constant dense<0.000000e+00> : vector<512xf32>
      %reduce_sum3A_113 = vector.multi_reduction <add>, %mul3A_111, %reduce_sum3A_112 [1] : vector<512x256xf32> to vector<512xf32>
      %broadcast_in_dim3A_114 = vector.shape_cast %reduce_sum3A_113 : vector<512xf32> to vector<512x1xf32>
      %div3A_115 = arith.constant 2.560000e+02 : f32
      %div3A_116 = vector.broadcast %div3A_115 : f32 to vector<512x1xf32>
      %div3A_117 = arith.divf %broadcast_in_dim3A_114, %div3A_116 : vector<512x1xf32>
      %add3A_118 = arith.constant 9.99999974E-6 : f32
      %add3A_119 = vector.broadcast %add3A_118 : f32 to vector<512x1xf32>
      %add3A_120 = arith.addf %div3A_117, %add3A_119 : vector<512x1xf32>
      %sqrt3A = math.sqrt %add3A_120 : vector<512x1xf32>
      %div3A_121 = vector.broadcast %sqrt3A : vector<512x1xf32> to vector<512x256xf32>
      %div3A_122 = arith.divf %sub3A_110, %div3A_121 : vector<512x256xf32>
      %mul3A_123 = vector.broadcast %get3A_100 : vector<1x256xf32> to vector<512x256xf32>
      %mul3A_124 = arith.mulf %div3A_122, %mul3A_123 : vector<512x256xf32>
      %add3A_125 = vector.broadcast %get3A_105 : vector<1x256xf32> to vector<512x256xf32>
      %add3A_126 = arith.addf %mul3A_124, %add3A_125 : vector<512x256xf32>
      %get3A_127 = arith.constant 0 : index
      %get3A_128 = arith.constant 0 : index
      %get3A_129 = arith.constant 0 : index
      %get3A_130 = vector.load %arg11[%get3A_127, %get3A_128, %get3A_129] : memref<4x256x256xf32, #tpu.memory_space<vmem>>, vector<1x256x256xf32>
      %get3A_131 = vector.shape_cast %get3A_130 : vector<1x256x256xf32> to vector<256x256xf32>
      %dot_general3A = arith.constant dense<0.000000e+00> : vector<512x256xf32>
      %dot_general3A_132 = tpu.matmul %add3A_126, %get3A_131, %dot_general3A {dimension_numbers = #tpu.dot_dimension_numbers<[1], [1], [0], [0], [0, 0, 1, 0], [], []>, transpose_lhs_hint = false} : vector<512x256xf32>, vector<256x256xf32>, vector<512x256xf32> -> vector<512x256xf32>
      %swap3A_133 = arith.index_cast %mul3A_92 : i32 to index
      %swap3A_134 = arith.constant 0 : index
      %swap3A_135 = vector.load %arg32[%swap3A_133, %swap3A_134] : memref<8192x256xf32, #tpu.memory_space<vmem>>, vector<512x256xf32>
      tpu.vector_store %arg32[%swap3A_133, %swap3A_134], %dot_general3A_132 {strides = array<i32>} : memref<8192x256xf32, #tpu.memory_space<vmem>>, vector<512x256xf32>,
      %get3A_136 = arith.constant 0 : index
      %get3A_137 = arith.constant 0 : index
      %get3A_138 = arith.constant 0 : index
      %get3A_139 = vector.load %arg12[%get3A_136, %get3A_137, %get3A_138] : memref<4x256x256xf32, #tpu.memory_space<vmem>>, vector<1x256x256xf32>
      %get3A_140 = vector.shape_cast %get3A_139 : vector<1x256x256xf32> to vector<256x256xf32>
      %dot_general3A_141 = arith.constant dense<0.000000e+00> : vector<512x256xf32>
      %dot_general3A_142 = tpu.matmul %add3A_126, %get3A_140, %dot_general3A_141 {dimension_numbers = #tpu.dot_dimension_numbers<[1], [1], [0], [0], [0, 0, 1, 0], [], []>, transpose_lhs_hint = false} : vector<512x256xf32>, vector<256x256xf32>, vector<512x256xf32> -> vector<512x256xf32>
      %swap3A_143 = arith.index_cast %mul3A_92 : i32 to index
      %swap3A_144 = arith.constant 0 : index
      %swap3A_145 = vector.load %arg33[%swap3A_143, %swap3A_144] : memref<8192x256xf32, #tpu.memory_space<vmem>>, vector<512x256xf32>
      tpu.vector_store %arg33[%swap3A_143, %swap3A_144], %dot_general3A_142 {strides = array<i32>} : memref<8192x256xf32, #tpu.memory_space<vmem>>, vector<512x256xf32>,
    }
    %scan3A_29 = arith.constant 16 : i32
    %scan3A_30 = arith.constant 0 : i32
    %scan3A_31 = arith.constant 32 : i32
    %scan3A_32 = arith.addi %scan3A_30, %scan3A_31 : i32
    %scan3A_33 = arith.constant 1 : i32
    scf.for %scan3A_90 = %scan3A_30 to %scan3A_32 step %scan3A_33  : i32 {
      %mul3A_91 = arith.constant 256 : i32
      %mul3A_92 = arith.muli %scan3A_90, %mul3A_91 : i32
      %get3A_93 = arith.index_cast %mul3A_92 : i32 to index
      %get3A_94 = arith.constant 0 : index
      %get3A_95 = vector.load %arg31[%get3A_93, %get3A_94] : memref<8192x256xf32, #tpu.memory_space<vmem>>, vector<256x256xf32>
      %get3A_96 = arith.constant 0 : index
      %get3A_97 = arith.constant 0 : index
      %get3A_98 = arith.constant 0 : index
      %get3A_99 = vector.load %arg8[%get3A_96, %get3A_97, %get3A_98] : memref<4x1x256xf32, #tpu.memory_space<vmem>>, vector<1x1x256xf32>
      %get3A_100 = vector.shape_cast %get3A_99 : vector<1x1x256xf32> to vector<1x256xf32>
      %get3A_101 = arith.constant 0 : index
      %get3A_102 = arith.constant 0 : index
      %get3A_103 = arith.constant 0 : index
      %get3A_104 = vector.load %arg9[%get3A_101, %get3A_102, %get3A_103] : memref<4x1x256xf32, #tpu.memory_space<vmem>>, vector<1x1x256xf32>
      %get3A_105 = vector.shape_cast %get3A_104 : vector<1x1x256xf32> to vector<1x256xf32>
      %reduce_sum3A = arith.constant dense<0.000000e+00> : vector<256xf32>
      %reduce_sum3A_106 = vector.multi_reduction <add>, %get3A_95, %reduce_sum3A [1] : vector<256x256xf32> to vector<256xf32>
      %broadcast_in_dim3A_107 = vector.shape_cast %reduce_sum3A_106 : vector<256xf32> to vector<256x1xf32>
      %div3A = arith.constant 2.560000e+02 : f32
      %div3A_108 = vector.broadcast %div3A : f32 to vector<256x1xf32>
      %div3A_109 = arith.divf %broadcast_in_dim3A_107, %div3A_108 : vector<256x1xf32>
      %sub3A = vector.broadcast %div3A_109 : vector<256x1xf32> to vector<256x256xf32>
      %sub3A_110 = arith.subf %get3A_95, %sub3A : vector<256x256xf32>
      %mul3A_111 = arith.mulf %sub3A_110, %sub3A_110 : vector<256x256xf32>
      %reduce_sum3A_112 = arith.constant dense<0.000000e+00> : vector<256xf32>
      %reduce_sum3A_113 = vector.multi_reduction <add>, %mul3A_111, %reduce_sum3A_112 [1] : vector<256x256xf32> to vector<256xf32>
      %broadcast_in_dim3A_114 = vector.shape_cast %reduce_sum3A_113 : vector<256xf32> to vector<256x1xf32>
      %div3A_115 = arith.constant 2.560000e+02 : f32
      %div3A_116 = vector.broadcast %div3A_115 : f32 to vector<256x1xf32>
      %div3A_117 = arith.divf %broadcast_in_dim3A_114, %div3A_116 : vector<256x1xf32>
      %add3A_118 = arith.constant 9.99999974E-6 : f32
      %add3A_119 = vector.broadcast %add3A_118 : f32 to vector<256x1xf32>
      %add3A_120 = arith.addf %div3A_117, %add3A_119 : vector<256x1xf32>
      %sqrt3A = math.sqrt %add3A_120 : vector<256x1xf32>
      %div3A_121 = vector.broadcast %sqrt3A : vector<256x1xf32> to vector<256x256xf32>
      %div3A_122 = arith.divf %sub3A_110, %div3A_121 : vector<256x256xf32>
      %mul3A_123 = vector.broadcast %get3A_100 : vector<1x256xf32> to vector<256x256xf32>
      %mul3A_124 = arith.mulf %div3A_122, %mul3A_123 : vector<256x256xf32>
      %add3A_125 = vector.broadcast %get3A_105 : vector<1x256xf32> to vector<256x256xf32>
      %add3A_126 = arith.addf %mul3A_124, %add3A_125 : vector<256x256xf32>
      %get3A_127 = arith.constant 0 : index
      %get3A_128 = arith.constant 0 : index
      %get3A_129 = arith.constant 0 : index
      %get3A_130 = vector.load %arg10[%get3A_127, %get3A_128, %get3A_129] : memref<4x256x256xf32, #tpu.memory_space<vmem>>, vector<1x256x256xf32>
      %get3A_131 = vector.shape_cast %get3A_130 : vector<1x256x256xf32> to vector<256x256xf32>
      %dot_general3A = arith.constant dense<0.000000e+00> : vector<256x256xf32>
      %dot_general3A_132 = tpu.matmul %add3A_126, %get3A_131, %dot_general3A {dimension_numbers = #tpu.dot_dimension_numbers<[1], [1], [0], [0], [0, 0, 1, 0], [], []>, transpose_lhs_hint = false} : vector<256x256xf32>, vector<256x256xf32>, vector<256x256xf32> -> vector<256x256xf32>
      %mul3A_133 = arith.constant 0.176776692 : f32
      %mul3A_134 = vector.broadcast %mul3A_133 : f32 to vector<256x256xf32>
      %mul3A_135 = arith.mulf %dot_general3A_132, %mul3A_134 : vector<256x256xf32>
      %get3A_136 = arith.constant 0 : index
      %get3A_137 = arith.index_cast %mul3A_92 : i32 to index
      %get3A_138 = vector.load %arg34[%get3A_136, %get3A_137] : memref<8x8192xf32, #tpu.memory_space<vmem>>, vector<1x256xf32>
      %reshape3A = vector.shape_cast %get3A_138 : vector<1x256xf32> to vector<256x1xf32>
      %get3A_139 = arith.constant 1 : index
      %get3A_140 = arith.index_cast %mul3A_92 : i32 to index
      %get3A_141 = vector.load %arg34[%get3A_139, %get3A_140] : memref<8x8192xf32, #tpu.memory_space<vmem>>, vector<1x256xf32>
      %reshape3A_142 = vector.shape_cast %get3A_141 : vector<1x256xf32> to vector<256x1xf32>
      %get3A_143 = arith.constant 2 : index
      %get3A_144 = arith.index_cast %mul3A_92 : i32 to index
      %get3A_145 = vector.load %arg34[%get3A_143, %get3A_144] : memref<8x8192xf32, #tpu.memory_space<vmem>>, vector<1x256xf32>
      %reshape3A_146 = vector.shape_cast %get3A_145 : vector<1x256xf32> to vector<256x1xf32>
      %broadcast_in_dim3A_147 = arith.constant 0.000000e+00 : f32
      %broadcast_in_dim3A_148 = vector.broadcast %broadcast_in_dim3A_147 : f32 to vector<256x1xf32>
      %broadcast_in_dim3A_149 = arith.constant 0.000000e+00 : f32
      %broadcast_in_dim3A_150 = vector.broadcast %broadcast_in_dim3A_149 : f32 to vector<256x32xf32>
      %broadcast_in_dim3A_151 = arith.constant 0.000000e+00 : f32
      %broadcast_in_dim3A_152 = vector.broadcast %broadcast_in_dim3A_151 : f32 to vector<256x1xf32>
      %broadcast_in_dim3A_153 = arith.constant 0.000000e+00 : f32
      %broadcast_in_dim3A_154 = vector.broadcast %broadcast_in_dim3A_153 : f32 to vector<256x32xf32>
      %broadcast_in_dim3A_155 = arith.constant 0.000000e+00 : f32
      %broadcast_in_dim3A_156 = vector.broadcast %broadcast_in_dim3A_155 : f32 to vector<256x1xf32>
      %broadcast_in_dim3A_157 = arith.constant 0.000000e+00 : f32
      %broadcast_in_dim3A_158 = vector.broadcast %broadcast_in_dim3A_157 : f32 to vector<256x32xf32>
      %broadcast_in_dim3A_159 = arith.constant 0.000000e+00 : f32
      %broadcast_in_dim3A_160 = vector.broadcast %broadcast_in_dim3A_159 : f32 to vector<256x1xf32>
      %broadcast_in_dim3A_161 = arith.constant 0.000000e+00 : f32
      %broadcast_in_dim3A_162 = vector.broadcast %broadcast_in_dim3A_161 : f32 to vector<256x32xf32>
      %broadcast_in_dim3A_163 = arith.constant 0.000000e+00 : f32
      %broadcast_in_dim3A_164 = vector.broadcast %broadcast_in_dim3A_163 : f32 to vector<256x1xf32>
      %broadcast_in_dim3A_165 = arith.constant 0.000000e+00 : f32
      %broadcast_in_dim3A_166 = vector.broadcast %broadcast_in_dim3A_165 : f32 to vector<256x32xf32>
      %broadcast_in_dim3A_167 = arith.constant 0.000000e+00 : f32
      %broadcast_in_dim3A_168 = vector.broadcast %broadcast_in_dim3A_167 : f32 to vector<256x1xf32>
      %broadcast_in_dim3A_169 = arith.constant 0.000000e+00 : f32
      %broadcast_in_dim3A_170 = vector.broadcast %broadcast_in_dim3A_169 : f32 to vector<256x32xf32>
      %broadcast_in_dim3A_171 = arith.constant 0.000000e+00 : f32
      %broadcast_in_dim3A_172 = vector.broadcast %broadcast_in_dim3A_171 : f32 to vector<256x1xf32>
      %broadcast_in_dim3A_173 = arith.constant 0.000000e+00 : f32
      %broadcast_in_dim3A_174 = vector.broadcast %broadcast_in_dim3A_173 : f32 to vector<256x32xf32>
      %broadcast_in_dim3A_175 = arith.constant 0.000000e+00 : f32
      %broadcast_in_dim3A_176 = vector.broadcast %broadcast_in_dim3A_175 : f32 to vector<256x1xf32>
      %broadcast_in_dim3A_177 = arith.constant 0.000000e+00 : f32
      %broadcast_in_dim3A_178 = vector.broadcast %broadcast_in_dim3A_177 : f32 to vector<256x32xf32>
      %get3A_179 = arith.index_cast %scan3A_90 : i32 to index
      %get3A_180 = memref.load %arg1[%get3A_179] : memref<32xi32, #tpu.memory_space<smem>>
      %get3A_181 = arith.index_cast %scan3A_90 : i32 to index
      %get3A_182 = memref.load %arg2[%get3A_181] : memref<32xi32, #tpu.memory_space<smem>>
      %while3A = arith.subi %get3A_182, %get3A_180 : i32
      %while3A_183 = arith.addi %get3A_180, %while3A : i32
      %while3A_184 = arith.constant 1 : i32
      %while3A_185 = arith.divsi %while3A, %while3A_184 : i32
      %while3A_186 = arith.muli %while3A_185, %while3A_184 : i32
      %while3A_187 = arith.addi %get3A_180, %while3A_186 : i32
      %while3A_188 = arith.constant 1 : i32
      %while3A_189:16 = scf.for %while3A_230 = %get3A_180 to %while3A_187 step %while3A_188 iter_args(%while3A_231 = %broadcast_in_dim3A_148, %while3A_232 = %broadcast_in_dim3A_150, %while3A_233 = %broadcast_in_dim3A_152, %while3A_234 = %broadcast_in_dim3A_154, %while3A_235 = %broadcast_in_dim3A_156, %while3A_236 = %broadcast_in_dim3A_158, %while3A_237 = %broadcast_in_dim3A_160, %while3A_238 = %broadcast_in_dim3A_162, %while3A_239 = %broadcast_in_dim3A_164, %while3A_240 = %broadcast_in_dim3A_166, %while3A_241 = %broadcast_in_dim3A_168, %while3A_242 = %broadcast_in_dim3A_170, %while3A_243 = %broadcast_in_dim3A_172, %while3A_244 = %broadcast_in_dim3A_174, %while3A_245 = %broadcast_in_dim3A_176, %while3A_246 = %broadcast_in_dim3A_178) -> (vector<256x1xf32>, vector<256x32xf32>, vector<256x1xf32>, vector<256x32xf32>, vector<256x1xf32>, vector<256x32xf32>, vector<256x1xf32>, vector<256x32xf32>, vector<256x1xf32>, vector<256x32xf32>, vector<256x1xf32>, vector<256x32xf32>, vector<256x1xf32>, vector<256x32xf32>, vector<256x1xf32>, vector<256x32xf32>)  : i32 {
        %mul3A_247 = arith.constant 256 : i32
        %mul3A_248 = arith.muli %while3A_230, %mul3A_247 : i32
        %get3A_249 = arith.index_cast %mul3A_248 : i32 to index
        %get3A_250 = arith.constant 0 : index
        %get3A_251 = vector.load %arg32[%get3A_249, %get3A_250] : memref<8192x256xf32, #tpu.memory_space<vmem>>, vector<256x256xf32>
        %get3A_252 = arith.index_cast %mul3A_248 : i32 to index
        %get3A_253 = arith.constant 0 : index
        %get3A_254 = vector.load %arg33[%get3A_252, %get3A_253] : memref<8192x256xf32, #tpu.memory_space<vmem>>, vector<256x256xf32>
        %get3A_255 = arith.constant 0 : index
        %get3A_256 = arith.index_cast %mul3A_248 : i32 to index
        %get3A_257 = vector.load %arg34[%get3A_255, %get3A_256] : memref<8x8192xf32, #tpu.memory_space<vmem>>, vector<1x256xf32>
        %sub3A_258 = vector.broadcast %reshape3A : vector<256x1xf32> to vector<256x256xf32>
        %sub3A_259 = vector.broadcast %get3A_257 : vector<1x256xf32> to vector<256x256xf32>
        %sub3A_260 = arith.subf %sub3A_258, %sub3A_259 : vector<256x256xf32>
        %get3A_261 = arith.constant 1 : index
        %get3A_262 = arith.index_cast %mul3A_248 : i32 to index
        %get3A_263 = vector.load %arg34[%get3A_261, %get3A_262] : memref<8x8192xf32, #tpu.memory_space<vmem>>, vector<1x256xf32>
        %sub3A_264 = vector.broadcast %reshape3A_142 : vector<256x1xf32> to vector<256x256xf32>
        %sub3A_265 = vector.broadcast %get3A_263 : vector<1x256xf32> to vector<256x256xf32>
        %sub3A_266 = arith.subf %sub3A_264, %sub3A_265 : vector<256x256xf32>
        %abs3A = math.absf %sub3A_266 : vector<256x256xf32>
        %sub3A_267 = arith.constant 6.28318548 : f32
        %sub3A_268 = vector.broadcast %sub3A_267 : f32 to vector<256x256xf32>
        %sub3A_269 = arith.subf %sub3A_268, %abs3A : vector<256x256xf32>
        %min3A = arith.minimumf %abs3A, %sub3A_269 : vector<256x256xf32>
        %mul3A_270 = arith.mulf %sub3A_260, %sub3A_260 : vector<256x256xf32>
        %mul3A_271 = arith.mulf %min3A, %min3A : vector<256x256xf32>
        %add3A_272 = arith.addf %mul3A_270, %mul3A_271 : vector<256x256xf32>
        %get3A_273 = arith.constant 2 : index
        %get3A_274 = arith.index_cast %mul3A_248 : i32 to index
        %get3A_275 = vector.load %arg34[%get3A_273, %get3A_274] : memref<8x8192xf32, #tpu.memory_space<vmem>>, vector<1x256xf32>
        %eq3A = vector.broadcast %reshape3A_146 : vector<256x1xf32> to vector<256x256xf32>
        %eq3A_276 = vector.broadcast %get3A_275 : vector<1x256xf32> to vector<256x256xf32>
        %eq3A_277 = arith.cmpf oeq, %eq3A, %eq3A_276 : vector<256x256xf32>
        %le3A = arith.constant 4.000000e-02 : f32
        %le3A_278 = vector.broadcast %le3A : f32 to vector<256x256xf32>
        %le3A_279 = arith.cmpf ole, %add3A_272, %le3A_278 : vector<256x256xf32>
        %and3A = arith.andi %eq3A_277, %le3A_279 : vector<256x256xi1>
        %jit3A = arith.constant 0.000000e+00 : f32
        %jit3A_280 = arith.constant -1.000000e+30 : f32
        %broadcast_in_dim3A_281 = vector.broadcast %jit3A : f32 to vector<256x256xf32>
        %broadcast_in_dim3A_282 = vector.broadcast %jit3A_280 : f32 to vector<256x256xf32>
        %select_n3A = arith.select %and3A, %broadcast_in_dim3A_281, %broadcast_in_dim3A_282 : vector<256x256xi1>, vector<256x256xf32>
        %slice3A = vector.extract_strided_slice %mul3A_135 {offsets = [0, 0], sizes = [256, 32], strides = [1, 1]} : vector<256x256xf32> to vector<256x32xf32>
        %slice3A_283 = vector.extract_strided_slice %get3A_251 {offsets = [0, 0], sizes = [256, 32], strides = [1, 1]} : vector<256x256xf32> to vector<256x32xf32>
        %slice3A_284 = vector.extract_strided_slice %get3A_254 {offsets = [0, 0], sizes = [256, 32], strides = [1, 1]} : vector<256x256xf32> to vector<256x32xf32>
        %dot_general3A_285 = arith.constant dense<0.000000e+00> : vector<256x256xf32>
        %dot_general3A_286 = tpu.matmul %slice3A, %slice3A_283, %dot_general3A_285 {dimension_numbers = #tpu.dot_dimension_numbers<[1], [1], [0], [0], [0, 0, 1, 0], [], []>, transpose_lhs_hint = false} : vector<256x32xf32>, vector<256x32xf32>, vector<256x256xf32> -> vector<256x256xf32>
        %add3A_287 = arith.addf %dot_general3A_286, %select_n3A : vector<256x256xf32>
        %exp3A = math.exp %add3A_287 : vector<256x256xf32>
        %reduce_sum3A_288 = arith.constant dense<0.000000e+00> : vector<256xf32>
        %reduce_sum3A_289 = vector.multi_reduction <add>, %exp3A, %reduce_sum3A_288 [1] : vector<256x256xf32> to vector<256xf32>
        %broadcast_in_dim3A_290 = vector.shape_cast %reduce_sum3A_289 : vector<256xf32> to vector<256x1xf32>
        %add3A_291 = arith.addf %while3A_231, %broadcast_in_dim3A_290 : vector<256x1xf32>
        %dot_general3A_292 = arith.constant dense<0.000000e+00> : vector<256x32xf32>
        %dot_general3A_293 = tpu.matmul %exp3A, %slice3A_284, %dot_general3A_292 {dimension_numbers = #tpu.dot_dimension_numbers<[1], [0], [0], [1], [0, 0, 1, 1], [], []>, transpose_lhs_hint = false} : vector<256x256xf32>, vector<256x32xf32>, vector<256x32xf32> -> vector<256x32xf32>
        %add3A_294 = arith.addf %while3A_232, %dot_general3A_293 : vector<256x32xf32>
        %slice3A_295 = vector.extract_strided_slice %mul3A_135 {offsets = [0, 32], sizes = [256, 32], strides = [1, 1]} : vector<256x256xf32> to vector<256x32xf32>
        %slice3A_296 = vector.extract_strided_slice %get3A_251 {offsets = [0, 32], sizes = [256, 32], strides = [1, 1]} : vector<256x256xf32> to vector<256x32xf32>
        %slice3A_297 = vector.extract_strided_slice %get3A_254 {offsets = [0, 32], sizes = [256, 32], strides = [1, 1]} : vector<256x256xf32> to vector<256x32xf32>
        %dot_general3A_298 = arith.constant dense<0.000000e+00> : vector<256x256xf32>
        %dot_general3A_299 = tpu.matmul %slice3A_295, %slice3A_296, %dot_general3A_298 {dimension_numbers = #tpu.dot_dimension_numbers<[1], [1], [0], [0], [0, 0, 1, 0], [], []>, transpose_lhs_hint = false} : vector<256x32xf32>, vector<256x32xf32>, vector<256x256xf32> -> vector<256x256xf32>
        %add3A_300 = arith.addf %dot_general3A_299, %select_n3A : vector<256x256xf32>
        %exp3A_301 = math.exp %add3A_300 : vector<256x256xf32>
        %reduce_sum3A_302 = arith.constant dense<0.000000e+00> : vector<256xf32>
        %reduce_sum3A_303 = vector.multi_reduction <add>, %exp3A_301, %reduce_sum3A_302 [1] : vector<256x256xf32> to vector<256xf32>
        %broadcast_in_dim3A_304 = vector.shape_cast %reduce_sum3A_303 : vector<256xf32> to vector<256x1xf32>
        %add3A_305 = arith.addf %while3A_233, %broadcast_in_dim3A_304 : vector<256x1xf32>
        %dot_general3A_306 = arith.constant dense<0.000000e+00> : vector<256x32xf32>
        %dot_general3A_307 = tpu.matmul %exp3A_301, %slice3A_297, %dot_general3A_306 {dimension_numbers = #tpu.dot_dimension_numbers<[1], [0], [0], [1], [0, 0, 1, 1], [], []>, transpose_lhs_hint = false} : vector<256x256xf32>, vector<256x32xf32>, vector<256x32xf32> -> vector<256x32xf32>
        %add3A_308 = arith.addf %while3A_234, %dot_general3A_307 : vector<256x32xf32>
        %slice3A_309 = vector.extract_strided_slice %mul3A_135 {offsets = [0, 64], sizes = [256, 32], strides = [1, 1]} : vector<256x256xf32> to vector<256x32xf32>
        %slice3A_310 = vector.extract_strided_slice %get3A_251 {offsets = [0, 64], sizes = [256, 32], strides = [1, 1]} : vector<256x256xf32> to vector<256x32xf32>
        %slice3A_311 = vector.extract_strided_slice %get3A_254 {offsets = [0, 64], sizes = [256, 32], strides = [1, 1]} : vector<256x256xf32> to vector<256x32xf32>
        %dot_general3A_312 = arith.constant dense<0.000000e+00> : vector<256x256xf32>
        %dot_general3A_313 = tpu.matmul %slice3A_309, %slice3A_310, %dot_general3A_312 {dimension_numbers = #tpu.dot_dimension_numbers<[1], [1], [0], [0], [0, 0, 1, 0], [], []>, transpose_lhs_hint = false} : vector<256x32xf32>, vector<256x32xf32>, vector<256x256xf32> -> vector<256x256xf32>
        %add3A_314 = arith.addf %dot_general3A_313, %select_n3A : vector<256x256xf32>
        %exp3A_315 = math.exp %add3A_314 : vector<256x256xf32>
        %reduce_sum3A_316 = arith.constant dense<0.000000e+00> : vector<256xf32>
        %reduce_sum3A_317 = vector.multi_reduction <add>, %exp3A_315, %reduce_sum3A_316 [1] : vector<256x256xf32> to vector<256xf32>
        %broadcast_in_dim3A_318 = vector.shape_cast %reduce_sum3A_317 : vector<256xf32> to vector<256x1xf32>
        %add3A_319 = arith.addf %while3A_235, %broadcast_in_dim3A_318 : vector<256x1xf32>
        %dot_general3A_320 = arith.constant dense<0.000000e+00> : vector<256x32xf32>
        %dot_general3A_321 = tpu.matmul %exp3A_315, %slice3A_311, %dot_general3A_320 {dimension_numbers = #tpu.dot_dimension_numbers<[1], [0], [0], [1], [0, 0, 1, 1], [], []>, transpose_lhs_hint = false} : vector<256x256xf32>, vector<256x32xf32>, vector<256x32xf32> -> vector<256x32xf32>
        %add3A_322 = arith.addf %while3A_236, %dot_general3A_321 : vector<256x32xf32>
        %slice3A_323 = vector.extract_strided_slice %mul3A_135 {offsets = [0, 96], sizes = [256, 32], strides = [1, 1]} : vector<256x256xf32> to vector<256x32xf32>
        %slice3A_324 = vector.extract_strided_slice %get3A_251 {offsets = [0, 96], sizes = [256, 32], strides = [1, 1]} : vector<256x256xf32> to vector<256x32xf32>
        %slice3A_325 = vector.extract_strided_slice %get3A_254 {offsets = [0, 96], sizes = [256, 32], strides = [1, 1]} : vector<256x256xf32> to vector<256x32xf32>
        %dot_general3A_326 = arith.constant dense<0.000000e+00> : vector<256x256xf32>
        %dot_general3A_327 = tpu.matmul %slice3A_323, %slice3A_324, %dot_general3A_326 {dimension_numbers = #tpu.dot_dimension_numbers<[1], [1], [0], [0], [0, 0, 1, 0], [], []>, transpose_lhs_hint = false} : vector<256x32xf32>, vector<256x32xf32>, vector<256x256xf32> -> vector<256x256xf32>
        %add3A_328 = arith.addf %dot_general3A_327, %select_n3A : vector<256x256xf32>
        %exp3A_329 = math.exp %add3A_328 : vector<256x256xf32>
        %reduce_sum3A_330 = arith.constant dense<0.000000e+00> : vector<256xf32>
        %reduce_sum3A_331 = vector.multi_reduction <add>, %exp3A_329, %reduce_sum3A_330 [1] : vector<256x256xf32> to vector<256xf32>
        %broadcast_in_dim3A_332 = vector.shape_cast %reduce_sum3A_331 : vector<256xf32> to vector<256x1xf32>
        %add3A_333 = arith.addf %while3A_237, %broadcast_in_dim3A_332 : vector<256x1xf32>
        %dot_general3A_334 = arith.constant dense<0.000000e+00> : vector<256x32xf32>
        %dot_general3A_335 = tpu.matmul %exp3A_329, %slice3A_325, %dot_general3A_334 {dimension_numbers = #tpu.dot_dimension_numbers<[1], [0], [0], [1], [0, 0, 1, 1], [], []>, transpose_lhs_hint = false} : vector<256x256xf32>, vector<256x32xf32>, vector<256x32xf32> -> vector<256x32xf32>
        %add3A_336 = arith.addf %while3A_238, %dot_general3A_335 : vector<256x32xf32>
        %slice3A_337 = vector.extract_strided_slice %mul3A_135 {offsets = [0, 128], sizes = [256, 32], strides = [1, 1]} : vector<256x256xf32> to vector<256x32xf32>
        %slice3A_338 = vector.extract_strided_slice %get3A_251 {offsets = [0, 128], sizes = [256, 32], strides = [1, 1]} : vector<256x256xf32> to vector<256x32xf32>
        %slice3A_339 = vector.extract_strided_slice %get3A_254 {offsets = [0, 128], sizes = [256, 32], strides = [1, 1]} : vector<256x256xf32> to vector<256x32xf32>
        %dot_general3A_340 = arith.constant dense<0.000000e+00> : vector<256x256xf32>
        %dot_general3A_341 = tpu.matmul %slice3A_337, %slice3A_338, %dot_general3A_340 {dimension_numbers = #tpu.dot_dimension_numbers<[1], [1], [0], [0], [0, 0, 1, 0], [], []>, transpose_lhs_hint = false} : vector<256x32xf32>, vector<256x32xf32>, vector<256x256xf32> -> vector<256x256xf32>
        %add3A_342 = arith.addf %dot_general3A_341, %select_n3A : vector<256x256xf32>
        %exp3A_343 = math.exp %add3A_342 : vector<256x256xf32>
        %reduce_sum3A_344 = arith.constant dense<0.000000e+00> : vector<256xf32>
        %reduce_sum3A_345 = vector.multi_reduction <add>, %exp3A_343, %reduce_sum3A_344 [1] : vector<256x256xf32> to vector<256xf32>
        %broadcast_in_dim3A_346 = vector.shape_cast %reduce_sum3A_345 : vector<256xf32> to vector<256x1xf32>
        %add3A_347 = arith.addf %while3A_239, %broadcast_in_dim3A_346 : vector<256x1xf32>
        %dot_general3A_348 = arith.constant dense<0.000000e+00> : vector<256x32xf32>
        %dot_general3A_349 = tpu.matmul %exp3A_343, %slice3A_339, %dot_general3A_348 {dimension_numbers = #tpu.dot_dimension_numbers<[1], [0], [0], [1], [0, 0, 1, 1], [], []>, transpose_lhs_hint = false} : vector<256x256xf32>, vector<256x32xf32>, vector<256x32xf32> -> vector<256x32xf32>
        %add3A_350 = arith.addf %while3A_240, %dot_general3A_349 : vector<256x32xf32>
        %slice3A_351 = vector.extract_strided_slice %mul3A_135 {offsets = [0, 160], sizes = [256, 32], strides = [1, 1]} : vector<256x256xf32> to vector<256x32xf32>
        %slice3A_352 = vector.extract_strided_slice %get3A_251 {offsets = [0, 160], sizes = [256, 32], strides = [1, 1]} : vector<256x256xf32> to vector<256x32xf32>
        %slice3A_353 = vector.extract_strided_slice %get3A_254 {offsets = [0, 160], sizes = [256, 32], strides = [1, 1]} : vector<256x256xf32> to vector<256x32xf32>
        %dot_general3A_354 = arith.constant dense<0.000000e+00> : vector<256x256xf32>
        %dot_general3A_355 = tpu.matmul %slice3A_351, %slice3A_352, %dot_general3A_354 {dimension_numbers = #tpu.dot_dimension_numbers<[1], [1], [0], [0], [0, 0, 1, 0], [], []>, transpose_lhs_hint = false} : vector<256x32xf32>, vector<256x32xf32>, vector<256x256xf32> -> vector<256x256xf32>
        %add3A_356 = arith.addf %dot_general3A_355, %select_n3A : vector<256x256xf32>
        %exp3A_357 = math.exp %add3A_356 : vector<256x256xf32>
        %reduce_sum3A_358 = arith.constant dense<0.000000e+00> : vector<256xf32>
        %reduce_sum3A_359 = vector.multi_reduction <add>, %exp3A_357, %reduce_sum3A_358 [1] : vector<256x256xf32> to vector<256xf32>
        %broadcast_in_dim3A_360 = vector.shape_cast %reduce_sum3A_359 : vector<256xf32> to vector<256x1xf32>
        %add3A_361 = arith.addf %while3A_241, %broadcast_in_dim3A_360 : vector<256x1xf32>
        %dot_general3A_362 = arith.constant dense<0.000000e+00> : vector<256x32xf32>
        %dot_general3A_363 = tpu.matmul %exp3A_357, %slice3A_353, %dot_general3A_362 {dimension_numbers = #tpu.dot_dimension_numbers<[1], [0], [0], [1], [0, 0, 1, 1], [], []>, transpose_lhs_hint = false} : vector<256x256xf32>, vector<256x32xf32>, vector<256x32xf32> -> vector<256x32xf32>
        %add3A_364 = arith.addf %while3A_242, %dot_general3A_363 : vector<256x32xf32>
        %slice3A_365 = vector.extract_strided_slice %mul3A_135 {offsets = [0, 192], sizes = [256, 32], strides = [1, 1]} : vector<256x256xf32> to vector<256x32xf32>
        %slice3A_366 = vector.extract_strided_slice %get3A_251 {offsets = [0, 192], sizes = [256, 32], strides = [1, 1]} : vector<256x256xf32> to vector<256x32xf32>
        %slice3A_367 = vector.extract_strided_slice %get3A_254 {offsets = [0, 192], sizes = [256, 32], strides = [1, 1]} : vector<256x256xf32> to vector<256x32xf32>
        %dot_general3A_368 = arith.constant dense<0.000000e+00> : vector<256x256xf32>
        %dot_general3A_369 = tpu.matmul %slice3A_365, %slice3A_366, %dot_general3A_368 {dimension_numbers = #tpu.dot_dimension_numbers<[1], [1], [0], [0], [0, 0, 1, 0], [], []>, transpose_lhs_hint = false} : vector<256x32xf32>, vector<256x32xf32>, vector<256x256xf32> -> vector<256x256xf32>
        %add3A_370 = arith.addf %dot_general3A_369, %select_n3A : vector<256x256xf32>
        %exp3A_371 = math.exp %add3A_370 : vector<256x256xf32>
        %reduce_sum3A_372 = arith.constant dense<0.000000e+00> : vector<256xf32>
        %reduce_sum3A_373 = vector.multi_reduction <add>, %exp3A_371, %reduce_sum3A_372 [1] : vector<256x256xf32> to vector<256xf32>
        %broadcast_in_dim3A_374 = vector.shape_cast %reduce_sum3A_373 : vector<256xf32> to vector<256x1xf32>
        %add3A_375 = arith.addf %while3A_243, %broadcast_in_dim3A_374 : vector<256x1xf32>
        %dot_general3A_376 = arith.constant dense<0.000000e+00> : vector<256x32xf32>
        %dot_general3A_377 = tpu.matmul %exp3A_371, %slice3A_367, %dot_general3A_376 {dimension_numbers = #tpu.dot_dimension_numbers<[1], [0], [0], [1], [0, 0, 1, 1], [], []>, transpose_lhs_hint = false} : vector<256x256xf32>, vector<256x32xf32>, vector<256x32xf32> -> vector<256x32xf32>
        %add3A_378 = arith.addf %while3A_244, %dot_general3A_377 : vector<256x32xf32>
        %slice3A_379 = vector.extract_strided_slice %mul3A_135 {offsets = [0, 224], sizes = [256, 32], strides = [1, 1]} : vector<256x256xf32> to vector<256x32xf32>
        %slice3A_380 = vector.extract_strided_slice %get3A_251 {offsets = [0, 224], sizes = [256, 32], strides = [1, 1]} : vector<256x256xf32> to vector<256x32xf32>
        %slice3A_381 = vector.extract_strided_slice %get3A_254 {offsets = [0, 224], sizes = [256, 32], strides = [1, 1]} : vector<256x256xf32> to vector<256x32xf32>
        %dot_general3A_382 = arith.constant dense<0.000000e+00> : vector<256x256xf32>
        %dot_general3A_383 = tpu.matmul %slice3A_379, %slice3A_380, %dot_general3A_382 {dimension_numbers = #tpu.dot_dimension_numbers<[1], [1], [0], [0], [0, 0, 1, 0], [], []>, transpose_lhs_hint = false} : vector<256x32xf32>, vector<256x32xf32>, vector<256x256xf32> -> vector<256x256xf32>
        %add3A_384 = arith.addf %dot_general3A_383, %select_n3A : vector<256x256xf32>
        %exp3A_385 = math.exp %add3A_384 : vector<256x256xf32>
        %reduce_sum3A_386 = arith.constant dense<0.000000e+00> : vector<256xf32>
        %reduce_sum3A_387 = vector.multi_reduction <add>, %exp3A_385, %reduce_sum3A_386 [1] : vector<256x256xf32> to vector<256xf32>
        %broadcast_in_dim3A_388 = vector.shape_cast %reduce_sum3A_387 : vector<256xf32> to vector<256x1xf32>
        %add3A_389 = arith.addf %while3A_245, %broadcast_in_dim3A_388 : vector<256x1xf32>
        %dot_general3A_390 = arith.constant dense<0.000000e+00> : vector<256x32xf32>
        %dot_general3A_391 = tpu.matmul %exp3A_385, %slice3A_381, %dot_general3A_390 {dimension_numbers = #tpu.dot_dimension_numbers<[1], [0], [0], [1], [0, 0, 1, 1], [], []>, transpose_lhs_hint = false} : vector<256x256xf32>, vector<256x32xf32>, vector<256x32xf32> -> vector<256x32xf32>
        %add3A_392 = arith.addf %while3A_246, %dot_general3A_391 : vector<256x32xf32>
        scf.yield %add3A_291, %add3A_294, %add3A_305, %add3A_308, %add3A_319, %add3A_322, %add3A_333, %add3A_336, %add3A_347, %add3A_350, %add3A_361, %add3A_364, %add3A_375, %add3A_378, %add3A_389, %add3A_392 : vector<256x1xf32>, vector<256x32xf32>, vector<256x1xf32>, vector<256x32xf32>, vector<256x1xf32>, vector<256x32xf32>, vector<256x1xf32>, vector<256x32xf32>, vector<256x1xf32>, vector<256x32xf32>, vector<256x1xf32>, vector<256x32xf32>, vector<256x1xf32>, vector<256x32xf32>, vector<256x1xf32>, vector<256x32xf32>
      }
      %while3A_190 = arith.constant 1 : i32
      %while3A_191:16 = scf.for %while3A_230 = %while3A_187 to %while3A_183 step %while3A_190 iter_args(%while3A_231 = %while3A_189#0, %while3A_232 = %while3A_189#1, %while3A_233 = %while3A_189#2, %while3A_234 = %while3A_189#3, %while3A_235 = %while3A_189#4, %while3A_236 = %while3A_189#5, %while3A_237 = %while3A_189#6, %while3A_238 = %while3A_189#7, %while3A_239 = %while3A_189#8, %while3A_240 = %while3A_189#9, %while3A_241 = %while3A_189#10, %while3A_242 = %while3A_189#11, %while3A_243 = %while3A_189#12, %while3A_244 = %while3A_189#13, %while3A_245 = %while3A_189#14, %while3A_246 = %while3A_189#15) -> (vector<256x1xf32>, vector<256x32xf32>, vector<256x1xf32>, vector<256x32xf32>, vector<256x1xf32>, vector<256x32xf32>, vector<256x1xf32>, vector<256x32xf32>, vector<256x1xf32>, vector<256x32xf32>, vector<256x1xf32>, vector<256x32xf32>, vector<256x1xf32>, vector<256x32xf32>, vector<256x1xf32>, vector<256x32xf32>)  : i32 {
        %mul3A_247 = arith.constant 256 : i32
        %mul3A_248 = arith.muli %while3A_230, %mul3A_247 : i32
        %get3A_249 = arith.index_cast %mul3A_248 : i32 to index
        %get3A_250 = arith.constant 0 : index
        %get3A_251 = vector.load %arg32[%get3A_249, %get3A_250] : memref<8192x256xf32, #tpu.memory_space<vmem>>, vector<256x256xf32>
        %get3A_252 = arith.index_cast %mul3A_248 : i32 to index
        %get3A_253 = arith.constant 0 : index
        %get3A_254 = vector.load %arg33[%get3A_252, %get3A_253] : memref<8192x256xf32, #tpu.memory_space<vmem>>, vector<256x256xf32>
        %get3A_255 = arith.constant 0 : index
        %get3A_256 = arith.index_cast %mul3A_248 : i32 to index
        %get3A_257 = vector.load %arg34[%get3A_255, %get3A_256] : memref<8x8192xf32, #tpu.memory_space<vmem>>, vector<1x256xf32>
        %sub3A_258 = vector.broadcast %reshape3A : vector<256x1xf32> to vector<256x256xf32>
        %sub3A_259 = vector.broadcast %get3A_257 : vector<1x256xf32> to vector<256x256xf32>
        %sub3A_260 = arith.subf %sub3A_258, %sub3A_259 : vector<256x256xf32>
        %get3A_261 = arith.constant 1 : index
        %get3A_262 = arith.index_cast %mul3A_248 : i32 to index
        %get3A_263 = vector.load %arg34[%get3A_261, %get3A_262] : memref<8x8192xf32, #tpu.memory_space<vmem>>, vector<1x256xf32>
        %sub3A_264 = vector.broadcast %reshape3A_142 : vector<256x1xf32> to vector<256x256xf32>
        %sub3A_265 = vector.broadcast %get3A_263 : vector<1x256xf32> to vector<256x256xf32>
        %sub3A_266 = arith.subf %sub3A_264, %sub3A_265 : vector<256x256xf32>
        %abs3A = math.absf %sub3A_266 : vector<256x256xf32>
        %sub3A_267 = arith.constant 6.28318548 : f32
        %sub3A_268 = vector.broadcast %sub3A_267 : f32 to vector<256x256xf32>
        %sub3A_269 = arith.subf %sub3A_268, %abs3A : vector<256x256xf32>
        %min3A = arith.minimumf %abs3A, %sub3A_269 : vector<256x256xf32>
        %mul3A_270 = arith.mulf %sub3A_260, %sub3A_260 : vector<256x256xf32>
        %mul3A_271 = arith.mulf %min3A, %min3A : vector<256x256xf32>
        %add3A_272 = arith.addf %mul3A_270, %mul3A_271 : vector<256x256xf32>
        %get3A_273 = arith.constant 2 : index
        %get3A_274 = arith.index_cast %mul3A_248 : i32 to index
        %get3A_275 = vector.load %arg34[%get3A_273, %get3A_274] : memref<8x8192xf32, #tpu.memory_space<vmem>>, vector<1x256xf32>
        %eq3A = vector.broadcast %reshape3A_146 : vector<256x1xf32> to vector<256x256xf32>
        %eq3A_276 = vector.broadcast %get3A_275 : vector<1x256xf32> to vector<256x256xf32>
        %eq3A_277 = arith.cmpf oeq, %eq3A, %eq3A_276 : vector<256x256xf32>
        %le3A = arith.constant 4.000000e-02 : f32
        %le3A_278 = vector.broadcast %le3A : f32 to vector<256x256xf32>
        %le3A_279 = arith.cmpf ole, %add3A_272, %le3A_278 : vector<256x256xf32>
        %and3A = arith.andi %eq3A_277, %le3A_279 : vector<256x256xi1>
        %jit3A = arith.constant 0.000000e+00 : f32
        %jit3A_280 = arith.constant -1.000000e+30 : f32
        %broadcast_in_dim3A_281 = vector.broadcast %jit3A : f32 to vector<256x256xf32>
        %broadcast_in_dim3A_282 = vector.broadcast %jit3A_280 : f32 to vector<256x256xf32>
        %select_n3A = arith.select %and3A, %broadcast_in_dim3A_281, %broadcast_in_dim3A_282 : vector<256x256xi1>, vector<256x256xf32>
        %slice3A = vector.extract_strided_slice %mul3A_135 {offsets = [0, 0], sizes = [256, 32], strides = [1, 1]} : vector<256x256xf32> to vector<256x32xf32>
        %slice3A_283 = vector.extract_strided_slice %get3A_251 {offsets = [0, 0], sizes = [256, 32], strides = [1, 1]} : vector<256x256xf32> to vector<256x32xf32>
        %slice3A_284 = vector.extract_strided_slice %get3A_254 {offsets = [0, 0], sizes = [256, 32], strides = [1, 1]} : vector<256x256xf32> to vector<256x32xf32>
        %dot_general3A_285 = arith.constant dense<0.000000e+00> : vector<256x256xf32>
        %dot_general3A_286 = tpu.matmul %slice3A, %slice3A_283, %dot_general3A_285 {dimension_numbers = #tpu.dot_dimension_numbers<[1], [1], [0], [0], [0, 0, 1, 0], [], []>, transpose_lhs_hint = false} : vector<256x32xf32>, vector<256x32xf32>, vector<256x256xf32> -> vector<256x256xf32>
        %add3A_287 = arith.addf %dot_general3A_286, %select_n3A : vector<256x256xf32>
        %exp3A = math.exp %add3A_287 : vector<256x256xf32>
        %reduce_sum3A_288 = arith.constant dense<0.000000e+00> : vector<256xf32>
        %reduce_sum3A_289 = vector.multi_reduction <add>, %exp3A, %reduce_sum3A_288 [1] : vector<256x256xf32> to vector<256xf32>
        %broadcast_in_dim3A_290 = vector.shape_cast %reduce_sum3A_289 : vector<256xf32> to vector<256x1xf32>
        %add3A_291 = arith.addf %while3A_231, %broadcast_in_dim3A_290 : vector<256x1xf32>
        %dot_general3A_292 = arith.constant dense<0.000000e+00> : vector<256x32xf32>
        %dot_general3A_293 = tpu.matmul %exp3A, %slice3A_284, %dot_general3A_292 {dimension_numbers = #tpu.dot_dimension_numbers<[1], [0], [0], [1], [0, 0, 1, 1], [], []>, transpose_lhs_hint = false} : vector<256x256xf32>, vector<256x32xf32>, vector<256x32xf32> -> vector<256x32xf32>
        %add3A_294 = arith.addf %while3A_232, %dot_general3A_293 : vector<256x32xf32>
        %slice3A_295 = vector.extract_strided_slice %mul3A_135 {offsets = [0, 32], sizes = [256, 32], strides = [1, 1]} : vector<256x256xf32> to vector<256x32xf32>
        %slice3A_296 = vector.extract_strided_slice %get3A_251 {offsets = [0, 32], sizes = [256, 32], strides = [1, 1]} : vector<256x256xf32> to vector<256x32xf32>
        %slice3A_297 = vector.extract_strided_slice %get3A_254 {offsets = [0, 32], sizes = [256, 32], strides = [1, 1]} : vector<256x256xf32> to vector<256x32xf32>
        %dot_general3A_298 = arith.constant dense<0.000000e+00> : vector<256x256xf32>
        %dot_general3A_299 = tpu.matmul %slice3A_295, %slice3A_296, %dot_general3A_298 {dimension_numbers = #tpu.dot_dimension_numbers<[1], [1], [0], [0], [0, 0, 1, 0], [], []>, transpose_lhs_hint = false} : vector<256x32xf32>, vector<256x32xf32>, vector<256x256xf32> -> vector<256x256xf32>
        %add3A_300 = arith.addf %dot_general3A_299, %select_n3A : vector<256x256xf32>
        %exp3A_301 = math.exp %add3A_300 : vector<256x256xf32>
        %reduce_sum3A_302 = arith.constant dense<0.000000e+00> : vector<256xf32>
        %reduce_sum3A_303 = vector.multi_reduction <add>, %exp3A_301, %reduce_sum3A_302 [1] : vector<256x256xf32> to vector<256xf32>
        %broadcast_in_dim3A_304 = vector.shape_cast %reduce_sum3A_303 : vector<256xf32> to vector<256x1xf32>
        %add3A_305 = arith.addf %while3A_233, %broadcast_in_dim3A_304 : vector<256x1xf32>
        %dot_general3A_306 = arith.constant dense<0.000000e+00> : vector<256x32xf32>
        %dot_general3A_307 = tpu.matmul %exp3A_301, %slice3A_297, %dot_general3A_306 {dimension_numbers = #tpu.dot_dimension_numbers<[1], [0], [0], [1], [0, 0, 1, 1], [], []>, transpose_lhs_hint = false} : vector<256x256xf32>, vector<256x32xf32>, vector<256x32xf32> -> vector<256x32xf32>
        %add3A_308 = arith.addf %while3A_234, %dot_general3A_307 : vector<256x32xf32>
        %slice3A_309 = vector.extract_strided_slice %mul3A_135 {offsets = [0, 64], sizes = [256, 32], strides = [1, 1]} : vector<256x256xf32> to vector<256x32xf32>
        %slice3A_310 = vector.extract_strided_slice %get3A_251 {offsets = [0, 64], sizes = [256, 32], strides = [1, 1]} : vector<256x256xf32> to vector<256x32xf32>
        %slice3A_311 = vector.extract_strided_slice %get3A_254 {offsets = [0, 64], sizes = [256, 32], strides = [1, 1]} : vector<256x256xf32> to vector<256x32xf32>
        %dot_general3A_312 = arith.constant dense<0.000000e+00> : vector<256x256xf32>
        %dot_general3A_313 = tpu.matmul %slice3A_309, %slice3A_310, %dot_general3A_312 {dimension_numbers = #tpu.dot_dimension_numbers<[1], [1], [0], [0], [0, 0, 1, 0], [], []>, transpose_lhs_hint = false} : vector<256x32xf32>, vector<256x32xf32>, vector<256x256xf32> -> vector<256x256xf32>
        %add3A_314 = arith.addf %dot_general3A_313, %select_n3A : vector<256x256xf32>
        %exp3A_315 = math.exp %add3A_314 : vector<256x256xf32>
        %reduce_sum3A_316 = arith.constant dense<0.000000e+00> : vector<256xf32>
        %reduce_sum3A_317 = vector.multi_reduction <add>, %exp3A_315, %reduce_sum3A_316 [1] : vector<256x256xf32> to vector<256xf32>
        %broadcast_in_dim3A_318 = vector.shape_cast %reduce_sum3A_317 : vector<256xf32> to vector<256x1xf32>
        %add3A_319 = arith.addf %while3A_235, %broadcast_in_dim3A_318 : vector<256x1xf32>
        %dot_general3A_320 = arith.constant dense<0.000000e+00> : vector<256x32xf32>
        %dot_general3A_321 = tpu.matmul %exp3A_315, %slice3A_311, %dot_general3A_320 {dimension_numbers = #tpu.dot_dimension_numbers<[1], [0], [0], [1], [0, 0, 1, 1], [], []>, transpose_lhs_hint = false} : vector<256x256xf32>, vector<256x32xf32>, vector<256x32xf32> -> vector<256x32xf32>
        %add3A_322 = arith.addf %while3A_236, %dot_general3A_321 : vector<256x32xf32>
        %slice3A_323 = vector.extract_strided_slice %mul3A_135 {offsets = [0, 96], sizes = [256, 32], strides = [1, 1]} : vector<256x256xf32> to vector<256x32xf32>
        %slice3A_324 = vector.extract_strided_slice %get3A_251 {offsets = [0, 96], sizes = [256, 32], strides = [1, 1]} : vector<256x256xf32> to vector<256x32xf32>
        %slice3A_325 = vector.extract_strided_slice %get3A_254 {offsets = [0, 96], sizes = [256, 32], strides = [1, 1]} : vector<256x256xf32> to vector<256x32xf32>
        %dot_general3A_326 = arith.constant dense<0.000000e+00> : vector<256x256xf32>
        %dot_general3A_327 = tpu.matmul %slice3A_323, %slice3A_324, %dot_general3A_326 {dimension_numbers = #tpu.dot_dimension_numbers<[1], [1], [0], [0], [0, 0, 1, 0], [], []>, transpose_lhs_hint = false} : vector<256x32xf32>, vector<256x32xf32>, vector<256x256xf32> -> vector<256x256xf32>
        %add3A_328 = arith.addf %dot_general3A_327, %select_n3A : vector<256x256xf32>
        %exp3A_329 = math.exp %add3A_328 : vector<256x256xf32>
        %reduce_sum3A_330 = arith.constant dense<0.000000e+00> : vector<256xf32>
        %reduce_sum3A_331 = vector.multi_reduction <add>, %exp3A_329, %reduce_sum3A_330 [1] : vector<256x256xf32> to vector<256xf32>
        %broadcast_in_dim3A_332 = vector.shape_cast %reduce_sum3A_331 : vector<256xf32> to vector<256x1xf32>
        %add3A_333 = arith.addf %while3A_237, %broadcast_in_dim3A_332 : vector<256x1xf32>
        %dot_general3A_334 = arith.constant dense<0.000000e+00> : vector<256x32xf32>
        %dot_general3A_335 = tpu.matmul %exp3A_329, %slice3A_325, %dot_general3A_334 {dimension_numbers = #tpu.dot_dimension_numbers<[1], [0], [0], [1], [0, 0, 1, 1], [], []>, transpose_lhs_hint = false} : vector<256x256xf32>, vector<256x32xf32>, vector<256x32xf32> -> vector<256x32xf32>
        %add3A_336 = arith.addf %while3A_238, %dot_general3A_335 : vector<256x32xf32>
        %slice3A_337 = vector.extract_strided_slice %mul3A_135 {offsets = [0, 128], sizes = [256, 32], strides = [1, 1]} : vector<256x256xf32> to vector<256x32xf32>
        %slice3A_338 = vector.extract_strided_slice %get3A_251 {offsets = [0, 128], sizes = [256, 32], strides = [1, 1]} : vector<256x256xf32> to vector<256x32xf32>
        %slice3A_339 = vector.extract_strided_slice %get3A_254 {offsets = [0, 128], sizes = [256, 32], strides = [1, 1]} : vector<256x256xf32> to vector<256x32xf32>
        %dot_general3A_340 = arith.constant dense<0.000000e+00> : vector<256x256xf32>
        %dot_general3A_341 = tpu.matmul %slice3A_337, %slice3A_338, %dot_general3A_340 {dimension_numbers = #tpu.dot_dimension_numbers<[1], [1], [0], [0], [0, 0, 1, 0], [], []>, transpose_lhs_hint = false} : vector<256x32xf32>, vector<256x32xf32>, vector<256x256xf32> -> vector<256x256xf32>
        %add3A_342 = arith.addf %dot_general3A_341, %select_n3A : vector<256x256xf32>
        %exp3A_343 = math.exp %add3A_342 : vector<256x256xf32>
        %reduce_sum3A_344 = arith.constant dense<0.000000e+00> : vector<256xf32>
        %reduce_sum3A_345 = vector.multi_reduction <add>, %exp3A_343, %reduce_sum3A_344 [1] : vector<256x256xf32> to vector<256xf32>
        %broadcast_in_dim3A_346 = vector.shape_cast %reduce_sum3A_345 : vector<256xf32> to vector<256x1xf32>
        %add3A_347 = arith.addf %while3A_239, %broadcast_in_dim3A_346 : vector<256x1xf32>
        %dot_general3A_348 = arith.constant dense<0.000000e+00> : vector<256x32xf32>
        %dot_general3A_349 = tpu.matmul %exp3A_343, %slice3A_339, %dot_general3A_348 {dimension_numbers = #tpu.dot_dimension_numbers<[1], [0], [0], [1], [0, 0, 1, 1], [], []>, transpose_lhs_hint = false} : vector<256x256xf32>, vector<256x32xf32>, vector<256x32xf32> -> vector<256x32xf32>
        %add3A_350 = arith.addf %while3A_240, %dot_general3A_349 : vector<256x32xf32>
        %slice3A_351 = vector.extract_strided_slice %mul3A_135 {offsets = [0, 160], sizes = [256, 32], strides = [1, 1]} : vector<256x256xf32> to vector<256x32xf32>
        %slice3A_352 = vector.extract_strided_slice %get3A_251 {offsets = [0, 160], sizes = [256, 32], strides = [1, 1]} : vector<256x256xf32> to vector<256x32xf32>
        %slice3A_353 = vector.extract_strided_slice %get3A_254 {offsets = [0, 160], sizes = [256, 32], strides = [1, 1]} : vector<256x256xf32> to vector<256x32xf32>
        %dot_general3A_354 = arith.constant dense<0.000000e+00> : vector<256x256xf32>
        %dot_general3A_355 = tpu.matmul %slice3A_351, %slice3A_352, %dot_general3A_354 {dimension_numbers = #tpu.dot_dimension_numbers<[1], [1], [0], [0], [0, 0, 1, 0], [], []>, transpose_lhs_hint = false} : vector<256x32xf32>, vector<256x32xf32>, vector<256x256xf32> -> vector<256x256xf32>
        %add3A_356 = arith.addf %dot_general3A_355, %select_n3A : vector<256x256xf32>
        %exp3A_357 = math.exp %add3A_356 : vector<256x256xf32>
        %reduce_sum3A_358 = arith.constant dense<0.000000e+00> : vector<256xf32>
        %reduce_sum3A_359 = vector.multi_reduction <add>, %exp3A_357, %reduce_sum3A_358 [1] : vector<256x256xf32> to vector<256xf32>
        %broadcast_in_dim3A_360 = vector.shape_cast %reduce_sum3A_359 : vector<256xf32> to vector<256x1xf32>
        %add3A_361 = arith.addf %while3A_241, %broadcast_in_dim3A_360 : vector<256x1xf32>
        %dot_general3A_362 = arith.constant dense<0.000000e+00> : vector<256x32xf32>
        %dot_general3A_363 = tpu.matmul %exp3A_357, %slice3A_353, %dot_general3A_362 {dimension_numbers = #tpu.dot_dimension_numbers<[1], [0], [0], [1], [0, 0, 1, 1], [], []>, transpose_lhs_hint = false} : vector<256x256xf32>, vector<256x32xf32>, vector<256x32xf32> -> vector<256x32xf32>
        %add3A_364 = arith.addf %while3A_242, %dot_general3A_363 : vector<256x32xf32>
        %slice3A_365 = vector.extract_strided_slice %mul3A_135 {offsets = [0, 192], sizes = [256, 32], strides = [1, 1]} : vector<256x256xf32> to vector<256x32xf32>
        %slice3A_366 = vector.extract_strided_slice %get3A_251 {offsets = [0, 192], sizes = [256, 32], strides = [1, 1]} : vector<256x256xf32> to vector<256x32xf32>
        %slice3A_367 = vector.extract_strided_slice %get3A_254 {offsets = [0, 192], sizes = [256, 32], strides = [1, 1]} : vector<256x256xf32> to vector<256x32xf32>
        %dot_general3A_368 = arith.constant dense<0.000000e+00> : vector<256x256xf32>
        %dot_general3A_369 = tpu.matmul %slice3A_365, %slice3A_366, %dot_general3A_368 {dimension_numbers = #tpu.dot_dimension_numbers<[1], [1], [0], [0], [0, 0, 1, 0], [], []>, transpose_lhs_hint = false} : vector<256x32xf32>, vector<256x32xf32>, vector<256x256xf32> -> vector<256x256xf32>
        %add3A_370 = arith.addf %dot_general3A_369, %select_n3A : vector<256x256xf32>
        %exp3A_371 = math.exp %add3A_370 : vector<256x256xf32>
        %reduce_sum3A_372 = arith.constant dense<0.000000e+00> : vector<256xf32>
        %reduce_sum3A_373 = vector.multi_reduction <add>, %exp3A_371, %reduce_sum3A_372 [1] : vector<256x256xf32> to vector<256xf32>
        %broadcast_in_dim3A_374 = vector.shape_cast %reduce_sum3A_373 : vector<256xf32> to vector<256x1xf32>
        %add3A_375 = arith.addf %while3A_243, %broadcast_in_dim3A_374 : vector<256x1xf32>
        %dot_general3A_376 = arith.constant dense<0.000000e+00> : vector<256x32xf32>
        %dot_general3A_377 = tpu.matmul %exp3A_371, %slice3A_367, %dot_general3A_376 {dimension_numbers = #tpu.dot_dimension_numbers<[1], [0], [0], [1], [0, 0, 1, 1], [], []>, transpose_lhs_hint = false} : vector<256x256xf32>, vector<256x32xf32>, vector<256x32xf32> -> vector<256x32xf32>
        %add3A_378 = arith.addf %while3A_244, %dot_general3A_377 : vector<256x32xf32>
        %slice3A_379 = vector.extract_strided_slice %mul3A_135 {offsets = [0, 224], sizes = [256, 32], strides = [1, 1]} : vector<256x256xf32> to vector<256x32xf32>
        %slice3A_380 = vector.extract_strided_slice %get3A_251 {offsets = [0, 224], sizes = [256, 32], strides = [1, 1]} : vector<256x256xf32> to vector<256x32xf32>
        %slice3A_381 = vector.extract_strided_slice %get3A_254 {offsets = [0, 224], sizes = [256, 32], strides = [1, 1]} : vector<256x256xf32> to vector<256x32xf32>
        %dot_general3A_382 = arith.constant dense<0.000000e+00> : vector<256x256xf32>
        %dot_general3A_383 = tpu.matmul %slice3A_379, %slice3A_380, %dot_general3A_382 {dimension_numbers = #tpu.dot_dimension_numbers<[1], [1], [0], [0], [0, 0, 1, 0], [], []>, transpose_lhs_hint = false} : vector<256x32xf32>, vector<256x32xf32>, vector<256x256xf32> -> vector<256x256xf32>
        %add3A_384 = arith.addf %dot_general3A_383, %select_n3A : vector<256x256xf32>
        %exp3A_385 = math.exp %add3A_384 : vector<256x256xf32>
        %reduce_sum3A_386 = arith.constant dense<0.000000e+00> : vector<256xf32>
        %reduce_sum3A_387 = vector.multi_reduction <add>, %exp3A_385, %reduce_sum3A_386 [1] : vector<256x256xf32> to vector<256xf32>
        %broadcast_in_dim3A_388 = vector.shape_cast %reduce_sum3A_387 : vector<256xf32> to vector<256x1xf32>
        %add3A_389 = arith.addf %while3A_245, %broadcast_in_dim3A_388 : vector<256x1xf32>
        %dot_general3A_390 = arith.constant dense<0.000000e+00> : vector<256x32xf32>
        %dot_general3A_391 = tpu.matmul %exp3A_385, %slice3A_381, %dot_general3A_390 {dimension_numbers = #tpu.dot_dimension_numbers<[1], [0], [0], [1], [0, 0, 1, 1], [], []>, transpose_lhs_hint = false} : vector<256x256xf32>, vector<256x32xf32>, vector<256x32xf32> -> vector<256x32xf32>
        %add3A_392 = arith.addf %while3A_246, %dot_general3A_391 : vector<256x32xf32>
        scf.yield %add3A_291, %add3A_294, %add3A_305, %add3A_308, %add3A_319, %add3A_322, %add3A_333, %add3A_336, %add3A_347, %add3A_350, %add3A_361, %add3A_364, %add3A_375, %add3A_378, %add3A_389, %add3A_392 : vector<256x1xf32>, vector<256x32xf32>, vector<256x1xf32>, vector<256x32xf32>, vector<256x1xf32>, vector<256x32xf32>, vector<256x1xf32>, vector<256x32xf32>, vector<256x1xf32>, vector<256x32xf32>, vector<256x1xf32>, vector<256x32xf32>, vector<256x1xf32>, vector<256x32xf32>, vector<256x1xf32>, vector<256x32xf32>
      }
      %div3A_192 = vector.broadcast %while3A_191#0 : vector<256x1xf32> to vector<256x32xf32>
      %div3A_193 = arith.divf %while3A_191#1, %div3A_192 : vector<256x32xf32>
      %div3A_194 = vector.broadcast %while3A_191#2 : vector<256x1xf32> to vector<256x32xf32>
      %div3A_195 = arith.divf %while3A_191#3, %div3A_194 : vector<256x32xf32>
      %div3A_196 = vector.broadcast %while3A_191#4 : vector<256x1xf32> to vector<256x32xf32>
      %div3A_197 = arith.divf %while3A_191#5, %div3A_196 : vector<256x32xf32>
      %div3A_198 = vector.broadcast %while3A_191#6 : vector<256x1xf32> to vector<256x32xf32>
      %div3A_199 = arith.divf %while3A_191#7, %div3A_198 : vector<256x32xf32>
      %div3A_200 = vector.broadcast %while3A_191#8 : vector<256x1xf32> to vector<256x32xf32>
      %div3A_201 = arith.divf %while3A_191#9, %div3A_200 : vector<256x32xf32>
      %div3A_202 = vector.broadcast %while3A_191#10 : vector<256x1xf32> to vector<256x32xf32>
      %div3A_203 = arith.divf %while3A_191#11, %div3A_202 : vector<256x32xf32>
      %div3A_204 = vector.broadcast %while3A_191#12 : vector<256x1xf32> to vector<256x32xf32>
      %div3A_205 = arith.divf %while3A_191#13, %div3A_204 : vector<256x32xf32>
      %div3A_206 = vector.broadcast %while3A_191#14 : vector<256x1xf32> to vector<256x32xf32>
      %div3A_207 = arith.divf %while3A_191#15, %div3A_206 : vector<256x32xf32>
      %concatenate3A_208 = tpu.concatenate %div3A_193, %div3A_195, %div3A_197, %div3A_199, %div3A_201, %div3A_203, %div3A_205, %div3A_207 in 1 : vector<256x32xf32>, vector<256x32xf32>, vector<256x32xf32>, vector<256x32xf32>, vector<256x32xf32>, vector<256x32xf32>, vector<256x32xf32>, vector<256x32xf32> -> vector<256x256xf32>
      %get3A_209 = arith.index_cast %mul3A_92 : i32 to index
      %get3A_210 = arith.constant 0 : index
      %get3A_211 = vector.load %arg31[%get3A_209, %get3A_210] : memref<8192x256xf32, #tpu.memory_space<vmem>>, vector<256x256xf32>
      %get3A_212 = arith.constant 0 : index
      %get3A_213 = arith.constant 0 : index
      %get3A_214 = arith.constant 0 : index
      %get3A_215 = vector.load %arg13[%get3A_212, %get3A_213, %get3A_214] : memref<4x256x256xf32, #tpu.memory_space<vmem>>, vector<1x256x256xf32>
      %get3A_216 = vector.shape_cast %get3A_215 : vector<1x256x256xf32> to vector<256x256xf32>
      %dot_general3A_217 = arith.constant dense<0.000000e+00> : vector<256x256xf32>
      %dot_general3A_218 = tpu.matmul %concatenate3A_208, %get3A_216, %dot_general3A_217 {dimension_numbers = #tpu.dot_dimension_numbers<[1], [1], [0], [0], [0, 0, 1, 0], [], []>, transpose_lhs_hint = false} : vector<256x256xf32>, vector<256x256xf32>, vector<256x256xf32> -> vector<256x256xf32>
      %add3A_219 = arith.addf %get3A_211, %dot_general3A_218 : vector<256x256xf32>
      %get3A_220 = arith.constant 0 : index
      %get3A_221 = arith.constant 0 : index
      %get3A_222 = arith.constant 0 : index
      %get3A_223 = vector.load %arg14[%get3A_220, %get3A_221, %get3A_222] : memref<4x1x256xf32, #tpu.memory_space<vmem>>, vector<1x1x256xf32>
      %get3A_224 = vector.shape_cast %get3A_223 : vector<1x1x256xf32> to vector<1x256xf32>
      %add3A_225 = vector.broadcast %get3A_224 : vector<1x256xf32> to vector<256x256xf32>
      %add3A_226 = arith.addf %add3A_219, %add3A_225 : vector<256x256xf32>
      %swap3A_227 = arith.index_cast %mul3A_92 : i32 to index
      %swap3A_228 = arith.constant 0 : index
      %swap3A_229 = vector.load %arg31[%swap3A_227, %swap3A_228] : memref<8192x256xf32, #tpu.memory_space<vmem>>, vector<256x256xf32>
      tpu.vector_store %arg31[%swap3A_227, %swap3A_228], %add3A_226 {strides = array<i32>} : memref<8192x256xf32, #tpu.memory_space<vmem>>, vector<256x256xf32>,
    }
    %scan3A_34 = arith.constant 32 : i32
    %scan3A_35 = arith.constant 0 : i32
    %scan3A_36 = arith.constant 16 : i32
    %scan3A_37 = arith.addi %scan3A_35, %scan3A_36 : i32
    %scan3A_38 = arith.constant 1 : i32
    scf.for %scan3A_90 = %scan3A_35 to %scan3A_37 step %scan3A_38  : i32 {
      %mul3A_91 = arith.constant 512 : i32
      %mul3A_92 = arith.muli %scan3A_90, %mul3A_91 : i32
      %get3A_93 = arith.index_cast %mul3A_92 : i32 to index
      %get3A_94 = arith.constant 0 : index
      %get3A_95 = vector.load %arg31[%get3A_93, %get3A_94] : memref<8192x256xf32, #tpu.memory_space<vmem>>, vector<512x256xf32>
      %get3A_96 = arith.constant 0 : index
      %get3A_97 = arith.constant 0 : index
      %get3A_98 = arith.constant 0 : index
      %get3A_99 = vector.load %arg15[%get3A_96, %get3A_97, %get3A_98] : memref<4x1x256xf32, #tpu.memory_space<vmem>>, vector<1x1x256xf32>
      %get3A_100 = vector.shape_cast %get3A_99 : vector<1x1x256xf32> to vector<1x256xf32>
      %get3A_101 = arith.constant 0 : index
      %get3A_102 = arith.constant 0 : index
      %get3A_103 = arith.constant 0 : index
      %get3A_104 = vector.load %arg16[%get3A_101, %get3A_102, %get3A_103] : memref<4x1x256xf32, #tpu.memory_space<vmem>>, vector<1x1x256xf32>
      %get3A_105 = vector.shape_cast %get3A_104 : vector<1x1x256xf32> to vector<1x256xf32>
      %reduce_sum3A = arith.constant dense<0.000000e+00> : vector<512xf32>
      %reduce_sum3A_106 = vector.multi_reduction <add>, %get3A_95, %reduce_sum3A [1] : vector<512x256xf32> to vector<512xf32>
      %broadcast_in_dim3A_107 = vector.shape_cast %reduce_sum3A_106 : vector<512xf32> to vector<512x1xf32>
      %div3A = arith.constant 2.560000e+02 : f32
      %div3A_108 = vector.broadcast %div3A : f32 to vector<512x1xf32>
      %div3A_109 = arith.divf %broadcast_in_dim3A_107, %div3A_108 : vector<512x1xf32>
      %sub3A = vector.broadcast %div3A_109 : vector<512x1xf32> to vector<512x256xf32>
      %sub3A_110 = arith.subf %get3A_95, %sub3A : vector<512x256xf32>
      %mul3A_111 = arith.mulf %sub3A_110, %sub3A_110 : vector<512x256xf32>
      %reduce_sum3A_112 = arith.constant dense<0.000000e+00> : vector<512xf32>
      %reduce_sum3A_113 = vector.multi_reduction <add>, %mul3A_111, %reduce_sum3A_112 [1] : vector<512x256xf32> to vector<512xf32>
      %broadcast_in_dim3A_114 = vector.shape_cast %reduce_sum3A_113 : vector<512xf32> to vector<512x1xf32>
      %div3A_115 = arith.constant 2.560000e+02 : f32
      %div3A_116 = vector.broadcast %div3A_115 : f32 to vector<512x1xf32>
      %div3A_117 = arith.divf %broadcast_in_dim3A_114, %div3A_116 : vector<512x1xf32>
      %add3A_118 = arith.constant 9.99999974E-6 : f32
      %add3A_119 = vector.broadcast %add3A_118 : f32 to vector<512x1xf32>
      %add3A_120 = arith.addf %div3A_117, %add3A_119 : vector<512x1xf32>
      %sqrt3A = math.sqrt %add3A_120 : vector<512x1xf32>
      %div3A_121 = vector.broadcast %sqrt3A : vector<512x1xf32> to vector<512x256xf32>
      %div3A_122 = arith.divf %sub3A_110, %div3A_121 : vector<512x256xf32>
      %mul3A_123 = vector.broadcast %get3A_100 : vector<1x256xf32> to vector<512x256xf32>
      %mul3A_124 = arith.mulf %div3A_122, %mul3A_123 : vector<512x256xf32>
      %add3A_125 = vector.broadcast %get3A_105 : vector<1x256xf32> to vector<512x256xf32>
      %add3A_126 = arith.addf %mul3A_124, %add3A_125 : vector<512x256xf32>
      %get3A_127 = arith.constant 0 : index
      %get3A_128 = arith.constant 0 : index
      %get3A_129 = arith.constant 0 : index
      %get3A_130 = vector.load %arg17[%get3A_127, %get3A_128, %get3A_129] : memref<4x512x256xf32, #tpu.memory_space<vmem>>, vector<1x512x256xf32>
      %get3A_131 = vector.shape_cast %get3A_130 : vector<1x512x256xf32> to vector<512x256xf32>
      %dot_general3A = arith.constant dense<0.000000e+00> : vector<512x512xf32>
      %dot_general3A_132 = tpu.matmul %add3A_126, %get3A_131, %dot_general3A {dimension_numbers = #tpu.dot_dimension_numbers<[1], [1], [0], [0], [0, 0, 1, 0], [], []>, transpose_lhs_hint = false} : vector<512x256xf32>, vector<512x256xf32>, vector<512x512xf32> -> vector<512x512xf32>
      %get3A_133 = arith.constant 0 : index
      %get3A_134 = arith.constant 0 : index
      %get3A_135 = arith.constant 0 : index
      %get3A_136 = vector.load %arg18[%get3A_133, %get3A_134, %get3A_135] : memref<4x1x512xf32, #tpu.memory_space<vmem>>, vector<1x1x512xf32>
      %get3A_137 = vector.shape_cast %get3A_136 : vector<1x1x512xf32> to vector<1x512xf32>
      %add3A_138 = vector.broadcast %get3A_137 : vector<1x512xf32> to vector<512x512xf32>
      %add3A_139 = arith.addf %dot_general3A_132, %add3A_138 : vector<512x512xf32>
      %max3A = arith.constant 0.000000e+00 : f32
      %max3A_140 = vector.broadcast %max3A : f32 to vector<512x512xf32>
      %max3A_141 = arith.maximumf %add3A_139, %max3A_140 : vector<512x512xf32>
      %get3A_142 = arith.constant 0 : index
      %get3A_143 = arith.constant 0 : index
      %get3A_144 = arith.constant 0 : index
      %get3A_145 = vector.load %arg19[%get3A_142, %get3A_143, %get3A_144] : memref<4x256x512xf32, #tpu.memory_space<vmem>>, vector<1x256x512xf32>
      %get3A_146 = vector.shape_cast %get3A_145 : vector<1x256x512xf32> to vector<256x512xf32>
      %dot_general3A_147 = arith.constant dense<0.000000e+00> : vector<512x256xf32>
      %dot_general3A_148 = tpu.matmul %max3A_141, %get3A_146, %dot_general3A_147 {dimension_numbers = #tpu.dot_dimension_numbers<[1], [1], [0], [0], [0, 0, 1, 0], [], []>, transpose_lhs_hint = false} : vector<512x512xf32>, vector<256x512xf32>, vector<512x256xf32> -> vector<512x256xf32>
      %add3A_149 = arith.addf %get3A_95, %dot_general3A_148 : vector<512x256xf32>
      %get3A_150 = arith.constant 0 : index
      %get3A_151 = arith.constant 0 : index
      %get3A_152 = arith.constant 0 : index
      %get3A_153 = vector.load %arg20[%get3A_150, %get3A_151, %get3A_152] : memref<4x1x256xf32, #tpu.memory_space<vmem>>, vector<1x1x256xf32>
      %get3A_154 = vector.shape_cast %get3A_153 : vector<1x1x256xf32> to vector<1x256xf32>
      %add3A_155 = vector.broadcast %get3A_154 : vector<1x256xf32> to vector<512x256xf32>
      %add3A_156 = arith.addf %add3A_149, %add3A_155 : vector<512x256xf32>
      %swap3A_157 = arith.index_cast %mul3A_92 : i32 to index
      %swap3A_158 = arith.constant 0 : index
      %swap3A_159 = vector.load %arg31[%swap3A_157, %swap3A_158] : memref<8192x256xf32, #tpu.memory_space<vmem>>, vector<512x256xf32>
      tpu.vector_store %arg31[%swap3A_157, %swap3A_158], %add3A_156 {strides = array<i32>} : memref<8192x256xf32, #tpu.memory_space<vmem>>, vector<512x256xf32>,
    }
    %scan3A_39 = arith.constant 16 : i32
    %scan3A_40 = arith.constant 0 : i32
    %scan3A_41 = arith.constant 16 : i32
    %scan3A_42 = arith.addi %scan3A_40, %scan3A_41 : i32
    %scan3A_43 = arith.constant 1 : i32
    scf.for %scan3A_90 = %scan3A_40 to %scan3A_42 step %scan3A_43  : i32 {
      %mul3A_91 = arith.constant 512 : i32
      %mul3A_92 = arith.muli %scan3A_90, %mul3A_91 : i32
      %get3A_93 = arith.index_cast %mul3A_92 : i32 to index
      %get3A_94 = arith.constant 0 : index
      %get3A_95 = vector.load %arg31[%get3A_93, %get3A_94] : memref<8192x256xf32, #tpu.memory_space<vmem>>, vector<512x256xf32>
      %get3A_96 = arith.constant 1 : index
      %get3A_97 = arith.constant 0 : index
      %get3A_98 = arith.constant 0 : index
      %get3A_99 = vector.load %arg8[%get3A_96, %get3A_97, %get3A_98] : memref<4x1x256xf32, #tpu.memory_space<vmem>>, vector<1x1x256xf32>
      %get3A_100 = vector.shape_cast %get3A_99 : vector<1x1x256xf32> to vector<1x256xf32>
      %get3A_101 = arith.constant 1 : index
      %get3A_102 = arith.constant 0 : index
      %get3A_103 = arith.constant 0 : index
      %get3A_104 = vector.load %arg9[%get3A_101, %get3A_102, %get3A_103] : memref<4x1x256xf32, #tpu.memory_space<vmem>>, vector<1x1x256xf32>
      %get3A_105 = vector.shape_cast %get3A_104 : vector<1x1x256xf32> to vector<1x256xf32>
      %reduce_sum3A = arith.constant dense<0.000000e+00> : vector<512xf32>
      %reduce_sum3A_106 = vector.multi_reduction <add>, %get3A_95, %reduce_sum3A [1] : vector<512x256xf32> to vector<512xf32>
      %broadcast_in_dim3A_107 = vector.shape_cast %reduce_sum3A_106 : vector<512xf32> to vector<512x1xf32>
      %div3A = arith.constant 2.560000e+02 : f32
      %div3A_108 = vector.broadcast %div3A : f32 to vector<512x1xf32>
      %div3A_109 = arith.divf %broadcast_in_dim3A_107, %div3A_108 : vector<512x1xf32>
      %sub3A = vector.broadcast %div3A_109 : vector<512x1xf32> to vector<512x256xf32>
      %sub3A_110 = arith.subf %get3A_95, %sub3A : vector<512x256xf32>
      %mul3A_111 = arith.mulf %sub3A_110, %sub3A_110 : vector<512x256xf32>
      %reduce_sum3A_112 = arith.constant dense<0.000000e+00> : vector<512xf32>
      %reduce_sum3A_113 = vector.multi_reduction <add>, %mul3A_111, %reduce_sum3A_112 [1] : vector<512x256xf32> to vector<512xf32>
      %broadcast_in_dim3A_114 = vector.shape_cast %reduce_sum3A_113 : vector<512xf32> to vector<512x1xf32>
      %div3A_115 = arith.constant 2.560000e+02 : f32
      %div3A_116 = vector.broadcast %div3A_115 : f32 to vector<512x1xf32>
      %div3A_117 = arith.divf %broadcast_in_dim3A_114, %div3A_116 : vector<512x1xf32>
      %add3A_118 = arith.constant 9.99999974E-6 : f32
      %add3A_119 = vector.broadcast %add3A_118 : f32 to vector<512x1xf32>
      %add3A_120 = arith.addf %div3A_117, %add3A_119 : vector<512x1xf32>
      %sqrt3A = math.sqrt %add3A_120 : vector<512x1xf32>
      %div3A_121 = vector.broadcast %sqrt3A : vector<512x1xf32> to vector<512x256xf32>
      %div3A_122 = arith.divf %sub3A_110, %div3A_121 : vector<512x256xf32>
      %mul3A_123 = vector.broadcast %get3A_100 : vector<1x256xf32> to vector<512x256xf32>
      %mul3A_124 = arith.mulf %div3A_122, %mul3A_123 : vector<512x256xf32>
      %add3A_125 = vector.broadcast %get3A_105 : vector<1x256xf32> to vector<512x256xf32>
      %add3A_126 = arith.addf %mul3A_124, %add3A_125 : vector<512x256xf32>
      %get3A_127 = arith.constant 1 : index
      %get3A_128 = arith.constant 0 : index
      %get3A_129 = arith.constant 0 : index
      %get3A_130 = vector.load %arg11[%get3A_127, %get3A_128, %get3A_129] : memref<4x256x256xf32, #tpu.memory_space<vmem>>, vector<1x256x256xf32>
      %get3A_131 = vector.shape_cast %get3A_130 : vector<1x256x256xf32> to vector<256x256xf32>
      %dot_general3A = arith.constant dense<0.000000e+00> : vector<512x256xf32>
      %dot_general3A_132 = tpu.matmul %add3A_126, %get3A_131, %dot_general3A {dimension_numbers = #tpu.dot_dimension_numbers<[1], [1], [0], [0], [0, 0, 1, 0], [], []>, transpose_lhs_hint = false} : vector<512x256xf32>, vector<256x256xf32>, vector<512x256xf32> -> vector<512x256xf32>
      %swap3A_133 = arith.index_cast %mul3A_92 : i32 to index
      %swap3A_134 = arith.constant 0 : index
      %swap3A_135 = vector.load %arg32[%swap3A_133, %swap3A_134] : memref<8192x256xf32, #tpu.memory_space<vmem>>, vector<512x256xf32>
      tpu.vector_store %arg32[%swap3A_133, %swap3A_134], %dot_general3A_132 {strides = array<i32>} : memref<8192x256xf32, #tpu.memory_space<vmem>>, vector<512x256xf32>,
      %get3A_136 = arith.constant 1 : index
      %get3A_137 = arith.constant 0 : index
      %get3A_138 = arith.constant 0 : index
      %get3A_139 = vector.load %arg12[%get3A_136, %get3A_137, %get3A_138] : memref<4x256x256xf32, #tpu.memory_space<vmem>>, vector<1x256x256xf32>
      %get3A_140 = vector.shape_cast %get3A_139 : vector<1x256x256xf32> to vector<256x256xf32>
      %dot_general3A_141 = arith.constant dense<0.000000e+00> : vector<512x256xf32>
      %dot_general3A_142 = tpu.matmul %add3A_126, %get3A_140, %dot_general3A_141 {dimension_numbers = #tpu.dot_dimension_numbers<[1], [1], [0], [0], [0, 0, 1, 0], [], []>, transpose_lhs_hint = false} : vector<512x256xf32>, vector<256x256xf32>, vector<512x256xf32> -> vector<512x256xf32>
      %swap3A_143 = arith.index_cast %mul3A_92 : i32 to index
      %swap3A_144 = arith.constant 0 : index
      %swap3A_145 = vector.load %arg33[%swap3A_143, %swap3A_144] : memref<8192x256xf32, #tpu.memory_space<vmem>>, vector<512x256xf32>
      tpu.vector_store %arg33[%swap3A_143, %swap3A_144], %dot_general3A_142 {strides = array<i32>} : memref<8192x256xf32, #tpu.memory_space<vmem>>, vector<512x256xf32>,
    }
    %scan3A_44 = arith.constant 16 : i32
    %scan3A_45 = arith.constant 0 : i32
    %scan3A_46 = arith.constant 32 : i32
    %scan3A_47 = arith.addi %scan3A_45, %scan3A_46 : i32
    %scan3A_48 = arith.constant 1 : i32
    scf.for %scan3A_90 = %scan3A_45 to %scan3A_47 step %scan3A_48  : i32 {
      %mul3A_91 = arith.constant 256 : i32
      %mul3A_92 = arith.muli %scan3A_90, %mul3A_91 : i32
      %get3A_93 = arith.index_cast %mul3A_92 : i32 to index
      %get3A_94 = arith.constant 0 : index
      %get3A_95 = vector.load %arg31[%get3A_93, %get3A_94] : memref<8192x256xf32, #tpu.memory_space<vmem>>, vector<256x256xf32>
      %get3A_96 = arith.constant 1 : index
      %get3A_97 = arith.constant 0 : index
      %get3A_98 = arith.constant 0 : index
      %get3A_99 = vector.load %arg8[%get3A_96, %get3A_97, %get3A_98] : memref<4x1x256xf32, #tpu.memory_space<vmem>>, vector<1x1x256xf32>
      %get3A_100 = vector.shape_cast %get3A_99 : vector<1x1x256xf32> to vector<1x256xf32>
      %get3A_101 = arith.constant 1 : index
      %get3A_102 = arith.constant 0 : index
      %get3A_103 = arith.constant 0 : index
      %get3A_104 = vector.load %arg9[%get3A_101, %get3A_102, %get3A_103] : memref<4x1x256xf32, #tpu.memory_space<vmem>>, vector<1x1x256xf32>
      %get3A_105 = vector.shape_cast %get3A_104 : vector<1x1x256xf32> to vector<1x256xf32>
      %reduce_sum3A = arith.constant dense<0.000000e+00> : vector<256xf32>
      %reduce_sum3A_106 = vector.multi_reduction <add>, %get3A_95, %reduce_sum3A [1] : vector<256x256xf32> to vector<256xf32>
      %broadcast_in_dim3A_107 = vector.shape_cast %reduce_sum3A_106 : vector<256xf32> to vector<256x1xf32>
      %div3A = arith.constant 2.560000e+02 : f32
      %div3A_108 = vector.broadcast %div3A : f32 to vector<256x1xf32>
      %div3A_109 = arith.divf %broadcast_in_dim3A_107, %div3A_108 : vector<256x1xf32>
      %sub3A = vector.broadcast %div3A_109 : vector<256x1xf32> to vector<256x256xf32>
      %sub3A_110 = arith.subf %get3A_95, %sub3A : vector<256x256xf32>
      %mul3A_111 = arith.mulf %sub3A_110, %sub3A_110 : vector<256x256xf32>
      %reduce_sum3A_112 = arith.constant dense<0.000000e+00> : vector<256xf32>
      %reduce_sum3A_113 = vector.multi_reduction <add>, %mul3A_111, %reduce_sum3A_112 [1] : vector<256x256xf32> to vector<256xf32>
      %broadcast_in_dim3A_114 = vector.shape_cast %reduce_sum3A_113 : vector<256xf32> to vector<256x1xf32>
      %div3A_115 = arith.constant 2.560000e+02 : f32
      %div3A_116 = vector.broadcast %div3A_115 : f32 to vector<256x1xf32>
      %div3A_117 = arith.divf %broadcast_in_dim3A_114, %div3A_116 : vector<256x1xf32>
      %add3A_118 = arith.constant 9.99999974E-6 : f32
      %add3A_119 = vector.broadcast %add3A_118 : f32 to vector<256x1xf32>
      %add3A_120 = arith.addf %div3A_117, %add3A_119 : vector<256x1xf32>
      %sqrt3A = math.sqrt %add3A_120 : vector<256x1xf32>
      %div3A_121 = vector.broadcast %sqrt3A : vector<256x1xf32> to vector<256x256xf32>
      %div3A_122 = arith.divf %sub3A_110, %div3A_121 : vector<256x256xf32>
      %mul3A_123 = vector.broadcast %get3A_100 : vector<1x256xf32> to vector<256x256xf32>
      %mul3A_124 = arith.mulf %div3A_122, %mul3A_123 : vector<256x256xf32>
      %add3A_125 = vector.broadcast %get3A_105 : vector<1x256xf32> to vector<256x256xf32>
      %add3A_126 = arith.addf %mul3A_124, %add3A_125 : vector<256x256xf32>
      %get3A_127 = arith.constant 1 : index
      %get3A_128 = arith.constant 0 : index
      %get3A_129 = arith.constant 0 : index
      %get3A_130 = vector.load %arg10[%get3A_127, %get3A_128, %get3A_129] : memref<4x256x256xf32, #tpu.memory_space<vmem>>, vector<1x256x256xf32>
      %get3A_131 = vector.shape_cast %get3A_130 : vector<1x256x256xf32> to vector<256x256xf32>
      %dot_general3A = arith.constant dense<0.000000e+00> : vector<256x256xf32>
      %dot_general3A_132 = tpu.matmul %add3A_126, %get3A_131, %dot_general3A {dimension_numbers = #tpu.dot_dimension_numbers<[1], [1], [0], [0], [0, 0, 1, 0], [], []>, transpose_lhs_hint = false} : vector<256x256xf32>, vector<256x256xf32>, vector<256x256xf32> -> vector<256x256xf32>
      %mul3A_133 = arith.constant 0.176776692 : f32
      %mul3A_134 = vector.broadcast %mul3A_133 : f32 to vector<256x256xf32>
      %mul3A_135 = arith.mulf %dot_general3A_132, %mul3A_134 : vector<256x256xf32>
      %get3A_136 = arith.constant 0 : index
      %get3A_137 = arith.index_cast %mul3A_92 : i32 to index
      %get3A_138 = vector.load %arg34[%get3A_136, %get3A_137] : memref<8x8192xf32, #tpu.memory_space<vmem>>, vector<1x256xf32>
      %reshape3A = vector.shape_cast %get3A_138 : vector<1x256xf32> to vector<256x1xf32>
      %get3A_139 = arith.constant 1 : index
      %get3A_140 = arith.index_cast %mul3A_92 : i32 to index
      %get3A_141 = vector.load %arg34[%get3A_139, %get3A_140] : memref<8x8192xf32, #tpu.memory_space<vmem>>, vector<1x256xf32>
      %reshape3A_142 = vector.shape_cast %get3A_141 : vector<1x256xf32> to vector<256x1xf32>
      %get3A_143 = arith.constant 2 : index
      %get3A_144 = arith.index_cast %mul3A_92 : i32 to index
      %get3A_145 = vector.load %arg34[%get3A_143, %get3A_144] : memref<8x8192xf32, #tpu.memory_space<vmem>>, vector<1x256xf32>
      %reshape3A_146 = vector.shape_cast %get3A_145 : vector<1x256xf32> to vector<256x1xf32>
      %broadcast_in_dim3A_147 = arith.constant 0.000000e+00 : f32
      %broadcast_in_dim3A_148 = vector.broadcast %broadcast_in_dim3A_147 : f32 to vector<256x1xf32>
      %broadcast_in_dim3A_149 = arith.constant 0.000000e+00 : f32
      %broadcast_in_dim3A_150 = vector.broadcast %broadcast_in_dim3A_149 : f32 to vector<256x32xf32>
      %broadcast_in_dim3A_151 = arith.constant 0.000000e+00 : f32
      %broadcast_in_dim3A_152 = vector.broadcast %broadcast_in_dim3A_151 : f32 to vector<256x1xf32>
      %broadcast_in_dim3A_153 = arith.constant 0.000000e+00 : f32
      %broadcast_in_dim3A_154 = vector.broadcast %broadcast_in_dim3A_153 : f32 to vector<256x32xf32>
      %broadcast_in_dim3A_155 = arith.constant 0.000000e+00 : f32
      %broadcast_in_dim3A_156 = vector.broadcast %broadcast_in_dim3A_155 : f32 to vector<256x1xf32>
      %broadcast_in_dim3A_157 = arith.constant 0.000000e+00 : f32
      %broadcast_in_dim3A_158 = vector.broadcast %broadcast_in_dim3A_157 : f32 to vector<256x32xf32>
      %broadcast_in_dim3A_159 = arith.constant 0.000000e+00 : f32
      %broadcast_in_dim3A_160 = vector.broadcast %broadcast_in_dim3A_159 : f32 to vector<256x1xf32>
      %broadcast_in_dim3A_161 = arith.constant 0.000000e+00 : f32
      %broadcast_in_dim3A_162 = vector.broadcast %broadcast_in_dim3A_161 : f32 to vector<256x32xf32>
      %broadcast_in_dim3A_163 = arith.constant 0.000000e+00 : f32
      %broadcast_in_dim3A_164 = vector.broadcast %broadcast_in_dim3A_163 : f32 to vector<256x1xf32>
      %broadcast_in_dim3A_165 = arith.constant 0.000000e+00 : f32
      %broadcast_in_dim3A_166 = vector.broadcast %broadcast_in_dim3A_165 : f32 to vector<256x32xf32>
      %broadcast_in_dim3A_167 = arith.constant 0.000000e+00 : f32
      %broadcast_in_dim3A_168 = vector.broadcast %broadcast_in_dim3A_167 : f32 to vector<256x1xf32>
      %broadcast_in_dim3A_169 = arith.constant 0.000000e+00 : f32
      %broadcast_in_dim3A_170 = vector.broadcast %broadcast_in_dim3A_169 : f32 to vector<256x32xf32>
      %broadcast_in_dim3A_171 = arith.constant 0.000000e+00 : f32
      %broadcast_in_dim3A_172 = vector.broadcast %broadcast_in_dim3A_171 : f32 to vector<256x1xf32>
      %broadcast_in_dim3A_173 = arith.constant 0.000000e+00 : f32
      %broadcast_in_dim3A_174 = vector.broadcast %broadcast_in_dim3A_173 : f32 to vector<256x32xf32>
      %broadcast_in_dim3A_175 = arith.constant 0.000000e+00 : f32
      %broadcast_in_dim3A_176 = vector.broadcast %broadcast_in_dim3A_175 : f32 to vector<256x1xf32>
      %broadcast_in_dim3A_177 = arith.constant 0.000000e+00 : f32
      %broadcast_in_dim3A_178 = vector.broadcast %broadcast_in_dim3A_177 : f32 to vector<256x32xf32>
      %get3A_179 = arith.index_cast %scan3A_90 : i32 to index
      %get3A_180 = memref.load %arg1[%get3A_179] : memref<32xi32, #tpu.memory_space<smem>>
      %get3A_181 = arith.index_cast %scan3A_90 : i32 to index
      %get3A_182 = memref.load %arg2[%get3A_181] : memref<32xi32, #tpu.memory_space<smem>>
      %while3A = arith.subi %get3A_182, %get3A_180 : i32
      %while3A_183 = arith.addi %get3A_180, %while3A : i32
      %while3A_184 = arith.constant 1 : i32
      %while3A_185 = arith.divsi %while3A, %while3A_184 : i32
      %while3A_186 = arith.muli %while3A_185, %while3A_184 : i32
      %while3A_187 = arith.addi %get3A_180, %while3A_186 : i32
      %while3A_188 = arith.constant 1 : i32
      %while3A_189:16 = scf.for %while3A_230 = %get3A_180 to %while3A_187 step %while3A_188 iter_args(%while3A_231 = %broadcast_in_dim3A_148, %while3A_232 = %broadcast_in_dim3A_150, %while3A_233 = %broadcast_in_dim3A_152, %while3A_234 = %broadcast_in_dim3A_154, %while3A_235 = %broadcast_in_dim3A_156, %while3A_236 = %broadcast_in_dim3A_158, %while3A_237 = %broadcast_in_dim3A_160, %while3A_238 = %broadcast_in_dim3A_162, %while3A_239 = %broadcast_in_dim3A_164, %while3A_240 = %broadcast_in_dim3A_166, %while3A_241 = %broadcast_in_dim3A_168, %while3A_242 = %broadcast_in_dim3A_170, %while3A_243 = %broadcast_in_dim3A_172, %while3A_244 = %broadcast_in_dim3A_174, %while3A_245 = %broadcast_in_dim3A_176, %while3A_246 = %broadcast_in_dim3A_178) -> (vector<256x1xf32>, vector<256x32xf32>, vector<256x1xf32>, vector<256x32xf32>, vector<256x1xf32>, vector<256x32xf32>, vector<256x1xf32>, vector<256x32xf32>, vector<256x1xf32>, vector<256x32xf32>, vector<256x1xf32>, vector<256x32xf32>, vector<256x1xf32>, vector<256x32xf32>, vector<256x1xf32>, vector<256x32xf32>)  : i32 {
        %mul3A_247 = arith.constant 256 : i32
        %mul3A_248 = arith.muli %while3A_230, %mul3A_247 : i32
        %get3A_249 = arith.index_cast %mul3A_248 : i32 to index
        %get3A_250 = arith.constant 0 : index
        %get3A_251 = vector.load %arg32[%get3A_249, %get3A_250] : memref<8192x256xf32, #tpu.memory_space<vmem>>, vector<256x256xf32>
        %get3A_252 = arith.index_cast %mul3A_248 : i32 to index
        %get3A_253 = arith.constant 0 : index
        %get3A_254 = vector.load %arg33[%get3A_252, %get3A_253] : memref<8192x256xf32, #tpu.memory_space<vmem>>, vector<256x256xf32>
        %get3A_255 = arith.constant 0 : index
        %get3A_256 = arith.index_cast %mul3A_248 : i32 to index
        %get3A_257 = vector.load %arg34[%get3A_255, %get3A_256] : memref<8x8192xf32, #tpu.memory_space<vmem>>, vector<1x256xf32>
        %sub3A_258 = vector.broadcast %reshape3A : vector<256x1xf32> to vector<256x256xf32>
        %sub3A_259 = vector.broadcast %get3A_257 : vector<1x256xf32> to vector<256x256xf32>
        %sub3A_260 = arith.subf %sub3A_258, %sub3A_259 : vector<256x256xf32>
        %get3A_261 = arith.constant 1 : index
        %get3A_262 = arith.index_cast %mul3A_248 : i32 to index
        %get3A_263 = vector.load %arg34[%get3A_261, %get3A_262] : memref<8x8192xf32, #tpu.memory_space<vmem>>, vector<1x256xf32>
        %sub3A_264 = vector.broadcast %reshape3A_142 : vector<256x1xf32> to vector<256x256xf32>
        %sub3A_265 = vector.broadcast %get3A_263 : vector<1x256xf32> to vector<256x256xf32>
        %sub3A_266 = arith.subf %sub3A_264, %sub3A_265 : vector<256x256xf32>
        %abs3A = math.absf %sub3A_266 : vector<256x256xf32>
        %sub3A_267 = arith.constant 6.28318548 : f32
        %sub3A_268 = vector.broadcast %sub3A_267 : f32 to vector<256x256xf32>
        %sub3A_269 = arith.subf %sub3A_268, %abs3A : vector<256x256xf32>
        %min3A = arith.minimumf %abs3A, %sub3A_269 : vector<256x256xf32>
        %mul3A_270 = arith.mulf %sub3A_260, %sub3A_260 : vector<256x256xf32>
        %mul3A_271 = arith.mulf %min3A, %min3A : vector<256x256xf32>
        %add3A_272 = arith.addf %mul3A_270, %mul3A_271 : vector<256x256xf32>
        %get3A_273 = arith.constant 2 : index
        %get3A_274 = arith.index_cast %mul3A_248 : i32 to index
        %get3A_275 = vector.load %arg34[%get3A_273, %get3A_274] : memref<8x8192xf32, #tpu.memory_space<vmem>>, vector<1x256xf32>
        %eq3A = vector.broadcast %reshape3A_146 : vector<256x1xf32> to vector<256x256xf32>
        %eq3A_276 = vector.broadcast %get3A_275 : vector<1x256xf32> to vector<256x256xf32>
        %eq3A_277 = arith.cmpf oeq, %eq3A, %eq3A_276 : vector<256x256xf32>
        %le3A = arith.constant 4.000000e-02 : f32
        %le3A_278 = vector.broadcast %le3A : f32 to vector<256x256xf32>
        %le3A_279 = arith.cmpf ole, %add3A_272, %le3A_278 : vector<256x256xf32>
        %and3A = arith.andi %eq3A_277, %le3A_279 : vector<256x256xi1>
        %jit3A = arith.constant 0.000000e+00 : f32
        %jit3A_280 = arith.constant -1.000000e+30 : f32
        %broadcast_in_dim3A_281 = vector.broadcast %jit3A : f32 to vector<256x256xf32>
        %broadcast_in_dim3A_282 = vector.broadcast %jit3A_280 : f32 to vector<256x256xf32>
        %select_n3A = arith.select %and3A, %broadcast_in_dim3A_281, %broadcast_in_dim3A_282 : vector<256x256xi1>, vector<256x256xf32>
        %slice3A = vector.extract_strided_slice %mul3A_135 {offsets = [0, 0], sizes = [256, 32], strides = [1, 1]} : vector<256x256xf32> to vector<256x32xf32>
        %slice3A_283 = vector.extract_strided_slice %get3A_251 {offsets = [0, 0], sizes = [256, 32], strides = [1, 1]} : vector<256x256xf32> to vector<256x32xf32>
        %slice3A_284 = vector.extract_strided_slice %get3A_254 {offsets = [0, 0], sizes = [256, 32], strides = [1, 1]} : vector<256x256xf32> to vector<256x32xf32>
        %dot_general3A_285 = arith.constant dense<0.000000e+00> : vector<256x256xf32>
        %dot_general3A_286 = tpu.matmul %slice3A, %slice3A_283, %dot_general3A_285 {dimension_numbers = #tpu.dot_dimension_numbers<[1], [1], [0], [0], [0, 0, 1, 0], [], []>, transpose_lhs_hint = false} : vector<256x32xf32>, vector<256x32xf32>, vector<256x256xf32> -> vector<256x256xf32>
        %add3A_287 = arith.addf %dot_general3A_286, %select_n3A : vector<256x256xf32>
        %exp3A = math.exp %add3A_287 : vector<256x256xf32>
        %reduce_sum3A_288 = arith.constant dense<0.000000e+00> : vector<256xf32>
        %reduce_sum3A_289 = vector.multi_reduction <add>, %exp3A, %reduce_sum3A_288 [1] : vector<256x256xf32> to vector<256xf32>
        %broadcast_in_dim3A_290 = vector.shape_cast %reduce_sum3A_289 : vector<256xf32> to vector<256x1xf32>
        %add3A_291 = arith.addf %while3A_231, %broadcast_in_dim3A_290 : vector<256x1xf32>
        %dot_general3A_292 = arith.constant dense<0.000000e+00> : vector<256x32xf32>
        %dot_general3A_293 = tpu.matmul %exp3A, %slice3A_284, %dot_general3A_292 {dimension_numbers = #tpu.dot_dimension_numbers<[1], [0], [0], [1], [0, 0, 1, 1], [], []>, transpose_lhs_hint = false} : vector<256x256xf32>, vector<256x32xf32>, vector<256x32xf32> -> vector<256x32xf32>
        %add3A_294 = arith.addf %while3A_232, %dot_general3A_293 : vector<256x32xf32>
        %slice3A_295 = vector.extract_strided_slice %mul3A_135 {offsets = [0, 32], sizes = [256, 32], strides = [1, 1]} : vector<256x256xf32> to vector<256x32xf32>
        %slice3A_296 = vector.extract_strided_slice %get3A_251 {offsets = [0, 32], sizes = [256, 32], strides = [1, 1]} : vector<256x256xf32> to vector<256x32xf32>
        %slice3A_297 = vector.extract_strided_slice %get3A_254 {offsets = [0, 32], sizes = [256, 32], strides = [1, 1]} : vector<256x256xf32> to vector<256x32xf32>
        %dot_general3A_298 = arith.constant dense<0.000000e+00> : vector<256x256xf32>
        %dot_general3A_299 = tpu.matmul %slice3A_295, %slice3A_296, %dot_general3A_298 {dimension_numbers = #tpu.dot_dimension_numbers<[1], [1], [0], [0], [0, 0, 1, 0], [], []>, transpose_lhs_hint = false} : vector<256x32xf32>, vector<256x32xf32>, vector<256x256xf32> -> vector<256x256xf32>
        %add3A_300 = arith.addf %dot_general3A_299, %select_n3A : vector<256x256xf32>
        %exp3A_301 = math.exp %add3A_300 : vector<256x256xf32>
        %reduce_sum3A_302 = arith.constant dense<0.000000e+00> : vector<256xf32>
        %reduce_sum3A_303 = vector.multi_reduction <add>, %exp3A_301, %reduce_sum3A_302 [1] : vector<256x256xf32> to vector<256xf32>
        %broadcast_in_dim3A_304 = vector.shape_cast %reduce_sum3A_303 : vector<256xf32> to vector<256x1xf32>
        %add3A_305 = arith.addf %while3A_233, %broadcast_in_dim3A_304 : vector<256x1xf32>
        %dot_general3A_306 = arith.constant dense<0.000000e+00> : vector<256x32xf32>
        %dot_general3A_307 = tpu.matmul %exp3A_301, %slice3A_297, %dot_general3A_306 {dimension_numbers = #tpu.dot_dimension_numbers<[1], [0], [0], [1], [0, 0, 1, 1], [], []>, transpose_lhs_hint = false} : vector<256x256xf32>, vector<256x32xf32>, vector<256x32xf32> -> vector<256x32xf32>
        %add3A_308 = arith.addf %while3A_234, %dot_general3A_307 : vector<256x32xf32>
        %slice3A_309 = vector.extract_strided_slice %mul3A_135 {offsets = [0, 64], sizes = [256, 32], strides = [1, 1]} : vector<256x256xf32> to vector<256x32xf32>
        %slice3A_310 = vector.extract_strided_slice %get3A_251 {offsets = [0, 64], sizes = [256, 32], strides = [1, 1]} : vector<256x256xf32> to vector<256x32xf32>
        %slice3A_311 = vector.extract_strided_slice %get3A_254 {offsets = [0, 64], sizes = [256, 32], strides = [1, 1]} : vector<256x256xf32> to vector<256x32xf32>
        %dot_general3A_312 = arith.constant dense<0.000000e+00> : vector<256x256xf32>
        %dot_general3A_313 = tpu.matmul %slice3A_309, %slice3A_310, %dot_general3A_312 {dimension_numbers = #tpu.dot_dimension_numbers<[1], [1], [0], [0], [0, 0, 1, 0], [], []>, transpose_lhs_hint = false} : vector<256x32xf32>, vector<256x32xf32>, vector<256x256xf32> -> vector<256x256xf32>
        %add3A_314 = arith.addf %dot_general3A_313, %select_n3A : vector<256x256xf32>
        %exp3A_315 = math.exp %add3A_314 : vector<256x256xf32>
        %reduce_sum3A_316 = arith.constant dense<0.000000e+00> : vector<256xf32>
        %reduce_sum3A_317 = vector.multi_reduction <add>, %exp3A_315, %reduce_sum3A_316 [1] : vector<256x256xf32> to vector<256xf32>
        %broadcast_in_dim3A_318 = vector.shape_cast %reduce_sum3A_317 : vector<256xf32> to vector<256x1xf32>
        %add3A_319 = arith.addf %while3A_235, %broadcast_in_dim3A_318 : vector<256x1xf32>
        %dot_general3A_320 = arith.constant dense<0.000000e+00> : vector<256x32xf32>
        %dot_general3A_321 = tpu.matmul %exp3A_315, %slice3A_311, %dot_general3A_320 {dimension_numbers = #tpu.dot_dimension_numbers<[1], [0], [0], [1], [0, 0, 1, 1], [], []>, transpose_lhs_hint = false} : vector<256x256xf32>, vector<256x32xf32>, vector<256x32xf32> -> vector<256x32xf32>
        %add3A_322 = arith.addf %while3A_236, %dot_general3A_321 : vector<256x32xf32>
        %slice3A_323 = vector.extract_strided_slice %mul3A_135 {offsets = [0, 96], sizes = [256, 32], strides = [1, 1]} : vector<256x256xf32> to vector<256x32xf32>
        %slice3A_324 = vector.extract_strided_slice %get3A_251 {offsets = [0, 96], sizes = [256, 32], strides = [1, 1]} : vector<256x256xf32> to vector<256x32xf32>
        %slice3A_325 = vector.extract_strided_slice %get3A_254 {offsets = [0, 96], sizes = [256, 32], strides = [1, 1]} : vector<256x256xf32> to vector<256x32xf32>
        %dot_general3A_326 = arith.constant dense<0.000000e+00> : vector<256x256xf32>
        %dot_general3A_327 = tpu.matmul %slice3A_323, %slice3A_324, %dot_general3A_326 {dimension_numbers = #tpu.dot_dimension_numbers<[1], [1], [0], [0], [0, 0, 1, 0], [], []>, transpose_lhs_hint = false} : vector<256x32xf32>, vector<256x32xf32>, vector<256x256xf32> -> vector<256x256xf32>
        %add3A_328 = arith.addf %dot_general3A_327, %select_n3A : vector<256x256xf32>
        %exp3A_329 = math.exp %add3A_328 : vector<256x256xf32>
        %reduce_sum3A_330 = arith.constant dense<0.000000e+00> : vector<256xf32>
        %reduce_sum3A_331 = vector.multi_reduction <add>, %exp3A_329, %reduce_sum3A_330 [1] : vector<256x256xf32> to vector<256xf32>
        %broadcast_in_dim3A_332 = vector.shape_cast %reduce_sum3A_331 : vector<256xf32> to vector<256x1xf32>
        %add3A_333 = arith.addf %while3A_237, %broadcast_in_dim3A_332 : vector<256x1xf32>
        %dot_general3A_334 = arith.constant dense<0.000000e+00> : vector<256x32xf32>
        %dot_general3A_335 = tpu.matmul %exp3A_329, %slice3A_325, %dot_general3A_334 {dimension_numbers = #tpu.dot_dimension_numbers<[1], [0], [0], [1], [0, 0, 1, 1], [], []>, transpose_lhs_hint = false} : vector<256x256xf32>, vector<256x32xf32>, vector<256x32xf32> -> vector<256x32xf32>
        %add3A_336 = arith.addf %while3A_238, %dot_general3A_335 : vector<256x32xf32>
        %slice3A_337 = vector.extract_strided_slice %mul3A_135 {offsets = [0, 128], sizes = [256, 32], strides = [1, 1]} : vector<256x256xf32> to vector<256x32xf32>
        %slice3A_338 = vector.extract_strided_slice %get3A_251 {offsets = [0, 128], sizes = [256, 32], strides = [1, 1]} : vector<256x256xf32> to vector<256x32xf32>
        %slice3A_339 = vector.extract_strided_slice %get3A_254 {offsets = [0, 128], sizes = [256, 32], strides = [1, 1]} : vector<256x256xf32> to vector<256x32xf32>
        %dot_general3A_340 = arith.constant dense<0.000000e+00> : vector<256x256xf32>
        %dot_general3A_341 = tpu.matmul %slice3A_337, %slice3A_338, %dot_general3A_340 {dimension_numbers = #tpu.dot_dimension_numbers<[1], [1], [0], [0], [0, 0, 1, 0], [], []>, transpose_lhs_hint = false} : vector<256x32xf32>, vector<256x32xf32>, vector<256x256xf32> -> vector<256x256xf32>
        %add3A_342 = arith.addf %dot_general3A_341, %select_n3A : vector<256x256xf32>
        %exp3A_343 = math.exp %add3A_342 : vector<256x256xf32>
        %reduce_sum3A_344 = arith.constant dense<0.000000e+00> : vector<256xf32>
        %reduce_sum3A_345 = vector.multi_reduction <add>, %exp3A_343, %reduce_sum3A_344 [1] : vector<256x256xf32> to vector<256xf32>
        %broadcast_in_dim3A_346 = vector.shape_cast %reduce_sum3A_345 : vector<256xf32> to vector<256x1xf32>
        %add3A_347 = arith.addf %while3A_239, %broadcast_in_dim3A_346 : vector<256x1xf32>
        %dot_general3A_348 = arith.constant dense<0.000000e+00> : vector<256x32xf32>
        %dot_general3A_349 = tpu.matmul %exp3A_343, %slice3A_339, %dot_general3A_348 {dimension_numbers = #tpu.dot_dimension_numbers<[1], [0], [0], [1], [0, 0, 1, 1], [], []>, transpose_lhs_hint = false} : vector<256x256xf32>, vector<256x32xf32>, vector<256x32xf32> -> vector<256x32xf32>
        %add3A_350 = arith.addf %while3A_240, %dot_general3A_349 : vector<256x32xf32>
        %slice3A_351 = vector.extract_strided_slice %mul3A_135 {offsets = [0, 160], sizes = [256, 32], strides = [1, 1]} : vector<256x256xf32> to vector<256x32xf32>
        %slice3A_352 = vector.extract_strided_slice %get3A_251 {offsets = [0, 160], sizes = [256, 32], strides = [1, 1]} : vector<256x256xf32> to vector<256x32xf32>
        %slice3A_353 = vector.extract_strided_slice %get3A_254 {offsets = [0, 160], sizes = [256, 32], strides = [1, 1]} : vector<256x256xf32> to vector<256x32xf32>
        %dot_general3A_354 = arith.constant dense<0.000000e+00> : vector<256x256xf32>
        %dot_general3A_355 = tpu.matmul %slice3A_351, %slice3A_352, %dot_general3A_354 {dimension_numbers = #tpu.dot_dimension_numbers<[1], [1], [0], [0], [0, 0, 1, 0], [], []>, transpose_lhs_hint = false} : vector<256x32xf32>, vector<256x32xf32>, vector<256x256xf32> -> vector<256x256xf32>
        %add3A_356 = arith.addf %dot_general3A_355, %select_n3A : vector<256x256xf32>
        %exp3A_357 = math.exp %add3A_356 : vector<256x256xf32>
        %reduce_sum3A_358 = arith.constant dense<0.000000e+00> : vector<256xf32>
        %reduce_sum3A_359 = vector.multi_reduction <add>, %exp3A_357, %reduce_sum3A_358 [1] : vector<256x256xf32> to vector<256xf32>
        %broadcast_in_dim3A_360 = vector.shape_cast %reduce_sum3A_359 : vector<256xf32> to vector<256x1xf32>
        %add3A_361 = arith.addf %while3A_241, %broadcast_in_dim3A_360 : vector<256x1xf32>
        %dot_general3A_362 = arith.constant dense<0.000000e+00> : vector<256x32xf32>
        %dot_general3A_363 = tpu.matmul %exp3A_357, %slice3A_353, %dot_general3A_362 {dimension_numbers = #tpu.dot_dimension_numbers<[1], [0], [0], [1], [0, 0, 1, 1], [], []>, transpose_lhs_hint = false} : vector<256x256xf32>, vector<256x32xf32>, vector<256x32xf32> -> vector<256x32xf32>
        %add3A_364 = arith.addf %while3A_242, %dot_general3A_363 : vector<256x32xf32>
        %slice3A_365 = vector.extract_strided_slice %mul3A_135 {offsets = [0, 192], sizes = [256, 32], strides = [1, 1]} : vector<256x256xf32> to vector<256x32xf32>
        %slice3A_366 = vector.extract_strided_slice %get3A_251 {offsets = [0, 192], sizes = [256, 32], strides = [1, 1]} : vector<256x256xf32> to vector<256x32xf32>
        %slice3A_367 = vector.extract_strided_slice %get3A_254 {offsets = [0, 192], sizes = [256, 32], strides = [1, 1]} : vector<256x256xf32> to vector<256x32xf32>
        %dot_general3A_368 = arith.constant dense<0.000000e+00> : vector<256x256xf32>
        %dot_general3A_369 = tpu.matmul %slice3A_365, %slice3A_366, %dot_general3A_368 {dimension_numbers = #tpu.dot_dimension_numbers<[1], [1], [0], [0], [0, 0, 1, 0], [], []>, transpose_lhs_hint = false} : vector<256x32xf32>, vector<256x32xf32>, vector<256x256xf32> -> vector<256x256xf32>
        %add3A_370 = arith.addf %dot_general3A_369, %select_n3A : vector<256x256xf32>
        %exp3A_371 = math.exp %add3A_370 : vector<256x256xf32>
        %reduce_sum3A_372 = arith.constant dense<0.000000e+00> : vector<256xf32>
        %reduce_sum3A_373 = vector.multi_reduction <add>, %exp3A_371, %reduce_sum3A_372 [1] : vector<256x256xf32> to vector<256xf32>
        %broadcast_in_dim3A_374 = vector.shape_cast %reduce_sum3A_373 : vector<256xf32> to vector<256x1xf32>
        %add3A_375 = arith.addf %while3A_243, %broadcast_in_dim3A_374 : vector<256x1xf32>
        %dot_general3A_376 = arith.constant dense<0.000000e+00> : vector<256x32xf32>
        %dot_general3A_377 = tpu.matmul %exp3A_371, %slice3A_367, %dot_general3A_376 {dimension_numbers = #tpu.dot_dimension_numbers<[1], [0], [0], [1], [0, 0, 1, 1], [], []>, transpose_lhs_hint = false} : vector<256x256xf32>, vector<256x32xf32>, vector<256x32xf32> -> vector<256x32xf32>
        %add3A_378 = arith.addf %while3A_244, %dot_general3A_377 : vector<256x32xf32>
        %slice3A_379 = vector.extract_strided_slice %mul3A_135 {offsets = [0, 224], sizes = [256, 32], strides = [1, 1]} : vector<256x256xf32> to vector<256x32xf32>
        %slice3A_380 = vector.extract_strided_slice %get3A_251 {offsets = [0, 224], sizes = [256, 32], strides = [1, 1]} : vector<256x256xf32> to vector<256x32xf32>
        %slice3A_381 = vector.extract_strided_slice %get3A_254 {offsets = [0, 224], sizes = [256, 32], strides = [1, 1]} : vector<256x256xf32> to vector<256x32xf32>
        %dot_general3A_382 = arith.constant dense<0.000000e+00> : vector<256x256xf32>
        %dot_general3A_383 = tpu.matmul %slice3A_379, %slice3A_380, %dot_general3A_382 {dimension_numbers = #tpu.dot_dimension_numbers<[1], [1], [0], [0], [0, 0, 1, 0], [], []>, transpose_lhs_hint = false} : vector<256x32xf32>, vector<256x32xf32>, vector<256x256xf32> -> vector<256x256xf32>
        %add3A_384 = arith.addf %dot_general3A_383, %select_n3A : vector<256x256xf32>
        %exp3A_385 = math.exp %add3A_384 : vector<256x256xf32>
        %reduce_sum3A_386 = arith.constant dense<0.000000e+00> : vector<256xf32>
        %reduce_sum3A_387 = vector.multi_reduction <add>, %exp3A_385, %reduce_sum3A_386 [1] : vector<256x256xf32> to vector<256xf32>
        %broadcast_in_dim3A_388 = vector.shape_cast %reduce_sum3A_387 : vector<256xf32> to vector<256x1xf32>
        %add3A_389 = arith.addf %while3A_245, %broadcast_in_dim3A_388 : vector<256x1xf32>
        %dot_general3A_390 = arith.constant dense<0.000000e+00> : vector<256x32xf32>
        %dot_general3A_391 = tpu.matmul %exp3A_385, %slice3A_381, %dot_general3A_390 {dimension_numbers = #tpu.dot_dimension_numbers<[1], [0], [0], [1], [0, 0, 1, 1], [], []>, transpose_lhs_hint = false} : vector<256x256xf32>, vector<256x32xf32>, vector<256x32xf32> -> vector<256x32xf32>
        %add3A_392 = arith.addf %while3A_246, %dot_general3A_391 : vector<256x32xf32>
        scf.yield %add3A_291, %add3A_294, %add3A_305, %add3A_308, %add3A_319, %add3A_322, %add3A_333, %add3A_336, %add3A_347, %add3A_350, %add3A_361, %add3A_364, %add3A_375, %add3A_378, %add3A_389, %add3A_392 : vector<256x1xf32>, vector<256x32xf32>, vector<256x1xf32>, vector<256x32xf32>, vector<256x1xf32>, vector<256x32xf32>, vector<256x1xf32>, vector<256x32xf32>, vector<256x1xf32>, vector<256x32xf32>, vector<256x1xf32>, vector<256x32xf32>, vector<256x1xf32>, vector<256x32xf32>, vector<256x1xf32>, vector<256x32xf32>
      }
      %while3A_190 = arith.constant 1 : i32
      %while3A_191:16 = scf.for %while3A_230 = %while3A_187 to %while3A_183 step %while3A_190 iter_args(%while3A_231 = %while3A_189#0, %while3A_232 = %while3A_189#1, %while3A_233 = %while3A_189#2, %while3A_234 = %while3A_189#3, %while3A_235 = %while3A_189#4, %while3A_236 = %while3A_189#5, %while3A_237 = %while3A_189#6, %while3A_238 = %while3A_189#7, %while3A_239 = %while3A_189#8, %while3A_240 = %while3A_189#9, %while3A_241 = %while3A_189#10, %while3A_242 = %while3A_189#11, %while3A_243 = %while3A_189#12, %while3A_244 = %while3A_189#13, %while3A_245 = %while3A_189#14, %while3A_246 = %while3A_189#15) -> (vector<256x1xf32>, vector<256x32xf32>, vector<256x1xf32>, vector<256x32xf32>, vector<256x1xf32>, vector<256x32xf32>, vector<256x1xf32>, vector<256x32xf32>, vector<256x1xf32>, vector<256x32xf32>, vector<256x1xf32>, vector<256x32xf32>, vector<256x1xf32>, vector<256x32xf32>, vector<256x1xf32>, vector<256x32xf32>)  : i32 {
        %mul3A_247 = arith.constant 256 : i32
        %mul3A_248 = arith.muli %while3A_230, %mul3A_247 : i32
        %get3A_249 = arith.index_cast %mul3A_248 : i32 to index
        %get3A_250 = arith.constant 0 : index
        %get3A_251 = vector.load %arg32[%get3A_249, %get3A_250] : memref<8192x256xf32, #tpu.memory_space<vmem>>, vector<256x256xf32>
        %get3A_252 = arith.index_cast %mul3A_248 : i32 to index
        %get3A_253 = arith.constant 0 : index
        %get3A_254 = vector.load %arg33[%get3A_252, %get3A_253] : memref<8192x256xf32, #tpu.memory_space<vmem>>, vector<256x256xf32>
        %get3A_255 = arith.constant 0 : index
        %get3A_256 = arith.index_cast %mul3A_248 : i32 to index
        %get3A_257 = vector.load %arg34[%get3A_255, %get3A_256] : memref<8x8192xf32, #tpu.memory_space<vmem>>, vector<1x256xf32>
        %sub3A_258 = vector.broadcast %reshape3A : vector<256x1xf32> to vector<256x256xf32>
        %sub3A_259 = vector.broadcast %get3A_257 : vector<1x256xf32> to vector<256x256xf32>
        %sub3A_260 = arith.subf %sub3A_258, %sub3A_259 : vector<256x256xf32>
        %get3A_261 = arith.constant 1 : index
        %get3A_262 = arith.index_cast %mul3A_248 : i32 to index
        %get3A_263 = vector.load %arg34[%get3A_261, %get3A_262] : memref<8x8192xf32, #tpu.memory_space<vmem>>, vector<1x256xf32>
        %sub3A_264 = vector.broadcast %reshape3A_142 : vector<256x1xf32> to vector<256x256xf32>
        %sub3A_265 = vector.broadcast %get3A_263 : vector<1x256xf32> to vector<256x256xf32>
        %sub3A_266 = arith.subf %sub3A_264, %sub3A_265 : vector<256x256xf32>
        %abs3A = math.absf %sub3A_266 : vector<256x256xf32>
        %sub3A_267 = arith.constant 6.28318548 : f32
        %sub3A_268 = vector.broadcast %sub3A_267 : f32 to vector<256x256xf32>
        %sub3A_269 = arith.subf %sub3A_268, %abs3A : vector<256x256xf32>
        %min3A = arith.minimumf %abs3A, %sub3A_269 : vector<256x256xf32>
        %mul3A_270 = arith.mulf %sub3A_260, %sub3A_260 : vector<256x256xf32>
        %mul3A_271 = arith.mulf %min3A, %min3A : vector<256x256xf32>
        %add3A_272 = arith.addf %mul3A_270, %mul3A_271 : vector<256x256xf32>
        %get3A_273 = arith.constant 2 : index
        %get3A_274 = arith.index_cast %mul3A_248 : i32 to index
        %get3A_275 = vector.load %arg34[%get3A_273, %get3A_274] : memref<8x8192xf32, #tpu.memory_space<vmem>>, vector<1x256xf32>
        %eq3A = vector.broadcast %reshape3A_146 : vector<256x1xf32> to vector<256x256xf32>
        %eq3A_276 = vector.broadcast %get3A_275 : vector<1x256xf32> to vector<256x256xf32>
        %eq3A_277 = arith.cmpf oeq, %eq3A, %eq3A_276 : vector<256x256xf32>
        %le3A = arith.constant 4.000000e-02 : f32
        %le3A_278 = vector.broadcast %le3A : f32 to vector<256x256xf32>
        %le3A_279 = arith.cmpf ole, %add3A_272, %le3A_278 : vector<256x256xf32>
        %and3A = arith.andi %eq3A_277, %le3A_279 : vector<256x256xi1>
        %jit3A = arith.constant 0.000000e+00 : f32
        %jit3A_280 = arith.constant -1.000000e+30 : f32
        %broadcast_in_dim3A_281 = vector.broadcast %jit3A : f32 to vector<256x256xf32>
        %broadcast_in_dim3A_282 = vector.broadcast %jit3A_280 : f32 to vector<256x256xf32>
        %select_n3A = arith.select %and3A, %broadcast_in_dim3A_281, %broadcast_in_dim3A_282 : vector<256x256xi1>, vector<256x256xf32>
        %slice3A = vector.extract_strided_slice %mul3A_135 {offsets = [0, 0], sizes = [256, 32], strides = [1, 1]} : vector<256x256xf32> to vector<256x32xf32>
        %slice3A_283 = vector.extract_strided_slice %get3A_251 {offsets = [0, 0], sizes = [256, 32], strides = [1, 1]} : vector<256x256xf32> to vector<256x32xf32>
        %slice3A_284 = vector.extract_strided_slice %get3A_254 {offsets = [0, 0], sizes = [256, 32], strides = [1, 1]} : vector<256x256xf32> to vector<256x32xf32>
        %dot_general3A_285 = arith.constant dense<0.000000e+00> : vector<256x256xf32>
        %dot_general3A_286 = tpu.matmul %slice3A, %slice3A_283, %dot_general3A_285 {dimension_numbers = #tpu.dot_dimension_numbers<[1], [1], [0], [0], [0, 0, 1, 0], [], []>, transpose_lhs_hint = false} : vector<256x32xf32>, vector<256x32xf32>, vector<256x256xf32> -> vector<256x256xf32>
        %add3A_287 = arith.addf %dot_general3A_286, %select_n3A : vector<256x256xf32>
        %exp3A = math.exp %add3A_287 : vector<256x256xf32>
        %reduce_sum3A_288 = arith.constant dense<0.000000e+00> : vector<256xf32>
        %reduce_sum3A_289 = vector.multi_reduction <add>, %exp3A, %reduce_sum3A_288 [1] : vector<256x256xf32> to vector<256xf32>
        %broadcast_in_dim3A_290 = vector.shape_cast %reduce_sum3A_289 : vector<256xf32> to vector<256x1xf32>
        %add3A_291 = arith.addf %while3A_231, %broadcast_in_dim3A_290 : vector<256x1xf32>
        %dot_general3A_292 = arith.constant dense<0.000000e+00> : vector<256x32xf32>
        %dot_general3A_293 = tpu.matmul %exp3A, %slice3A_284, %dot_general3A_292 {dimension_numbers = #tpu.dot_dimension_numbers<[1], [0], [0], [1], [0, 0, 1, 1], [], []>, transpose_lhs_hint = false} : vector<256x256xf32>, vector<256x32xf32>, vector<256x32xf32> -> vector<256x32xf32>
        %add3A_294 = arith.addf %while3A_232, %dot_general3A_293 : vector<256x32xf32>
        %slice3A_295 = vector.extract_strided_slice %mul3A_135 {offsets = [0, 32], sizes = [256, 32], strides = [1, 1]} : vector<256x256xf32> to vector<256x32xf32>
        %slice3A_296 = vector.extract_strided_slice %get3A_251 {offsets = [0, 32], sizes = [256, 32], strides = [1, 1]} : vector<256x256xf32> to vector<256x32xf32>
        %slice3A_297 = vector.extract_strided_slice %get3A_254 {offsets = [0, 32], sizes = [256, 32], strides = [1, 1]} : vector<256x256xf32> to vector<256x32xf32>
        %dot_general3A_298 = arith.constant dense<0.000000e+00> : vector<256x256xf32>
        %dot_general3A_299 = tpu.matmul %slice3A_295, %slice3A_296, %dot_general3A_298 {dimension_numbers = #tpu.dot_dimension_numbers<[1], [1], [0], [0], [0, 0, 1, 0], [], []>, transpose_lhs_hint = false} : vector<256x32xf32>, vector<256x32xf32>, vector<256x256xf32> -> vector<256x256xf32>
        %add3A_300 = arith.addf %dot_general3A_299, %select_n3A : vector<256x256xf32>
        %exp3A_301 = math.exp %add3A_300 : vector<256x256xf32>
        %reduce_sum3A_302 = arith.constant dense<0.000000e+00> : vector<256xf32>
        %reduce_sum3A_303 = vector.multi_reduction <add>, %exp3A_301, %reduce_sum3A_302 [1] : vector<256x256xf32> to vector<256xf32>
        %broadcast_in_dim3A_304 = vector.shape_cast %reduce_sum3A_303 : vector<256xf32> to vector<256x1xf32>
        %add3A_305 = arith.addf %while3A_233, %broadcast_in_dim3A_304 : vector<256x1xf32>
        %dot_general3A_306 = arith.constant dense<0.000000e+00> : vector<256x32xf32>
        %dot_general3A_307 = tpu.matmul %exp3A_301, %slice3A_297, %dot_general3A_306 {dimension_numbers = #tpu.dot_dimension_numbers<[1], [0], [0], [1], [0, 0, 1, 1], [], []>, transpose_lhs_hint = false} : vector<256x256xf32>, vector<256x32xf32>, vector<256x32xf32> -> vector<256x32xf32>
        %add3A_308 = arith.addf %while3A_234, %dot_general3A_307 : vector<256x32xf32>
        %slice3A_309 = vector.extract_strided_slice %mul3A_135 {offsets = [0, 64], sizes = [256, 32], strides = [1, 1]} : vector<256x256xf32> to vector<256x32xf32>
        %slice3A_310 = vector.extract_strided_slice %get3A_251 {offsets = [0, 64], sizes = [256, 32], strides = [1, 1]} : vector<256x256xf32> to vector<256x32xf32>
        %slice3A_311 = vector.extract_strided_slice %get3A_254 {offsets = [0, 64], sizes = [256, 32], strides = [1, 1]} : vector<256x256xf32> to vector<256x32xf32>
        %dot_general3A_312 = arith.constant dense<0.000000e+00> : vector<256x256xf32>
        %dot_general3A_313 = tpu.matmul %slice3A_309, %slice3A_310, %dot_general3A_312 {dimension_numbers = #tpu.dot_dimension_numbers<[1], [1], [0], [0], [0, 0, 1, 0], [], []>, transpose_lhs_hint = false} : vector<256x32xf32>, vector<256x32xf32>, vector<256x256xf32> -> vector<256x256xf32>
        %add3A_314 = arith.addf %dot_general3A_313, %select_n3A : vector<256x256xf32>
        %exp3A_315 = math.exp %add3A_314 : vector<256x256xf32>
        %reduce_sum3A_316 = arith.constant dense<0.000000e+00> : vector<256xf32>
        %reduce_sum3A_317 = vector.multi_reduction <add>, %exp3A_315, %reduce_sum3A_316 [1] : vector<256x256xf32> to vector<256xf32>
        %broadcast_in_dim3A_318 = vector.shape_cast %reduce_sum3A_317 : vector<256xf32> to vector<256x1xf32>
        %add3A_319 = arith.addf %while3A_235, %broadcast_in_dim3A_318 : vector<256x1xf32>
        %dot_general3A_320 = arith.constant dense<0.000000e+00> : vector<256x32xf32>
        %dot_general3A_321 = tpu.matmul %exp3A_315, %slice3A_311, %dot_general3A_320 {dimension_numbers = #tpu.dot_dimension_numbers<[1], [0], [0], [1], [0, 0, 1, 1], [], []>, transpose_lhs_hint = false} : vector<256x256xf32>, vector<256x32xf32>, vector<256x32xf32> -> vector<256x32xf32>
        %add3A_322 = arith.addf %while3A_236, %dot_general3A_321 : vector<256x32xf32>
        %slice3A_323 = vector.extract_strided_slice %mul3A_135 {offsets = [0, 96], sizes = [256, 32], strides = [1, 1]} : vector<256x256xf32> to vector<256x32xf32>
        %slice3A_324 = vector.extract_strided_slice %get3A_251 {offsets = [0, 96], sizes = [256, 32], strides = [1, 1]} : vector<256x256xf32> to vector<256x32xf32>
        %slice3A_325 = vector.extract_strided_slice %get3A_254 {offsets = [0, 96], sizes = [256, 32], strides = [1, 1]} : vector<256x256xf32> to vector<256x32xf32>
        %dot_general3A_326 = arith.constant dense<0.000000e+00> : vector<256x256xf32>
        %dot_general3A_327 = tpu.matmul %slice3A_323, %slice3A_324, %dot_general3A_326 {dimension_numbers = #tpu.dot_dimension_numbers<[1], [1], [0], [0], [0, 0, 1, 0], [], []>, transpose_lhs_hint = false} : vector<256x32xf32>, vector<256x32xf32>, vector<256x256xf32> -> vector<256x256xf32>
        %add3A_328 = arith.addf %dot_general3A_327, %select_n3A : vector<256x256xf32>
        %exp3A_329 = math.exp %add3A_328 : vector<256x256xf32>
        %reduce_sum3A_330 = arith.constant dense<0.000000e+00> : vector<256xf32>
        %reduce_sum3A_331 = vector.multi_reduction <add>, %exp3A_329, %reduce_sum3A_330 [1] : vector<256x256xf32> to vector<256xf32>
        %broadcast_in_dim3A_332 = vector.shape_cast %reduce_sum3A_331 : vector<256xf32> to vector<256x1xf32>
        %add3A_333 = arith.addf %while3A_237, %broadcast_in_dim3A_332 : vector<256x1xf32>
        %dot_general3A_334 = arith.constant dense<0.000000e+00> : vector<256x32xf32>
        %dot_general3A_335 = tpu.matmul %exp3A_329, %slice3A_325, %dot_general3A_334 {dimension_numbers = #tpu.dot_dimension_numbers<[1], [0], [0], [1], [0, 0, 1, 1], [], []>, transpose_lhs_hint = false} : vector<256x256xf32>, vector<256x32xf32>, vector<256x32xf32> -> vector<256x32xf32>
        %add3A_336 = arith.addf %while3A_238, %dot_general3A_335 : vector<256x32xf32>
        %slice3A_337 = vector.extract_strided_slice %mul3A_135 {offsets = [0, 128], sizes = [256, 32], strides = [1, 1]} : vector<256x256xf32> to vector<256x32xf32>
        %slice3A_338 = vector.extract_strided_slice %get3A_251 {offsets = [0, 128], sizes = [256, 32], strides = [1, 1]} : vector<256x256xf32> to vector<256x32xf32>
        %slice3A_339 = vector.extract_strided_slice %get3A_254 {offsets = [0, 128], sizes = [256, 32], strides = [1, 1]} : vector<256x256xf32> to vector<256x32xf32>
        %dot_general3A_340 = arith.constant dense<0.000000e+00> : vector<256x256xf32>
        %dot_general3A_341 = tpu.matmul %slice3A_337, %slice3A_338, %dot_general3A_340 {dimension_numbers = #tpu.dot_dimension_numbers<[1], [1], [0], [0], [0, 0, 1, 0], [], []>, transpose_lhs_hint = false} : vector<256x32xf32>, vector<256x32xf32>, vector<256x256xf32> -> vector<256x256xf32>
        %add3A_342 = arith.addf %dot_general3A_341, %select_n3A : vector<256x256xf32>
        %exp3A_343 = math.exp %add3A_342 : vector<256x256xf32>
        %reduce_sum3A_344 = arith.constant dense<0.000000e+00> : vector<256xf32>
        %reduce_sum3A_345 = vector.multi_reduction <add>, %exp3A_343, %reduce_sum3A_344 [1] : vector<256x256xf32> to vector<256xf32>
        %broadcast_in_dim3A_346 = vector.shape_cast %reduce_sum3A_345 : vector<256xf32> to vector<256x1xf32>
        %add3A_347 = arith.addf %while3A_239, %broadcast_in_dim3A_346 : vector<256x1xf32>
        %dot_general3A_348 = arith.constant dense<0.000000e+00> : vector<256x32xf32>
        %dot_general3A_349 = tpu.matmul %exp3A_343, %slice3A_339, %dot_general3A_348 {dimension_numbers = #tpu.dot_dimension_numbers<[1], [0], [0], [1], [0, 0, 1, 1], [], []>, transpose_lhs_hint = false} : vector<256x256xf32>, vector<256x32xf32>, vector<256x32xf32> -> vector<256x32xf32>
        %add3A_350 = arith.addf %while3A_240, %dot_general3A_349 : vector<256x32xf32>
        %slice3A_351 = vector.extract_strided_slice %mul3A_135 {offsets = [0, 160], sizes = [256, 32], strides = [1, 1]} : vector<256x256xf32> to vector<256x32xf32>
        %slice3A_352 = vector.extract_strided_slice %get3A_251 {offsets = [0, 160], sizes = [256, 32], strides = [1, 1]} : vector<256x256xf32> to vector<256x32xf32>
        %slice3A_353 = vector.extract_strided_slice %get3A_254 {offsets = [0, 160], sizes = [256, 32], strides = [1, 1]} : vector<256x256xf32> to vector<256x32xf32>
        %dot_general3A_354 = arith.constant dense<0.000000e+00> : vector<256x256xf32>
        %dot_general3A_355 = tpu.matmul %slice3A_351, %slice3A_352, %dot_general3A_354 {dimension_numbers = #tpu.dot_dimension_numbers<[1], [1], [0], [0], [0, 0, 1, 0], [], []>, transpose_lhs_hint = false} : vector<256x32xf32>, vector<256x32xf32>, vector<256x256xf32> -> vector<256x256xf32>
        %add3A_356 = arith.addf %dot_general3A_355, %select_n3A : vector<256x256xf32>
        %exp3A_357 = math.exp %add3A_356 : vector<256x256xf32>
        %reduce_sum3A_358 = arith.constant dense<0.000000e+00> : vector<256xf32>
        %reduce_sum3A_359 = vector.multi_reduction <add>, %exp3A_357, %reduce_sum3A_358 [1] : vector<256x256xf32> to vector<256xf32>
        %broadcast_in_dim3A_360 = vector.shape_cast %reduce_sum3A_359 : vector<256xf32> to vector<256x1xf32>
        %add3A_361 = arith.addf %while3A_241, %broadcast_in_dim3A_360 : vector<256x1xf32>
        %dot_general3A_362 = arith.constant dense<0.000000e+00> : vector<256x32xf32>
        %dot_general3A_363 = tpu.matmul %exp3A_357, %slice3A_353, %dot_general3A_362 {dimension_numbers = #tpu.dot_dimension_numbers<[1], [0], [0], [1], [0, 0, 1, 1], [], []>, transpose_lhs_hint = false} : vector<256x256xf32>, vector<256x32xf32>, vector<256x32xf32> -> vector<256x32xf32>
        %add3A_364 = arith.addf %while3A_242, %dot_general3A_363 : vector<256x32xf32>
        %slice3A_365 = vector.extract_strided_slice %mul3A_135 {offsets = [0, 192], sizes = [256, 32], strides = [1, 1]} : vector<256x256xf32> to vector<256x32xf32>
        %slice3A_366 = vector.extract_strided_slice %get3A_251 {offsets = [0, 192], sizes = [256, 32], strides = [1, 1]} : vector<256x256xf32> to vector<256x32xf32>
        %slice3A_367 = vector.extract_strided_slice %get3A_254 {offsets = [0, 192], sizes = [256, 32], strides = [1, 1]} : vector<256x256xf32> to vector<256x32xf32>
        %dot_general3A_368 = arith.constant dense<0.000000e+00> : vector<256x256xf32>
        %dot_general3A_369 = tpu.matmul %slice3A_365, %slice3A_366, %dot_general3A_368 {dimension_numbers = #tpu.dot_dimension_numbers<[1], [1], [0], [0], [0, 0, 1, 0], [], []>, transpose_lhs_hint = false} : vector<256x32xf32>, vector<256x32xf32>, vector<256x256xf32> -> vector<256x256xf32>
        %add3A_370 = arith.addf %dot_general3A_369, %select_n3A : vector<256x256xf32>
        %exp3A_371 = math.exp %add3A_370 : vector<256x256xf32>
        %reduce_sum3A_372 = arith.constant dense<0.000000e+00> : vector<256xf32>
        %reduce_sum3A_373 = vector.multi_reduction <add>, %exp3A_371, %reduce_sum3A_372 [1] : vector<256x256xf32> to vector<256xf32>
        %broadcast_in_dim3A_374 = vector.shape_cast %reduce_sum3A_373 : vector<256xf32> to vector<256x1xf32>
        %add3A_375 = arith.addf %while3A_243, %broadcast_in_dim3A_374 : vector<256x1xf32>
        %dot_general3A_376 = arith.constant dense<0.000000e+00> : vector<256x32xf32>
        %dot_general3A_377 = tpu.matmul %exp3A_371, %slice3A_367, %dot_general3A_376 {dimension_numbers = #tpu.dot_dimension_numbers<[1], [0], [0], [1], [0, 0, 1, 1], [], []>, transpose_lhs_hint = false} : vector<256x256xf32>, vector<256x32xf32>, vector<256x32xf32> -> vector<256x32xf32>
        %add3A_378 = arith.addf %while3A_244, %dot_general3A_377 : vector<256x32xf32>
        %slice3A_379 = vector.extract_strided_slice %mul3A_135 {offsets = [0, 224], sizes = [256, 32], strides = [1, 1]} : vector<256x256xf32> to vector<256x32xf32>
        %slice3A_380 = vector.extract_strided_slice %get3A_251 {offsets = [0, 224], sizes = [256, 32], strides = [1, 1]} : vector<256x256xf32> to vector<256x32xf32>
        %slice3A_381 = vector.extract_strided_slice %get3A_254 {offsets = [0, 224], sizes = [256, 32], strides = [1, 1]} : vector<256x256xf32> to vector<256x32xf32>
        %dot_general3A_382 = arith.constant dense<0.000000e+00> : vector<256x256xf32>
        %dot_general3A_383 = tpu.matmul %slice3A_379, %slice3A_380, %dot_general3A_382 {dimension_numbers = #tpu.dot_dimension_numbers<[1], [1], [0], [0], [0, 0, 1, 0], [], []>, transpose_lhs_hint = false} : vector<256x32xf32>, vector<256x32xf32>, vector<256x256xf32> -> vector<256x256xf32>
        %add3A_384 = arith.addf %dot_general3A_383, %select_n3A : vector<256x256xf32>
        %exp3A_385 = math.exp %add3A_384 : vector<256x256xf32>
        %reduce_sum3A_386 = arith.constant dense<0.000000e+00> : vector<256xf32>
        %reduce_sum3A_387 = vector.multi_reduction <add>, %exp3A_385, %reduce_sum3A_386 [1] : vector<256x256xf32> to vector<256xf32>
        %broadcast_in_dim3A_388 = vector.shape_cast %reduce_sum3A_387 : vector<256xf32> to vector<256x1xf32>
        %add3A_389 = arith.addf %while3A_245, %broadcast_in_dim3A_388 : vector<256x1xf32>
        %dot_general3A_390 = arith.constant dense<0.000000e+00> : vector<256x32xf32>
        %dot_general3A_391 = tpu.matmul %exp3A_385, %slice3A_381, %dot_general3A_390 {dimension_numbers = #tpu.dot_dimension_numbers<[1], [0], [0], [1], [0, 0, 1, 1], [], []>, transpose_lhs_hint = false} : vector<256x256xf32>, vector<256x32xf32>, vector<256x32xf32> -> vector<256x32xf32>
        %add3A_392 = arith.addf %while3A_246, %dot_general3A_391 : vector<256x32xf32>
        scf.yield %add3A_291, %add3A_294, %add3A_305, %add3A_308, %add3A_319, %add3A_322, %add3A_333, %add3A_336, %add3A_347, %add3A_350, %add3A_361, %add3A_364, %add3A_375, %add3A_378, %add3A_389, %add3A_392 : vector<256x1xf32>, vector<256x32xf32>, vector<256x1xf32>, vector<256x32xf32>, vector<256x1xf32>, vector<256x32xf32>, vector<256x1xf32>, vector<256x32xf32>, vector<256x1xf32>, vector<256x32xf32>, vector<256x1xf32>, vector<256x32xf32>, vector<256x1xf32>, vector<256x32xf32>, vector<256x1xf32>, vector<256x32xf32>
      }
      %div3A_192 = vector.broadcast %while3A_191#0 : vector<256x1xf32> to vector<256x32xf32>
      %div3A_193 = arith.divf %while3A_191#1, %div3A_192 : vector<256x32xf32>
      %div3A_194 = vector.broadcast %while3A_191#2 : vector<256x1xf32> to vector<256x32xf32>
      %div3A_195 = arith.divf %while3A_191#3, %div3A_194 : vector<256x32xf32>
      %div3A_196 = vector.broadcast %while3A_191#4 : vector<256x1xf32> to vector<256x32xf32>
      %div3A_197 = arith.divf %while3A_191#5, %div3A_196 : vector<256x32xf32>
      %div3A_198 = vector.broadcast %while3A_191#6 : vector<256x1xf32> to vector<256x32xf32>
      %div3A_199 = arith.divf %while3A_191#7, %div3A_198 : vector<256x32xf32>
      %div3A_200 = vector.broadcast %while3A_191#8 : vector<256x1xf32> to vector<256x32xf32>
      %div3A_201 = arith.divf %while3A_191#9, %div3A_200 : vector<256x32xf32>
      %div3A_202 = vector.broadcast %while3A_191#10 : vector<256x1xf32> to vector<256x32xf32>
      %div3A_203 = arith.divf %while3A_191#11, %div3A_202 : vector<256x32xf32>
      %div3A_204 = vector.broadcast %while3A_191#12 : vector<256x1xf32> to vector<256x32xf32>
      %div3A_205 = arith.divf %while3A_191#13, %div3A_204 : vector<256x32xf32>
      %div3A_206 = vector.broadcast %while3A_191#14 : vector<256x1xf32> to vector<256x32xf32>
      %div3A_207 = arith.divf %while3A_191#15, %div3A_206 : vector<256x32xf32>
      %concatenate3A_208 = tpu.concatenate %div3A_193, %div3A_195, %div3A_197, %div3A_199, %div3A_201, %div3A_203, %div3A_205, %div3A_207 in 1 : vector<256x32xf32>, vector<256x32xf32>, vector<256x32xf32>, vector<256x32xf32>, vector<256x32xf32>, vector<256x32xf32>, vector<256x32xf32>, vector<256x32xf32> -> vector<256x256xf32>
      %get3A_209 = arith.index_cast %mul3A_92 : i32 to index
      %get3A_210 = arith.constant 0 : index
      %get3A_211 = vector.load %arg31[%get3A_209, %get3A_210] : memref<8192x256xf32, #tpu.memory_space<vmem>>, vector<256x256xf32>
      %get3A_212 = arith.constant 1 : index
      %get3A_213 = arith.constant 0 : index
      %get3A_214 = arith.constant 0 : index
      %get3A_215 = vector.load %arg13[%get3A_212, %get3A_213, %get3A_214] : memref<4x256x256xf32, #tpu.memory_space<vmem>>, vector<1x256x256xf32>
      %get3A_216 = vector.shape_cast %get3A_215 : vector<1x256x256xf32> to vector<256x256xf32>
      %dot_general3A_217 = arith.constant dense<0.000000e+00> : vector<256x256xf32>
      %dot_general3A_218 = tpu.matmul %concatenate3A_208, %get3A_216, %dot_general3A_217 {dimension_numbers = #tpu.dot_dimension_numbers<[1], [1], [0], [0], [0, 0, 1, 0], [], []>, transpose_lhs_hint = false} : vector<256x256xf32>, vector<256x256xf32>, vector<256x256xf32> -> vector<256x256xf32>
      %add3A_219 = arith.addf %get3A_211, %dot_general3A_218 : vector<256x256xf32>
      %get3A_220 = arith.constant 1 : index
      %get3A_221 = arith.constant 0 : index
      %get3A_222 = arith.constant 0 : index
      %get3A_223 = vector.load %arg14[%get3A_220, %get3A_221, %get3A_222] : memref<4x1x256xf32, #tpu.memory_space<vmem>>, vector<1x1x256xf32>
      %get3A_224 = vector.shape_cast %get3A_223 : vector<1x1x256xf32> to vector<1x256xf32>
      %add3A_225 = vector.broadcast %get3A_224 : vector<1x256xf32> to vector<256x256xf32>
      %add3A_226 = arith.addf %add3A_219, %add3A_225 : vector<256x256xf32>
      %swap3A_227 = arith.index_cast %mul3A_92 : i32 to index
      %swap3A_228 = arith.constant 0 : index
      %swap3A_229 = vector.load %arg31[%swap3A_227, %swap3A_228] : memref<8192x256xf32, #tpu.memory_space<vmem>>, vector<256x256xf32>
      tpu.vector_store %arg31[%swap3A_227, %swap3A_228], %add3A_226 {strides = array<i32>} : memref<8192x256xf32, #tpu.memory_space<vmem>>, vector<256x256xf32>,
    }
    %scan3A_49 = arith.constant 32 : i32
    %scan3A_50 = arith.constant 0 : i32
    %scan3A_51 = arith.constant 16 : i32
    %scan3A_52 = arith.addi %scan3A_50, %scan3A_51 : i32
    %scan3A_53 = arith.constant 1 : i32
    scf.for %scan3A_90 = %scan3A_50 to %scan3A_52 step %scan3A_53  : i32 {
      %mul3A_91 = arith.constant 512 : i32
      %mul3A_92 = arith.muli %scan3A_90, %mul3A_91 : i32
      %get3A_93 = arith.index_cast %mul3A_92 : i32 to index
      %get3A_94 = arith.constant 0 : index
      %get3A_95 = vector.load %arg31[%get3A_93, %get3A_94] : memref<8192x256xf32, #tpu.memory_space<vmem>>, vector<512x256xf32>
      %get3A_96 = arith.constant 1 : index
      %get3A_97 = arith.constant 0 : index
      %get3A_98 = arith.constant 0 : index
      %get3A_99 = vector.load %arg15[%get3A_96, %get3A_97, %get3A_98] : memref<4x1x256xf32, #tpu.memory_space<vmem>>, vector<1x1x256xf32>
      %get3A_100 = vector.shape_cast %get3A_99 : vector<1x1x256xf32> to vector<1x256xf32>
      %get3A_101 = arith.constant 1 : index
      %get3A_102 = arith.constant 0 : index
      %get3A_103 = arith.constant 0 : index
      %get3A_104 = vector.load %arg16[%get3A_101, %get3A_102, %get3A_103] : memref<4x1x256xf32, #tpu.memory_space<vmem>>, vector<1x1x256xf32>
      %get3A_105 = vector.shape_cast %get3A_104 : vector<1x1x256xf32> to vector<1x256xf32>
      %reduce_sum3A = arith.constant dense<0.000000e+00> : vector<512xf32>
      %reduce_sum3A_106 = vector.multi_reduction <add>, %get3A_95, %reduce_sum3A [1] : vector<512x256xf32> to vector<512xf32>
      %broadcast_in_dim3A_107 = vector.shape_cast %reduce_sum3A_106 : vector<512xf32> to vector<512x1xf32>
      %div3A = arith.constant 2.560000e+02 : f32
      %div3A_108 = vector.broadcast %div3A : f32 to vector<512x1xf32>
      %div3A_109 = arith.divf %broadcast_in_dim3A_107, %div3A_108 : vector<512x1xf32>
      %sub3A = vector.broadcast %div3A_109 : vector<512x1xf32> to vector<512x256xf32>
      %sub3A_110 = arith.subf %get3A_95, %sub3A : vector<512x256xf32>
      %mul3A_111 = arith.mulf %sub3A_110, %sub3A_110 : vector<512x256xf32>
      %reduce_sum3A_112 = arith.constant dense<0.000000e+00> : vector<512xf32>
      %reduce_sum3A_113 = vector.multi_reduction <add>, %mul3A_111, %reduce_sum3A_112 [1] : vector<512x256xf32> to vector<512xf32>
      %broadcast_in_dim3A_114 = vector.shape_cast %reduce_sum3A_113 : vector<512xf32> to vector<512x1xf32>
      %div3A_115 = arith.constant 2.560000e+02 : f32
      %div3A_116 = vector.broadcast %div3A_115 : f32 to vector<512x1xf32>
      %div3A_117 = arith.divf %broadcast_in_dim3A_114, %div3A_116 : vector<512x1xf32>
      %add3A_118 = arith.constant 9.99999974E-6 : f32
      %add3A_119 = vector.broadcast %add3A_118 : f32 to vector<512x1xf32>
      %add3A_120 = arith.addf %div3A_117, %add3A_119 : vector<512x1xf32>
      %sqrt3A = math.sqrt %add3A_120 : vector<512x1xf32>
      %div3A_121 = vector.broadcast %sqrt3A : vector<512x1xf32> to vector<512x256xf32>
      %div3A_122 = arith.divf %sub3A_110, %div3A_121 : vector<512x256xf32>
      %mul3A_123 = vector.broadcast %get3A_100 : vector<1x256xf32> to vector<512x256xf32>
      %mul3A_124 = arith.mulf %div3A_122, %mul3A_123 : vector<512x256xf32>
      %add3A_125 = vector.broadcast %get3A_105 : vector<1x256xf32> to vector<512x256xf32>
      %add3A_126 = arith.addf %mul3A_124, %add3A_125 : vector<512x256xf32>
      %get3A_127 = arith.constant 1 : index
      %get3A_128 = arith.constant 0 : index
      %get3A_129 = arith.constant 0 : index
      %get3A_130 = vector.load %arg17[%get3A_127, %get3A_128, %get3A_129] : memref<4x512x256xf32, #tpu.memory_space<vmem>>, vector<1x512x256xf32>
      %get3A_131 = vector.shape_cast %get3A_130 : vector<1x512x256xf32> to vector<512x256xf32>
      %dot_general3A = arith.constant dense<0.000000e+00> : vector<512x512xf32>
      %dot_general3A_132 = tpu.matmul %add3A_126, %get3A_131, %dot_general3A {dimension_numbers = #tpu.dot_dimension_numbers<[1], [1], [0], [0], [0, 0, 1, 0], [], []>, transpose_lhs_hint = false} : vector<512x256xf32>, vector<512x256xf32>, vector<512x512xf32> -> vector<512x512xf32>
      %get3A_133 = arith.constant 1 : index
      %get3A_134 = arith.constant 0 : index
      %get3A_135 = arith.constant 0 : index
      %get3A_136 = vector.load %arg18[%get3A_133, %get3A_134, %get3A_135] : memref<4x1x512xf32, #tpu.memory_space<vmem>>, vector<1x1x512xf32>
      %get3A_137 = vector.shape_cast %get3A_136 : vector<1x1x512xf32> to vector<1x512xf32>
      %add3A_138 = vector.broadcast %get3A_137 : vector<1x512xf32> to vector<512x512xf32>
      %add3A_139 = arith.addf %dot_general3A_132, %add3A_138 : vector<512x512xf32>
      %max3A = arith.constant 0.000000e+00 : f32
      %max3A_140 = vector.broadcast %max3A : f32 to vector<512x512xf32>
      %max3A_141 = arith.maximumf %add3A_139, %max3A_140 : vector<512x512xf32>
      %get3A_142 = arith.constant 1 : index
      %get3A_143 = arith.constant 0 : index
      %get3A_144 = arith.constant 0 : index
      %get3A_145 = vector.load %arg19[%get3A_142, %get3A_143, %get3A_144] : memref<4x256x512xf32, #tpu.memory_space<vmem>>, vector<1x256x512xf32>
      %get3A_146 = vector.shape_cast %get3A_145 : vector<1x256x512xf32> to vector<256x512xf32>
      %dot_general3A_147 = arith.constant dense<0.000000e+00> : vector<512x256xf32>
      %dot_general3A_148 = tpu.matmul %max3A_141, %get3A_146, %dot_general3A_147 {dimension_numbers = #tpu.dot_dimension_numbers<[1], [1], [0], [0], [0, 0, 1, 0], [], []>, transpose_lhs_hint = false} : vector<512x512xf32>, vector<256x512xf32>, vector<512x256xf32> -> vector<512x256xf32>
      %add3A_149 = arith.addf %get3A_95, %dot_general3A_148 : vector<512x256xf32>
      %get3A_150 = arith.constant 1 : index
      %get3A_151 = arith.constant 0 : index
      %get3A_152 = arith.constant 0 : index
      %get3A_153 = vector.load %arg20[%get3A_150, %get3A_151, %get3A_152] : memref<4x1x256xf32, #tpu.memory_space<vmem>>, vector<1x1x256xf32>
      %get3A_154 = vector.shape_cast %get3A_153 : vector<1x1x256xf32> to vector<1x256xf32>
      %add3A_155 = vector.broadcast %get3A_154 : vector<1x256xf32> to vector<512x256xf32>
      %add3A_156 = arith.addf %add3A_149, %add3A_155 : vector<512x256xf32>
      %swap3A_157 = arith.index_cast %mul3A_92 : i32 to index
      %swap3A_158 = arith.constant 0 : index
      %swap3A_159 = vector.load %arg31[%swap3A_157, %swap3A_158] : memref<8192x256xf32, #tpu.memory_space<vmem>>, vector<512x256xf32>
      tpu.vector_store %arg31[%swap3A_157, %swap3A_158], %add3A_156 {strides = array<i32>} : memref<8192x256xf32, #tpu.memory_space<vmem>>, vector<512x256xf32>,
    }
    %scan3A_54 = arith.constant 16 : i32
    %scan3A_55 = arith.constant 0 : i32
    %scan3A_56 = arith.constant 16 : i32
    %scan3A_57 = arith.addi %scan3A_55, %scan3A_56 : i32
    %scan3A_58 = arith.constant 1 : i32
    scf.for %scan3A_90 = %scan3A_55 to %scan3A_57 step %scan3A_58  : i32 {
      %mul3A_91 = arith.constant 512 : i32
      %mul3A_92 = arith.muli %scan3A_90, %mul3A_91 : i32
      %get3A_93 = arith.index_cast %mul3A_92 : i32 to index
      %get3A_94 = arith.constant 0 : index
      %get3A_95 = vector.load %arg31[%get3A_93, %get3A_94] : memref<8192x256xf32, #tpu.memory_space<vmem>>, vector<512x256xf32>
      %get3A_96 = arith.constant 2 : index
      %get3A_97 = arith.constant 0 : index
      %get3A_98 = arith.constant 0 : index
      %get3A_99 = vector.load %arg8[%get3A_96, %get3A_97, %get3A_98] : memref<4x1x256xf32, #tpu.memory_space<vmem>>, vector<1x1x256xf32>
      %get3A_100 = vector.shape_cast %get3A_99 : vector<1x1x256xf32> to vector<1x256xf32>
      %get3A_101 = arith.constant 2 : index
      %get3A_102 = arith.constant 0 : index
      %get3A_103 = arith.constant 0 : index
      %get3A_104 = vector.load %arg9[%get3A_101, %get3A_102, %get3A_103] : memref<4x1x256xf32, #tpu.memory_space<vmem>>, vector<1x1x256xf32>
      %get3A_105 = vector.shape_cast %get3A_104 : vector<1x1x256xf32> to vector<1x256xf32>
      %reduce_sum3A = arith.constant dense<0.000000e+00> : vector<512xf32>
      %reduce_sum3A_106 = vector.multi_reduction <add>, %get3A_95, %reduce_sum3A [1] : vector<512x256xf32> to vector<512xf32>
      %broadcast_in_dim3A_107 = vector.shape_cast %reduce_sum3A_106 : vector<512xf32> to vector<512x1xf32>
      %div3A = arith.constant 2.560000e+02 : f32
      %div3A_108 = vector.broadcast %div3A : f32 to vector<512x1xf32>
      %div3A_109 = arith.divf %broadcast_in_dim3A_107, %div3A_108 : vector<512x1xf32>
      %sub3A = vector.broadcast %div3A_109 : vector<512x1xf32> to vector<512x256xf32>
      %sub3A_110 = arith.subf %get3A_95, %sub3A : vector<512x256xf32>
      %mul3A_111 = arith.mulf %sub3A_110, %sub3A_110 : vector<512x256xf32>
      %reduce_sum3A_112 = arith.constant dense<0.000000e+00> : vector<512xf32>
      %reduce_sum3A_113 = vector.multi_reduction <add>, %mul3A_111, %reduce_sum3A_112 [1] : vector<512x256xf32> to vector<512xf32>
      %broadcast_in_dim3A_114 = vector.shape_cast %reduce_sum3A_113 : vector<512xf32> to vector<512x1xf32>
      %div3A_115 = arith.constant 2.560000e+02 : f32
      %div3A_116 = vector.broadcast %div3A_115 : f32 to vector<512x1xf32>
      %div3A_117 = arith.divf %broadcast_in_dim3A_114, %div3A_116 : vector<512x1xf32>
      %add3A_118 = arith.constant 9.99999974E-6 : f32
      %add3A_119 = vector.broadcast %add3A_118 : f32 to vector<512x1xf32>
      %add3A_120 = arith.addf %div3A_117, %add3A_119 : vector<512x1xf32>
      %sqrt3A = math.sqrt %add3A_120 : vector<512x1xf32>
      %div3A_121 = vector.broadcast %sqrt3A : vector<512x1xf32> to vector<512x256xf32>
      %div3A_122 = arith.divf %sub3A_110, %div3A_121 : vector<512x256xf32>
      %mul3A_123 = vector.broadcast %get3A_100 : vector<1x256xf32> to vector<512x256xf32>
      %mul3A_124 = arith.mulf %div3A_122, %mul3A_123 : vector<512x256xf32>
      %add3A_125 = vector.broadcast %get3A_105 : vector<1x256xf32> to vector<512x256xf32>
      %add3A_126 = arith.addf %mul3A_124, %add3A_125 : vector<512x256xf32>
      %get3A_127 = arith.constant 2 : index
      %get3A_128 = arith.constant 0 : index
      %get3A_129 = arith.constant 0 : index
      %get3A_130 = vector.load %arg11[%get3A_127, %get3A_128, %get3A_129] : memref<4x256x256xf32, #tpu.memory_space<vmem>>, vector<1x256x256xf32>
      %get3A_131 = vector.shape_cast %get3A_130 : vector<1x256x256xf32> to vector<256x256xf32>
      %dot_general3A = arith.constant dense<0.000000e+00> : vector<512x256xf32>
      %dot_general3A_132 = tpu.matmul %add3A_126, %get3A_131, %dot_general3A {dimension_numbers = #tpu.dot_dimension_numbers<[1], [1], [0], [0], [0, 0, 1, 0], [], []>, transpose_lhs_hint = false} : vector<512x256xf32>, vector<256x256xf32>, vector<512x256xf32> -> vector<512x256xf32>
      %swap3A_133 = arith.index_cast %mul3A_92 : i32 to index
      %swap3A_134 = arith.constant 0 : index
      %swap3A_135 = vector.load %arg32[%swap3A_133, %swap3A_134] : memref<8192x256xf32, #tpu.memory_space<vmem>>, vector<512x256xf32>
      tpu.vector_store %arg32[%swap3A_133, %swap3A_134], %dot_general3A_132 {strides = array<i32>} : memref<8192x256xf32, #tpu.memory_space<vmem>>, vector<512x256xf32>,
      %get3A_136 = arith.constant 2 : index
      %get3A_137 = arith.constant 0 : index
      %get3A_138 = arith.constant 0 : index
      %get3A_139 = vector.load %arg12[%get3A_136, %get3A_137, %get3A_138] : memref<4x256x256xf32, #tpu.memory_space<vmem>>, vector<1x256x256xf32>
      %get3A_140 = vector.shape_cast %get3A_139 : vector<1x256x256xf32> to vector<256x256xf32>
      %dot_general3A_141 = arith.constant dense<0.000000e+00> : vector<512x256xf32>
      %dot_general3A_142 = tpu.matmul %add3A_126, %get3A_140, %dot_general3A_141 {dimension_numbers = #tpu.dot_dimension_numbers<[1], [1], [0], [0], [0, 0, 1, 0], [], []>, transpose_lhs_hint = false} : vector<512x256xf32>, vector<256x256xf32>, vector<512x256xf32> -> vector<512x256xf32>
      %swap3A_143 = arith.index_cast %mul3A_92 : i32 to index
      %swap3A_144 = arith.constant 0 : index
      %swap3A_145 = vector.load %arg33[%swap3A_143, %swap3A_144] : memref<8192x256xf32, #tpu.memory_space<vmem>>, vector<512x256xf32>
      tpu.vector_store %arg33[%swap3A_143, %swap3A_144], %dot_general3A_142 {strides = array<i32>} : memref<8192x256xf32, #tpu.memory_space<vmem>>, vector<512x256xf32>,
    }
    %scan3A_59 = arith.constant 16 : i32
    %scan3A_60 = arith.constant 0 : i32
    %scan3A_61 = arith.constant 32 : i32
    %scan3A_62 = arith.addi %scan3A_60, %scan3A_61 : i32
    %scan3A_63 = arith.constant 1 : i32
    scf.for %scan3A_90 = %scan3A_60 to %scan3A_62 step %scan3A_63  : i32 {
      %mul3A_91 = arith.constant 256 : i32
      %mul3A_92 = arith.muli %scan3A_90, %mul3A_91 : i32
      %get3A_93 = arith.index_cast %mul3A_92 : i32 to index
      %get3A_94 = arith.constant 0 : index
      %get3A_95 = vector.load %arg31[%get3A_93, %get3A_94] : memref<8192x256xf32, #tpu.memory_space<vmem>>, vector<256x256xf32>
      %get3A_96 = arith.constant 2 : index
      %get3A_97 = arith.constant 0 : index
      %get3A_98 = arith.constant 0 : index
      %get3A_99 = vector.load %arg8[%get3A_96, %get3A_97, %get3A_98] : memref<4x1x256xf32, #tpu.memory_space<vmem>>, vector<1x1x256xf32>
      %get3A_100 = vector.shape_cast %get3A_99 : vector<1x1x256xf32> to vector<1x256xf32>
      %get3A_101 = arith.constant 2 : index
      %get3A_102 = arith.constant 0 : index
      %get3A_103 = arith.constant 0 : index
      %get3A_104 = vector.load %arg9[%get3A_101, %get3A_102, %get3A_103] : memref<4x1x256xf32, #tpu.memory_space<vmem>>, vector<1x1x256xf32>
      %get3A_105 = vector.shape_cast %get3A_104 : vector<1x1x256xf32> to vector<1x256xf32>
      %reduce_sum3A = arith.constant dense<0.000000e+00> : vector<256xf32>
      %reduce_sum3A_106 = vector.multi_reduction <add>, %get3A_95, %reduce_sum3A [1] : vector<256x256xf32> to vector<256xf32>
      %broadcast_in_dim3A_107 = vector.shape_cast %reduce_sum3A_106 : vector<256xf32> to vector<256x1xf32>
      %div3A = arith.constant 2.560000e+02 : f32
      %div3A_108 = vector.broadcast %div3A : f32 to vector<256x1xf32>
      %div3A_109 = arith.divf %broadcast_in_dim3A_107, %div3A_108 : vector<256x1xf32>
      %sub3A = vector.broadcast %div3A_109 : vector<256x1xf32> to vector<256x256xf32>
      %sub3A_110 = arith.subf %get3A_95, %sub3A : vector<256x256xf32>
      %mul3A_111 = arith.mulf %sub3A_110, %sub3A_110 : vector<256x256xf32>
      %reduce_sum3A_112 = arith.constant dense<0.000000e+00> : vector<256xf32>
      %reduce_sum3A_113 = vector.multi_reduction <add>, %mul3A_111, %reduce_sum3A_112 [1] : vector<256x256xf32> to vector<256xf32>
      %broadcast_in_dim3A_114 = vector.shape_cast %reduce_sum3A_113 : vector<256xf32> to vector<256x1xf32>
      %div3A_115 = arith.constant 2.560000e+02 : f32
      %div3A_116 = vector.broadcast %div3A_115 : f32 to vector<256x1xf32>
      %div3A_117 = arith.divf %broadcast_in_dim3A_114, %div3A_116 : vector<256x1xf32>
      %add3A_118 = arith.constant 9.99999974E-6 : f32
      %add3A_119 = vector.broadcast %add3A_118 : f32 to vector<256x1xf32>
      %add3A_120 = arith.addf %div3A_117, %add3A_119 : vector<256x1xf32>
      %sqrt3A = math.sqrt %add3A_120 : vector<256x1xf32>
      %div3A_121 = vector.broadcast %sqrt3A : vector<256x1xf32> to vector<256x256xf32>
      %div3A_122 = arith.divf %sub3A_110, %div3A_121 : vector<256x256xf32>
      %mul3A_123 = vector.broadcast %get3A_100 : vector<1x256xf32> to vector<256x256xf32>
      %mul3A_124 = arith.mulf %div3A_122, %mul3A_123 : vector<256x256xf32>
      %add3A_125 = vector.broadcast %get3A_105 : vector<1x256xf32> to vector<256x256xf32>
      %add3A_126 = arith.addf %mul3A_124, %add3A_125 : vector<256x256xf32>
      %get3A_127 = arith.constant 2 : index
      %get3A_128 = arith.constant 0 : index
      %get3A_129 = arith.constant 0 : index
      %get3A_130 = vector.load %arg10[%get3A_127, %get3A_128, %get3A_129] : memref<4x256x256xf32, #tpu.memory_space<vmem>>, vector<1x256x256xf32>
      %get3A_131 = vector.shape_cast %get3A_130 : vector<1x256x256xf32> to vector<256x256xf32>
      %dot_general3A = arith.constant dense<0.000000e+00> : vector<256x256xf32>
      %dot_general3A_132 = tpu.matmul %add3A_126, %get3A_131, %dot_general3A {dimension_numbers = #tpu.dot_dimension_numbers<[1], [1], [0], [0], [0, 0, 1, 0], [], []>, transpose_lhs_hint = false} : vector<256x256xf32>, vector<256x256xf32>, vector<256x256xf32> -> vector<256x256xf32>
      %mul3A_133 = arith.constant 0.176776692 : f32
      %mul3A_134 = vector.broadcast %mul3A_133 : f32 to vector<256x256xf32>
      %mul3A_135 = arith.mulf %dot_general3A_132, %mul3A_134 : vector<256x256xf32>
      %get3A_136 = arith.constant 0 : index
      %get3A_137 = arith.index_cast %mul3A_92 : i32 to index
      %get3A_138 = vector.load %arg34[%get3A_136, %get3A_137] : memref<8x8192xf32, #tpu.memory_space<vmem>>, vector<1x256xf32>
      %reshape3A = vector.shape_cast %get3A_138 : vector<1x256xf32> to vector<256x1xf32>
      %get3A_139 = arith.constant 1 : index
      %get3A_140 = arith.index_cast %mul3A_92 : i32 to index
      %get3A_141 = vector.load %arg34[%get3A_139, %get3A_140] : memref<8x8192xf32, #tpu.memory_space<vmem>>, vector<1x256xf32>
      %reshape3A_142 = vector.shape_cast %get3A_141 : vector<1x256xf32> to vector<256x1xf32>
      %get3A_143 = arith.constant 2 : index
      %get3A_144 = arith.index_cast %mul3A_92 : i32 to index
      %get3A_145 = vector.load %arg34[%get3A_143, %get3A_144] : memref<8x8192xf32, #tpu.memory_space<vmem>>, vector<1x256xf32>
      %reshape3A_146 = vector.shape_cast %get3A_145 : vector<1x256xf32> to vector<256x1xf32>
      %broadcast_in_dim3A_147 = arith.constant 0.000000e+00 : f32
      %broadcast_in_dim3A_148 = vector.broadcast %broadcast_in_dim3A_147 : f32 to vector<256x1xf32>
      %broadcast_in_dim3A_149 = arith.constant 0.000000e+00 : f32
      %broadcast_in_dim3A_150 = vector.broadcast %broadcast_in_dim3A_149 : f32 to vector<256x32xf32>
      %broadcast_in_dim3A_151 = arith.constant 0.000000e+00 : f32
      %broadcast_in_dim3A_152 = vector.broadcast %broadcast_in_dim3A_151 : f32 to vector<256x1xf32>
      %broadcast_in_dim3A_153 = arith.constant 0.000000e+00 : f32
      %broadcast_in_dim3A_154 = vector.broadcast %broadcast_in_dim3A_153 : f32 to vector<256x32xf32>
      %broadcast_in_dim3A_155 = arith.constant 0.000000e+00 : f32
      %broadcast_in_dim3A_156 = vector.broadcast %broadcast_in_dim3A_155 : f32 to vector<256x1xf32>
      %broadcast_in_dim3A_157 = arith.constant 0.000000e+00 : f32
      %broadcast_in_dim3A_158 = vector.broadcast %broadcast_in_dim3A_157 : f32 to vector<256x32xf32>
      %broadcast_in_dim3A_159 = arith.constant 0.000000e+00 : f32
      %broadcast_in_dim3A_160 = vector.broadcast %broadcast_in_dim3A_159 : f32 to vector<256x1xf32>
      %broadcast_in_dim3A_161 = arith.constant 0.000000e+00 : f32
      %broadcast_in_dim3A_162 = vector.broadcast %broadcast_in_dim3A_161 : f32 to vector<256x32xf32>
      %broadcast_in_dim3A_163 = arith.constant 0.000000e+00 : f32
      %broadcast_in_dim3A_164 = vector.broadcast %broadcast_in_dim3A_163 : f32 to vector<256x1xf32>
      %broadcast_in_dim3A_165 = arith.constant 0.000000e+00 : f32
      %broadcast_in_dim3A_166 = vector.broadcast %broadcast_in_dim3A_165 : f32 to vector<256x32xf32>
      %broadcast_in_dim3A_167 = arith.constant 0.000000e+00 : f32
      %broadcast_in_dim3A_168 = vector.broadcast %broadcast_in_dim3A_167 : f32 to vector<256x1xf32>
      %broadcast_in_dim3A_169 = arith.constant 0.000000e+00 : f32
      %broadcast_in_dim3A_170 = vector.broadcast %broadcast_in_dim3A_169 : f32 to vector<256x32xf32>
      %broadcast_in_dim3A_171 = arith.constant 0.000000e+00 : f32
      %broadcast_in_dim3A_172 = vector.broadcast %broadcast_in_dim3A_171 : f32 to vector<256x1xf32>
      %broadcast_in_dim3A_173 = arith.constant 0.000000e+00 : f32
      %broadcast_in_dim3A_174 = vector.broadcast %broadcast_in_dim3A_173 : f32 to vector<256x32xf32>
      %broadcast_in_dim3A_175 = arith.constant 0.000000e+00 : f32
      %broadcast_in_dim3A_176 = vector.broadcast %broadcast_in_dim3A_175 : f32 to vector<256x1xf32>
      %broadcast_in_dim3A_177 = arith.constant 0.000000e+00 : f32
      %broadcast_in_dim3A_178 = vector.broadcast %broadcast_in_dim3A_177 : f32 to vector<256x32xf32>
      %get3A_179 = arith.index_cast %scan3A_90 : i32 to index
      %get3A_180 = memref.load %arg1[%get3A_179] : memref<32xi32, #tpu.memory_space<smem>>
      %get3A_181 = arith.index_cast %scan3A_90 : i32 to index
      %get3A_182 = memref.load %arg2[%get3A_181] : memref<32xi32, #tpu.memory_space<smem>>
      %while3A = arith.subi %get3A_182, %get3A_180 : i32
      %while3A_183 = arith.addi %get3A_180, %while3A : i32
      %while3A_184 = arith.constant 1 : i32
      %while3A_185 = arith.divsi %while3A, %while3A_184 : i32
      %while3A_186 = arith.muli %while3A_185, %while3A_184 : i32
      %while3A_187 = arith.addi %get3A_180, %while3A_186 : i32
      %while3A_188 = arith.constant 1 : i32
      %while3A_189:16 = scf.for %while3A_230 = %get3A_180 to %while3A_187 step %while3A_188 iter_args(%while3A_231 = %broadcast_in_dim3A_148, %while3A_232 = %broadcast_in_dim3A_150, %while3A_233 = %broadcast_in_dim3A_152, %while3A_234 = %broadcast_in_dim3A_154, %while3A_235 = %broadcast_in_dim3A_156, %while3A_236 = %broadcast_in_dim3A_158, %while3A_237 = %broadcast_in_dim3A_160, %while3A_238 = %broadcast_in_dim3A_162, %while3A_239 = %broadcast_in_dim3A_164, %while3A_240 = %broadcast_in_dim3A_166, %while3A_241 = %broadcast_in_dim3A_168, %while3A_242 = %broadcast_in_dim3A_170, %while3A_243 = %broadcast_in_dim3A_172, %while3A_244 = %broadcast_in_dim3A_174, %while3A_245 = %broadcast_in_dim3A_176, %while3A_246 = %broadcast_in_dim3A_178) -> (vector<256x1xf32>, vector<256x32xf32>, vector<256x1xf32>, vector<256x32xf32>, vector<256x1xf32>, vector<256x32xf32>, vector<256x1xf32>, vector<256x32xf32>, vector<256x1xf32>, vector<256x32xf32>, vector<256x1xf32>, vector<256x32xf32>, vector<256x1xf32>, vector<256x32xf32>, vector<256x1xf32>, vector<256x32xf32>)  : i32 {
        %mul3A_247 = arith.constant 256 : i32
        %mul3A_248 = arith.muli %while3A_230, %mul3A_247 : i32
        %get3A_249 = arith.index_cast %mul3A_248 : i32 to index
        %get3A_250 = arith.constant 0 : index
        %get3A_251 = vector.load %arg32[%get3A_249, %get3A_250] : memref<8192x256xf32, #tpu.memory_space<vmem>>, vector<256x256xf32>
        %get3A_252 = arith.index_cast %mul3A_248 : i32 to index
        %get3A_253 = arith.constant 0 : index
        %get3A_254 = vector.load %arg33[%get3A_252, %get3A_253] : memref<8192x256xf32, #tpu.memory_space<vmem>>, vector<256x256xf32>
        %get3A_255 = arith.constant 0 : index
        %get3A_256 = arith.index_cast %mul3A_248 : i32 to index
        %get3A_257 = vector.load %arg34[%get3A_255, %get3A_256] : memref<8x8192xf32, #tpu.memory_space<vmem>>, vector<1x256xf32>
        %sub3A_258 = vector.broadcast %reshape3A : vector<256x1xf32> to vector<256x256xf32>
        %sub3A_259 = vector.broadcast %get3A_257 : vector<1x256xf32> to vector<256x256xf32>
        %sub3A_260 = arith.subf %sub3A_258, %sub3A_259 : vector<256x256xf32>
        %get3A_261 = arith.constant 1 : index
        %get3A_262 = arith.index_cast %mul3A_248 : i32 to index
        %get3A_263 = vector.load %arg34[%get3A_261, %get3A_262] : memref<8x8192xf32, #tpu.memory_space<vmem>>, vector<1x256xf32>
        %sub3A_264 = vector.broadcast %reshape3A_142 : vector<256x1xf32> to vector<256x256xf32>
        %sub3A_265 = vector.broadcast %get3A_263 : vector<1x256xf32> to vector<256x256xf32>
        %sub3A_266 = arith.subf %sub3A_264, %sub3A_265 : vector<256x256xf32>
        %abs3A = math.absf %sub3A_266 : vector<256x256xf32>
        %sub3A_267 = arith.constant 6.28318548 : f32
        %sub3A_268 = vector.broadcast %sub3A_267 : f32 to vector<256x256xf32>
        %sub3A_269 = arith.subf %sub3A_268, %abs3A : vector<256x256xf32>
        %min3A = arith.minimumf %abs3A, %sub3A_269 : vector<256x256xf32>
        %mul3A_270 = arith.mulf %sub3A_260, %sub3A_260 : vector<256x256xf32>
        %mul3A_271 = arith.mulf %min3A, %min3A : vector<256x256xf32>
        %add3A_272 = arith.addf %mul3A_270, %mul3A_271 : vector<256x256xf32>
        %get3A_273 = arith.constant 2 : index
        %get3A_274 = arith.index_cast %mul3A_248 : i32 to index
        %get3A_275 = vector.load %arg34[%get3A_273, %get3A_274] : memref<8x8192xf32, #tpu.memory_space<vmem>>, vector<1x256xf32>
        %eq3A = vector.broadcast %reshape3A_146 : vector<256x1xf32> to vector<256x256xf32>
        %eq3A_276 = vector.broadcast %get3A_275 : vector<1x256xf32> to vector<256x256xf32>
        %eq3A_277 = arith.cmpf oeq, %eq3A, %eq3A_276 : vector<256x256xf32>
        %le3A = arith.constant 4.000000e-02 : f32
        %le3A_278 = vector.broadcast %le3A : f32 to vector<256x256xf32>
        %le3A_279 = arith.cmpf ole, %add3A_272, %le3A_278 : vector<256x256xf32>
        %and3A = arith.andi %eq3A_277, %le3A_279 : vector<256x256xi1>
        %jit3A = arith.constant 0.000000e+00 : f32
        %jit3A_280 = arith.constant -1.000000e+30 : f32
        %broadcast_in_dim3A_281 = vector.broadcast %jit3A : f32 to vector<256x256xf32>
        %broadcast_in_dim3A_282 = vector.broadcast %jit3A_280 : f32 to vector<256x256xf32>
        %select_n3A = arith.select %and3A, %broadcast_in_dim3A_281, %broadcast_in_dim3A_282 : vector<256x256xi1>, vector<256x256xf32>
        %slice3A = vector.extract_strided_slice %mul3A_135 {offsets = [0, 0], sizes = [256, 32], strides = [1, 1]} : vector<256x256xf32> to vector<256x32xf32>
        %slice3A_283 = vector.extract_strided_slice %get3A_251 {offsets = [0, 0], sizes = [256, 32], strides = [1, 1]} : vector<256x256xf32> to vector<256x32xf32>
        %slice3A_284 = vector.extract_strided_slice %get3A_254 {offsets = [0, 0], sizes = [256, 32], strides = [1, 1]} : vector<256x256xf32> to vector<256x32xf32>
        %dot_general3A_285 = arith.constant dense<0.000000e+00> : vector<256x256xf32>
        %dot_general3A_286 = tpu.matmul %slice3A, %slice3A_283, %dot_general3A_285 {dimension_numbers = #tpu.dot_dimension_numbers<[1], [1], [0], [0], [0, 0, 1, 0], [], []>, transpose_lhs_hint = false} : vector<256x32xf32>, vector<256x32xf32>, vector<256x256xf32> -> vector<256x256xf32>
        %add3A_287 = arith.addf %dot_general3A_286, %select_n3A : vector<256x256xf32>
        %exp3A = math.exp %add3A_287 : vector<256x256xf32>
        %reduce_sum3A_288 = arith.constant dense<0.000000e+00> : vector<256xf32>
        %reduce_sum3A_289 = vector.multi_reduction <add>, %exp3A, %reduce_sum3A_288 [1] : vector<256x256xf32> to vector<256xf32>
        %broadcast_in_dim3A_290 = vector.shape_cast %reduce_sum3A_289 : vector<256xf32> to vector<256x1xf32>
        %add3A_291 = arith.addf %while3A_231, %broadcast_in_dim3A_290 : vector<256x1xf32>
        %dot_general3A_292 = arith.constant dense<0.000000e+00> : vector<256x32xf32>
        %dot_general3A_293 = tpu.matmul %exp3A, %slice3A_284, %dot_general3A_292 {dimension_numbers = #tpu.dot_dimension_numbers<[1], [0], [0], [1], [0, 0, 1, 1], [], []>, transpose_lhs_hint = false} : vector<256x256xf32>, vector<256x32xf32>, vector<256x32xf32> -> vector<256x32xf32>
        %add3A_294 = arith.addf %while3A_232, %dot_general3A_293 : vector<256x32xf32>
        %slice3A_295 = vector.extract_strided_slice %mul3A_135 {offsets = [0, 32], sizes = [256, 32], strides = [1, 1]} : vector<256x256xf32> to vector<256x32xf32>
        %slice3A_296 = vector.extract_strided_slice %get3A_251 {offsets = [0, 32], sizes = [256, 32], strides = [1, 1]} : vector<256x256xf32> to vector<256x32xf32>
        %slice3A_297 = vector.extract_strided_slice %get3A_254 {offsets = [0, 32], sizes = [256, 32], strides = [1, 1]} : vector<256x256xf32> to vector<256x32xf32>
        %dot_general3A_298 = arith.constant dense<0.000000e+00> : vector<256x256xf32>
        %dot_general3A_299 = tpu.matmul %slice3A_295, %slice3A_296, %dot_general3A_298 {dimension_numbers = #tpu.dot_dimension_numbers<[1], [1], [0], [0], [0, 0, 1, 0], [], []>, transpose_lhs_hint = false} : vector<256x32xf32>, vector<256x32xf32>, vector<256x256xf32> -> vector<256x256xf32>
        %add3A_300 = arith.addf %dot_general3A_299, %select_n3A : vector<256x256xf32>
        %exp3A_301 = math.exp %add3A_300 : vector<256x256xf32>
        %reduce_sum3A_302 = arith.constant dense<0.000000e+00> : vector<256xf32>
        %reduce_sum3A_303 = vector.multi_reduction <add>, %exp3A_301, %reduce_sum3A_302 [1] : vector<256x256xf32> to vector<256xf32>
        %broadcast_in_dim3A_304 = vector.shape_cast %reduce_sum3A_303 : vector<256xf32> to vector<256x1xf32>
        %add3A_305 = arith.addf %while3A_233, %broadcast_in_dim3A_304 : vector<256x1xf32>
        %dot_general3A_306 = arith.constant dense<0.000000e+00> : vector<256x32xf32>
        %dot_general3A_307 = tpu.matmul %exp3A_301, %slice3A_297, %dot_general3A_306 {dimension_numbers = #tpu.dot_dimension_numbers<[1], [0], [0], [1], [0, 0, 1, 1], [], []>, transpose_lhs_hint = false} : vector<256x256xf32>, vector<256x32xf32>, vector<256x32xf32> -> vector<256x32xf32>
        %add3A_308 = arith.addf %while3A_234, %dot_general3A_307 : vector<256x32xf32>
        %slice3A_309 = vector.extract_strided_slice %mul3A_135 {offsets = [0, 64], sizes = [256, 32], strides = [1, 1]} : vector<256x256xf32> to vector<256x32xf32>
        %slice3A_310 = vector.extract_strided_slice %get3A_251 {offsets = [0, 64], sizes = [256, 32], strides = [1, 1]} : vector<256x256xf32> to vector<256x32xf32>
        %slice3A_311 = vector.extract_strided_slice %get3A_254 {offsets = [0, 64], sizes = [256, 32], strides = [1, 1]} : vector<256x256xf32> to vector<256x32xf32>
        %dot_general3A_312 = arith.constant dense<0.000000e+00> : vector<256x256xf32>
        %dot_general3A_313 = tpu.matmul %slice3A_309, %slice3A_310, %dot_general3A_312 {dimension_numbers = #tpu.dot_dimension_numbers<[1], [1], [0], [0], [0, 0, 1, 0], [], []>, transpose_lhs_hint = false} : vector<256x32xf32>, vector<256x32xf32>, vector<256x256xf32> -> vector<256x256xf32>
        %add3A_314 = arith.addf %dot_general3A_313, %select_n3A : vector<256x256xf32>
        %exp3A_315 = math.exp %add3A_314 : vector<256x256xf32>
        %reduce_sum3A_316 = arith.constant dense<0.000000e+00> : vector<256xf32>
        %reduce_sum3A_317 = vector.multi_reduction <add>, %exp3A_315, %reduce_sum3A_316 [1] : vector<256x256xf32> to vector<256xf32>
        %broadcast_in_dim3A_318 = vector.shape_cast %reduce_sum3A_317 : vector<256xf32> to vector<256x1xf32>
        %add3A_319 = arith.addf %while3A_235, %broadcast_in_dim3A_318 : vector<256x1xf32>
        %dot_general3A_320 = arith.constant dense<0.000000e+00> : vector<256x32xf32>
        %dot_general3A_321 = tpu.matmul %exp3A_315, %slice3A_311, %dot_general3A_320 {dimension_numbers = #tpu.dot_dimension_numbers<[1], [0], [0], [1], [0, 0, 1, 1], [], []>, transpose_lhs_hint = false} : vector<256x256xf32>, vector<256x32xf32>, vector<256x32xf32> -> vector<256x32xf32>
        %add3A_322 = arith.addf %while3A_236, %dot_general3A_321 : vector<256x32xf32>
        %slice3A_323 = vector.extract_strided_slice %mul3A_135 {offsets = [0, 96], sizes = [256, 32], strides = [1, 1]} : vector<256x256xf32> to vector<256x32xf32>
        %slice3A_324 = vector.extract_strided_slice %get3A_251 {offsets = [0, 96], sizes = [256, 32], strides = [1, 1]} : vector<256x256xf32> to vector<256x32xf32>
        %slice3A_325 = vector.extract_strided_slice %get3A_254 {offsets = [0, 96], sizes = [256, 32], strides = [1, 1]} : vector<256x256xf32> to vector<256x32xf32>
        %dot_general3A_326 = arith.constant dense<0.000000e+00> : vector<256x256xf32>
        %dot_general3A_327 = tpu.matmul %slice3A_323, %slice3A_324, %dot_general3A_326 {dimension_numbers = #tpu.dot_dimension_numbers<[1], [1], [0], [0], [0, 0, 1, 0], [], []>, transpose_lhs_hint = false} : vector<256x32xf32>, vector<256x32xf32>, vector<256x256xf32> -> vector<256x256xf32>
        %add3A_328 = arith.addf %dot_general3A_327, %select_n3A : vector<256x256xf32>
        %exp3A_329 = math.exp %add3A_328 : vector<256x256xf32>
        %reduce_sum3A_330 = arith.constant dense<0.000000e+00> : vector<256xf32>
        %reduce_sum3A_331 = vector.multi_reduction <add>, %exp3A_329, %reduce_sum3A_330 [1] : vector<256x256xf32> to vector<256xf32>
        %broadcast_in_dim3A_332 = vector.shape_cast %reduce_sum3A_331 : vector<256xf32> to vector<256x1xf32>
        %add3A_333 = arith.addf %while3A_237, %broadcast_in_dim3A_332 : vector<256x1xf32>
        %dot_general3A_334 = arith.constant dense<0.000000e+00> : vector<256x32xf32>
        %dot_general3A_335 = tpu.matmul %exp3A_329, %slice3A_325, %dot_general3A_334 {dimension_numbers = #tpu.dot_dimension_numbers<[1], [0], [0], [1], [0, 0, 1, 1], [], []>, transpose_lhs_hint = false} : vector<256x256xf32>, vector<256x32xf32>, vector<256x32xf32> -> vector<256x32xf32>
        %add3A_336 = arith.addf %while3A_238, %dot_general3A_335 : vector<256x32xf32>
        %slice3A_337 = vector.extract_strided_slice %mul3A_135 {offsets = [0, 128], sizes = [256, 32], strides = [1, 1]} : vector<256x256xf32> to vector<256x32xf32>
        %slice3A_338 = vector.extract_strided_slice %get3A_251 {offsets = [0, 128], sizes = [256, 32], strides = [1, 1]} : vector<256x256xf32> to vector<256x32xf32>
        %slice3A_339 = vector.extract_strided_slice %get3A_254 {offsets = [0, 128], sizes = [256, 32], strides = [1, 1]} : vector<256x256xf32> to vector<256x32xf32>
        %dot_general3A_340 = arith.constant dense<0.000000e+00> : vector<256x256xf32>
        %dot_general3A_341 = tpu.matmul %slice3A_337, %slice3A_338, %dot_general3A_340 {dimension_numbers = #tpu.dot_dimension_numbers<[1], [1], [0], [0], [0, 0, 1, 0], [], []>, transpose_lhs_hint = false} : vector<256x32xf32>, vector<256x32xf32>, vector<256x256xf32> -> vector<256x256xf32>
        %add3A_342 = arith.addf %dot_general3A_341, %select_n3A : vector<256x256xf32>
        %exp3A_343 = math.exp %add3A_342 : vector<256x256xf32>
        %reduce_sum3A_344 = arith.constant dense<0.000000e+00> : vector<256xf32>
        %reduce_sum3A_345 = vector.multi_reduction <add>, %exp3A_343, %reduce_sum3A_344 [1] : vector<256x256xf32> to vector<256xf32>
        %broadcast_in_dim3A_346 = vector.shape_cast %reduce_sum3A_345 : vector<256xf32> to vector<256x1xf32>
        %add3A_347 = arith.addf %while3A_239, %broadcast_in_dim3A_346 : vector<256x1xf32>
        %dot_general3A_348 = arith.constant dense<0.000000e+00> : vector<256x32xf32>
        %dot_general3A_349 = tpu.matmul %exp3A_343, %slice3A_339, %dot_general3A_348 {dimension_numbers = #tpu.dot_dimension_numbers<[1], [0], [0], [1], [0, 0, 1, 1], [], []>, transpose_lhs_hint = false} : vector<256x256xf32>, vector<256x32xf32>, vector<256x32xf32> -> vector<256x32xf32>
        %add3A_350 = arith.addf %while3A_240, %dot_general3A_349 : vector<256x32xf32>
        %slice3A_351 = vector.extract_strided_slice %mul3A_135 {offsets = [0, 160], sizes = [256, 32], strides = [1, 1]} : vector<256x256xf32> to vector<256x32xf32>
        %slice3A_352 = vector.extract_strided_slice %get3A_251 {offsets = [0, 160], sizes = [256, 32], strides = [1, 1]} : vector<256x256xf32> to vector<256x32xf32>
        %slice3A_353 = vector.extract_strided_slice %get3A_254 {offsets = [0, 160], sizes = [256, 32], strides = [1, 1]} : vector<256x256xf32> to vector<256x32xf32>
        %dot_general3A_354 = arith.constant dense<0.000000e+00> : vector<256x256xf32>
        %dot_general3A_355 = tpu.matmul %slice3A_351, %slice3A_352, %dot_general3A_354 {dimension_numbers = #tpu.dot_dimension_numbers<[1], [1], [0], [0], [0, 0, 1, 0], [], []>, transpose_lhs_hint = false} : vector<256x32xf32>, vector<256x32xf32>, vector<256x256xf32> -> vector<256x256xf32>
        %add3A_356 = arith.addf %dot_general3A_355, %select_n3A : vector<256x256xf32>
        %exp3A_357 = math.exp %add3A_356 : vector<256x256xf32>
        %reduce_sum3A_358 = arith.constant dense<0.000000e+00> : vector<256xf32>
        %reduce_sum3A_359 = vector.multi_reduction <add>, %exp3A_357, %reduce_sum3A_358 [1] : vector<256x256xf32> to vector<256xf32>
        %broadcast_in_dim3A_360 = vector.shape_cast %reduce_sum3A_359 : vector<256xf32> to vector<256x1xf32>
        %add3A_361 = arith.addf %while3A_241, %broadcast_in_dim3A_360 : vector<256x1xf32>
        %dot_general3A_362 = arith.constant dense<0.000000e+00> : vector<256x32xf32>
        %dot_general3A_363 = tpu.matmul %exp3A_357, %slice3A_353, %dot_general3A_362 {dimension_numbers = #tpu.dot_dimension_numbers<[1], [0], [0], [1], [0, 0, 1, 1], [], []>, transpose_lhs_hint = false} : vector<256x256xf32>, vector<256x32xf32>, vector<256x32xf32> -> vector<256x32xf32>
        %add3A_364 = arith.addf %while3A_242, %dot_general3A_363 : vector<256x32xf32>
        %slice3A_365 = vector.extract_strided_slice %mul3A_135 {offsets = [0, 192], sizes = [256, 32], strides = [1, 1]} : vector<256x256xf32> to vector<256x32xf32>
        %slice3A_366 = vector.extract_strided_slice %get3A_251 {offsets = [0, 192], sizes = [256, 32], strides = [1, 1]} : vector<256x256xf32> to vector<256x32xf32>
        %slice3A_367 = vector.extract_strided_slice %get3A_254 {offsets = [0, 192], sizes = [256, 32], strides = [1, 1]} : vector<256x256xf32> to vector<256x32xf32>
        %dot_general3A_368 = arith.constant dense<0.000000e+00> : vector<256x256xf32>
        %dot_general3A_369 = tpu.matmul %slice3A_365, %slice3A_366, %dot_general3A_368 {dimension_numbers = #tpu.dot_dimension_numbers<[1], [1], [0], [0], [0, 0, 1, 0], [], []>, transpose_lhs_hint = false} : vector<256x32xf32>, vector<256x32xf32>, vector<256x256xf32> -> vector<256x256xf32>
        %add3A_370 = arith.addf %dot_general3A_369, %select_n3A : vector<256x256xf32>
        %exp3A_371 = math.exp %add3A_370 : vector<256x256xf32>
        %reduce_sum3A_372 = arith.constant dense<0.000000e+00> : vector<256xf32>
        %reduce_sum3A_373 = vector.multi_reduction <add>, %exp3A_371, %reduce_sum3A_372 [1] : vector<256x256xf32> to vector<256xf32>
        %broadcast_in_dim3A_374 = vector.shape_cast %reduce_sum3A_373 : vector<256xf32> to vector<256x1xf32>
        %add3A_375 = arith.addf %while3A_243, %broadcast_in_dim3A_374 : vector<256x1xf32>
        %dot_general3A_376 = arith.constant dense<0.000000e+00> : vector<256x32xf32>
        %dot_general3A_377 = tpu.matmul %exp3A_371, %slice3A_367, %dot_general3A_376 {dimension_numbers = #tpu.dot_dimension_numbers<[1], [0], [0], [1], [0, 0, 1, 1], [], []>, transpose_lhs_hint = false} : vector<256x256xf32>, vector<256x32xf32>, vector<256x32xf32> -> vector<256x32xf32>
        %add3A_378 = arith.addf %while3A_244, %dot_general3A_377 : vector<256x32xf32>
        %slice3A_379 = vector.extract_strided_slice %mul3A_135 {offsets = [0, 224], sizes = [256, 32], strides = [1, 1]} : vector<256x256xf32> to vector<256x32xf32>
        %slice3A_380 = vector.extract_strided_slice %get3A_251 {offsets = [0, 224], sizes = [256, 32], strides = [1, 1]} : vector<256x256xf32> to vector<256x32xf32>
        %slice3A_381 = vector.extract_strided_slice %get3A_254 {offsets = [0, 224], sizes = [256, 32], strides = [1, 1]} : vector<256x256xf32> to vector<256x32xf32>
        %dot_general3A_382 = arith.constant dense<0.000000e+00> : vector<256x256xf32>
        %dot_general3A_383 = tpu.matmul %slice3A_379, %slice3A_380, %dot_general3A_382 {dimension_numbers = #tpu.dot_dimension_numbers<[1], [1], [0], [0], [0, 0, 1, 0], [], []>, transpose_lhs_hint = false} : vector<256x32xf32>, vector<256x32xf32>, vector<256x256xf32> -> vector<256x256xf32>
        %add3A_384 = arith.addf %dot_general3A_383, %select_n3A : vector<256x256xf32>
        %exp3A_385 = math.exp %add3A_384 : vector<256x256xf32>
        %reduce_sum3A_386 = arith.constant dense<0.000000e+00> : vector<256xf32>
        %reduce_sum3A_387 = vector.multi_reduction <add>, %exp3A_385, %reduce_sum3A_386 [1] : vector<256x256xf32> to vector<256xf32>
        %broadcast_in_dim3A_388 = vector.shape_cast %reduce_sum3A_387 : vector<256xf32> to vector<256x1xf32>
        %add3A_389 = arith.addf %while3A_245, %broadcast_in_dim3A_388 : vector<256x1xf32>
        %dot_general3A_390 = arith.constant dense<0.000000e+00> : vector<256x32xf32>
        %dot_general3A_391 = tpu.matmul %exp3A_385, %slice3A_381, %dot_general3A_390 {dimension_numbers = #tpu.dot_dimension_numbers<[1], [0], [0], [1], [0, 0, 1, 1], [], []>, transpose_lhs_hint = false} : vector<256x256xf32>, vector<256x32xf32>, vector<256x32xf32> -> vector<256x32xf32>
        %add3A_392 = arith.addf %while3A_246, %dot_general3A_391 : vector<256x32xf32>
        scf.yield %add3A_291, %add3A_294, %add3A_305, %add3A_308, %add3A_319, %add3A_322, %add3A_333, %add3A_336, %add3A_347, %add3A_350, %add3A_361, %add3A_364, %add3A_375, %add3A_378, %add3A_389, %add3A_392 : vector<256x1xf32>, vector<256x32xf32>, vector<256x1xf32>, vector<256x32xf32>, vector<256x1xf32>, vector<256x32xf32>, vector<256x1xf32>, vector<256x32xf32>, vector<256x1xf32>, vector<256x32xf32>, vector<256x1xf32>, vector<256x32xf32>, vector<256x1xf32>, vector<256x32xf32>, vector<256x1xf32>, vector<256x32xf32>
      }
      %while3A_190 = arith.constant 1 : i32
      %while3A_191:16 = scf.for %while3A_230 = %while3A_187 to %while3A_183 step %while3A_190 iter_args(%while3A_231 = %while3A_189#0, %while3A_232 = %while3A_189#1, %while3A_233 = %while3A_189#2, %while3A_234 = %while3A_189#3, %while3A_235 = %while3A_189#4, %while3A_236 = %while3A_189#5, %while3A_237 = %while3A_189#6, %while3A_238 = %while3A_189#7, %while3A_239 = %while3A_189#8, %while3A_240 = %while3A_189#9, %while3A_241 = %while3A_189#10, %while3A_242 = %while3A_189#11, %while3A_243 = %while3A_189#12, %while3A_244 = %while3A_189#13, %while3A_245 = %while3A_189#14, %while3A_246 = %while3A_189#15) -> (vector<256x1xf32>, vector<256x32xf32>, vector<256x1xf32>, vector<256x32xf32>, vector<256x1xf32>, vector<256x32xf32>, vector<256x1xf32>, vector<256x32xf32>, vector<256x1xf32>, vector<256x32xf32>, vector<256x1xf32>, vector<256x32xf32>, vector<256x1xf32>, vector<256x32xf32>, vector<256x1xf32>, vector<256x32xf32>)  : i32 {
        %mul3A_247 = arith.constant 256 : i32
        %mul3A_248 = arith.muli %while3A_230, %mul3A_247 : i32
        %get3A_249 = arith.index_cast %mul3A_248 : i32 to index
        %get3A_250 = arith.constant 0 : index
        %get3A_251 = vector.load %arg32[%get3A_249, %get3A_250] : memref<8192x256xf32, #tpu.memory_space<vmem>>, vector<256x256xf32>
        %get3A_252 = arith.index_cast %mul3A_248 : i32 to index
        %get3A_253 = arith.constant 0 : index
        %get3A_254 = vector.load %arg33[%get3A_252, %get3A_253] : memref<8192x256xf32, #tpu.memory_space<vmem>>, vector<256x256xf32>
        %get3A_255 = arith.constant 0 : index
        %get3A_256 = arith.index_cast %mul3A_248 : i32 to index
        %get3A_257 = vector.load %arg34[%get3A_255, %get3A_256] : memref<8x8192xf32, #tpu.memory_space<vmem>>, vector<1x256xf32>
        %sub3A_258 = vector.broadcast %reshape3A : vector<256x1xf32> to vector<256x256xf32>
        %sub3A_259 = vector.broadcast %get3A_257 : vector<1x256xf32> to vector<256x256xf32>
        %sub3A_260 = arith.subf %sub3A_258, %sub3A_259 : vector<256x256xf32>
        %get3A_261 = arith.constant 1 : index
        %get3A_262 = arith.index_cast %mul3A_248 : i32 to index
        %get3A_263 = vector.load %arg34[%get3A_261, %get3A_262] : memref<8x8192xf32, #tpu.memory_space<vmem>>, vector<1x256xf32>
        %sub3A_264 = vector.broadcast %reshape3A_142 : vector<256x1xf32> to vector<256x256xf32>
        %sub3A_265 = vector.broadcast %get3A_263 : vector<1x256xf32> to vector<256x256xf32>
        %sub3A_266 = arith.subf %sub3A_264, %sub3A_265 : vector<256x256xf32>
        %abs3A = math.absf %sub3A_266 : vector<256x256xf32>
        %sub3A_267 = arith.constant 6.28318548 : f32
        %sub3A_268 = vector.broadcast %sub3A_267 : f32 to vector<256x256xf32>
        %sub3A_269 = arith.subf %sub3A_268, %abs3A : vector<256x256xf32>
        %min3A = arith.minimumf %abs3A, %sub3A_269 : vector<256x256xf32>
        %mul3A_270 = arith.mulf %sub3A_260, %sub3A_260 : vector<256x256xf32>
        %mul3A_271 = arith.mulf %min3A, %min3A : vector<256x256xf32>
        %add3A_272 = arith.addf %mul3A_270, %mul3A_271 : vector<256x256xf32>
        %get3A_273 = arith.constant 2 : index
        %get3A_274 = arith.index_cast %mul3A_248 : i32 to index
        %get3A_275 = vector.load %arg34[%get3A_273, %get3A_274] : memref<8x8192xf32, #tpu.memory_space<vmem>>, vector<1x256xf32>
        %eq3A = vector.broadcast %reshape3A_146 : vector<256x1xf32> to vector<256x256xf32>
        %eq3A_276 = vector.broadcast %get3A_275 : vector<1x256xf32> to vector<256x256xf32>
        %eq3A_277 = arith.cmpf oeq, %eq3A, %eq3A_276 : vector<256x256xf32>
        %le3A = arith.constant 4.000000e-02 : f32
        %le3A_278 = vector.broadcast %le3A : f32 to vector<256x256xf32>
        %le3A_279 = arith.cmpf ole, %add3A_272, %le3A_278 : vector<256x256xf32>
        %and3A = arith.andi %eq3A_277, %le3A_279 : vector<256x256xi1>
        %jit3A = arith.constant 0.000000e+00 : f32
        %jit3A_280 = arith.constant -1.000000e+30 : f32
        %broadcast_in_dim3A_281 = vector.broadcast %jit3A : f32 to vector<256x256xf32>
        %broadcast_in_dim3A_282 = vector.broadcast %jit3A_280 : f32 to vector<256x256xf32>
        %select_n3A = arith.select %and3A, %broadcast_in_dim3A_281, %broadcast_in_dim3A_282 : vector<256x256xi1>, vector<256x256xf32>
        %slice3A = vector.extract_strided_slice %mul3A_135 {offsets = [0, 0], sizes = [256, 32], strides = [1, 1]} : vector<256x256xf32> to vector<256x32xf32>
        %slice3A_283 = vector.extract_strided_slice %get3A_251 {offsets = [0, 0], sizes = [256, 32], strides = [1, 1]} : vector<256x256xf32> to vector<256x32xf32>
        %slice3A_284 = vector.extract_strided_slice %get3A_254 {offsets = [0, 0], sizes = [256, 32], strides = [1, 1]} : vector<256x256xf32> to vector<256x32xf32>
        %dot_general3A_285 = arith.constant dense<0.000000e+00> : vector<256x256xf32>
        %dot_general3A_286 = tpu.matmul %slice3A, %slice3A_283, %dot_general3A_285 {dimension_numbers = #tpu.dot_dimension_numbers<[1], [1], [0], [0], [0, 0, 1, 0], [], []>, transpose_lhs_hint = false} : vector<256x32xf32>, vector<256x32xf32>, vector<256x256xf32> -> vector<256x256xf32>
        %add3A_287 = arith.addf %dot_general3A_286, %select_n3A : vector<256x256xf32>
        %exp3A = math.exp %add3A_287 : vector<256x256xf32>
        %reduce_sum3A_288 = arith.constant dense<0.000000e+00> : vector<256xf32>
        %reduce_sum3A_289 = vector.multi_reduction <add>, %exp3A, %reduce_sum3A_288 [1] : vector<256x256xf32> to vector<256xf32>
        %broadcast_in_dim3A_290 = vector.shape_cast %reduce_sum3A_289 : vector<256xf32> to vector<256x1xf32>
        %add3A_291 = arith.addf %while3A_231, %broadcast_in_dim3A_290 : vector<256x1xf32>
        %dot_general3A_292 = arith.constant dense<0.000000e+00> : vector<256x32xf32>
        %dot_general3A_293 = tpu.matmul %exp3A, %slice3A_284, %dot_general3A_292 {dimension_numbers = #tpu.dot_dimension_numbers<[1], [0], [0], [1], [0, 0, 1, 1], [], []>, transpose_lhs_hint = false} : vector<256x256xf32>, vector<256x32xf32>, vector<256x32xf32> -> vector<256x32xf32>
        %add3A_294 = arith.addf %while3A_232, %dot_general3A_293 : vector<256x32xf32>
        %slice3A_295 = vector.extract_strided_slice %mul3A_135 {offsets = [0, 32], sizes = [256, 32], strides = [1, 1]} : vector<256x256xf32> to vector<256x32xf32>
        %slice3A_296 = vector.extract_strided_slice %get3A_251 {offsets = [0, 32], sizes = [256, 32], strides = [1, 1]} : vector<256x256xf32> to vector<256x32xf32>
        %slice3A_297 = vector.extract_strided_slice %get3A_254 {offsets = [0, 32], sizes = [256, 32], strides = [1, 1]} : vector<256x256xf32> to vector<256x32xf32>
        %dot_general3A_298 = arith.constant dense<0.000000e+00> : vector<256x256xf32>
        %dot_general3A_299 = tpu.matmul %slice3A_295, %slice3A_296, %dot_general3A_298 {dimension_numbers = #tpu.dot_dimension_numbers<[1], [1], [0], [0], [0, 0, 1, 0], [], []>, transpose_lhs_hint = false} : vector<256x32xf32>, vector<256x32xf32>, vector<256x256xf32> -> vector<256x256xf32>
        %add3A_300 = arith.addf %dot_general3A_299, %select_n3A : vector<256x256xf32>
        %exp3A_301 = math.exp %add3A_300 : vector<256x256xf32>
        %reduce_sum3A_302 = arith.constant dense<0.000000e+00> : vector<256xf32>
        %reduce_sum3A_303 = vector.multi_reduction <add>, %exp3A_301, %reduce_sum3A_302 [1] : vector<256x256xf32> to vector<256xf32>
        %broadcast_in_dim3A_304 = vector.shape_cast %reduce_sum3A_303 : vector<256xf32> to vector<256x1xf32>
        %add3A_305 = arith.addf %while3A_233, %broadcast_in_dim3A_304 : vector<256x1xf32>
        %dot_general3A_306 = arith.constant dense<0.000000e+00> : vector<256x32xf32>
        %dot_general3A_307 = tpu.matmul %exp3A_301, %slice3A_297, %dot_general3A_306 {dimension_numbers = #tpu.dot_dimension_numbers<[1], [0], [0], [1], [0, 0, 1, 1], [], []>, transpose_lhs_hint = false} : vector<256x256xf32>, vector<256x32xf32>, vector<256x32xf32> -> vector<256x32xf32>
        %add3A_308 = arith.addf %while3A_234, %dot_general3A_307 : vector<256x32xf32>
        %slice3A_309 = vector.extract_strided_slice %mul3A_135 {offsets = [0, 64], sizes = [256, 32], strides = [1, 1]} : vector<256x256xf32> to vector<256x32xf32>
        %slice3A_310 = vector.extract_strided_slice %get3A_251 {offsets = [0, 64], sizes = [256, 32], strides = [1, 1]} : vector<256x256xf32> to vector<256x32xf32>
        %slice3A_311 = vector.extract_strided_slice %get3A_254 {offsets = [0, 64], sizes = [256, 32], strides = [1, 1]} : vector<256x256xf32> to vector<256x32xf32>
        %dot_general3A_312 = arith.constant dense<0.000000e+00> : vector<256x256xf32>
        %dot_general3A_313 = tpu.matmul %slice3A_309, %slice3A_310, %dot_general3A_312 {dimension_numbers = #tpu.dot_dimension_numbers<[1], [1], [0], [0], [0, 0, 1, 0], [], []>, transpose_lhs_hint = false} : vector<256x32xf32>, vector<256x32xf32>, vector<256x256xf32> -> vector<256x256xf32>
        %add3A_314 = arith.addf %dot_general3A_313, %select_n3A : vector<256x256xf32>
        %exp3A_315 = math.exp %add3A_314 : vector<256x256xf32>
        %reduce_sum3A_316 = arith.constant dense<0.000000e+00> : vector<256xf32>
        %reduce_sum3A_317 = vector.multi_reduction <add>, %exp3A_315, %reduce_sum3A_316 [1] : vector<256x256xf32> to vector<256xf32>
        %broadcast_in_dim3A_318 = vector.shape_cast %reduce_sum3A_317 : vector<256xf32> to vector<256x1xf32>
        %add3A_319 = arith.addf %while3A_235, %broadcast_in_dim3A_318 : vector<256x1xf32>
        %dot_general3A_320 = arith.constant dense<0.000000e+00> : vector<256x32xf32>
        %dot_general3A_321 = tpu.matmul %exp3A_315, %slice3A_311, %dot_general3A_320 {dimension_numbers = #tpu.dot_dimension_numbers<[1], [0], [0], [1], [0, 0, 1, 1], [], []>, transpose_lhs_hint = false} : vector<256x256xf32>, vector<256x32xf32>, vector<256x32xf32> -> vector<256x32xf32>
        %add3A_322 = arith.addf %while3A_236, %dot_general3A_321 : vector<256x32xf32>
        %slice3A_323 = vector.extract_strided_slice %mul3A_135 {offsets = [0, 96], sizes = [256, 32], strides = [1, 1]} : vector<256x256xf32> to vector<256x32xf32>
        %slice3A_324 = vector.extract_strided_slice %get3A_251 {offsets = [0, 96], sizes = [256, 32], strides = [1, 1]} : vector<256x256xf32> to vector<256x32xf32>
        %slice3A_325 = vector.extract_strided_slice %get3A_254 {offsets = [0, 96], sizes = [256, 32], strides = [1, 1]} : vector<256x256xf32> to vector<256x32xf32>
        %dot_general3A_326 = arith.constant dense<0.000000e+00> : vector<256x256xf32>
        %dot_general3A_327 = tpu.matmul %slice3A_323, %slice3A_324, %dot_general3A_326 {dimension_numbers = #tpu.dot_dimension_numbers<[1], [1], [0], [0], [0, 0, 1, 0], [], []>, transpose_lhs_hint = false} : vector<256x32xf32>, vector<256x32xf32>, vector<256x256xf32> -> vector<256x256xf32>
        %add3A_328 = arith.addf %dot_general3A_327, %select_n3A : vector<256x256xf32>
        %exp3A_329 = math.exp %add3A_328 : vector<256x256xf32>
        %reduce_sum3A_330 = arith.constant dense<0.000000e+00> : vector<256xf32>
        %reduce_sum3A_331 = vector.multi_reduction <add>, %exp3A_329, %reduce_sum3A_330 [1] : vector<256x256xf32> to vector<256xf32>
        %broadcast_in_dim3A_332 = vector.shape_cast %reduce_sum3A_331 : vector<256xf32> to vector<256x1xf32>
        %add3A_333 = arith.addf %while3A_237, %broadcast_in_dim3A_332 : vector<256x1xf32>
        %dot_general3A_334 = arith.constant dense<0.000000e+00> : vector<256x32xf32>
        %dot_general3A_335 = tpu.matmul %exp3A_329, %slice3A_325, %dot_general3A_334 {dimension_numbers = #tpu.dot_dimension_numbers<[1], [0], [0], [1], [0, 0, 1, 1], [], []>, transpose_lhs_hint = false} : vector<256x256xf32>, vector<256x32xf32>, vector<256x32xf32> -> vector<256x32xf32>
        %add3A_336 = arith.addf %while3A_238, %dot_general3A_335 : vector<256x32xf32>
        %slice3A_337 = vector.extract_strided_slice %mul3A_135 {offsets = [0, 128], sizes = [256, 32], strides = [1, 1]} : vector<256x256xf32> to vector<256x32xf32>
        %slice3A_338 = vector.extract_strided_slice %get3A_251 {offsets = [0, 128], sizes = [256, 32], strides = [1, 1]} : vector<256x256xf32> to vector<256x32xf32>
        %slice3A_339 = vector.extract_strided_slice %get3A_254 {offsets = [0, 128], sizes = [256, 32], strides = [1, 1]} : vector<256x256xf32> to vector<256x32xf32>
        %dot_general3A_340 = arith.constant dense<0.000000e+00> : vector<256x256xf32>
        %dot_general3A_341 = tpu.matmul %slice3A_337, %slice3A_338, %dot_general3A_340 {dimension_numbers = #tpu.dot_dimension_numbers<[1], [1], [0], [0], [0, 0, 1, 0], [], []>, transpose_lhs_hint = false} : vector<256x32xf32>, vector<256x32xf32>, vector<256x256xf32> -> vector<256x256xf32>
        %add3A_342 = arith.addf %dot_general3A_341, %select_n3A : vector<256x256xf32>
        %exp3A_343 = math.exp %add3A_342 : vector<256x256xf32>
        %reduce_sum3A_344 = arith.constant dense<0.000000e+00> : vector<256xf32>
        %reduce_sum3A_345 = vector.multi_reduction <add>, %exp3A_343, %reduce_sum3A_344 [1] : vector<256x256xf32> to vector<256xf32>
        %broadcast_in_dim3A_346 = vector.shape_cast %reduce_sum3A_345 : vector<256xf32> to vector<256x1xf32>
        %add3A_347 = arith.addf %while3A_239, %broadcast_in_dim3A_346 : vector<256x1xf32>
        %dot_general3A_348 = arith.constant dense<0.000000e+00> : vector<256x32xf32>
        %dot_general3A_349 = tpu.matmul %exp3A_343, %slice3A_339, %dot_general3A_348 {dimension_numbers = #tpu.dot_dimension_numbers<[1], [0], [0], [1], [0, 0, 1, 1], [], []>, transpose_lhs_hint = false} : vector<256x256xf32>, vector<256x32xf32>, vector<256x32xf32> -> vector<256x32xf32>
        %add3A_350 = arith.addf %while3A_240, %dot_general3A_349 : vector<256x32xf32>
        %slice3A_351 = vector.extract_strided_slice %mul3A_135 {offsets = [0, 160], sizes = [256, 32], strides = [1, 1]} : vector<256x256xf32> to vector<256x32xf32>
        %slice3A_352 = vector.extract_strided_slice %get3A_251 {offsets = [0, 160], sizes = [256, 32], strides = [1, 1]} : vector<256x256xf32> to vector<256x32xf32>
        %slice3A_353 = vector.extract_strided_slice %get3A_254 {offsets = [0, 160], sizes = [256, 32], strides = [1, 1]} : vector<256x256xf32> to vector<256x32xf32>
        %dot_general3A_354 = arith.constant dense<0.000000e+00> : vector<256x256xf32>
        %dot_general3A_355 = tpu.matmul %slice3A_351, %slice3A_352, %dot_general3A_354 {dimension_numbers = #tpu.dot_dimension_numbers<[1], [1], [0], [0], [0, 0, 1, 0], [], []>, transpose_lhs_hint = false} : vector<256x32xf32>, vector<256x32xf32>, vector<256x256xf32> -> vector<256x256xf32>
        %add3A_356 = arith.addf %dot_general3A_355, %select_n3A : vector<256x256xf32>
        %exp3A_357 = math.exp %add3A_356 : vector<256x256xf32>
        %reduce_sum3A_358 = arith.constant dense<0.000000e+00> : vector<256xf32>
        %reduce_sum3A_359 = vector.multi_reduction <add>, %exp3A_357, %reduce_sum3A_358 [1] : vector<256x256xf32> to vector<256xf32>
        %broadcast_in_dim3A_360 = vector.shape_cast %reduce_sum3A_359 : vector<256xf32> to vector<256x1xf32>
        %add3A_361 = arith.addf %while3A_241, %broadcast_in_dim3A_360 : vector<256x1xf32>
        %dot_general3A_362 = arith.constant dense<0.000000e+00> : vector<256x32xf32>
        %dot_general3A_363 = tpu.matmul %exp3A_357, %slice3A_353, %dot_general3A_362 {dimension_numbers = #tpu.dot_dimension_numbers<[1], [0], [0], [1], [0, 0, 1, 1], [], []>, transpose_lhs_hint = false} : vector<256x256xf32>, vector<256x32xf32>, vector<256x32xf32> -> vector<256x32xf32>
        %add3A_364 = arith.addf %while3A_242, %dot_general3A_363 : vector<256x32xf32>
        %slice3A_365 = vector.extract_strided_slice %mul3A_135 {offsets = [0, 192], sizes = [256, 32], strides = [1, 1]} : vector<256x256xf32> to vector<256x32xf32>
        %slice3A_366 = vector.extract_strided_slice %get3A_251 {offsets = [0, 192], sizes = [256, 32], strides = [1, 1]} : vector<256x256xf32> to vector<256x32xf32>
        %slice3A_367 = vector.extract_strided_slice %get3A_254 {offsets = [0, 192], sizes = [256, 32], strides = [1, 1]} : vector<256x256xf32> to vector<256x32xf32>
        %dot_general3A_368 = arith.constant dense<0.000000e+00> : vector<256x256xf32>
        %dot_general3A_369 = tpu.matmul %slice3A_365, %slice3A_366, %dot_general3A_368 {dimension_numbers = #tpu.dot_dimension_numbers<[1], [1], [0], [0], [0, 0, 1, 0], [], []>, transpose_lhs_hint = false} : vector<256x32xf32>, vector<256x32xf32>, vector<256x256xf32> -> vector<256x256xf32>
        %add3A_370 = arith.addf %dot_general3A_369, %select_n3A : vector<256x256xf32>
        %exp3A_371 = math.exp %add3A_370 : vector<256x256xf32>
        %reduce_sum3A_372 = arith.constant dense<0.000000e+00> : vector<256xf32>
        %reduce_sum3A_373 = vector.multi_reduction <add>, %exp3A_371, %reduce_sum3A_372 [1] : vector<256x256xf32> to vector<256xf32>
        %broadcast_in_dim3A_374 = vector.shape_cast %reduce_sum3A_373 : vector<256xf32> to vector<256x1xf32>
        %add3A_375 = arith.addf %while3A_243, %broadcast_in_dim3A_374 : vector<256x1xf32>
        %dot_general3A_376 = arith.constant dense<0.000000e+00> : vector<256x32xf32>
        %dot_general3A_377 = tpu.matmul %exp3A_371, %slice3A_367, %dot_general3A_376 {dimension_numbers = #tpu.dot_dimension_numbers<[1], [0], [0], [1], [0, 0, 1, 1], [], []>, transpose_lhs_hint = false} : vector<256x256xf32>, vector<256x32xf32>, vector<256x32xf32> -> vector<256x32xf32>
        %add3A_378 = arith.addf %while3A_244, %dot_general3A_377 : vector<256x32xf32>
        %slice3A_379 = vector.extract_strided_slice %mul3A_135 {offsets = [0, 224], sizes = [256, 32], strides = [1, 1]} : vector<256x256xf32> to vector<256x32xf32>
        %slice3A_380 = vector.extract_strided_slice %get3A_251 {offsets = [0, 224], sizes = [256, 32], strides = [1, 1]} : vector<256x256xf32> to vector<256x32xf32>
        %slice3A_381 = vector.extract_strided_slice %get3A_254 {offsets = [0, 224], sizes = [256, 32], strides = [1, 1]} : vector<256x256xf32> to vector<256x32xf32>
        %dot_general3A_382 = arith.constant dense<0.000000e+00> : vector<256x256xf32>
        %dot_general3A_383 = tpu.matmul %slice3A_379, %slice3A_380, %dot_general3A_382 {dimension_numbers = #tpu.dot_dimension_numbers<[1], [1], [0], [0], [0, 0, 1, 0], [], []>, transpose_lhs_hint = false} : vector<256x32xf32>, vector<256x32xf32>, vector<256x256xf32> -> vector<256x256xf32>
        %add3A_384 = arith.addf %dot_general3A_383, %select_n3A : vector<256x256xf32>
        %exp3A_385 = math.exp %add3A_384 : vector<256x256xf32>
        %reduce_sum3A_386 = arith.constant dense<0.000000e+00> : vector<256xf32>
        %reduce_sum3A_387 = vector.multi_reduction <add>, %exp3A_385, %reduce_sum3A_386 [1] : vector<256x256xf32> to vector<256xf32>
        %broadcast_in_dim3A_388 = vector.shape_cast %reduce_sum3A_387 : vector<256xf32> to vector<256x1xf32>
        %add3A_389 = arith.addf %while3A_245, %broadcast_in_dim3A_388 : vector<256x1xf32>
        %dot_general3A_390 = arith.constant dense<0.000000e+00> : vector<256x32xf32>
        %dot_general3A_391 = tpu.matmul %exp3A_385, %slice3A_381, %dot_general3A_390 {dimension_numbers = #tpu.dot_dimension_numbers<[1], [0], [0], [1], [0, 0, 1, 1], [], []>, transpose_lhs_hint = false} : vector<256x256xf32>, vector<256x32xf32>, vector<256x32xf32> -> vector<256x32xf32>
        %add3A_392 = arith.addf %while3A_246, %dot_general3A_391 : vector<256x32xf32>
        scf.yield %add3A_291, %add3A_294, %add3A_305, %add3A_308, %add3A_319, %add3A_322, %add3A_333, %add3A_336, %add3A_347, %add3A_350, %add3A_361, %add3A_364, %add3A_375, %add3A_378, %add3A_389, %add3A_392 : vector<256x1xf32>, vector<256x32xf32>, vector<256x1xf32>, vector<256x32xf32>, vector<256x1xf32>, vector<256x32xf32>, vector<256x1xf32>, vector<256x32xf32>, vector<256x1xf32>, vector<256x32xf32>, vector<256x1xf32>, vector<256x32xf32>, vector<256x1xf32>, vector<256x32xf32>, vector<256x1xf32>, vector<256x32xf32>
      }
      %div3A_192 = vector.broadcast %while3A_191#0 : vector<256x1xf32> to vector<256x32xf32>
      %div3A_193 = arith.divf %while3A_191#1, %div3A_192 : vector<256x32xf32>
      %div3A_194 = vector.broadcast %while3A_191#2 : vector<256x1xf32> to vector<256x32xf32>
      %div3A_195 = arith.divf %while3A_191#3, %div3A_194 : vector<256x32xf32>
      %div3A_196 = vector.broadcast %while3A_191#4 : vector<256x1xf32> to vector<256x32xf32>
      %div3A_197 = arith.divf %while3A_191#5, %div3A_196 : vector<256x32xf32>
      %div3A_198 = vector.broadcast %while3A_191#6 : vector<256x1xf32> to vector<256x32xf32>
      %div3A_199 = arith.divf %while3A_191#7, %div3A_198 : vector<256x32xf32>
      %div3A_200 = vector.broadcast %while3A_191#8 : vector<256x1xf32> to vector<256x32xf32>
      %div3A_201 = arith.divf %while3A_191#9, %div3A_200 : vector<256x32xf32>
      %div3A_202 = vector.broadcast %while3A_191#10 : vector<256x1xf32> to vector<256x32xf32>
      %div3A_203 = arith.divf %while3A_191#11, %div3A_202 : vector<256x32xf32>
      %div3A_204 = vector.broadcast %while3A_191#12 : vector<256x1xf32> to vector<256x32xf32>
      %div3A_205 = arith.divf %while3A_191#13, %div3A_204 : vector<256x32xf32>
      %div3A_206 = vector.broadcast %while3A_191#14 : vector<256x1xf32> to vector<256x32xf32>
      %div3A_207 = arith.divf %while3A_191#15, %div3A_206 : vector<256x32xf32>
      %concatenate3A_208 = tpu.concatenate %div3A_193, %div3A_195, %div3A_197, %div3A_199, %div3A_201, %div3A_203, %div3A_205, %div3A_207 in 1 : vector<256x32xf32>, vector<256x32xf32>, vector<256x32xf32>, vector<256x32xf32>, vector<256x32xf32>, vector<256x32xf32>, vector<256x32xf32>, vector<256x32xf32> -> vector<256x256xf32>
      %get3A_209 = arith.index_cast %mul3A_92 : i32 to index
      %get3A_210 = arith.constant 0 : index
      %get3A_211 = vector.load %arg31[%get3A_209, %get3A_210] : memref<8192x256xf32, #tpu.memory_space<vmem>>, vector<256x256xf32>
      %get3A_212 = arith.constant 2 : index
      %get3A_213 = arith.constant 0 : index
      %get3A_214 = arith.constant 0 : index
      %get3A_215 = vector.load %arg13[%get3A_212, %get3A_213, %get3A_214] : memref<4x256x256xf32, #tpu.memory_space<vmem>>, vector<1x256x256xf32>
      %get3A_216 = vector.shape_cast %get3A_215 : vector<1x256x256xf32> to vector<256x256xf32>
      %dot_general3A_217 = arith.constant dense<0.000000e+00> : vector<256x256xf32>
      %dot_general3A_218 = tpu.matmul %concatenate3A_208, %get3A_216, %dot_general3A_217 {dimension_numbers = #tpu.dot_dimension_numbers<[1], [1], [0], [0], [0, 0, 1, 0], [], []>, transpose_lhs_hint = false} : vector<256x256xf32>, vector<256x256xf32>, vector<256x256xf32> -> vector<256x256xf32>
      %add3A_219 = arith.addf %get3A_211, %dot_general3A_218 : vector<256x256xf32>
      %get3A_220 = arith.constant 2 : index
      %get3A_221 = arith.constant 0 : index
      %get3A_222 = arith.constant 0 : index
      %get3A_223 = vector.load %arg14[%get3A_220, %get3A_221, %get3A_222] : memref<4x1x256xf32, #tpu.memory_space<vmem>>, vector<1x1x256xf32>
      %get3A_224 = vector.shape_cast %get3A_223 : vector<1x1x256xf32> to vector<1x256xf32>
      %add3A_225 = vector.broadcast %get3A_224 : vector<1x256xf32> to vector<256x256xf32>
      %add3A_226 = arith.addf %add3A_219, %add3A_225 : vector<256x256xf32>
      %swap3A_227 = arith.index_cast %mul3A_92 : i32 to index
      %swap3A_228 = arith.constant 0 : index
      %swap3A_229 = vector.load %arg31[%swap3A_227, %swap3A_228] : memref<8192x256xf32, #tpu.memory_space<vmem>>, vector<256x256xf32>
      tpu.vector_store %arg31[%swap3A_227, %swap3A_228], %add3A_226 {strides = array<i32>} : memref<8192x256xf32, #tpu.memory_space<vmem>>, vector<256x256xf32>,
    }
    %scan3A_64 = arith.constant 32 : i32
    %scan3A_65 = arith.constant 0 : i32
    %scan3A_66 = arith.constant 16 : i32
    %scan3A_67 = arith.addi %scan3A_65, %scan3A_66 : i32
    %scan3A_68 = arith.constant 1 : i32
    scf.for %scan3A_90 = %scan3A_65 to %scan3A_67 step %scan3A_68  : i32 {
      %mul3A_91 = arith.constant 512 : i32
      %mul3A_92 = arith.muli %scan3A_90, %mul3A_91 : i32
      %get3A_93 = arith.index_cast %mul3A_92 : i32 to index
      %get3A_94 = arith.constant 0 : index
      %get3A_95 = vector.load %arg31[%get3A_93, %get3A_94] : memref<8192x256xf32, #tpu.memory_space<vmem>>, vector<512x256xf32>
      %get3A_96 = arith.constant 2 : index
      %get3A_97 = arith.constant 0 : index
      %get3A_98 = arith.constant 0 : index
      %get3A_99 = vector.load %arg15[%get3A_96, %get3A_97, %get3A_98] : memref<4x1x256xf32, #tpu.memory_space<vmem>>, vector<1x1x256xf32>
      %get3A_100 = vector.shape_cast %get3A_99 : vector<1x1x256xf32> to vector<1x256xf32>
      %get3A_101 = arith.constant 2 : index
      %get3A_102 = arith.constant 0 : index
      %get3A_103 = arith.constant 0 : index
      %get3A_104 = vector.load %arg16[%get3A_101, %get3A_102, %get3A_103] : memref<4x1x256xf32, #tpu.memory_space<vmem>>, vector<1x1x256xf32>
      %get3A_105 = vector.shape_cast %get3A_104 : vector<1x1x256xf32> to vector<1x256xf32>
      %reduce_sum3A = arith.constant dense<0.000000e+00> : vector<512xf32>
      %reduce_sum3A_106 = vector.multi_reduction <add>, %get3A_95, %reduce_sum3A [1] : vector<512x256xf32> to vector<512xf32>
      %broadcast_in_dim3A_107 = vector.shape_cast %reduce_sum3A_106 : vector<512xf32> to vector<512x1xf32>
      %div3A = arith.constant 2.560000e+02 : f32
      %div3A_108 = vector.broadcast %div3A : f32 to vector<512x1xf32>
      %div3A_109 = arith.divf %broadcast_in_dim3A_107, %div3A_108 : vector<512x1xf32>
      %sub3A = vector.broadcast %div3A_109 : vector<512x1xf32> to vector<512x256xf32>
      %sub3A_110 = arith.subf %get3A_95, %sub3A : vector<512x256xf32>
      %mul3A_111 = arith.mulf %sub3A_110, %sub3A_110 : vector<512x256xf32>
      %reduce_sum3A_112 = arith.constant dense<0.000000e+00> : vector<512xf32>
      %reduce_sum3A_113 = vector.multi_reduction <add>, %mul3A_111, %reduce_sum3A_112 [1] : vector<512x256xf32> to vector<512xf32>
      %broadcast_in_dim3A_114 = vector.shape_cast %reduce_sum3A_113 : vector<512xf32> to vector<512x1xf32>
      %div3A_115 = arith.constant 2.560000e+02 : f32
      %div3A_116 = vector.broadcast %div3A_115 : f32 to vector<512x1xf32>
      %div3A_117 = arith.divf %broadcast_in_dim3A_114, %div3A_116 : vector<512x1xf32>
      %add3A_118 = arith.constant 9.99999974E-6 : f32
      %add3A_119 = vector.broadcast %add3A_118 : f32 to vector<512x1xf32>
      %add3A_120 = arith.addf %div3A_117, %add3A_119 : vector<512x1xf32>
      %sqrt3A = math.sqrt %add3A_120 : vector<512x1xf32>
      %div3A_121 = vector.broadcast %sqrt3A : vector<512x1xf32> to vector<512x256xf32>
      %div3A_122 = arith.divf %sub3A_110, %div3A_121 : vector<512x256xf32>
      %mul3A_123 = vector.broadcast %get3A_100 : vector<1x256xf32> to vector<512x256xf32>
      %mul3A_124 = arith.mulf %div3A_122, %mul3A_123 : vector<512x256xf32>
      %add3A_125 = vector.broadcast %get3A_105 : vector<1x256xf32> to vector<512x256xf32>
      %add3A_126 = arith.addf %mul3A_124, %add3A_125 : vector<512x256xf32>
      %get3A_127 = arith.constant 2 : index
      %get3A_128 = arith.constant 0 : index
      %get3A_129 = arith.constant 0 : index
      %get3A_130 = vector.load %arg17[%get3A_127, %get3A_128, %get3A_129] : memref<4x512x256xf32, #tpu.memory_space<vmem>>, vector<1x512x256xf32>
      %get3A_131 = vector.shape_cast %get3A_130 : vector<1x512x256xf32> to vector<512x256xf32>
      %dot_general3A = arith.constant dense<0.000000e+00> : vector<512x512xf32>
      %dot_general3A_132 = tpu.matmul %add3A_126, %get3A_131, %dot_general3A {dimension_numbers = #tpu.dot_dimension_numbers<[1], [1], [0], [0], [0, 0, 1, 0], [], []>, transpose_lhs_hint = false} : vector<512x256xf32>, vector<512x256xf32>, vector<512x512xf32> -> vector<512x512xf32>
      %get3A_133 = arith.constant 2 : index
      %get3A_134 = arith.constant 0 : index
      %get3A_135 = arith.constant 0 : index
      %get3A_136 = vector.load %arg18[%get3A_133, %get3A_134, %get3A_135] : memref<4x1x512xf32, #tpu.memory_space<vmem>>, vector<1x1x512xf32>
      %get3A_137 = vector.shape_cast %get3A_136 : vector<1x1x512xf32> to vector<1x512xf32>
      %add3A_138 = vector.broadcast %get3A_137 : vector<1x512xf32> to vector<512x512xf32>
      %add3A_139 = arith.addf %dot_general3A_132, %add3A_138 : vector<512x512xf32>
      %max3A = arith.constant 0.000000e+00 : f32
      %max3A_140 = vector.broadcast %max3A : f32 to vector<512x512xf32>
      %max3A_141 = arith.maximumf %add3A_139, %max3A_140 : vector<512x512xf32>
      %get3A_142 = arith.constant 2 : index
      %get3A_143 = arith.constant 0 : index
      %get3A_144 = arith.constant 0 : index
      %get3A_145 = vector.load %arg19[%get3A_142, %get3A_143, %get3A_144] : memref<4x256x512xf32, #tpu.memory_space<vmem>>, vector<1x256x512xf32>
      %get3A_146 = vector.shape_cast %get3A_145 : vector<1x256x512xf32> to vector<256x512xf32>
      %dot_general3A_147 = arith.constant dense<0.000000e+00> : vector<512x256xf32>
      %dot_general3A_148 = tpu.matmul %max3A_141, %get3A_146, %dot_general3A_147 {dimension_numbers = #tpu.dot_dimension_numbers<[1], [1], [0], [0], [0, 0, 1, 0], [], []>, transpose_lhs_hint = false} : vector<512x512xf32>, vector<256x512xf32>, vector<512x256xf32> -> vector<512x256xf32>
      %add3A_149 = arith.addf %get3A_95, %dot_general3A_148 : vector<512x256xf32>
      %get3A_150 = arith.constant 2 : index
      %get3A_151 = arith.constant 0 : index
      %get3A_152 = arith.constant 0 : index
      %get3A_153 = vector.load %arg20[%get3A_150, %get3A_151, %get3A_152] : memref<4x1x256xf32, #tpu.memory_space<vmem>>, vector<1x1x256xf32>
      %get3A_154 = vector.shape_cast %get3A_153 : vector<1x1x256xf32> to vector<1x256xf32>
      %add3A_155 = vector.broadcast %get3A_154 : vector<1x256xf32> to vector<512x256xf32>
      %add3A_156 = arith.addf %add3A_149, %add3A_155 : vector<512x256xf32>
      %swap3A_157 = arith.index_cast %mul3A_92 : i32 to index
      %swap3A_158 = arith.constant 0 : index
      %swap3A_159 = vector.load %arg31[%swap3A_157, %swap3A_158] : memref<8192x256xf32, #tpu.memory_space<vmem>>, vector<512x256xf32>
      tpu.vector_store %arg31[%swap3A_157, %swap3A_158], %add3A_156 {strides = array<i32>} : memref<8192x256xf32, #tpu.memory_space<vmem>>, vector<512x256xf32>,
    }
    %scan3A_69 = arith.constant 16 : i32
    %scan3A_70 = arith.constant 0 : i32
    %scan3A_71 = arith.constant 16 : i32
    %scan3A_72 = arith.addi %scan3A_70, %scan3A_71 : i32
    %scan3A_73 = arith.constant 1 : i32
    scf.for %scan3A_90 = %scan3A_70 to %scan3A_72 step %scan3A_73  : i32 {
      %mul3A_91 = arith.constant 512 : i32
      %mul3A_92 = arith.muli %scan3A_90, %mul3A_91 : i32
      %get3A_93 = arith.index_cast %mul3A_92 : i32 to index
      %get3A_94 = arith.constant 0 : index
      %get3A_95 = vector.load %arg31[%get3A_93, %get3A_94] : memref<8192x256xf32, #tpu.memory_space<vmem>>, vector<512x256xf32>
      %get3A_96 = arith.constant 3 : index
      %get3A_97 = arith.constant 0 : index
      %get3A_98 = arith.constant 0 : index
      %get3A_99 = vector.load %arg8[%get3A_96, %get3A_97, %get3A_98] : memref<4x1x256xf32, #tpu.memory_space<vmem>>, vector<1x1x256xf32>
      %get3A_100 = vector.shape_cast %get3A_99 : vector<1x1x256xf32> to vector<1x256xf32>
      %get3A_101 = arith.constant 3 : index
      %get3A_102 = arith.constant 0 : index
      %get3A_103 = arith.constant 0 : index
      %get3A_104 = vector.load %arg9[%get3A_101, %get3A_102, %get3A_103] : memref<4x1x256xf32, #tpu.memory_space<vmem>>, vector<1x1x256xf32>
      %get3A_105 = vector.shape_cast %get3A_104 : vector<1x1x256xf32> to vector<1x256xf32>
      %reduce_sum3A = arith.constant dense<0.000000e+00> : vector<512xf32>
      %reduce_sum3A_106 = vector.multi_reduction <add>, %get3A_95, %reduce_sum3A [1] : vector<512x256xf32> to vector<512xf32>
      %broadcast_in_dim3A_107 = vector.shape_cast %reduce_sum3A_106 : vector<512xf32> to vector<512x1xf32>
      %div3A = arith.constant 2.560000e+02 : f32
      %div3A_108 = vector.broadcast %div3A : f32 to vector<512x1xf32>
      %div3A_109 = arith.divf %broadcast_in_dim3A_107, %div3A_108 : vector<512x1xf32>
      %sub3A = vector.broadcast %div3A_109 : vector<512x1xf32> to vector<512x256xf32>
      %sub3A_110 = arith.subf %get3A_95, %sub3A : vector<512x256xf32>
      %mul3A_111 = arith.mulf %sub3A_110, %sub3A_110 : vector<512x256xf32>
      %reduce_sum3A_112 = arith.constant dense<0.000000e+00> : vector<512xf32>
      %reduce_sum3A_113 = vector.multi_reduction <add>, %mul3A_111, %reduce_sum3A_112 [1] : vector<512x256xf32> to vector<512xf32>
      %broadcast_in_dim3A_114 = vector.shape_cast %reduce_sum3A_113 : vector<512xf32> to vector<512x1xf32>
      %div3A_115 = arith.constant 2.560000e+02 : f32
      %div3A_116 = vector.broadcast %div3A_115 : f32 to vector<512x1xf32>
      %div3A_117 = arith.divf %broadcast_in_dim3A_114, %div3A_116 : vector<512x1xf32>
      %add3A_118 = arith.constant 9.99999974E-6 : f32
      %add3A_119 = vector.broadcast %add3A_118 : f32 to vector<512x1xf32>
      %add3A_120 = arith.addf %div3A_117, %add3A_119 : vector<512x1xf32>
      %sqrt3A = math.sqrt %add3A_120 : vector<512x1xf32>
      %div3A_121 = vector.broadcast %sqrt3A : vector<512x1xf32> to vector<512x256xf32>
      %div3A_122 = arith.divf %sub3A_110, %div3A_121 : vector<512x256xf32>
      %mul3A_123 = vector.broadcast %get3A_100 : vector<1x256xf32> to vector<512x256xf32>
      %mul3A_124 = arith.mulf %div3A_122, %mul3A_123 : vector<512x256xf32>
      %add3A_125 = vector.broadcast %get3A_105 : vector<1x256xf32> to vector<512x256xf32>
      %add3A_126 = arith.addf %mul3A_124, %add3A_125 : vector<512x256xf32>
      %get3A_127 = arith.constant 3 : index
      %get3A_128 = arith.constant 0 : index
      %get3A_129 = arith.constant 0 : index
      %get3A_130 = vector.load %arg11[%get3A_127, %get3A_128, %get3A_129] : memref<4x256x256xf32, #tpu.memory_space<vmem>>, vector<1x256x256xf32>
      %get3A_131 = vector.shape_cast %get3A_130 : vector<1x256x256xf32> to vector<256x256xf32>
      %dot_general3A = arith.constant dense<0.000000e+00> : vector<512x256xf32>
      %dot_general3A_132 = tpu.matmul %add3A_126, %get3A_131, %dot_general3A {dimension_numbers = #tpu.dot_dimension_numbers<[1], [1], [0], [0], [0, 0, 1, 0], [], []>, transpose_lhs_hint = false} : vector<512x256xf32>, vector<256x256xf32>, vector<512x256xf32> -> vector<512x256xf32>
      %swap3A_133 = arith.index_cast %mul3A_92 : i32 to index
      %swap3A_134 = arith.constant 0 : index
      %swap3A_135 = vector.load %arg32[%swap3A_133, %swap3A_134] : memref<8192x256xf32, #tpu.memory_space<vmem>>, vector<512x256xf32>
      tpu.vector_store %arg32[%swap3A_133, %swap3A_134], %dot_general3A_132 {strides = array<i32>} : memref<8192x256xf32, #tpu.memory_space<vmem>>, vector<512x256xf32>,
      %get3A_136 = arith.constant 3 : index
      %get3A_137 = arith.constant 0 : index
      %get3A_138 = arith.constant 0 : index
      %get3A_139 = vector.load %arg12[%get3A_136, %get3A_137, %get3A_138] : memref<4x256x256xf32, #tpu.memory_space<vmem>>, vector<1x256x256xf32>
      %get3A_140 = vector.shape_cast %get3A_139 : vector<1x256x256xf32> to vector<256x256xf32>
      %dot_general3A_141 = arith.constant dense<0.000000e+00> : vector<512x256xf32>
      %dot_general3A_142 = tpu.matmul %add3A_126, %get3A_140, %dot_general3A_141 {dimension_numbers = #tpu.dot_dimension_numbers<[1], [1], [0], [0], [0, 0, 1, 0], [], []>, transpose_lhs_hint = false} : vector<512x256xf32>, vector<256x256xf32>, vector<512x256xf32> -> vector<512x256xf32>
      %swap3A_143 = arith.index_cast %mul3A_92 : i32 to index
      %swap3A_144 = arith.constant 0 : index
      %swap3A_145 = vector.load %arg33[%swap3A_143, %swap3A_144] : memref<8192x256xf32, #tpu.memory_space<vmem>>, vector<512x256xf32>
      tpu.vector_store %arg33[%swap3A_143, %swap3A_144], %dot_general3A_142 {strides = array<i32>} : memref<8192x256xf32, #tpu.memory_space<vmem>>, vector<512x256xf32>,
    }
    %scan3A_74 = arith.constant 16 : i32
    %scan3A_75 = arith.constant 0 : i32
    %scan3A_76 = arith.constant 32 : i32
    %scan3A_77 = arith.addi %scan3A_75, %scan3A_76 : i32
    %scan3A_78 = arith.constant 1 : i32
    scf.for %scan3A_90 = %scan3A_75 to %scan3A_77 step %scan3A_78  : i32 {
      %mul3A_91 = arith.constant 256 : i32
      %mul3A_92 = arith.muli %scan3A_90, %mul3A_91 : i32
      %get3A_93 = arith.index_cast %mul3A_92 : i32 to index
      %get3A_94 = arith.constant 0 : index
      %get3A_95 = vector.load %arg31[%get3A_93, %get3A_94] : memref<8192x256xf32, #tpu.memory_space<vmem>>, vector<256x256xf32>
      %get3A_96 = arith.constant 3 : index
      %get3A_97 = arith.constant 0 : index
      %get3A_98 = arith.constant 0 : index
      %get3A_99 = vector.load %arg8[%get3A_96, %get3A_97, %get3A_98] : memref<4x1x256xf32, #tpu.memory_space<vmem>>, vector<1x1x256xf32>
      %get3A_100 = vector.shape_cast %get3A_99 : vector<1x1x256xf32> to vector<1x256xf32>
      %get3A_101 = arith.constant 3 : index
      %get3A_102 = arith.constant 0 : index
      %get3A_103 = arith.constant 0 : index
      %get3A_104 = vector.load %arg9[%get3A_101, %get3A_102, %get3A_103] : memref<4x1x256xf32, #tpu.memory_space<vmem>>, vector<1x1x256xf32>
      %get3A_105 = vector.shape_cast %get3A_104 : vector<1x1x256xf32> to vector<1x256xf32>
      %reduce_sum3A = arith.constant dense<0.000000e+00> : vector<256xf32>
      %reduce_sum3A_106 = vector.multi_reduction <add>, %get3A_95, %reduce_sum3A [1] : vector<256x256xf32> to vector<256xf32>
      %broadcast_in_dim3A_107 = vector.shape_cast %reduce_sum3A_106 : vector<256xf32> to vector<256x1xf32>
      %div3A = arith.constant 2.560000e+02 : f32
      %div3A_108 = vector.broadcast %div3A : f32 to vector<256x1xf32>
      %div3A_109 = arith.divf %broadcast_in_dim3A_107, %div3A_108 : vector<256x1xf32>
      %sub3A = vector.broadcast %div3A_109 : vector<256x1xf32> to vector<256x256xf32>
      %sub3A_110 = arith.subf %get3A_95, %sub3A : vector<256x256xf32>
      %mul3A_111 = arith.mulf %sub3A_110, %sub3A_110 : vector<256x256xf32>
      %reduce_sum3A_112 = arith.constant dense<0.000000e+00> : vector<256xf32>
      %reduce_sum3A_113 = vector.multi_reduction <add>, %mul3A_111, %reduce_sum3A_112 [1] : vector<256x256xf32> to vector<256xf32>
      %broadcast_in_dim3A_114 = vector.shape_cast %reduce_sum3A_113 : vector<256xf32> to vector<256x1xf32>
      %div3A_115 = arith.constant 2.560000e+02 : f32
      %div3A_116 = vector.broadcast %div3A_115 : f32 to vector<256x1xf32>
      %div3A_117 = arith.divf %broadcast_in_dim3A_114, %div3A_116 : vector<256x1xf32>
      %add3A_118 = arith.constant 9.99999974E-6 : f32
      %add3A_119 = vector.broadcast %add3A_118 : f32 to vector<256x1xf32>
      %add3A_120 = arith.addf %div3A_117, %add3A_119 : vector<256x1xf32>
      %sqrt3A = math.sqrt %add3A_120 : vector<256x1xf32>
      %div3A_121 = vector.broadcast %sqrt3A : vector<256x1xf32> to vector<256x256xf32>
      %div3A_122 = arith.divf %sub3A_110, %div3A_121 : vector<256x256xf32>
      %mul3A_123 = vector.broadcast %get3A_100 : vector<1x256xf32> to vector<256x256xf32>
      %mul3A_124 = arith.mulf %div3A_122, %mul3A_123 : vector<256x256xf32>
      %add3A_125 = vector.broadcast %get3A_105 : vector<1x256xf32> to vector<256x256xf32>
      %add3A_126 = arith.addf %mul3A_124, %add3A_125 : vector<256x256xf32>
      %get3A_127 = arith.constant 3 : index
      %get3A_128 = arith.constant 0 : index
      %get3A_129 = arith.constant 0 : index
      %get3A_130 = vector.load %arg10[%get3A_127, %get3A_128, %get3A_129] : memref<4x256x256xf32, #tpu.memory_space<vmem>>, vector<1x256x256xf32>
      %get3A_131 = vector.shape_cast %get3A_130 : vector<1x256x256xf32> to vector<256x256xf32>
      %dot_general3A = arith.constant dense<0.000000e+00> : vector<256x256xf32>
      %dot_general3A_132 = tpu.matmul %add3A_126, %get3A_131, %dot_general3A {dimension_numbers = #tpu.dot_dimension_numbers<[1], [1], [0], [0], [0, 0, 1, 0], [], []>, transpose_lhs_hint = false} : vector<256x256xf32>, vector<256x256xf32>, vector<256x256xf32> -> vector<256x256xf32>
      %mul3A_133 = arith.constant 0.176776692 : f32
      %mul3A_134 = vector.broadcast %mul3A_133 : f32 to vector<256x256xf32>
      %mul3A_135 = arith.mulf %dot_general3A_132, %mul3A_134 : vector<256x256xf32>
      %get3A_136 = arith.constant 0 : index
      %get3A_137 = arith.index_cast %mul3A_92 : i32 to index
      %get3A_138 = vector.load %arg34[%get3A_136, %get3A_137] : memref<8x8192xf32, #tpu.memory_space<vmem>>, vector<1x256xf32>
      %reshape3A = vector.shape_cast %get3A_138 : vector<1x256xf32> to vector<256x1xf32>
      %get3A_139 = arith.constant 1 : index
      %get3A_140 = arith.index_cast %mul3A_92 : i32 to index
      %get3A_141 = vector.load %arg34[%get3A_139, %get3A_140] : memref<8x8192xf32, #tpu.memory_space<vmem>>, vector<1x256xf32>
      %reshape3A_142 = vector.shape_cast %get3A_141 : vector<1x256xf32> to vector<256x1xf32>
      %get3A_143 = arith.constant 2 : index
      %get3A_144 = arith.index_cast %mul3A_92 : i32 to index
      %get3A_145 = vector.load %arg34[%get3A_143, %get3A_144] : memref<8x8192xf32, #tpu.memory_space<vmem>>, vector<1x256xf32>
      %reshape3A_146 = vector.shape_cast %get3A_145 : vector<1x256xf32> to vector<256x1xf32>
      %broadcast_in_dim3A_147 = arith.constant 0.000000e+00 : f32
      %broadcast_in_dim3A_148 = vector.broadcast %broadcast_in_dim3A_147 : f32 to vector<256x1xf32>
      %broadcast_in_dim3A_149 = arith.constant 0.000000e+00 : f32
      %broadcast_in_dim3A_150 = vector.broadcast %broadcast_in_dim3A_149 : f32 to vector<256x32xf32>
      %broadcast_in_dim3A_151 = arith.constant 0.000000e+00 : f32
      %broadcast_in_dim3A_152 = vector.broadcast %broadcast_in_dim3A_151 : f32 to vector<256x1xf32>
      %broadcast_in_dim3A_153 = arith.constant 0.000000e+00 : f32
      %broadcast_in_dim3A_154 = vector.broadcast %broadcast_in_dim3A_153 : f32 to vector<256x32xf32>
      %broadcast_in_dim3A_155 = arith.constant 0.000000e+00 : f32
      %broadcast_in_dim3A_156 = vector.broadcast %broadcast_in_dim3A_155 : f32 to vector<256x1xf32>
      %broadcast_in_dim3A_157 = arith.constant 0.000000e+00 : f32
      %broadcast_in_dim3A_158 = vector.broadcast %broadcast_in_dim3A_157 : f32 to vector<256x32xf32>
      %broadcast_in_dim3A_159 = arith.constant 0.000000e+00 : f32
      %broadcast_in_dim3A_160 = vector.broadcast %broadcast_in_dim3A_159 : f32 to vector<256x1xf32>
      %broadcast_in_dim3A_161 = arith.constant 0.000000e+00 : f32
      %broadcast_in_dim3A_162 = vector.broadcast %broadcast_in_dim3A_161 : f32 to vector<256x32xf32>
      %broadcast_in_dim3A_163 = arith.constant 0.000000e+00 : f32
      %broadcast_in_dim3A_164 = vector.broadcast %broadcast_in_dim3A_163 : f32 to vector<256x1xf32>
      %broadcast_in_dim3A_165 = arith.constant 0.000000e+00 : f32
      %broadcast_in_dim3A_166 = vector.broadcast %broadcast_in_dim3A_165 : f32 to vector<256x32xf32>
      %broadcast_in_dim3A_167 = arith.constant 0.000000e+00 : f32
      %broadcast_in_dim3A_168 = vector.broadcast %broadcast_in_dim3A_167 : f32 to vector<256x1xf32>
      %broadcast_in_dim3A_169 = arith.constant 0.000000e+00 : f32
      %broadcast_in_dim3A_170 = vector.broadcast %broadcast_in_dim3A_169 : f32 to vector<256x32xf32>
      %broadcast_in_dim3A_171 = arith.constant 0.000000e+00 : f32
      %broadcast_in_dim3A_172 = vector.broadcast %broadcast_in_dim3A_171 : f32 to vector<256x1xf32>
      %broadcast_in_dim3A_173 = arith.constant 0.000000e+00 : f32
      %broadcast_in_dim3A_174 = vector.broadcast %broadcast_in_dim3A_173 : f32 to vector<256x32xf32>
      %broadcast_in_dim3A_175 = arith.constant 0.000000e+00 : f32
      %broadcast_in_dim3A_176 = vector.broadcast %broadcast_in_dim3A_175 : f32 to vector<256x1xf32>
      %broadcast_in_dim3A_177 = arith.constant 0.000000e+00 : f32
      %broadcast_in_dim3A_178 = vector.broadcast %broadcast_in_dim3A_177 : f32 to vector<256x32xf32>
      %get3A_179 = arith.index_cast %scan3A_90 : i32 to index
      %get3A_180 = memref.load %arg1[%get3A_179] : memref<32xi32, #tpu.memory_space<smem>>
      %get3A_181 = arith.index_cast %scan3A_90 : i32 to index
      %get3A_182 = memref.load %arg2[%get3A_181] : memref<32xi32, #tpu.memory_space<smem>>
      %while3A = arith.subi %get3A_182, %get3A_180 : i32
      %while3A_183 = arith.addi %get3A_180, %while3A : i32
      %while3A_184 = arith.constant 1 : i32
      %while3A_185 = arith.divsi %while3A, %while3A_184 : i32
      %while3A_186 = arith.muli %while3A_185, %while3A_184 : i32
      %while3A_187 = arith.addi %get3A_180, %while3A_186 : i32
      %while3A_188 = arith.constant 1 : i32
      %while3A_189:16 = scf.for %while3A_230 = %get3A_180 to %while3A_187 step %while3A_188 iter_args(%while3A_231 = %broadcast_in_dim3A_148, %while3A_232 = %broadcast_in_dim3A_150, %while3A_233 = %broadcast_in_dim3A_152, %while3A_234 = %broadcast_in_dim3A_154, %while3A_235 = %broadcast_in_dim3A_156, %while3A_236 = %broadcast_in_dim3A_158, %while3A_237 = %broadcast_in_dim3A_160, %while3A_238 = %broadcast_in_dim3A_162, %while3A_239 = %broadcast_in_dim3A_164, %while3A_240 = %broadcast_in_dim3A_166, %while3A_241 = %broadcast_in_dim3A_168, %while3A_242 = %broadcast_in_dim3A_170, %while3A_243 = %broadcast_in_dim3A_172, %while3A_244 = %broadcast_in_dim3A_174, %while3A_245 = %broadcast_in_dim3A_176, %while3A_246 = %broadcast_in_dim3A_178) -> (vector<256x1xf32>, vector<256x32xf32>, vector<256x1xf32>, vector<256x32xf32>, vector<256x1xf32>, vector<256x32xf32>, vector<256x1xf32>, vector<256x32xf32>, vector<256x1xf32>, vector<256x32xf32>, vector<256x1xf32>, vector<256x32xf32>, vector<256x1xf32>, vector<256x32xf32>, vector<256x1xf32>, vector<256x32xf32>)  : i32 {
        %mul3A_247 = arith.constant 256 : i32
        %mul3A_248 = arith.muli %while3A_230, %mul3A_247 : i32
        %get3A_249 = arith.index_cast %mul3A_248 : i32 to index
        %get3A_250 = arith.constant 0 : index
        %get3A_251 = vector.load %arg32[%get3A_249, %get3A_250] : memref<8192x256xf32, #tpu.memory_space<vmem>>, vector<256x256xf32>
        %get3A_252 = arith.index_cast %mul3A_248 : i32 to index
        %get3A_253 = arith.constant 0 : index
        %get3A_254 = vector.load %arg33[%get3A_252, %get3A_253] : memref<8192x256xf32, #tpu.memory_space<vmem>>, vector<256x256xf32>
        %get3A_255 = arith.constant 0 : index
        %get3A_256 = arith.index_cast %mul3A_248 : i32 to index
        %get3A_257 = vector.load %arg34[%get3A_255, %get3A_256] : memref<8x8192xf32, #tpu.memory_space<vmem>>, vector<1x256xf32>
        %sub3A_258 = vector.broadcast %reshape3A : vector<256x1xf32> to vector<256x256xf32>
        %sub3A_259 = vector.broadcast %get3A_257 : vector<1x256xf32> to vector<256x256xf32>
        %sub3A_260 = arith.subf %sub3A_258, %sub3A_259 : vector<256x256xf32>
        %get3A_261 = arith.constant 1 : index
        %get3A_262 = arith.index_cast %mul3A_248 : i32 to index
        %get3A_263 = vector.load %arg34[%get3A_261, %get3A_262] : memref<8x8192xf32, #tpu.memory_space<vmem>>, vector<1x256xf32>
        %sub3A_264 = vector.broadcast %reshape3A_142 : vector<256x1xf32> to vector<256x256xf32>
        %sub3A_265 = vector.broadcast %get3A_263 : vector<1x256xf32> to vector<256x256xf32>
        %sub3A_266 = arith.subf %sub3A_264, %sub3A_265 : vector<256x256xf32>
        %abs3A = math.absf %sub3A_266 : vector<256x256xf32>
        %sub3A_267 = arith.constant 6.28318548 : f32
        %sub3A_268 = vector.broadcast %sub3A_267 : f32 to vector<256x256xf32>
        %sub3A_269 = arith.subf %sub3A_268, %abs3A : vector<256x256xf32>
        %min3A = arith.minimumf %abs3A, %sub3A_269 : vector<256x256xf32>
        %mul3A_270 = arith.mulf %sub3A_260, %sub3A_260 : vector<256x256xf32>
        %mul3A_271 = arith.mulf %min3A, %min3A : vector<256x256xf32>
        %add3A_272 = arith.addf %mul3A_270, %mul3A_271 : vector<256x256xf32>
        %get3A_273 = arith.constant 2 : index
        %get3A_274 = arith.index_cast %mul3A_248 : i32 to index
        %get3A_275 = vector.load %arg34[%get3A_273, %get3A_274] : memref<8x8192xf32, #tpu.memory_space<vmem>>, vector<1x256xf32>
        %eq3A = vector.broadcast %reshape3A_146 : vector<256x1xf32> to vector<256x256xf32>
        %eq3A_276 = vector.broadcast %get3A_275 : vector<1x256xf32> to vector<256x256xf32>
        %eq3A_277 = arith.cmpf oeq, %eq3A, %eq3A_276 : vector<256x256xf32>
        %le3A = arith.constant 4.000000e-02 : f32
        %le3A_278 = vector.broadcast %le3A : f32 to vector<256x256xf32>
        %le3A_279 = arith.cmpf ole, %add3A_272, %le3A_278 : vector<256x256xf32>
        %and3A = arith.andi %eq3A_277, %le3A_279 : vector<256x256xi1>
        %jit3A = arith.constant 0.000000e+00 : f32
        %jit3A_280 = arith.constant -1.000000e+30 : f32
        %broadcast_in_dim3A_281 = vector.broadcast %jit3A : f32 to vector<256x256xf32>
        %broadcast_in_dim3A_282 = vector.broadcast %jit3A_280 : f32 to vector<256x256xf32>
        %select_n3A = arith.select %and3A, %broadcast_in_dim3A_281, %broadcast_in_dim3A_282 : vector<256x256xi1>, vector<256x256xf32>
        %slice3A = vector.extract_strided_slice %mul3A_135 {offsets = [0, 0], sizes = [256, 32], strides = [1, 1]} : vector<256x256xf32> to vector<256x32xf32>
        %slice3A_283 = vector.extract_strided_slice %get3A_251 {offsets = [0, 0], sizes = [256, 32], strides = [1, 1]} : vector<256x256xf32> to vector<256x32xf32>
        %slice3A_284 = vector.extract_strided_slice %get3A_254 {offsets = [0, 0], sizes = [256, 32], strides = [1, 1]} : vector<256x256xf32> to vector<256x32xf32>
        %dot_general3A_285 = arith.constant dense<0.000000e+00> : vector<256x256xf32>
        %dot_general3A_286 = tpu.matmul %slice3A, %slice3A_283, %dot_general3A_285 {dimension_numbers = #tpu.dot_dimension_numbers<[1], [1], [0], [0], [0, 0, 1, 0], [], []>, transpose_lhs_hint = false} : vector<256x32xf32>, vector<256x32xf32>, vector<256x256xf32> -> vector<256x256xf32>
        %add3A_287 = arith.addf %dot_general3A_286, %select_n3A : vector<256x256xf32>
        %exp3A = math.exp %add3A_287 : vector<256x256xf32>
        %reduce_sum3A_288 = arith.constant dense<0.000000e+00> : vector<256xf32>
        %reduce_sum3A_289 = vector.multi_reduction <add>, %exp3A, %reduce_sum3A_288 [1] : vector<256x256xf32> to vector<256xf32>
        %broadcast_in_dim3A_290 = vector.shape_cast %reduce_sum3A_289 : vector<256xf32> to vector<256x1xf32>
        %add3A_291 = arith.addf %while3A_231, %broadcast_in_dim3A_290 : vector<256x1xf32>
        %dot_general3A_292 = arith.constant dense<0.000000e+00> : vector<256x32xf32>
        %dot_general3A_293 = tpu.matmul %exp3A, %slice3A_284, %dot_general3A_292 {dimension_numbers = #tpu.dot_dimension_numbers<[1], [0], [0], [1], [0, 0, 1, 1], [], []>, transpose_lhs_hint = false} : vector<256x256xf32>, vector<256x32xf32>, vector<256x32xf32> -> vector<256x32xf32>
        %add3A_294 = arith.addf %while3A_232, %dot_general3A_293 : vector<256x32xf32>
        %slice3A_295 = vector.extract_strided_slice %mul3A_135 {offsets = [0, 32], sizes = [256, 32], strides = [1, 1]} : vector<256x256xf32> to vector<256x32xf32>
        %slice3A_296 = vector.extract_strided_slice %get3A_251 {offsets = [0, 32], sizes = [256, 32], strides = [1, 1]} : vector<256x256xf32> to vector<256x32xf32>
        %slice3A_297 = vector.extract_strided_slice %get3A_254 {offsets = [0, 32], sizes = [256, 32], strides = [1, 1]} : vector<256x256xf32> to vector<256x32xf32>
        %dot_general3A_298 = arith.constant dense<0.000000e+00> : vector<256x256xf32>
        %dot_general3A_299 = tpu.matmul %slice3A_295, %slice3A_296, %dot_general3A_298 {dimension_numbers = #tpu.dot_dimension_numbers<[1], [1], [0], [0], [0, 0, 1, 0], [], []>, transpose_lhs_hint = false} : vector<256x32xf32>, vector<256x32xf32>, vector<256x256xf32> -> vector<256x256xf32>
        %add3A_300 = arith.addf %dot_general3A_299, %select_n3A : vector<256x256xf32>
        %exp3A_301 = math.exp %add3A_300 : vector<256x256xf32>
        %reduce_sum3A_302 = arith.constant dense<0.000000e+00> : vector<256xf32>
        %reduce_sum3A_303 = vector.multi_reduction <add>, %exp3A_301, %reduce_sum3A_302 [1] : vector<256x256xf32> to vector<256xf32>
        %broadcast_in_dim3A_304 = vector.shape_cast %reduce_sum3A_303 : vector<256xf32> to vector<256x1xf32>
        %add3A_305 = arith.addf %while3A_233, %broadcast_in_dim3A_304 : vector<256x1xf32>
        %dot_general3A_306 = arith.constant dense<0.000000e+00> : vector<256x32xf32>
        %dot_general3A_307 = tpu.matmul %exp3A_301, %slice3A_297, %dot_general3A_306 {dimension_numbers = #tpu.dot_dimension_numbers<[1], [0], [0], [1], [0, 0, 1, 1], [], []>, transpose_lhs_hint = false} : vector<256x256xf32>, vector<256x32xf32>, vector<256x32xf32> -> vector<256x32xf32>
        %add3A_308 = arith.addf %while3A_234, %dot_general3A_307 : vector<256x32xf32>
        %slice3A_309 = vector.extract_strided_slice %mul3A_135 {offsets = [0, 64], sizes = [256, 32], strides = [1, 1]} : vector<256x256xf32> to vector<256x32xf32>
        %slice3A_310 = vector.extract_strided_slice %get3A_251 {offsets = [0, 64], sizes = [256, 32], strides = [1, 1]} : vector<256x256xf32> to vector<256x32xf32>
        %slice3A_311 = vector.extract_strided_slice %get3A_254 {offsets = [0, 64], sizes = [256, 32], strides = [1, 1]} : vector<256x256xf32> to vector<256x32xf32>
        %dot_general3A_312 = arith.constant dense<0.000000e+00> : vector<256x256xf32>
        %dot_general3A_313 = tpu.matmul %slice3A_309, %slice3A_310, %dot_general3A_312 {dimension_numbers = #tpu.dot_dimension_numbers<[1], [1], [0], [0], [0, 0, 1, 0], [], []>, transpose_lhs_hint = false} : vector<256x32xf32>, vector<256x32xf32>, vector<256x256xf32> -> vector<256x256xf32>
        %add3A_314 = arith.addf %dot_general3A_313, %select_n3A : vector<256x256xf32>
        %exp3A_315 = math.exp %add3A_314 : vector<256x256xf32>
        %reduce_sum3A_316 = arith.constant dense<0.000000e+00> : vector<256xf32>
        %reduce_sum3A_317 = vector.multi_reduction <add>, %exp3A_315, %reduce_sum3A_316 [1] : vector<256x256xf32> to vector<256xf32>
        %broadcast_in_dim3A_318 = vector.shape_cast %reduce_sum3A_317 : vector<256xf32> to vector<256x1xf32>
        %add3A_319 = arith.addf %while3A_235, %broadcast_in_dim3A_318 : vector<256x1xf32>
        %dot_general3A_320 = arith.constant dense<0.000000e+00> : vector<256x32xf32>
        %dot_general3A_321 = tpu.matmul %exp3A_315, %slice3A_311, %dot_general3A_320 {dimension_numbers = #tpu.dot_dimension_numbers<[1], [0], [0], [1], [0, 0, 1, 1], [], []>, transpose_lhs_hint = false} : vector<256x256xf32>, vector<256x32xf32>, vector<256x32xf32> -> vector<256x32xf32>
        %add3A_322 = arith.addf %while3A_236, %dot_general3A_321 : vector<256x32xf32>
        %slice3A_323 = vector.extract_strided_slice %mul3A_135 {offsets = [0, 96], sizes = [256, 32], strides = [1, 1]} : vector<256x256xf32> to vector<256x32xf32>
        %slice3A_324 = vector.extract_strided_slice %get3A_251 {offsets = [0, 96], sizes = [256, 32], strides = [1, 1]} : vector<256x256xf32> to vector<256x32xf32>
        %slice3A_325 = vector.extract_strided_slice %get3A_254 {offsets = [0, 96], sizes = [256, 32], strides = [1, 1]} : vector<256x256xf32> to vector<256x32xf32>
        %dot_general3A_326 = arith.constant dense<0.000000e+00> : vector<256x256xf32>
        %dot_general3A_327 = tpu.matmul %slice3A_323, %slice3A_324, %dot_general3A_326 {dimension_numbers = #tpu.dot_dimension_numbers<[1], [1], [0], [0], [0, 0, 1, 0], [], []>, transpose_lhs_hint = false} : vector<256x32xf32>, vector<256x32xf32>, vector<256x256xf32> -> vector<256x256xf32>
        %add3A_328 = arith.addf %dot_general3A_327, %select_n3A : vector<256x256xf32>
        %exp3A_329 = math.exp %add3A_328 : vector<256x256xf32>
        %reduce_sum3A_330 = arith.constant dense<0.000000e+00> : vector<256xf32>
        %reduce_sum3A_331 = vector.multi_reduction <add>, %exp3A_329, %reduce_sum3A_330 [1] : vector<256x256xf32> to vector<256xf32>
        %broadcast_in_dim3A_332 = vector.shape_cast %reduce_sum3A_331 : vector<256xf32> to vector<256x1xf32>
        %add3A_333 = arith.addf %while3A_237, %broadcast_in_dim3A_332 : vector<256x1xf32>
        %dot_general3A_334 = arith.constant dense<0.000000e+00> : vector<256x32xf32>
        %dot_general3A_335 = tpu.matmul %exp3A_329, %slice3A_325, %dot_general3A_334 {dimension_numbers = #tpu.dot_dimension_numbers<[1], [0], [0], [1], [0, 0, 1, 1], [], []>, transpose_lhs_hint = false} : vector<256x256xf32>, vector<256x32xf32>, vector<256x32xf32> -> vector<256x32xf32>
        %add3A_336 = arith.addf %while3A_238, %dot_general3A_335 : vector<256x32xf32>
        %slice3A_337 = vector.extract_strided_slice %mul3A_135 {offsets = [0, 128], sizes = [256, 32], strides = [1, 1]} : vector<256x256xf32> to vector<256x32xf32>
        %slice3A_338 = vector.extract_strided_slice %get3A_251 {offsets = [0, 128], sizes = [256, 32], strides = [1, 1]} : vector<256x256xf32> to vector<256x32xf32>
        %slice3A_339 = vector.extract_strided_slice %get3A_254 {offsets = [0, 128], sizes = [256, 32], strides = [1, 1]} : vector<256x256xf32> to vector<256x32xf32>
        %dot_general3A_340 = arith.constant dense<0.000000e+00> : vector<256x256xf32>
        %dot_general3A_341 = tpu.matmul %slice3A_337, %slice3A_338, %dot_general3A_340 {dimension_numbers = #tpu.dot_dimension_numbers<[1], [1], [0], [0], [0, 0, 1, 0], [], []>, transpose_lhs_hint = false} : vector<256x32xf32>, vector<256x32xf32>, vector<256x256xf32> -> vector<256x256xf32>
        %add3A_342 = arith.addf %dot_general3A_341, %select_n3A : vector<256x256xf32>
        %exp3A_343 = math.exp %add3A_342 : vector<256x256xf32>
        %reduce_sum3A_344 = arith.constant dense<0.000000e+00> : vector<256xf32>
        %reduce_sum3A_345 = vector.multi_reduction <add>, %exp3A_343, %reduce_sum3A_344 [1] : vector<256x256xf32> to vector<256xf32>
        %broadcast_in_dim3A_346 = vector.shape_cast %reduce_sum3A_345 : vector<256xf32> to vector<256x1xf32>
        %add3A_347 = arith.addf %while3A_239, %broadcast_in_dim3A_346 : vector<256x1xf32>
        %dot_general3A_348 = arith.constant dense<0.000000e+00> : vector<256x32xf32>
        %dot_general3A_349 = tpu.matmul %exp3A_343, %slice3A_339, %dot_general3A_348 {dimension_numbers = #tpu.dot_dimension_numbers<[1], [0], [0], [1], [0, 0, 1, 1], [], []>, transpose_lhs_hint = false} : vector<256x256xf32>, vector<256x32xf32>, vector<256x32xf32> -> vector<256x32xf32>
        %add3A_350 = arith.addf %while3A_240, %dot_general3A_349 : vector<256x32xf32>
        %slice3A_351 = vector.extract_strided_slice %mul3A_135 {offsets = [0, 160], sizes = [256, 32], strides = [1, 1]} : vector<256x256xf32> to vector<256x32xf32>
        %slice3A_352 = vector.extract_strided_slice %get3A_251 {offsets = [0, 160], sizes = [256, 32], strides = [1, 1]} : vector<256x256xf32> to vector<256x32xf32>
        %slice3A_353 = vector.extract_strided_slice %get3A_254 {offsets = [0, 160], sizes = [256, 32], strides = [1, 1]} : vector<256x256xf32> to vector<256x32xf32>
        %dot_general3A_354 = arith.constant dense<0.000000e+00> : vector<256x256xf32>
        %dot_general3A_355 = tpu.matmul %slice3A_351, %slice3A_352, %dot_general3A_354 {dimension_numbers = #tpu.dot_dimension_numbers<[1], [1], [0], [0], [0, 0, 1, 0], [], []>, transpose_lhs_hint = false} : vector<256x32xf32>, vector<256x32xf32>, vector<256x256xf32> -> vector<256x256xf32>
        %add3A_356 = arith.addf %dot_general3A_355, %select_n3A : vector<256x256xf32>
        %exp3A_357 = math.exp %add3A_356 : vector<256x256xf32>
        %reduce_sum3A_358 = arith.constant dense<0.000000e+00> : vector<256xf32>
        %reduce_sum3A_359 = vector.multi_reduction <add>, %exp3A_357, %reduce_sum3A_358 [1] : vector<256x256xf32> to vector<256xf32>
        %broadcast_in_dim3A_360 = vector.shape_cast %reduce_sum3A_359 : vector<256xf32> to vector<256x1xf32>
        %add3A_361 = arith.addf %while3A_241, %broadcast_in_dim3A_360 : vector<256x1xf32>
        %dot_general3A_362 = arith.constant dense<0.000000e+00> : vector<256x32xf32>
        %dot_general3A_363 = tpu.matmul %exp3A_357, %slice3A_353, %dot_general3A_362 {dimension_numbers = #tpu.dot_dimension_numbers<[1], [0], [0], [1], [0, 0, 1, 1], [], []>, transpose_lhs_hint = false} : vector<256x256xf32>, vector<256x32xf32>, vector<256x32xf32> -> vector<256x32xf32>
        %add3A_364 = arith.addf %while3A_242, %dot_general3A_363 : vector<256x32xf32>
        %slice3A_365 = vector.extract_strided_slice %mul3A_135 {offsets = [0, 192], sizes = [256, 32], strides = [1, 1]} : vector<256x256xf32> to vector<256x32xf32>
        %slice3A_366 = vector.extract_strided_slice %get3A_251 {offsets = [0, 192], sizes = [256, 32], strides = [1, 1]} : vector<256x256xf32> to vector<256x32xf32>
        %slice3A_367 = vector.extract_strided_slice %get3A_254 {offsets = [0, 192], sizes = [256, 32], strides = [1, 1]} : vector<256x256xf32> to vector<256x32xf32>
        %dot_general3A_368 = arith.constant dense<0.000000e+00> : vector<256x256xf32>
        %dot_general3A_369 = tpu.matmul %slice3A_365, %slice3A_366, %dot_general3A_368 {dimension_numbers = #tpu.dot_dimension_numbers<[1], [1], [0], [0], [0, 0, 1, 0], [], []>, transpose_lhs_hint = false} : vector<256x32xf32>, vector<256x32xf32>, vector<256x256xf32> -> vector<256x256xf32>
        %add3A_370 = arith.addf %dot_general3A_369, %select_n3A : vector<256x256xf32>
        %exp3A_371 = math.exp %add3A_370 : vector<256x256xf32>
        %reduce_sum3A_372 = arith.constant dense<0.000000e+00> : vector<256xf32>
        %reduce_sum3A_373 = vector.multi_reduction <add>, %exp3A_371, %reduce_sum3A_372 [1] : vector<256x256xf32> to vector<256xf32>
        %broadcast_in_dim3A_374 = vector.shape_cast %reduce_sum3A_373 : vector<256xf32> to vector<256x1xf32>
        %add3A_375 = arith.addf %while3A_243, %broadcast_in_dim3A_374 : vector<256x1xf32>
        %dot_general3A_376 = arith.constant dense<0.000000e+00> : vector<256x32xf32>
        %dot_general3A_377 = tpu.matmul %exp3A_371, %slice3A_367, %dot_general3A_376 {dimension_numbers = #tpu.dot_dimension_numbers<[1], [0], [0], [1], [0, 0, 1, 1], [], []>, transpose_lhs_hint = false} : vector<256x256xf32>, vector<256x32xf32>, vector<256x32xf32> -> vector<256x32xf32>
        %add3A_378 = arith.addf %while3A_244, %dot_general3A_377 : vector<256x32xf32>
        %slice3A_379 = vector.extract_strided_slice %mul3A_135 {offsets = [0, 224], sizes = [256, 32], strides = [1, 1]} : vector<256x256xf32> to vector<256x32xf32>
        %slice3A_380 = vector.extract_strided_slice %get3A_251 {offsets = [0, 224], sizes = [256, 32], strides = [1, 1]} : vector<256x256xf32> to vector<256x32xf32>
        %slice3A_381 = vector.extract_strided_slice %get3A_254 {offsets = [0, 224], sizes = [256, 32], strides = [1, 1]} : vector<256x256xf32> to vector<256x32xf32>
        %dot_general3A_382 = arith.constant dense<0.000000e+00> : vector<256x256xf32>
        %dot_general3A_383 = tpu.matmul %slice3A_379, %slice3A_380, %dot_general3A_382 {dimension_numbers = #tpu.dot_dimension_numbers<[1], [1], [0], [0], [0, 0, 1, 0], [], []>, transpose_lhs_hint = false} : vector<256x32xf32>, vector<256x32xf32>, vector<256x256xf32> -> vector<256x256xf32>
        %add3A_384 = arith.addf %dot_general3A_383, %select_n3A : vector<256x256xf32>
        %exp3A_385 = math.exp %add3A_384 : vector<256x256xf32>
        %reduce_sum3A_386 = arith.constant dense<0.000000e+00> : vector<256xf32>
        %reduce_sum3A_387 = vector.multi_reduction <add>, %exp3A_385, %reduce_sum3A_386 [1] : vector<256x256xf32> to vector<256xf32>
        %broadcast_in_dim3A_388 = vector.shape_cast %reduce_sum3A_387 : vector<256xf32> to vector<256x1xf32>
        %add3A_389 = arith.addf %while3A_245, %broadcast_in_dim3A_388 : vector<256x1xf32>
        %dot_general3A_390 = arith.constant dense<0.000000e+00> : vector<256x32xf32>
        %dot_general3A_391 = tpu.matmul %exp3A_385, %slice3A_381, %dot_general3A_390 {dimension_numbers = #tpu.dot_dimension_numbers<[1], [0], [0], [1], [0, 0, 1, 1], [], []>, transpose_lhs_hint = false} : vector<256x256xf32>, vector<256x32xf32>, vector<256x32xf32> -> vector<256x32xf32>
        %add3A_392 = arith.addf %while3A_246, %dot_general3A_391 : vector<256x32xf32>
        scf.yield %add3A_291, %add3A_294, %add3A_305, %add3A_308, %add3A_319, %add3A_322, %add3A_333, %add3A_336, %add3A_347, %add3A_350, %add3A_361, %add3A_364, %add3A_375, %add3A_378, %add3A_389, %add3A_392 : vector<256x1xf32>, vector<256x32xf32>, vector<256x1xf32>, vector<256x32xf32>, vector<256x1xf32>, vector<256x32xf32>, vector<256x1xf32>, vector<256x32xf32>, vector<256x1xf32>, vector<256x32xf32>, vector<256x1xf32>, vector<256x32xf32>, vector<256x1xf32>, vector<256x32xf32>, vector<256x1xf32>, vector<256x32xf32>
      }
      %while3A_190 = arith.constant 1 : i32
      %while3A_191:16 = scf.for %while3A_230 = %while3A_187 to %while3A_183 step %while3A_190 iter_args(%while3A_231 = %while3A_189#0, %while3A_232 = %while3A_189#1, %while3A_233 = %while3A_189#2, %while3A_234 = %while3A_189#3, %while3A_235 = %while3A_189#4, %while3A_236 = %while3A_189#5, %while3A_237 = %while3A_189#6, %while3A_238 = %while3A_189#7, %while3A_239 = %while3A_189#8, %while3A_240 = %while3A_189#9, %while3A_241 = %while3A_189#10, %while3A_242 = %while3A_189#11, %while3A_243 = %while3A_189#12, %while3A_244 = %while3A_189#13, %while3A_245 = %while3A_189#14, %while3A_246 = %while3A_189#15) -> (vector<256x1xf32>, vector<256x32xf32>, vector<256x1xf32>, vector<256x32xf32>, vector<256x1xf32>, vector<256x32xf32>, vector<256x1xf32>, vector<256x32xf32>, vector<256x1xf32>, vector<256x32xf32>, vector<256x1xf32>, vector<256x32xf32>, vector<256x1xf32>, vector<256x32xf32>, vector<256x1xf32>, vector<256x32xf32>)  : i32 {
        %mul3A_247 = arith.constant 256 : i32
        %mul3A_248 = arith.muli %while3A_230, %mul3A_247 : i32
        %get3A_249 = arith.index_cast %mul3A_248 : i32 to index
        %get3A_250 = arith.constant 0 : index
        %get3A_251 = vector.load %arg32[%get3A_249, %get3A_250] : memref<8192x256xf32, #tpu.memory_space<vmem>>, vector<256x256xf32>
        %get3A_252 = arith.index_cast %mul3A_248 : i32 to index
        %get3A_253 = arith.constant 0 : index
        %get3A_254 = vector.load %arg33[%get3A_252, %get3A_253] : memref<8192x256xf32, #tpu.memory_space<vmem>>, vector<256x256xf32>
        %get3A_255 = arith.constant 0 : index
        %get3A_256 = arith.index_cast %mul3A_248 : i32 to index
        %get3A_257 = vector.load %arg34[%get3A_255, %get3A_256] : memref<8x8192xf32, #tpu.memory_space<vmem>>, vector<1x256xf32>
        %sub3A_258 = vector.broadcast %reshape3A : vector<256x1xf32> to vector<256x256xf32>
        %sub3A_259 = vector.broadcast %get3A_257 : vector<1x256xf32> to vector<256x256xf32>
        %sub3A_260 = arith.subf %sub3A_258, %sub3A_259 : vector<256x256xf32>
        %get3A_261 = arith.constant 1 : index
        %get3A_262 = arith.index_cast %mul3A_248 : i32 to index
        %get3A_263 = vector.load %arg34[%get3A_261, %get3A_262] : memref<8x8192xf32, #tpu.memory_space<vmem>>, vector<1x256xf32>
        %sub3A_264 = vector.broadcast %reshape3A_142 : vector<256x1xf32> to vector<256x256xf32>
        %sub3A_265 = vector.broadcast %get3A_263 : vector<1x256xf32> to vector<256x256xf32>
        %sub3A_266 = arith.subf %sub3A_264, %sub3A_265 : vector<256x256xf32>
        %abs3A = math.absf %sub3A_266 : vector<256x256xf32>
        %sub3A_267 = arith.constant 6.28318548 : f32
        %sub3A_268 = vector.broadcast %sub3A_267 : f32 to vector<256x256xf32>
        %sub3A_269 = arith.subf %sub3A_268, %abs3A : vector<256x256xf32>
        %min3A = arith.minimumf %abs3A, %sub3A_269 : vector<256x256xf32>
        %mul3A_270 = arith.mulf %sub3A_260, %sub3A_260 : vector<256x256xf32>
        %mul3A_271 = arith.mulf %min3A, %min3A : vector<256x256xf32>
        %add3A_272 = arith.addf %mul3A_270, %mul3A_271 : vector<256x256xf32>
        %get3A_273 = arith.constant 2 : index
        %get3A_274 = arith.index_cast %mul3A_248 : i32 to index
        %get3A_275 = vector.load %arg34[%get3A_273, %get3A_274] : memref<8x8192xf32, #tpu.memory_space<vmem>>, vector<1x256xf32>
        %eq3A = vector.broadcast %reshape3A_146 : vector<256x1xf32> to vector<256x256xf32>
        %eq3A_276 = vector.broadcast %get3A_275 : vector<1x256xf32> to vector<256x256xf32>
        %eq3A_277 = arith.cmpf oeq, %eq3A, %eq3A_276 : vector<256x256xf32>
        %le3A = arith.constant 4.000000e-02 : f32
        %le3A_278 = vector.broadcast %le3A : f32 to vector<256x256xf32>
        %le3A_279 = arith.cmpf ole, %add3A_272, %le3A_278 : vector<256x256xf32>
        %and3A = arith.andi %eq3A_277, %le3A_279 : vector<256x256xi1>
        %jit3A = arith.constant 0.000000e+00 : f32
        %jit3A_280 = arith.constant -1.000000e+30 : f32
        %broadcast_in_dim3A_281 = vector.broadcast %jit3A : f32 to vector<256x256xf32>
        %broadcast_in_dim3A_282 = vector.broadcast %jit3A_280 : f32 to vector<256x256xf32>
        %select_n3A = arith.select %and3A, %broadcast_in_dim3A_281, %broadcast_in_dim3A_282 : vector<256x256xi1>, vector<256x256xf32>
        %slice3A = vector.extract_strided_slice %mul3A_135 {offsets = [0, 0], sizes = [256, 32], strides = [1, 1]} : vector<256x256xf32> to vector<256x32xf32>
        %slice3A_283 = vector.extract_strided_slice %get3A_251 {offsets = [0, 0], sizes = [256, 32], strides = [1, 1]} : vector<256x256xf32> to vector<256x32xf32>
        %slice3A_284 = vector.extract_strided_slice %get3A_254 {offsets = [0, 0], sizes = [256, 32], strides = [1, 1]} : vector<256x256xf32> to vector<256x32xf32>
        %dot_general3A_285 = arith.constant dense<0.000000e+00> : vector<256x256xf32>
        %dot_general3A_286 = tpu.matmul %slice3A, %slice3A_283, %dot_general3A_285 {dimension_numbers = #tpu.dot_dimension_numbers<[1], [1], [0], [0], [0, 0, 1, 0], [], []>, transpose_lhs_hint = false} : vector<256x32xf32>, vector<256x32xf32>, vector<256x256xf32> -> vector<256x256xf32>
        %add3A_287 = arith.addf %dot_general3A_286, %select_n3A : vector<256x256xf32>
        %exp3A = math.exp %add3A_287 : vector<256x256xf32>
        %reduce_sum3A_288 = arith.constant dense<0.000000e+00> : vector<256xf32>
        %reduce_sum3A_289 = vector.multi_reduction <add>, %exp3A, %reduce_sum3A_288 [1] : vector<256x256xf32> to vector<256xf32>
        %broadcast_in_dim3A_290 = vector.shape_cast %reduce_sum3A_289 : vector<256xf32> to vector<256x1xf32>
        %add3A_291 = arith.addf %while3A_231, %broadcast_in_dim3A_290 : vector<256x1xf32>
        %dot_general3A_292 = arith.constant dense<0.000000e+00> : vector<256x32xf32>
        %dot_general3A_293 = tpu.matmul %exp3A, %slice3A_284, %dot_general3A_292 {dimension_numbers = #tpu.dot_dimension_numbers<[1], [0], [0], [1], [0, 0, 1, 1], [], []>, transpose_lhs_hint = false} : vector<256x256xf32>, vector<256x32xf32>, vector<256x32xf32> -> vector<256x32xf32>
        %add3A_294 = arith.addf %while3A_232, %dot_general3A_293 : vector<256x32xf32>
        %slice3A_295 = vector.extract_strided_slice %mul3A_135 {offsets = [0, 32], sizes = [256, 32], strides = [1, 1]} : vector<256x256xf32> to vector<256x32xf32>
        %slice3A_296 = vector.extract_strided_slice %get3A_251 {offsets = [0, 32], sizes = [256, 32], strides = [1, 1]} : vector<256x256xf32> to vector<256x32xf32>
        %slice3A_297 = vector.extract_strided_slice %get3A_254 {offsets = [0, 32], sizes = [256, 32], strides = [1, 1]} : vector<256x256xf32> to vector<256x32xf32>
        %dot_general3A_298 = arith.constant dense<0.000000e+00> : vector<256x256xf32>
        %dot_general3A_299 = tpu.matmul %slice3A_295, %slice3A_296, %dot_general3A_298 {dimension_numbers = #tpu.dot_dimension_numbers<[1], [1], [0], [0], [0, 0, 1, 0], [], []>, transpose_lhs_hint = false} : vector<256x32xf32>, vector<256x32xf32>, vector<256x256xf32> -> vector<256x256xf32>
        %add3A_300 = arith.addf %dot_general3A_299, %select_n3A : vector<256x256xf32>
        %exp3A_301 = math.exp %add3A_300 : vector<256x256xf32>
        %reduce_sum3A_302 = arith.constant dense<0.000000e+00> : vector<256xf32>
        %reduce_sum3A_303 = vector.multi_reduction <add>, %exp3A_301, %reduce_sum3A_302 [1] : vector<256x256xf32> to vector<256xf32>
        %broadcast_in_dim3A_304 = vector.shape_cast %reduce_sum3A_303 : vector<256xf32> to vector<256x1xf32>
        %add3A_305 = arith.addf %while3A_233, %broadcast_in_dim3A_304 : vector<256x1xf32>
        %dot_general3A_306 = arith.constant dense<0.000000e+00> : vector<256x32xf32>
        %dot_general3A_307 = tpu.matmul %exp3A_301, %slice3A_297, %dot_general3A_306 {dimension_numbers = #tpu.dot_dimension_numbers<[1], [0], [0], [1], [0, 0, 1, 1], [], []>, transpose_lhs_hint = false} : vector<256x256xf32>, vector<256x32xf32>, vector<256x32xf32> -> vector<256x32xf32>
        %add3A_308 = arith.addf %while3A_234, %dot_general3A_307 : vector<256x32xf32>
        %slice3A_309 = vector.extract_strided_slice %mul3A_135 {offsets = [0, 64], sizes = [256, 32], strides = [1, 1]} : vector<256x256xf32> to vector<256x32xf32>
        %slice3A_310 = vector.extract_strided_slice %get3A_251 {offsets = [0, 64], sizes = [256, 32], strides = [1, 1]} : vector<256x256xf32> to vector<256x32xf32>
        %slice3A_311 = vector.extract_strided_slice %get3A_254 {offsets = [0, 64], sizes = [256, 32], strides = [1, 1]} : vector<256x256xf32> to vector<256x32xf32>
        %dot_general3A_312 = arith.constant dense<0.000000e+00> : vector<256x256xf32>
        %dot_general3A_313 = tpu.matmul %slice3A_309, %slice3A_310, %dot_general3A_312 {dimension_numbers = #tpu.dot_dimension_numbers<[1], [1], [0], [0], [0, 0, 1, 0], [], []>, transpose_lhs_hint = false} : vector<256x32xf32>, vector<256x32xf32>, vector<256x256xf32> -> vector<256x256xf32>
        %add3A_314 = arith.addf %dot_general3A_313, %select_n3A : vector<256x256xf32>
        %exp3A_315 = math.exp %add3A_314 : vector<256x256xf32>
        %reduce_sum3A_316 = arith.constant dense<0.000000e+00> : vector<256xf32>
        %reduce_sum3A_317 = vector.multi_reduction <add>, %exp3A_315, %reduce_sum3A_316 [1] : vector<256x256xf32> to vector<256xf32>
        %broadcast_in_dim3A_318 = vector.shape_cast %reduce_sum3A_317 : vector<256xf32> to vector<256x1xf32>
        %add3A_319 = arith.addf %while3A_235, %broadcast_in_dim3A_318 : vector<256x1xf32>
        %dot_general3A_320 = arith.constant dense<0.000000e+00> : vector<256x32xf32>
        %dot_general3A_321 = tpu.matmul %exp3A_315, %slice3A_311, %dot_general3A_320 {dimension_numbers = #tpu.dot_dimension_numbers<[1], [0], [0], [1], [0, 0, 1, 1], [], []>, transpose_lhs_hint = false} : vector<256x256xf32>, vector<256x32xf32>, vector<256x32xf32> -> vector<256x32xf32>
        %add3A_322 = arith.addf %while3A_236, %dot_general3A_321 : vector<256x32xf32>
        %slice3A_323 = vector.extract_strided_slice %mul3A_135 {offsets = [0, 96], sizes = [256, 32], strides = [1, 1]} : vector<256x256xf32> to vector<256x32xf32>
        %slice3A_324 = vector.extract_strided_slice %get3A_251 {offsets = [0, 96], sizes = [256, 32], strides = [1, 1]} : vector<256x256xf32> to vector<256x32xf32>
        %slice3A_325 = vector.extract_strided_slice %get3A_254 {offsets = [0, 96], sizes = [256, 32], strides = [1, 1]} : vector<256x256xf32> to vector<256x32xf32>
        %dot_general3A_326 = arith.constant dense<0.000000e+00> : vector<256x256xf32>
        %dot_general3A_327 = tpu.matmul %slice3A_323, %slice3A_324, %dot_general3A_326 {dimension_numbers = #tpu.dot_dimension_numbers<[1], [1], [0], [0], [0, 0, 1, 0], [], []>, transpose_lhs_hint = false} : vector<256x32xf32>, vector<256x32xf32>, vector<256x256xf32> -> vector<256x256xf32>
        %add3A_328 = arith.addf %dot_general3A_327, %select_n3A : vector<256x256xf32>
        %exp3A_329 = math.exp %add3A_328 : vector<256x256xf32>
        %reduce_sum3A_330 = arith.constant dense<0.000000e+00> : vector<256xf32>
        %reduce_sum3A_331 = vector.multi_reduction <add>, %exp3A_329, %reduce_sum3A_330 [1] : vector<256x256xf32> to vector<256xf32>
        %broadcast_in_dim3A_332 = vector.shape_cast %reduce_sum3A_331 : vector<256xf32> to vector<256x1xf32>
        %add3A_333 = arith.addf %while3A_237, %broadcast_in_dim3A_332 : vector<256x1xf32>
        %dot_general3A_334 = arith.constant dense<0.000000e+00> : vector<256x32xf32>
        %dot_general3A_335 = tpu.matmul %exp3A_329, %slice3A_325, %dot_general3A_334 {dimension_numbers = #tpu.dot_dimension_numbers<[1], [0], [0], [1], [0, 0, 1, 1], [], []>, transpose_lhs_hint = false} : vector<256x256xf32>, vector<256x32xf32>, vector<256x32xf32> -> vector<256x32xf32>
        %add3A_336 = arith.addf %while3A_238, %dot_general3A_335 : vector<256x32xf32>
        %slice3A_337 = vector.extract_strided_slice %mul3A_135 {offsets = [0, 128], sizes = [256, 32], strides = [1, 1]} : vector<256x256xf32> to vector<256x32xf32>
        %slice3A_338 = vector.extract_strided_slice %get3A_251 {offsets = [0, 128], sizes = [256, 32], strides = [1, 1]} : vector<256x256xf32> to vector<256x32xf32>
        %slice3A_339 = vector.extract_strided_slice %get3A_254 {offsets = [0, 128], sizes = [256, 32], strides = [1, 1]} : vector<256x256xf32> to vector<256x32xf32>
        %dot_general3A_340 = arith.constant dense<0.000000e+00> : vector<256x256xf32>
        %dot_general3A_341 = tpu.matmul %slice3A_337, %slice3A_338, %dot_general3A_340 {dimension_numbers = #tpu.dot_dimension_numbers<[1], [1], [0], [0], [0, 0, 1, 0], [], []>, transpose_lhs_hint = false} : vector<256x32xf32>, vector<256x32xf32>, vector<256x256xf32> -> vector<256x256xf32>
        %add3A_342 = arith.addf %dot_general3A_341, %select_n3A : vector<256x256xf32>
        %exp3A_343 = math.exp %add3A_342 : vector<256x256xf32>
        %reduce_sum3A_344 = arith.constant dense<0.000000e+00> : vector<256xf32>
        %reduce_sum3A_345 = vector.multi_reduction <add>, %exp3A_343, %reduce_sum3A_344 [1] : vector<256x256xf32> to vector<256xf32>
        %broadcast_in_dim3A_346 = vector.shape_cast %reduce_sum3A_345 : vector<256xf32> to vector<256x1xf32>
        %add3A_347 = arith.addf %while3A_239, %broadcast_in_dim3A_346 : vector<256x1xf32>
        %dot_general3A_348 = arith.constant dense<0.000000e+00> : vector<256x32xf32>
        %dot_general3A_349 = tpu.matmul %exp3A_343, %slice3A_339, %dot_general3A_348 {dimension_numbers = #tpu.dot_dimension_numbers<[1], [0], [0], [1], [0, 0, 1, 1], [], []>, transpose_lhs_hint = false} : vector<256x256xf32>, vector<256x32xf32>, vector<256x32xf32> -> vector<256x32xf32>
        %add3A_350 = arith.addf %while3A_240, %dot_general3A_349 : vector<256x32xf32>
        %slice3A_351 = vector.extract_strided_slice %mul3A_135 {offsets = [0, 160], sizes = [256, 32], strides = [1, 1]} : vector<256x256xf32> to vector<256x32xf32>
        %slice3A_352 = vector.extract_strided_slice %get3A_251 {offsets = [0, 160], sizes = [256, 32], strides = [1, 1]} : vector<256x256xf32> to vector<256x32xf32>
        %slice3A_353 = vector.extract_strided_slice %get3A_254 {offsets = [0, 160], sizes = [256, 32], strides = [1, 1]} : vector<256x256xf32> to vector<256x32xf32>
        %dot_general3A_354 = arith.constant dense<0.000000e+00> : vector<256x256xf32>
        %dot_general3A_355 = tpu.matmul %slice3A_351, %slice3A_352, %dot_general3A_354 {dimension_numbers = #tpu.dot_dimension_numbers<[1], [1], [0], [0], [0, 0, 1, 0], [], []>, transpose_lhs_hint = false} : vector<256x32xf32>, vector<256x32xf32>, vector<256x256xf32> -> vector<256x256xf32>
        %add3A_356 = arith.addf %dot_general3A_355, %select_n3A : vector<256x256xf32>
        %exp3A_357 = math.exp %add3A_356 : vector<256x256xf32>
        %reduce_sum3A_358 = arith.constant dense<0.000000e+00> : vector<256xf32>
        %reduce_sum3A_359 = vector.multi_reduction <add>, %exp3A_357, %reduce_sum3A_358 [1] : vector<256x256xf32> to vector<256xf32>
        %broadcast_in_dim3A_360 = vector.shape_cast %reduce_sum3A_359 : vector<256xf32> to vector<256x1xf32>
        %add3A_361 = arith.addf %while3A_241, %broadcast_in_dim3A_360 : vector<256x1xf32>
        %dot_general3A_362 = arith.constant dense<0.000000e+00> : vector<256x32xf32>
        %dot_general3A_363 = tpu.matmul %exp3A_357, %slice3A_353, %dot_general3A_362 {dimension_numbers = #tpu.dot_dimension_numbers<[1], [0], [0], [1], [0, 0, 1, 1], [], []>, transpose_lhs_hint = false} : vector<256x256xf32>, vector<256x32xf32>, vector<256x32xf32> -> vector<256x32xf32>
        %add3A_364 = arith.addf %while3A_242, %dot_general3A_363 : vector<256x32xf32>
        %slice3A_365 = vector.extract_strided_slice %mul3A_135 {offsets = [0, 192], sizes = [256, 32], strides = [1, 1]} : vector<256x256xf32> to vector<256x32xf32>
        %slice3A_366 = vector.extract_strided_slice %get3A_251 {offsets = [0, 192], sizes = [256, 32], strides = [1, 1]} : vector<256x256xf32> to vector<256x32xf32>
        %slice3A_367 = vector.extract_strided_slice %get3A_254 {offsets = [0, 192], sizes = [256, 32], strides = [1, 1]} : vector<256x256xf32> to vector<256x32xf32>
        %dot_general3A_368 = arith.constant dense<0.000000e+00> : vector<256x256xf32>
        %dot_general3A_369 = tpu.matmul %slice3A_365, %slice3A_366, %dot_general3A_368 {dimension_numbers = #tpu.dot_dimension_numbers<[1], [1], [0], [0], [0, 0, 1, 0], [], []>, transpose_lhs_hint = false} : vector<256x32xf32>, vector<256x32xf32>, vector<256x256xf32> -> vector<256x256xf32>
        %add3A_370 = arith.addf %dot_general3A_369, %select_n3A : vector<256x256xf32>
        %exp3A_371 = math.exp %add3A_370 : vector<256x256xf32>
        %reduce_sum3A_372 = arith.constant dense<0.000000e+00> : vector<256xf32>
        %reduce_sum3A_373 = vector.multi_reduction <add>, %exp3A_371, %reduce_sum3A_372 [1] : vector<256x256xf32> to vector<256xf32>
        %broadcast_in_dim3A_374 = vector.shape_cast %reduce_sum3A_373 : vector<256xf32> to vector<256x1xf32>
        %add3A_375 = arith.addf %while3A_243, %broadcast_in_dim3A_374 : vector<256x1xf32>
        %dot_general3A_376 = arith.constant dense<0.000000e+00> : vector<256x32xf32>
        %dot_general3A_377 = tpu.matmul %exp3A_371, %slice3A_367, %dot_general3A_376 {dimension_numbers = #tpu.dot_dimension_numbers<[1], [0], [0], [1], [0, 0, 1, 1], [], []>, transpose_lhs_hint = false} : vector<256x256xf32>, vector<256x32xf32>, vector<256x32xf32> -> vector<256x32xf32>
        %add3A_378 = arith.addf %while3A_244, %dot_general3A_377 : vector<256x32xf32>
        %slice3A_379 = vector.extract_strided_slice %mul3A_135 {offsets = [0, 224], sizes = [256, 32], strides = [1, 1]} : vector<256x256xf32> to vector<256x32xf32>
        %slice3A_380 = vector.extract_strided_slice %get3A_251 {offsets = [0, 224], sizes = [256, 32], strides = [1, 1]} : vector<256x256xf32> to vector<256x32xf32>
        %slice3A_381 = vector.extract_strided_slice %get3A_254 {offsets = [0, 224], sizes = [256, 32], strides = [1, 1]} : vector<256x256xf32> to vector<256x32xf32>
        %dot_general3A_382 = arith.constant dense<0.000000e+00> : vector<256x256xf32>
        %dot_general3A_383 = tpu.matmul %slice3A_379, %slice3A_380, %dot_general3A_382 {dimension_numbers = #tpu.dot_dimension_numbers<[1], [1], [0], [0], [0, 0, 1, 0], [], []>, transpose_lhs_hint = false} : vector<256x32xf32>, vector<256x32xf32>, vector<256x256xf32> -> vector<256x256xf32>
        %add3A_384 = arith.addf %dot_general3A_383, %select_n3A : vector<256x256xf32>
        %exp3A_385 = math.exp %add3A_384 : vector<256x256xf32>
        %reduce_sum3A_386 = arith.constant dense<0.000000e+00> : vector<256xf32>
        %reduce_sum3A_387 = vector.multi_reduction <add>, %exp3A_385, %reduce_sum3A_386 [1] : vector<256x256xf32> to vector<256xf32>
        %broadcast_in_dim3A_388 = vector.shape_cast %reduce_sum3A_387 : vector<256xf32> to vector<256x1xf32>
        %add3A_389 = arith.addf %while3A_245, %broadcast_in_dim3A_388 : vector<256x1xf32>
        %dot_general3A_390 = arith.constant dense<0.000000e+00> : vector<256x32xf32>
        %dot_general3A_391 = tpu.matmul %exp3A_385, %slice3A_381, %dot_general3A_390 {dimension_numbers = #tpu.dot_dimension_numbers<[1], [0], [0], [1], [0, 0, 1, 1], [], []>, transpose_lhs_hint = false} : vector<256x256xf32>, vector<256x32xf32>, vector<256x32xf32> -> vector<256x32xf32>
        %add3A_392 = arith.addf %while3A_246, %dot_general3A_391 : vector<256x32xf32>
        scf.yield %add3A_291, %add3A_294, %add3A_305, %add3A_308, %add3A_319, %add3A_322, %add3A_333, %add3A_336, %add3A_347, %add3A_350, %add3A_361, %add3A_364, %add3A_375, %add3A_378, %add3A_389, %add3A_392 : vector<256x1xf32>, vector<256x32xf32>, vector<256x1xf32>, vector<256x32xf32>, vector<256x1xf32>, vector<256x32xf32>, vector<256x1xf32>, vector<256x32xf32>, vector<256x1xf32>, vector<256x32xf32>, vector<256x1xf32>, vector<256x32xf32>, vector<256x1xf32>, vector<256x32xf32>, vector<256x1xf32>, vector<256x32xf32>
      }
      %div3A_192 = vector.broadcast %while3A_191#0 : vector<256x1xf32> to vector<256x32xf32>
      %div3A_193 = arith.divf %while3A_191#1, %div3A_192 : vector<256x32xf32>
      %div3A_194 = vector.broadcast %while3A_191#2 : vector<256x1xf32> to vector<256x32xf32>
      %div3A_195 = arith.divf %while3A_191#3, %div3A_194 : vector<256x32xf32>
      %div3A_196 = vector.broadcast %while3A_191#4 : vector<256x1xf32> to vector<256x32xf32>
      %div3A_197 = arith.divf %while3A_191#5, %div3A_196 : vector<256x32xf32>
      %div3A_198 = vector.broadcast %while3A_191#6 : vector<256x1xf32> to vector<256x32xf32>
      %div3A_199 = arith.divf %while3A_191#7, %div3A_198 : vector<256x32xf32>
      %div3A_200 = vector.broadcast %while3A_191#8 : vector<256x1xf32> to vector<256x32xf32>
      %div3A_201 = arith.divf %while3A_191#9, %div3A_200 : vector<256x32xf32>
      %div3A_202 = vector.broadcast %while3A_191#10 : vector<256x1xf32> to vector<256x32xf32>
      %div3A_203 = arith.divf %while3A_191#11, %div3A_202 : vector<256x32xf32>
      %div3A_204 = vector.broadcast %while3A_191#12 : vector<256x1xf32> to vector<256x32xf32>
      %div3A_205 = arith.divf %while3A_191#13, %div3A_204 : vector<256x32xf32>
      %div3A_206 = vector.broadcast %while3A_191#14 : vector<256x1xf32> to vector<256x32xf32>
      %div3A_207 = arith.divf %while3A_191#15, %div3A_206 : vector<256x32xf32>
      %concatenate3A_208 = tpu.concatenate %div3A_193, %div3A_195, %div3A_197, %div3A_199, %div3A_201, %div3A_203, %div3A_205, %div3A_207 in 1 : vector<256x32xf32>, vector<256x32xf32>, vector<256x32xf32>, vector<256x32xf32>, vector<256x32xf32>, vector<256x32xf32>, vector<256x32xf32>, vector<256x32xf32> -> vector<256x256xf32>
      %get3A_209 = arith.index_cast %mul3A_92 : i32 to index
      %get3A_210 = arith.constant 0 : index
      %get3A_211 = vector.load %arg31[%get3A_209, %get3A_210] : memref<8192x256xf32, #tpu.memory_space<vmem>>, vector<256x256xf32>
      %get3A_212 = arith.constant 3 : index
      %get3A_213 = arith.constant 0 : index
      %get3A_214 = arith.constant 0 : index
      %get3A_215 = vector.load %arg13[%get3A_212, %get3A_213, %get3A_214] : memref<4x256x256xf32, #tpu.memory_space<vmem>>, vector<1x256x256xf32>
      %get3A_216 = vector.shape_cast %get3A_215 : vector<1x256x256xf32> to vector<256x256xf32>
      %dot_general3A_217 = arith.constant dense<0.000000e+00> : vector<256x256xf32>
      %dot_general3A_218 = tpu.matmul %concatenate3A_208, %get3A_216, %dot_general3A_217 {dimension_numbers = #tpu.dot_dimension_numbers<[1], [1], [0], [0], [0, 0, 1, 0], [], []>, transpose_lhs_hint = false} : vector<256x256xf32>, vector<256x256xf32>, vector<256x256xf32> -> vector<256x256xf32>
      %add3A_219 = arith.addf %get3A_211, %dot_general3A_218 : vector<256x256xf32>
      %get3A_220 = arith.constant 3 : index
      %get3A_221 = arith.constant 0 : index
      %get3A_222 = arith.constant 0 : index
      %get3A_223 = vector.load %arg14[%get3A_220, %get3A_221, %get3A_222] : memref<4x1x256xf32, #tpu.memory_space<vmem>>, vector<1x1x256xf32>
      %get3A_224 = vector.shape_cast %get3A_223 : vector<1x1x256xf32> to vector<1x256xf32>
      %add3A_225 = vector.broadcast %get3A_224 : vector<1x256xf32> to vector<256x256xf32>
      %add3A_226 = arith.addf %add3A_219, %add3A_225 : vector<256x256xf32>
      %swap3A_227 = arith.index_cast %mul3A_92 : i32 to index
      %swap3A_228 = arith.constant 0 : index
      %swap3A_229 = vector.load %arg31[%swap3A_227, %swap3A_228] : memref<8192x256xf32, #tpu.memory_space<vmem>>, vector<256x256xf32>
      tpu.vector_store %arg31[%swap3A_227, %swap3A_228], %add3A_226 {strides = array<i32>} : memref<8192x256xf32, #tpu.memory_space<vmem>>, vector<256x256xf32>,
    }
    %scan3A_79 = arith.constant 32 : i32
    %scan3A_80 = arith.constant 0 : i32
    %scan3A_81 = arith.constant 16 : i32
    %scan3A_82 = arith.addi %scan3A_80, %scan3A_81 : i32
    %scan3A_83 = arith.constant 1 : i32
    scf.for %scan3A_90 = %scan3A_80 to %scan3A_82 step %scan3A_83  : i32 {
      %mul3A_91 = arith.constant 512 : i32
      %mul3A_92 = arith.muli %scan3A_90, %mul3A_91 : i32
      %get3A_93 = arith.index_cast %mul3A_92 : i32 to index
      %get3A_94 = arith.constant 0 : index
      %get3A_95 = vector.load %arg31[%get3A_93, %get3A_94] : memref<8192x256xf32, #tpu.memory_space<vmem>>, vector<512x256xf32>
      %get3A_96 = arith.constant 3 : index
      %get3A_97 = arith.constant 0 : index
      %get3A_98 = arith.constant 0 : index
      %get3A_99 = vector.load %arg15[%get3A_96, %get3A_97, %get3A_98] : memref<4x1x256xf32, #tpu.memory_space<vmem>>, vector<1x1x256xf32>
      %get3A_100 = vector.shape_cast %get3A_99 : vector<1x1x256xf32> to vector<1x256xf32>
      %get3A_101 = arith.constant 3 : index
      %get3A_102 = arith.constant 0 : index
      %get3A_103 = arith.constant 0 : index
      %get3A_104 = vector.load %arg16[%get3A_101, %get3A_102, %get3A_103] : memref<4x1x256xf32, #tpu.memory_space<vmem>>, vector<1x1x256xf32>
      %get3A_105 = vector.shape_cast %get3A_104 : vector<1x1x256xf32> to vector<1x256xf32>
      %reduce_sum3A = arith.constant dense<0.000000e+00> : vector<512xf32>
      %reduce_sum3A_106 = vector.multi_reduction <add>, %get3A_95, %reduce_sum3A [1] : vector<512x256xf32> to vector<512xf32>
      %broadcast_in_dim3A_107 = vector.shape_cast %reduce_sum3A_106 : vector<512xf32> to vector<512x1xf32>
      %div3A = arith.constant 2.560000e+02 : f32
      %div3A_108 = vector.broadcast %div3A : f32 to vector<512x1xf32>
      %div3A_109 = arith.divf %broadcast_in_dim3A_107, %div3A_108 : vector<512x1xf32>
      %sub3A = vector.broadcast %div3A_109 : vector<512x1xf32> to vector<512x256xf32>
      %sub3A_110 = arith.subf %get3A_95, %sub3A : vector<512x256xf32>
      %mul3A_111 = arith.mulf %sub3A_110, %sub3A_110 : vector<512x256xf32>
      %reduce_sum3A_112 = arith.constant dense<0.000000e+00> : vector<512xf32>
      %reduce_sum3A_113 = vector.multi_reduction <add>, %mul3A_111, %reduce_sum3A_112 [1] : vector<512x256xf32> to vector<512xf32>
      %broadcast_in_dim3A_114 = vector.shape_cast %reduce_sum3A_113 : vector<512xf32> to vector<512x1xf32>
      %div3A_115 = arith.constant 2.560000e+02 : f32
      %div3A_116 = vector.broadcast %div3A_115 : f32 to vector<512x1xf32>
      %div3A_117 = arith.divf %broadcast_in_dim3A_114, %div3A_116 : vector<512x1xf32>
      %add3A_118 = arith.constant 9.99999974E-6 : f32
      %add3A_119 = vector.broadcast %add3A_118 : f32 to vector<512x1xf32>
      %add3A_120 = arith.addf %div3A_117, %add3A_119 : vector<512x1xf32>
      %sqrt3A = math.sqrt %add3A_120 : vector<512x1xf32>
      %div3A_121 = vector.broadcast %sqrt3A : vector<512x1xf32> to vector<512x256xf32>
      %div3A_122 = arith.divf %sub3A_110, %div3A_121 : vector<512x256xf32>
      %mul3A_123 = vector.broadcast %get3A_100 : vector<1x256xf32> to vector<512x256xf32>
      %mul3A_124 = arith.mulf %div3A_122, %mul3A_123 : vector<512x256xf32>
      %add3A_125 = vector.broadcast %get3A_105 : vector<1x256xf32> to vector<512x256xf32>
      %add3A_126 = arith.addf %mul3A_124, %add3A_125 : vector<512x256xf32>
      %get3A_127 = arith.constant 3 : index
      %get3A_128 = arith.constant 0 : index
      %get3A_129 = arith.constant 0 : index
      %get3A_130 = vector.load %arg17[%get3A_127, %get3A_128, %get3A_129] : memref<4x512x256xf32, #tpu.memory_space<vmem>>, vector<1x512x256xf32>
      %get3A_131 = vector.shape_cast %get3A_130 : vector<1x512x256xf32> to vector<512x256xf32>
      %dot_general3A = arith.constant dense<0.000000e+00> : vector<512x512xf32>
      %dot_general3A_132 = tpu.matmul %add3A_126, %get3A_131, %dot_general3A {dimension_numbers = #tpu.dot_dimension_numbers<[1], [1], [0], [0], [0, 0, 1, 0], [], []>, transpose_lhs_hint = false} : vector<512x256xf32>, vector<512x256xf32>, vector<512x512xf32> -> vector<512x512xf32>
      %get3A_133 = arith.constant 3 : index
      %get3A_134 = arith.constant 0 : index
      %get3A_135 = arith.constant 0 : index
      %get3A_136 = vector.load %arg18[%get3A_133, %get3A_134, %get3A_135] : memref<4x1x512xf32, #tpu.memory_space<vmem>>, vector<1x1x512xf32>
      %get3A_137 = vector.shape_cast %get3A_136 : vector<1x1x512xf32> to vector<1x512xf32>
      %add3A_138 = vector.broadcast %get3A_137 : vector<1x512xf32> to vector<512x512xf32>
      %add3A_139 = arith.addf %dot_general3A_132, %add3A_138 : vector<512x512xf32>
      %max3A = arith.constant 0.000000e+00 : f32
      %max3A_140 = vector.broadcast %max3A : f32 to vector<512x512xf32>
      %max3A_141 = arith.maximumf %add3A_139, %max3A_140 : vector<512x512xf32>
      %get3A_142 = arith.constant 3 : index
      %get3A_143 = arith.constant 0 : index
      %get3A_144 = arith.constant 0 : index
      %get3A_145 = vector.load %arg19[%get3A_142, %get3A_143, %get3A_144] : memref<4x256x512xf32, #tpu.memory_space<vmem>>, vector<1x256x512xf32>
      %get3A_146 = vector.shape_cast %get3A_145 : vector<1x256x512xf32> to vector<256x512xf32>
      %dot_general3A_147 = arith.constant dense<0.000000e+00> : vector<512x256xf32>
      %dot_general3A_148 = tpu.matmul %max3A_141, %get3A_146, %dot_general3A_147 {dimension_numbers = #tpu.dot_dimension_numbers<[1], [1], [0], [0], [0, 0, 1, 0], [], []>, transpose_lhs_hint = false} : vector<512x512xf32>, vector<256x512xf32>, vector<512x256xf32> -> vector<512x256xf32>
      %add3A_149 = arith.addf %get3A_95, %dot_general3A_148 : vector<512x256xf32>
      %get3A_150 = arith.constant 3 : index
      %get3A_151 = arith.constant 0 : index
      %get3A_152 = arith.constant 0 : index
      %get3A_153 = vector.load %arg20[%get3A_150, %get3A_151, %get3A_152] : memref<4x1x256xf32, #tpu.memory_space<vmem>>, vector<1x1x256xf32>
      %get3A_154 = vector.shape_cast %get3A_153 : vector<1x1x256xf32> to vector<1x256xf32>
      %add3A_155 = vector.broadcast %get3A_154 : vector<1x256xf32> to vector<512x256xf32>
      %add3A_156 = arith.addf %add3A_149, %add3A_155 : vector<512x256xf32>
      %swap3A_157 = arith.index_cast %mul3A_92 : i32 to index
      %swap3A_158 = arith.constant 0 : index
      %swap3A_159 = vector.load %arg31[%swap3A_157, %swap3A_158] : memref<8192x256xf32, #tpu.memory_space<vmem>>, vector<512x256xf32>
      tpu.vector_store %arg31[%swap3A_157, %swap3A_158], %add3A_156 {strides = array<i32>} : memref<8192x256xf32, #tpu.memory_space<vmem>>, vector<512x256xf32>,
    }
    %scan3A_84 = arith.constant 16 : i32
    %scan3A_85 = arith.constant 0 : i32
    %scan3A_86 = arith.constant 16 : i32
    %scan3A_87 = arith.addi %scan3A_85, %scan3A_86 : i32
    %scan3A_88 = arith.constant 1 : i32
    scf.for %scan3A_90 = %scan3A_85 to %scan3A_87 step %scan3A_88  : i32 {
      %mul3A_91 = arith.constant 512 : i32
      %mul3A_92 = arith.muli %scan3A_90, %mul3A_91 : i32
      %get3A_93 = arith.index_cast %mul3A_92 : i32 to index
      %get3A_94 = arith.constant 0 : index
      %get3A_95 = vector.load %arg31[%get3A_93, %get3A_94] : memref<8192x256xf32, #tpu.memory_space<vmem>>, vector<512x256xf32>
      %get3A_96 = arith.constant 0 : index
      %get3A_97 = arith.constant 0 : index
      %get3A_98 = vector.load %arg21[%get3A_96, %get3A_97] : memref<256x256xf32, #tpu.memory_space<vmem>>, vector<256x256xf32>
      %dot_general3A = arith.constant dense<0.000000e+00> : vector<512x256xf32>
      %dot_general3A_99 = tpu.matmul %get3A_95, %get3A_98, %dot_general3A {dimension_numbers = #tpu.dot_dimension_numbers<[1], [1], [0], [0], [0, 0, 1, 0], [], []>, transpose_lhs_hint = false} : vector<512x256xf32>, vector<256x256xf32>, vector<512x256xf32> -> vector<512x256xf32>
      %get3A_100 = arith.constant 0 : index
      %get3A_101 = arith.constant 0 : index
      %get3A_102 = vector.load %arg22[%get3A_100, %get3A_101] : memref<1x256xf32, #tpu.memory_space<vmem>>, vector<1x256xf32>
      %add3A_103 = vector.broadcast %get3A_102 : vector<1x256xf32> to vector<512x256xf32>
      %add3A_104 = arith.addf %dot_general3A_99, %add3A_103 : vector<512x256xf32>
      %max3A = arith.constant 0.000000e+00 : f32
      %max3A_105 = vector.broadcast %max3A : f32 to vector<512x256xf32>
      %max3A_106 = arith.maximumf %add3A_104, %max3A_105 : vector<512x256xf32>
      %get3A_107 = arith.constant 0 : index
      %get3A_108 = arith.constant 0 : index
      %get3A_109 = vector.load %arg23[%get3A_107, %get3A_108] : memref<32x256xf32, #tpu.memory_space<vmem>>, vector<32x256xf32>
      %dot_general3A_110 = arith.constant dense<0.000000e+00> : vector<512x32xf32>
      %dot_general3A_111 = tpu.matmul %max3A_106, %get3A_109, %dot_general3A_110 {dimension_numbers = #tpu.dot_dimension_numbers<[1], [1], [0], [0], [0, 0, 1, 0], [], []>, transpose_lhs_hint = false} : vector<512x256xf32>, vector<32x256xf32>, vector<512x32xf32> -> vector<512x32xf32>
      %get3A_112 = arith.constant 0 : index
      %get3A_113 = arith.constant 0 : index
      %get3A_114 = vector.load %arg24[%get3A_112, %get3A_113] : memref<1x32xf32, #tpu.memory_space<vmem>>, vector<1x32xf32>
      %add3A_115 = vector.broadcast %get3A_114 : vector<1x32xf32> to vector<512x32xf32>
      %add3A_116 = arith.addf %dot_general3A_111, %add3A_115 : vector<512x32xf32>
      %mul3A_117 = arith.mulf %add3A_116, %add3A_116 : vector<512x32xf32>
      %reduce_sum3A = arith.constant dense<0.000000e+00> : vector<512xf32>
      %reduce_sum3A_118 = vector.multi_reduction <add>, %mul3A_117, %reduce_sum3A [1] : vector<512x32xf32> to vector<512xf32>
      %broadcast_in_dim3A_119 = vector.shape_cast %reduce_sum3A_118 : vector<512xf32> to vector<512x1xf32>
      %sqrt3A = math.sqrt %broadcast_in_dim3A_119 : vector<512x1xf32>
      %max3A_120 = arith.constant 9.99999996E-13 : f32
      %max3A_121 = vector.broadcast %max3A_120 : f32 to vector<512x1xf32>
      %max3A_122 = arith.maximumf %sqrt3A, %max3A_121 : vector<512x1xf32>
      %div3A = vector.broadcast %max3A_122 : vector<512x1xf32> to vector<512x32xf32>
      %div3A_123 = arith.divf %add3A_116, %div3A : vector<512x32xf32>
      %swap3A_124 = arith.index_cast %mul3A_92 : i32 to index
      %swap3A_125 = arith.constant 0 : index
      %swap3A_126 = vector.load %arg30[%swap3A_124, %swap3A_125] : memref<8192x32xf32, #tpu.memory_space<vmem>>, vector<512x32xf32>
      tpu.vector_store %arg30[%swap3A_124, %swap3A_125], %div3A_123 {strides = array<i32>} : memref<8192x32xf32, #tpu.memory_space<vmem>>, vector<512x32xf32>,
      %get3A_127 = arith.constant 0 : index
      %get3A_128 = arith.constant 0 : index
      %get3A_129 = vector.load %arg25[%get3A_127, %get3A_128] : memref<128x256xf32, #tpu.memory_space<vmem>>, vector<128x256xf32>
      %dot_general3A_130 = arith.constant dense<0.000000e+00> : vector<512x128xf32>
      %dot_general3A_131 = tpu.matmul %get3A_95, %get3A_129, %dot_general3A_130 {dimension_numbers = #tpu.dot_dimension_numbers<[1], [1], [0], [0], [0, 0, 1, 0], [], []>, transpose_lhs_hint = false} : vector<512x256xf32>, vector<128x256xf32>, vector<512x128xf32> -> vector<512x128xf32>
      %get3A_132 = arith.constant 0 : index
      %get3A_133 = arith.constant 0 : index
      %get3A_134 = vector.load %arg26[%get3A_132, %get3A_133] : memref<1x128xf32, #tpu.memory_space<vmem>>, vector<1x128xf32>
      %add3A_135 = vector.broadcast %get3A_134 : vector<1x128xf32> to vector<512x128xf32>
      %add3A_136 = arith.addf %dot_general3A_131, %add3A_135 : vector<512x128xf32>
      %max3A_137 = arith.constant 0.000000e+00 : f32
      %max3A_138 = vector.broadcast %max3A_137 : f32 to vector<512x128xf32>
      %max3A_139 = arith.maximumf %add3A_136, %max3A_138 : vector<512x128xf32>
      %get3A_140 = arith.constant 0 : index
      %get3A_141 = arith.constant 0 : index
      %get3A_142 = vector.load %arg27[%get3A_140, %get3A_141] : memref<1x128xf32, #tpu.memory_space<vmem>>, vector<1x128xf32>
      %mul3A_143 = vector.broadcast %get3A_142 : vector<1x128xf32> to vector<512x128xf32>
      %mul3A_144 = arith.mulf %max3A_139, %mul3A_143 : vector<512x128xf32>
      %reduce_sum3A_145 = arith.constant dense<0.000000e+00> : vector<512xf32>
      %reduce_sum3A_146 = vector.multi_reduction <add>, %mul3A_144, %reduce_sum3A_145 [1] : vector<512x128xf32> to vector<512xf32>
      %broadcast_in_dim3A_147 = vector.shape_cast %reduce_sum3A_146 : vector<512xf32> to vector<512x1xf32>
      %get3A_148 = arith.constant 0 : index
      %get3A_149 = memref.load %arg28[%get3A_148] : memref<1xf32, #tpu.memory_space<smem>>
      %add3A_150 = vector.broadcast %get3A_149 : f32 to vector<512x1xf32>
      %add3A_151 = arith.addf %broadcast_in_dim3A_147, %add3A_150 : vector<512x1xf32>
      %logistic3A = arith.negf %add3A_151 : vector<512x1xf32>
      %logistic3A_152 = math.exp %logistic3A : vector<512x1xf32>
      %logistic3A_153 = arith.constant 1.000000e+00 : f32
      %logistic3A_154 = vector.broadcast %logistic3A_153 : f32 to vector<512x1xf32>
      %logistic3A_155 = arith.addf %logistic3A_154, %logistic3A_152 : vector<512x1xf32>
      %logistic3A_156 = arith.divf %logistic3A_154, %logistic3A_155 : vector<512x1xf32>
      %jit3A = arith.constant 9.99999997E-7 : f32
      %jit3A_157 = arith.constant 0.999998986 : f32
      %max3A_158 = vector.broadcast %jit3A : f32 to vector<512x1xf32>
      %max3A_159 = arith.maximumf %max3A_158, %logistic3A_156 : vector<512x1xf32>
      %min3A = vector.broadcast %jit3A_157 : f32 to vector<512x1xf32>
      %min3A_160 = arith.minimumf %min3A, %max3A_159 : vector<512x1xf32>
      %swap3A_161 = arith.index_cast %mul3A_92 : i32 to index
      %swap3A_162 = arith.constant 0 : index
      %swap3A_163 = vector.load %arg29[%swap3A_161, %swap3A_162] : memref<8192x1xf32, #tpu.memory_space<vmem>>, vector<512x1xf32>
      tpu.vector_store %arg29[%swap3A_161, %swap3A_162], %min3A_160 {strides = array<i32>} : memref<8192x1xf32, #tpu.memory_space<vmem>>, vector<512x1xf32>,
    }
    %scan3A_89 = arith.constant 16 : i32
    return
  }
  func.func @transform_0(%arg0: i32, %arg1: memref<32xi32, #tpu.memory_space<smem>>, %arg2: memref<32xi32, #tpu.memory_space<smem>>) -> (i32, i32) {
    %c0_i32 = arith.constant 0 : i32
    %c0_i32_0 = arith.constant 0 : i32
    %c0_i32_1 = arith.constant 0 : i32
    return %c0_i32, %c0_i32_0 : i32, i32
  }
  func.func @transform_1(%arg0: i32, %arg1: memref<32xi32, #tpu.memory_space<smem>>, %arg2: memref<32xi32, #tpu.memory_space<smem>>) -> (i32, i32) {
    %c0_i32 = arith.constant 0 : i32
    %c0_i32_0 = arith.constant 0 : i32
    %c0_i32_1 = arith.constant 0 : i32
    return %c0_i32, %c0_i32_0 : i32, i32
  }
  func.func @transform_2(%arg0: i32, %arg1: memref<32xi32, #tpu.memory_space<smem>>, %arg2: memref<32xi32, #tpu.memory_space<smem>>) -> (i32, i32) {
    %c0_i32 = arith.constant 0 : i32
    %c0_i32_0 = arith.constant 0 : i32
    %c0_i32_1 = arith.constant 0 : i32
    return %c0_i32, %c0_i32_0 : i32, i32
  }
  func.func @transform_3(%arg0: i32, %arg1: memref<32xi32, #tpu.memory_space<smem>>, %arg2: memref<32xi32, #tpu.memory_space<smem>>) -> (i32, i32) {
    %c0_i32 = arith.constant 0 : i32
    %c0_i32_0 = arith.constant 0 : i32
    %c0_i32_1 = arith.constant 0 : i32
    return %c0_i32, %c0_i32_0 : i32, i32
  }
  func.func @transform_4(%arg0: i32, %arg1: memref<32xi32, #tpu.memory_space<smem>>, %arg2: memref<32xi32, #tpu.memory_space<smem>>) -> (i32, i32) {
    %c0_i32 = arith.constant 0 : i32
    %c0_i32_0 = arith.constant 0 : i32
    %c0_i32_1 = arith.constant 0 : i32
    return %c0_i32, %c0_i32_0 : i32, i32
  }
  func.func @transform_5(%arg0: i32, %arg1: memref<32xi32, #tpu.memory_space<smem>>, %arg2: memref<32xi32, #tpu.memory_space<smem>>) -> (i32, i32, i32) {
    %c0_i32 = arith.constant 0 : i32
    %c0_i32_0 = arith.constant 0 : i32
    %c0_i32_1 = arith.constant 0 : i32
    %c0_i32_2 = arith.constant 0 : i32
    return %c0_i32, %c0_i32_0, %c0_i32_1 : i32, i32, i32
  }
  func.func @transform_6(%arg0: i32, %arg1: memref<32xi32, #tpu.memory_space<smem>>, %arg2: memref<32xi32, #tpu.memory_space<smem>>) -> (i32, i32, i32) {
    %c0_i32 = arith.constant 0 : i32
    %c0_i32_0 = arith.constant 0 : i32
    %c0_i32_1 = arith.constant 0 : i32
    %c0_i32_2 = arith.constant 0 : i32
    return %c0_i32, %c0_i32_0, %c0_i32_1 : i32, i32, i32
  }
  func.func @transform_7(%arg0: i32, %arg1: memref<32xi32, #tpu.memory_space<smem>>, %arg2: memref<32xi32, #tpu.memory_space<smem>>) -> (i32, i32, i32) {
    %c0_i32 = arith.constant 0 : i32
    %c0_i32_0 = arith.constant 0 : i32
    %c0_i32_1 = arith.constant 0 : i32
    %c0_i32_2 = arith.constant 0 : i32
    return %c0_i32, %c0_i32_0, %c0_i32_1 : i32, i32, i32
  }
  func.func @transform_8(%arg0: i32, %arg1: memref<32xi32, #tpu.memory_space<smem>>, %arg2: memref<32xi32, #tpu.memory_space<smem>>) -> (i32, i32, i32) {
    %c0_i32 = arith.constant 0 : i32
    %c0_i32_0 = arith.constant 0 : i32
    %c0_i32_1 = arith.constant 0 : i32
    %c0_i32_2 = arith.constant 0 : i32
    return %c0_i32, %c0_i32_0, %c0_i32_1 : i32, i32, i32
  }
  func.func @transform_9(%arg0: i32, %arg1: memref<32xi32, #tpu.memory_space<smem>>, %arg2: memref<32xi32, #tpu.memory_space<smem>>) -> (i32, i32, i32) {
    %c0_i32 = arith.constant 0 : i32
    %c0_i32_0 = arith.constant 0 : i32
    %c0_i32_1 = arith.constant 0 : i32
    %c0_i32_2 = arith.constant 0 : i32
    return %c0_i32, %c0_i32_0, %c0_i32_1 : i32, i32, i32
  }
  func.func @transform_10(%arg0: i32, %arg1: memref<32xi32, #tpu.memory_space<smem>>, %arg2: memref<32xi32, #tpu.memory_space<smem>>) -> (i32, i32, i32) {
    %c0_i32 = arith.constant 0 : i32
    %c0_i32_0 = arith.constant 0 : i32
    %c0_i32_1 = arith.constant 0 : i32
    %c0_i32_2 = arith.constant 0 : i32
    return %c0_i32, %c0_i32_0, %c0_i32_1 : i32, i32, i32
  }
  func.func @transform_11(%arg0: i32, %arg1: memref<32xi32, #tpu.memory_space<smem>>, %arg2: memref<32xi32, #tpu.memory_space<smem>>) -> (i32, i32, i32) {
    %c0_i32 = arith.constant 0 : i32
    %c0_i32_0 = arith.constant 0 : i32
    %c0_i32_1 = arith.constant 0 : i32
    %c0_i32_2 = arith.constant 0 : i32
    return %c0_i32, %c0_i32_0, %c0_i32_1 : i32, i32, i32
  }
  func.func @transform_12(%arg0: i32, %arg1: memref<32xi32, #tpu.memory_space<smem>>, %arg2: memref<32xi32, #tpu.memory_space<smem>>) -> (i32, i32, i32) {
    %c0_i32 = arith.constant 0 : i32
    %c0_i32_0 = arith.constant 0 : i32
    %c0_i32_1 = arith.constant 0 : i32
    %c0_i32_2 = arith.constant 0 : i32
    return %c0_i32, %c0_i32_0, %c0_i32_1 : i32, i32, i32
  }
  func.func @transform_13(%arg0: i32, %arg1: memref<32xi32, #tpu.memory_space<smem>>, %arg2: memref<32xi32, #tpu.memory_space<smem>>) -> (i32, i32, i32) {
    %c0_i32 = arith.constant 0 : i32
    %c0_i32_0 = arith.constant 0 : i32
    %c0_i32_1 = arith.constant 0 : i32
    %c0_i32_2 = arith.constant 0 : i32
    return %c0_i32, %c0_i32_0, %c0_i32_1 : i32, i32, i32
  }
  func.func @transform_14(%arg0: i32, %arg1: memref<32xi32, #tpu.memory_space<smem>>, %arg2: memref<32xi32, #tpu.memory_space<smem>>) -> (i32, i32, i32) {
    %c0_i32 = arith.constant 0 : i32
    %c0_i32_0 = arith.constant 0 : i32
    %c0_i32_1 = arith.constant 0 : i32
    %c0_i32_2 = arith.constant 0 : i32
    return %c0_i32, %c0_i32_0, %c0_i32_1 : i32, i32, i32
  }
  func.func @transform_15(%arg0: i32, %arg1: memref<32xi32, #tpu.memory_space<smem>>, %arg2: memref<32xi32, #tpu.memory_space<smem>>) -> (i32, i32, i32) {
    %c0_i32 = arith.constant 0 : i32
    %c0_i32_0 = arith.constant 0 : i32
    %c0_i32_1 = arith.constant 0 : i32
    %c0_i32_2 = arith.constant 0 : i32
    return %c0_i32, %c0_i32_0, %c0_i32_1 : i32, i32, i32
  }
  func.func @transform_16(%arg0: i32, %arg1: memref<32xi32, #tpu.memory_space<smem>>, %arg2: memref<32xi32, #tpu.memory_space<smem>>) -> (i32, i32, i32) {
    %c0_i32 = arith.constant 0 : i32
    %c0_i32_0 = arith.constant 0 : i32
    %c0_i32_1 = arith.constant 0 : i32
    %c0_i32_2 = arith.constant 0 : i32
    return %c0_i32, %c0_i32_0, %c0_i32_1 : i32, i32, i32
  }
  func.func @transform_17(%arg0: i32, %arg1: memref<32xi32, #tpu.memory_space<smem>>, %arg2: memref<32xi32, #tpu.memory_space<smem>>) -> (i32, i32, i32) {
    %c0_i32 = arith.constant 0 : i32
    %c0_i32_0 = arith.constant 0 : i32
    %c0_i32_1 = arith.constant 0 : i32
    %c0_i32_2 = arith.constant 0 : i32
    return %c0_i32, %c0_i32_0, %c0_i32_1 : i32, i32, i32
  }
  func.func @transform_18(%arg0: i32, %arg1: memref<32xi32, #tpu.memory_space<smem>>, %arg2: memref<32xi32, #tpu.memory_space<smem>>) -> (i32, i32) {
    %c0_i32 = arith.constant 0 : i32
    %c0_i32_0 = arith.constant 0 : i32
    %c0_i32_1 = arith.constant 0 : i32
    return %c0_i32, %c0_i32_0 : i32, i32
  }
  func.func @transform_19(%arg0: i32, %arg1: memref<32xi32, #tpu.memory_space<smem>>, %arg2: memref<32xi32, #tpu.memory_space<smem>>) -> (i32, i32) {
    %c0_i32 = arith.constant 0 : i32
    %c0_i32_0 = arith.constant 0 : i32
    %c0_i32_1 = arith.constant 0 : i32
    return %c0_i32, %c0_i32_0 : i32, i32
  }
  func.func @transform_20(%arg0: i32, %arg1: memref<32xi32, #tpu.memory_space<smem>>, %arg2: memref<32xi32, #tpu.memory_space<smem>>) -> (i32, i32) {
    %c0_i32 = arith.constant 0 : i32
    %c0_i32_0 = arith.constant 0 : i32
    %c0_i32_1 = arith.constant 0 : i32
    return %c0_i32, %c0_i32_0 : i32, i32
  }
  func.func @transform_21(%arg0: i32, %arg1: memref<32xi32, #tpu.memory_space<smem>>, %arg2: memref<32xi32, #tpu.memory_space<smem>>) -> (i32, i32) {
    %c0_i32 = arith.constant 0 : i32
    %c0_i32_0 = arith.constant 0 : i32
    %c0_i32_1 = arith.constant 0 : i32
    return %c0_i32, %c0_i32_0 : i32, i32
  }
  func.func @transform_22(%arg0: i32, %arg1: memref<32xi32, #tpu.memory_space<smem>>, %arg2: memref<32xi32, #tpu.memory_space<smem>>) -> (i32, i32) {
    %c0_i32 = arith.constant 0 : i32
    %c0_i32_0 = arith.constant 0 : i32
    %c0_i32_1 = arith.constant 0 : i32
    return %c0_i32, %c0_i32_0 : i32, i32
  }
  func.func @transform_23(%arg0: i32, %arg1: memref<32xi32, #tpu.memory_space<smem>>, %arg2: memref<32xi32, #tpu.memory_space<smem>>) -> (i32, i32) {
    %c0_i32 = arith.constant 0 : i32
    %c0_i32_0 = arith.constant 0 : i32
    %c0_i32_1 = arith.constant 0 : i32
    return %c0_i32, %c0_i32_0 : i32, i32
  }
  func.func @transform_24(%arg0: i32, %arg1: memref<32xi32, #tpu.memory_space<smem>>, %arg2: memref<32xi32, #tpu.memory_space<smem>>) -> (i32, i32) {
    %c0_i32 = arith.constant 0 : i32
    %c0_i32_0 = arith.constant 0 : i32
    %c0_i32_1 = arith.constant 0 : i32
    return %c0_i32, %c0_i32_0 : i32, i32
  }
  func.func @transform_25(%arg0: i32, %arg1: memref<32xi32, #tpu.memory_space<smem>>, %arg2: memref<32xi32, #tpu.memory_space<smem>>) -> i32 {
    %c0_i32 = arith.constant 0 : i32
    %c0_i32_0 = arith.constant 0 : i32
    return %c0_i32 : i32
  }
  func.func @transform_26(%arg0: i32, %arg1: memref<32xi32, #tpu.memory_space<smem>>, %arg2: memref<32xi32, #tpu.memory_space<smem>>) -> (i32, i32) {
    %c0_i32 = arith.constant 0 : i32
    %c0_i32_0 = arith.constant 0 : i32
    %c0_i32_1 = arith.constant 0 : i32
    return %c0_i32, %c0_i32_0 : i32, i32
  }
  func.func @transform_27(%arg0: i32, %arg1: memref<32xi32, #tpu.memory_space<smem>>, %arg2: memref<32xi32, #tpu.memory_space<smem>>) -> (i32, i32) {
    %c0_i32 = arith.constant 0 : i32
    %c0_i32_0 = arith.constant 0 : i32
    %c0_i32_1 = arith.constant 0 : i32
    return %c0_i32, %c0_i32_0 : i32, i32
  }
}

</mosaic_0001>

<sc_bundles>
// kernel: gather_offload_async_start.1
scs
__scs_entry_jumppad:
0x0: {  	(pc) =	sbr.rel $0x88, $3  }
0x1: {  	(tag) =	ssettag $0x0;
	lr =	simm.s32 $0x1  }
0x2: {  	[smem:$0x3F61] =	sst lr;
	_ =	strace $0xD0000000  }
0x3: {  	_ = 	snop  }
0x4: {  	_ = 	snop  }
0x5: {  	_ = 	snop  }
0x6: {  	_ = 	snop  }
0x7: {  	_ = 	snop  }
__scs_overlays_trampoline_lowered:
0x8: {  	[smem:$0x3F70] =	sst s0  }
0x9: {  	[smem:$0x3F71] =	sst s1  }
0xa: {  	[smem:$0x3F72] =	sst s2  }
0xb: {  	[smem:$0x3F73] =	sst s3  }
0xc: {  	[smem:$0x3F74] =	sst s4  }
0xd: {  	[smem:$0x3F75] =	sst s5  }
0xe: {  	[smem:$0x3F76] =	sst s6  }
0xf: {  	[smem:$0x3F77] =	sst s7  }
0x10: {  	[smem:$0x3F78] =	sst s8  }
0x11: {  	[smem:$0x3F79] =	sst s9;
	s0 =	simm.s32 @!p0 $0x0  }
0x12: {  	s1 =	sld [smem:$0x3F5F];
	s0 =	simm.s32 @p0 $0x1  }
0x13: {  	[smem:$0x3F7A] =	sst s0;
	s0 =	simm.s32 @!p1 $0x0  }
0x14: {  	s2 =	sld [smem:$0x3F5E];
	s0 =	simm.s32 @p1 $0x1  }
0x15: {  	[smem:$0x3F7B] =	sst s0;
	s0 =	simm.s32 @!p2 $0x0  }
0x16: {  	s3 =	sld [smem:$0x3FDB];
	s0 =	simm.s32 @p2 $0x1  }
0x17: {  	s4 =	simm.s32 $0x1BF5;
	[smem:$0x3F7D] =	sst s0  }
0x18: {  	s0 =	sld [smem:$0x3F60];
	_ =	swait.ge [sflag:s4], $0x0  }
0x19: {  	s7 =	sld [smem:$0x3F61]  }
0x1a: {  	s8 =	sadd.s32 $0xFFFFE003, lr  }
0x1b: {  	s9 =	sadd.s32 $0xFFFFFEF7, lr;
	s5 =	simm.s32 $0xFFFFFFFF;
	p2 =	slt.u32 s8, $0xFFFFF086  }
0x1c: {  	p1 =	slt.u32 s9, $0xF7A;
	s5 =	simm.s32 @!p2 $0x0  }
0x1d: {  	s5 =	simm.s32 @p1 $0x1;
	p0 =	seq.s32 s7, s2  }
0x1e: {  	s7 =	smul.u32 @!p0 $0xF7A, s2;
	p2 =	seq.s32 @!p0 s5, $0x0  }
0x1f: {  	s9 =	smul.u32 $0xF7A, s1;
	s8 =	simm.s32 @!p0 $0x1BF5;
	p2 =	por !p2, p0  }
0x20: {  	[sflag:s8] =	ssyncset.s32 @!p0 $0xFFFFF086;
	s6 =	sadd.s32 @!p0 s3, s7;
	s7 =	simm.s32 @!p0 $0x108  }
0x21: {  	s3 =	sadd.s32 s3, s9;
	s6 =	sadd.s32 @!p0 $0x88, s6;
	s7 =	simm.s32 @p2 $0x1082  }
0x22: {  	[simem:s7], [sflag:s8] =	dma.local @!p0 [hbm:s6], $0xF7A  }
0x23: {  	s9 =	sor.u32 $0xD0000000, s2;
	s6 =	simm.s32 $0x108;
	_ =	swait.ge @!p0 [sflag:s8], $0x0  }
0x24: {  	s3 =	sadd.s32 $0x88, s3;
	s6 =	simm.s32 @!p1 $0x1082;
	[sflag:s4] =	ssyncset.s32 $0xFFFFF086  }
0x25: {  	[simem:s6], [sflag:s4] =	dma.local [hbm:s3], $0xF7A  }
0x26: {  	[smem:$0x3F61] =	sst s1;
	(tag) =	ssettag s2;
	_ =	strace s9  }
0x27: {  	s1 =	sld [smem:$0x3F71]  }
0x28: {  	s2 =	sld [smem:$0x3F72]  }
0x29: {  	s4 =	sld [smem:$0x3F74]  }
0x2a: {  	p0 =	seq.s32 s5, $0x0;
	s5 =	sld [smem:$0x3F75]  }
0x2b: {  	s6 =	sld [smem:$0x3F76]  }
0x2c: {  	s7 =	sld [smem:$0x3F77]  }
0x2d: {  	s3 =	simm.s32 $0x108;
	s8 =	sld [smem:$0x3F78]  }
0x2e: {  	s3 =	simm.s32 @!p0 $0x1082;
	s9 =	sld [smem:$0x3F79]  }
0x2f: {  	lr =	sadd.s32 s0, s3;
	s0 =	sld [smem:$0x3F70]  }
0x30: {  	s3 =	sld [smem:$0x3F73]  }
0x31: {  	[smem:$0x3F7C] =	sst s10  }
0x32: {  	s10 =	sld [smem:$0x3F7A];
	_ =	sdelay $0x3  }
0x33: {  	p0 =	seq.s32 s10, $0x1;
	s10 =	sld [smem:$0x3F7C];
	_ =	sdelay $0x3  }
0x34: {  	[smem:$0x3F7C] =	sst s10  }
0x35: {  	s10 =	sld [smem:$0x3F7B];
	_ =	sdelay $0x3  }
0x36: {  	p1 =	seq.s32 s10, $0x1;
	s10 =	sld [smem:$0x3F7C];
	_ =	sdelay $0x3  }
0x37: {  	[smem:$0x3F7C] =	sst s10  }
0x38: {  	s10 =	sld [smem:$0x3F7D]  }
0x39: {  	_ = 	snop;
	(pc) =	sbr.ind lr, $3  }
0x3a: {  	_ = 	snop  }
0x3b: {  	_ = 	snop  }
0x3c: {  	p2 =	seq.s32 s10, $0x1;
	s10 =	sld [smem:$0x3F7C]  }
0x3d: {  	_ =	shalt  }
0x3e: {  	_ =	shalt  }
0x3f: {  	_ =	shalt  }
0x40: {  	_ =	shalt  }
0x41: {  	_ =	shalt  }
0x42: {  	_ =	shalt  }
0x43: {  	_ =	shalt  }
0x44: {  	_ =	shalt  }
0x45: {  	_ =	shalt  }
0x46: {  	_ =	shalt  }
0x47: {  	_ =	shalt  }
0x48: {  	_ =	shalt  }
0x49: {  	_ =	shalt  }
0x4a: {  	_ =	shalt  }
0x4b: {  	_ =	shalt  }
0x4c: {  	_ =	shalt  }
0x4d: {  	_ =	shalt  }
0x4e: {  	_ =	shalt  }
0x4f: {  	_ =	shalt  }
0x50: {  	_ =	shalt  }
0x51: {  	_ =	shalt  }
0x52: {  	_ =	shalt  }
0x53: {  	_ =	shalt  }
0x54: {  	_ =	shalt  }
0x55: {  	_ =	shalt  }
0x56: {  	_ =	shalt  }
0x57: {  	_ =	shalt  }
0x58: {  	_ =	shalt  }
0x59: {  	_ =	shalt  }
0x5a: {  	_ =	shalt  }
0x5b: {  	_ =	shalt  }
0x5c: {  	_ =	shalt  }
0x5d: {  	_ =	shalt  }
0x5e: {  	_ =	shalt  }
0x5f: {  	_ =	shalt  }
0x60: {  	_ =	shalt  }
0x61: {  	_ =	shalt  }
0x62: {  	_ =	shalt  }
0x63: {  	_ =	shalt  }
0x64: {  	_ =	shalt  }
0x65: {  	_ =	shalt  }
0x66: {  	_ =	shalt  }
0x67: {  	_ =	shalt  }
0x68: {  	_ =	shalt  }
0x69: {  	_ =	shalt  }
0x6a: {  	_ =	shalt  }
0x6b: {  	_ =	shalt  }
0x6c: {  	_ =	shalt  }
0x6d: {  	_ =	shalt  }
0x6e: {  	_ =	shalt  }
0x6f: {  	_ =	shalt  }
0x70: {  	_ =	shalt  }
0x71: {  	_ =	shalt  }
0x72: {  	_ =	shalt  }
0x73: {  	_ =	shalt  }
0x74: {  	_ =	shalt  }
0x75: {  	_ =	shalt  }
0x76: {  	_ =	shalt  }
0x77: {  	_ =	shalt  }
0x78: {  	_ =	shalt  }
0x79: {  	_ =	shalt  }
0x7a: {  	_ =	shalt  }
0x7b: {  	_ =	shalt  }
0x7c: {  	_ =	shalt  }
0x7d: {  	_ =	shalt  }
0x7e: {  	_ =	shalt  }
0x7f: {  	_ =	shalt  }
0x80: {  	_ =	shalt  }
0x81: {  	_ =	shalt  }
0x82: {  	_ =	shalt  }
0x83: {  	_ =	shalt  }
0x84: {  	_ =	shalt  }
0x85: {  	_ =	shalt  }
0x86: {  	_ =	shalt  }
0x87: {  	_ =	shalt  }
.Lfunc_end0:
.L_simem_size_0:
called_computation.1_lowered:
.L_overlay_start_0:
0x88: {  	s2 =	sld [smem:$0x3FD9]  }
0x89: {  	s3 =	sld [smem:$0x3FFE];
	_ =	sdelay $0x1  }
0x8a: {  	s1 =	srdreg.scid  }
0x8b: {  	s0 =	sand.u32 $0x1, s1  }
0x8c: {  	s16 =	sshll.u32 s0, $0xA;
	s2 =	sadd.s32 s3, s2  }
0x8d: {  	s2 =	sadd.s32 s2, s16  }
0x8e: {  	[smem:$0x3F88] =	sst s2  }
0x8f: {  	_ = 	snop  }
0x90: {  	(tm) =	ssettm $0x1  }
0x91: {  	s17 =	sld [smem:$0x3FFB];
	_ =	sdelay $0x3  }
0x92: {  	_ =	strace s17  }
0x93: {  	s2 =	sld [smem:$0x3FFC];
	_ =	sdelay $0x3  }
0x94: {  	_ =	strace s2  }
0x95: {  	s2 =	sld [smem:$0x3FFD];
	_ =	sdelay $0x3  }
0x96: {  	_ =	strace s2  }
0x97: {  	_ =	strace $0x8FFFFFFF  }
0x98: {  	s18 =	sld [smem:$0x3FDB];
	_ =	sdelay $0x1  }
0x99: {  	s19 =	simm.s32 $_scs_section_size  }
0x9a: {  	s4 =	simm.s32 $_size__tile_overlayer_lowered;
	s5 =	simm.s32 $_tile_overlayer_lowered  }
0x9b: {  	s22 =	simm.s32 $0x1BFF;
	s21 =	sshll.u32 s5, $0x1;
	s2 =	sadd.s32 s19, s18  }
0x9c: {  	s6 =	simm.s32 $0x0;
	s20 =	sshll.u32 s4, $0x1;
	s4 =	sadd.s32 s21, s2  }
0x9d: {  	[timem:s6], [sflag:s22] =	dma.local [hbm:s4], s20  }
0x9e: {  	_ =	swait.ge [sflag:s22], s20  }
0x9f: {  	s3 =	ssub.s32 $0x0, s20;
	[sflag:s22] =	ssyncset.done $0x0  }
0xa0: {  	[sflag:s22] =	ssyncadd.s32 s3;
	_ =	sdelay $0x1  }
0xa1: {  	s23 =	simm.s32 $0x1B8B  }
0xa2: {  	_ =	swait.ge [sflag:s23], $0x1  }
0xa3: {  	[sflag:s23] =	ssyncset.done $0x0  }
0xa4: {  	s25 =	simm.s32 $0x1B8E;
	s24 =	sld [smem:$0x3FFE];
	[sflag:s23] =	ssyncadd.s32 $0xFFFFFFFF  }
0xa5: {  	s26 =	simm.s32 $execute0_lowered;
	[smem:$0x3FD2] =	sst s25  }
0xa6: {  	s4 =	sshll.u32 s26, $0x1;
	_ =	strace $0x80000052;
	[dreg:$0x1] =	wrdreg $0xFFFFFFFF  }
0xa7: {  	s28 =	simm.s32 $_size_execute0_lowered;
	s2 =	sadd.s32 s2, s4;
	[dreg:$0x0] =	wrdreg $0x0  }
0xa8: {  	s4 =	sshll.u32 s28, $0x1;
	[dreg:$0x2] =	wrdreg s2  }
0xa9: {  	[dreg:$0x3] =	wrdreg s4  }
0xaa: {  	[dreg:$0x4] =	wrdreg $0xC0  }
0xab: {  	_ =	task [dreg:s6], $0x5FFFF  }
0xac: {  	[dreg:$0x1] =	wrdreg $0xFFFFFFFF  }
0xad: {  	[dreg:$0x0] =	wrdreg $0x60  }
0xae: {  	[dreg:$0x2] =	wrdreg s24  }
0xaf: {  	[dreg:$0x3] =	wrdreg $0x9  }
0xb0: {  	_ =	task.clear_ibuf [dreg:s6], $0x4FFFF;
	_ =	strace $0x90000052  }
0xb1: {  	s29 =	simm.s32 $0x9;
	_ =	strace $0x80000054  }
0xb2: {  	_ =	swait.ge [sflag:s29], $0x1  }
0xb3: {  	[sflag:s29] =	ssyncadd.s32 $0xFFFFFFFF  }
0xb4: {  	_ =	strace $0x90000054  }
0xb5: {  	_ =	sfence  }
0xb6: {  	s30 =	sld [smem:$0x0];
	_ =	sdelay $0x2  }
0xb7: {  	s31 =	sshll.u32 s1, $0xD;
	s1 =	sshrl.u32 s1, $0x2  }
0xb8: {  	s3 =	sand.u32 $0x4000, s31;
	s1 =	sadd.s32 s1, s30  }
0xb9: {  	s0 =	sor.u32 s3, s0;
	s1 =	sshll.u32 s1, $0x11  }
0xba: {  	s0 =	sor.u32 s1, s0  }
0xbb: {  	s0 =	sadd.s32 $0x8F2B, s0  }
0xbc: {  	[sflag:s0] =	ssyncadd.remote.s32 $0x1  }
0xbd: {  	_ =	sfence.sel $0xFFFF  }
0xbe: {  	[dreg:$0x0] =	wrdreg $0xFFFFFFFF;
	(pc) =	sbr.abs _section_cstart, $3  }
0xbf: {  	[dreg:$0x1] =	wrdreg $0xFFFFFFFF  }
0xc0: {  	_ =	task.clear_ibuf [dreg:s6], $0x2FFFF;
	_ =	strace $0x9FFFFFFF  }
0xc1: {  	(tm) =	ssettm $0x7FFFFFFF  }
tec
execute0_lowered:
.L_overlay_start_1:
0x0: {  	(tag) =	ssettag $0x1  }
0x1: {  	s0 =	srdreg.scid;
	s5 =	rddreg [dreg:$0x0]  }
0x2: {  	s1 =	stileid.u32;
	s6 =	simm.s32 $0x1;
	s9 =	simm.s32 $0x1  }
0x3: {  	s10 =	simm.s32 $0x3;
	s13 =	simm.s32 $0x0;
	s2 =	sshll.u32 s0, $0x7  }
0x4: {  	s12 =	simm.s32 $0x0;
	s3 =	sshll.u32 s1, $0x8;
	s2 =	sand.u32 $0x80, s2  }
0x5: {  	s0 =	rddreg [dreg:$0x1];
	_ =	strace $0x80000053;
	s2 =	sor.u32 s3, s2  }
0x6: {  	s4 =	sadd.s32 $0x29C00, s5;
	[sflag:s6] =	ssyncpa.u1 $0x0;
	s8 =	ssub.s32 $0x2000, s2  }
.Ltmp0:
0x7: {  	s3 =	sadd.s32 $0x54200, s5;
	s7 =	sand.u32 $0xF80, s8;
	(pc) =	sbr.rel .LBB2_1-.Ltmp0, $4  }
0x8: {  	s5 =	sadd.s32 $0x9400, s5;
	s11 =	smov.u32 s2;
	p0 =	sne.s32 s7, $0x0  }
0x9: {  	s8 =	sshrl.u32 s8, $0xC;
	s7 =	simm.s32 $0x2;
	s9 =	simm.s32 @!p0 $0x0  }
0xa: {  	[sflag:s7] =	ssyncpa.u1 $0x0;
	p0 =	por $0x0, $0x0;
	s8 =	sadd.s32 s9, s8  }
0xb: {  	vm0 =	vmmov $0xffff;
	[sflag:s10] =	ssyncpa.u1 $0x0;
	s10 =	simm.s32 $0x0;
	s9 =	sadd.s32 $0x1, s8  }
.LBB2_4:
0xc: {  	v2 =	vnsel vm1, $0x0, v2  }
0xd: {  	vm1 =	vgt.s32 v0, $0x0;
	v2 =	vmin.u32 v2, $0x1FFF  }
0xe: {  	v0 =	vnsel vm1, $0x0, v0  }
0xf: {  	v0 =	vmin.u32 v0, $0x1FFF  }
0x10: {  	[tilespmem:s15], [sflag:$0x1] =	stream.indirect_vreg.gather [hbm4b:s3+s10], $0x1, v1, vm0, $0x4038;
	[tilespmem:$0x200] =	vst v63  }
0x11: {  	(ifvalue) =	ssetifvalue $0x7FFFFFFF  }
0x12: {  	[tilespmem:s16], [sflag:$0x1] =	stream.indirect_vreg.gather [hbm4b:s3+s10], $0x1, v2, vm0, $0x4038;
	[tilespmem:$0x200] =	vst v63  }
0x13: {  	s29 =	sadd.s32 $0x10, s16;
	(ifvalue) =	ssetifvalue $0x7FFFFFFF  }
0x14: {  	[tilespmem:s29], [sflag:$0x1] =	stream.indirect_vreg.gather [hbm4b:s3+s10], $0x1, v0, vm0, $0x4038;
	[tilespmem:$0x200] =	vst v63  }
0x15: {  	_ =	swait.ge [sflag:s6], $0x80  }
0x16: {  	s30 =	sshrl.u32 s13, $0x3;
	[sflag:s6] =	ssyncset.done $0x0  }
0x17: {  	s31 =	sand.u32 $0x7, s13;
	s15 =	sadd.s32 s5, s30;
	[sflag:s6] =	ssyncadd.s32 $0xFFFFFF80  }
0x18: {  	[hbm4b:s15+s31] =	stream.linear.scatter [tilespmem:s14], [sflag:$0x3], $0x80, $0x38;
	[tilespmem:$0x200] =	vst v63  }
.LBB2_5:
0x19: {  	s15 =	sadd.s32 $0x1000, s11  }
0x1a: {  	p2 =	sgt.s32 s15, $0x1FFF  }
0x1b: {  	s15 =	smov.u32 @p2 s2;
	p2 =	sne.s32 s12, s9  }
.Ltmp1:
0x1c: {  	p1 =	slt.u32 s12, $0x2;
	(pc) =	sbr.rel @!p2 .LBB2_6-.Ltmp1, $4  }
0x1d: {  	s14 =	simm.s32 @!p1 $0x3  }
0x1e: {  	s16 =	sadd.s32 $0x1, s12;
	_ =	swait.ge @!p1 [sflag:s14], $0x80  }
0x1f: {  	s13 =	smov.u32 s11;
	p0 =	por !p0, !p0;
	[sflag:s14] =	ssyncset.done @!p1 $0x0  }
0x20: {  	s12 =	smov.u32 s16;
	s11 =	smov.u32 s15;
	[sflag:s14] =	ssyncadd.s32 @!p1 $0xFFFFFF80  }
.LBB2_1:
0x21: {  	p1 =	sge.u32 s12, s8  }
0x22: {  	s14 =	sxor.u32 @!p1 $0xFFFFFFFF, s12  }
0x23: {  	s31 =	sadd.s32 $0xFFFFFFFF, s12;
	s15 =	sshrl.u32 @!p1 s11, $0x3;
	s14 =	sshll.u32 @!p1 s14, $0x7  }
0x24: {  	s16 =	sand.u32 @!p1 $0x7, s11;
	s15 =	sadd.s32 @!p1 s4, s15;
	s14 =	sand.u32 @!p1 $0x80, s14  }
0x25: {  	[tilespmem:s14], [sflag:$0x2] =	stream.linear.gather @!p1 [hbm4b:s15+s16], $0x80, $0x38;
	[tilespmem:$0x200] =	vst v63  }
0x26: {  	p1 =	sge.u32 s31, s8  }
.Ltmp2:
0x27: {  	_ = 	snop;
	(pc) =	sbr.rel @p1 .LBB2_5-.Ltmp2, $1  }
0x28: {  	_ =	sdelay $0x3  }
0x29: {  	s14 =	simm.s32 $0x1  }
0x2a: {  	_ =	swait.ge [sflag:s7], $0x80;
	s14 =	simm.s32 @!p0 $0x0  }
0x2b: {  	[sflag:s7] =	ssyncset.done $0x0;
	s14 =	sshll.u32 s14, $0x7  }
0x2c: {  	[sflag:s7] =	ssyncadd.s32 $0xFFFFFF80;
	(ifvalue) =	ssetifvalue $0x7FFFFFFF;
	v0 =	vld.msk [tilespmem:s14+$0x0 ss:$0x1], $0xffff;
	_ =	sdelay $0x4  }
0x2d: {  	s15 =	sadd.s32 $0x10, s14;
	vm1 =	vgt.s32 v0, $0x0  }
0x2e: {  	v2 =	vld.msk [tilespmem:s15+$0x0 ss:$0x1], $0xffff;
	v1 =	vnsel vm1, $0x0, v0  }
0x2f: {  	v1 =	vmin.u32 v1, $0x1FFF;
	_ =	sdelay $0x1  }
0x30: {  	s16 =	sshll.u32 s12, $0x7;
	s18 =	simm.s32 $0x20  }
0x31: {  	s16 =	sand.u32 $0x80, s16;
	s17 =	sadd.s32 $0x10, s15;
	s15 =	sor.u32 $0x100, s14  }
0x32: {  	s14 =	sor.u32 $0x100, s16;
	s16 =	sadd.s32 $0x10, s15;
	v0 =	vld.msk [tilespmem:s17+$0x0 ss:$0x1], $0xffff;
	vm1 =	vgt.s32 v2, $0x0;
	(ifvalue) =	ssetifvalue $0x7FFFFFFF  }
.LBB2_3:
0x33: {  	[tilespmem:s15], [sflag:$0x1] =	stream.indirect_vreg.gather [hbm4b:s3+s10], $0x1, v1, vm0, $0x4038;
	[tilespmem:$0x200] =	vst v63  }
0x34: {  	s18 =	sadd.s32 $0x10, s18  }
0x35: {  	v2 =	vnsel vm1, $0x0, v2;
	p1 =	slt.u32 s18, $0x70  }
.Ltmp3:
0x36: {  	s15 =	smov.u32 s16;
	v1 =	vmin.u32 v2, $0x1FFF;
	(pc) =	sbr.rel @p1 .LBB2_3-.Ltmp3, $3  }
0x37: {  	_ =	sdelay $0x1  }
0x38: {  	s17 =	sadd.s32 $0x10, s17  }
0x39: {  	vm1 =	vgt.s32 v0, $0x0;
	s16 =	sadd.s32 $0x10, s16;
	v2 =	vmov v0;
	(ifvalue) =	ssetifvalue $0x7FFFFFFF;
	v0 =	vld.msk [tilespmem:s17+$0x0 ss:$0x1], $0xffff  }
.Ltmp4:
0x3a: {  	_ = 	snop;
	(pc) =	sbr.rel .LBB2_4-.Ltmp4, $1  }
0x3b: {  	_ =	sdelay $0x3  }
.LBB2_6:
0x3c: {  	_ =	sfence.sel $0x180000  }
0x3d: {  	s2 =	simm.s32 $0x2;
	[bflag:$0x0] =	sbarrier.arrive $0xFFFF  }
0x3e: {  	s30 =	simm.s32 $0x3;
	[sflag:s2] =	ssyncpa.u1 $0x1  }
0x3f: {  	s31 =	simm.s32 $0x1;
	[sflag:s30] =	ssyncpa.u1 $0x1  }
0x40: {  	[sflag:s31] =	ssyncpa.u1 $0x1  }
0x41: {  	p0 =	sne.s32 s1, $0x0;
	_ =	strace $0x90000053  }
0x42: {  	s0 =	sadd.s32 @!p0 $0x100000, s0;
	[bflag:$0x2] =	sbarrier.arrive $0xFFFF  }
0x43: {  	[sflag:s0] =	ssyncadd.tile.s32 @!p0 $0x1;
	_ =	shalt  }
.Lfunc_end2:
_tile_overlayer_lowered:
.L_overlay_start_2:
0x44: {  	(tag) =	ssettag $0x2  }
0x45: {  	s0 =	rddreg [dreg:$0x0];
	s2 =	stileid.u32  }
0x46: {  	s1 =	rddreg [dreg:$0x1];
	p0 =	sne.s32 s2, $0x0  }
0x47: {  	s3 =	rddreg [dreg:$0x2];
	[bflag:$0x3] =	sbarrier.arrive $0xFFFF;
	s2 =	simm.s32 @!p0 $0x1C01  }
0x48: {  	[timem:s3], [sflag:s2] =	dma.local @!p0 [hbm:s0], s1  }
0x49: {  	s0 =	simm.s32 @!p0 $0x1  }
0x4a: {  	_ =	swait.ge @!p0 [sflag:s0], s1  }
0x4b: {  	s1 =	ssub.s32 @!p0 $0x0, s1;
	[sflag:s0] =	ssyncset.done @!p0 $0x0  }
0x4c: {  	[sflag:s0] =	ssyncadd.s32 @!p0 s1  }
0x4d: {  	[bflag:$0x3] =	sbarrier.arrive $0xFFFF  }
0x4e: {  	_ =	shalt  }

// kernel: gather_offload_async_start.2
scs
__scs_entry_jumppad:
0x0: {  	(pc) =	sbr.rel $0x88, $3  }
0x1: {  	(tag) =	ssettag $0x0;
	lr =	simm.s32 $0x1  }
0x2: {  	[smem:$0x3F61] =	sst lr;
	_ =	strace $0xD0000000  }
0x3: {  	_ = 	snop  }
0x4: {  	_ = 	snop  }
0x5: {  	_ = 	snop  }
0x6: {  	_ = 	snop  }
0x7: {  	_ = 	snop  }
__scs_overlays_trampoline_lowered:
0x8: {  	[smem:$0x3F70] =	sst s0  }
0x9: {  	[smem:$0x3F71] =	sst s1  }
0xa: {  	[smem:$0x3F72] =	sst s2  }
0xb: {  	[smem:$0x3F73] =	sst s3  }
0xc: {  	[smem:$0x3F74] =	sst s4  }
0xd: {  	[smem:$0x3F75] =	sst s5  }
0xe: {  	[smem:$0x3F76] =	sst s6  }
0xf: {  	[smem:$0x3F77] =	sst s7  }
0x10: {  	[smem:$0x3F78] =	sst s8  }
0x11: {  	[smem:$0x3F79] =	sst s9;
	s0 =	simm.s32 @!p0 $0x0  }
0x12: {  	s1 =	sld [smem:$0x3F5F];
	s0 =	simm.s32 @p0 $0x1  }
0x13: {  	[smem:$0x3F7A] =	sst s0;
	s0 =	simm.s32 @!p1 $0x0  }
0x14: {  	s2 =	sld [smem:$0x3F5E];
	s0 =	simm.s32 @p1 $0x1  }
0x15: {  	[smem:$0x3F7B] =	sst s0;
	s0 =	simm.s32 @!p2 $0x0  }
0x16: {  	s3 =	sld [smem:$0x3FDB];
	s0 =	simm.s32 @p2 $0x1  }
0x17: {  	s4 =	simm.s32 $0x1BF5;
	[smem:$0x3F7D] =	sst s0  }
0x18: {  	s0 =	sld [smem:$0x3F60];
	_ =	swait.ge [sflag:s4], $0x0  }
0x19: {  	s7 =	sld [smem:$0x3F61]  }
0x1a: {  	s8 =	sadd.s32 $0xFFFFE003, lr  }
0x1b: {  	s9 =	sadd.s32 $0xFFFFFEF7, lr;
	s5 =	simm.s32 $0xFFFFFFFF;
	p2 =	slt.u32 s8, $0xFFFFF086  }
0x1c: {  	p1 =	slt.u32 s9, $0xF7A;
	s5 =	simm.s32 @!p2 $0x0  }
0x1d: {  	s5 =	simm.s32 @p1 $0x1;
	p0 =	seq.s32 s7, s2  }
0x1e: {  	s7 =	smul.u32 @!p0 $0xF7A, s2;
	p2 =	seq.s32 @!p0 s5, $0x0  }
0x1f: {  	s9 =	smul.u32 $0xF7A, s1;
	s8 =	simm.s32 @!p0 $0x1BF5;
	p2 =	por !p2, p0  }
0x20: {  	[sflag:s8] =	ssyncset.s32 @!p0 $0xFFFFF086;
	s6 =	sadd.s32 @!p0 s3, s7;
	s7 =	simm.s32 @!p0 $0x108  }
0x21: {  	s3 =	sadd.s32 s3, s9;
	s6 =	sadd.s32 @!p0 $0x88, s6;
	s7 =	simm.s32 @p2 $0x1082  }
0x22: {  	[simem:s7], [sflag:s8] =	dma.local @!p0 [hbm:s6], $0xF7A  }
0x23: {  	s9 =	sor.u32 $0xD0000000, s2;
	s6 =	simm.s32 $0x108;
	_ =	swait.ge @!p0 [sflag:s8], $0x0  }
0x24: {  	s3 =	sadd.s32 $0x88, s3;
	s6 =	simm.s32 @!p1 $0x1082;
	[sflag:s4] =	ssyncset.s32 $0xFFFFF086  }
0x25: {  	[simem:s6], [sflag:s4] =	dma.local [hbm:s3], $0xF7A  }
0x26: {  	[smem:$0x3F61] =	sst s1;
	(tag) =	ssettag s2;
	_ =	strace s9  }
0x27: {  	s1 =	sld [smem:$0x3F71]  }
0x28: {  	s2 =	sld [smem:$0x3F72]  }
0x29: {  	s4 =	sld [smem:$0x3F74]  }
0x2a: {  	p0 =	seq.s32 s5, $0x0;
	s5 =	sld [smem:$0x3F75]  }
0x2b: {  	s6 =	sld [smem:$0x3F76]  }
0x2c: {  	s7 =	sld [smem:$0x3F77]  }
0x2d: {  	s3 =	simm.s32 $0x108;
	s8 =	sld [smem:$0x3F78]  }
0x2e: {  	s3 =	simm.s32 @!p0 $0x1082;
	s9 =	sld [smem:$0x3F79]  }
0x2f: {  	lr =	sadd.s32 s0, s3;
	s0 =	sld [smem:$0x3F70]  }
0x30: {  	s3 =	sld [smem:$0x3F73]  }
0x31: {  	[smem:$0x3F7C] =	sst s10  }
0x32: {  	s10 =	sld [smem:$0x3F7A];
	_ =	sdelay $0x3  }
0x33: {  	p0 =	seq.s32 s10, $0x1;
	s10 =	sld [smem:$0x3F7C];
	_ =	sdelay $0x3  }
0x34: {  	[smem:$0x3F7C] =	sst s10  }
0x35: {  	s10 =	sld [smem:$0x3F7B];
	_ =	sdelay $0x3  }
0x36: {  	p1 =	seq.s32 s10, $0x1;
	s10 =	sld [smem:$0x3F7C];
	_ =	sdelay $0x3  }
0x37: {  	[smem:$0x3F7C] =	sst s10  }
0x38: {  	s10 =	sld [smem:$0x3F7D]  }
0x39: {  	_ = 	snop;
	(pc) =	sbr.ind lr, $3  }
0x3a: {  	_ = 	snop  }
0x3b: {  	_ = 	snop  }
0x3c: {  	p2 =	seq.s32 s10, $0x1;
	s10 =	sld [smem:$0x3F7C]  }
0x3d: {  	_ =	shalt  }
0x3e: {  	_ =	shalt  }
0x3f: {  	_ =	shalt  }
0x40: {  	_ =	shalt  }
0x41: {  	_ =	shalt  }
0x42: {  	_ =	shalt  }
0x43: {  	_ =	shalt  }
0x44: {  	_ =	shalt  }
0x45: {  	_ =	shalt  }
0x46: {  	_ =	shalt  }
0x47: {  	_ =	shalt  }
0x48: {  	_ =	shalt  }
0x49: {  	_ =	shalt  }
0x4a: {  	_ =	shalt  }
0x4b: {  	_ =	shalt  }
0x4c: {  	_ =	shalt  }
0x4d: {  	_ =	shalt  }
0x4e: {  	_ =	shalt  }
0x4f: {  	_ =	shalt  }
0x50: {  	_ =	shalt  }
0x51: {  	_ =	shalt  }
0x52: {  	_ =	shalt  }
0x53: {  	_ =	shalt  }
0x54: {  	_ =	shalt  }
0x55: {  	_ =	shalt  }
0x56: {  	_ =	shalt  }
0x57: {  	_ =	shalt  }
0x58: {  	_ =	shalt  }
0x59: {  	_ =	shalt  }
0x5a: {  	_ =	shalt  }
0x5b: {  	_ =	shalt  }
0x5c: {  	_ =	shalt  }
0x5d: {  	_ =	shalt  }
0x5e: {  	_ =	shalt  }
0x5f: {  	_ =	shalt  }
0x60: {  	_ =	shalt  }
0x61: {  	_ =	shalt  }
0x62: {  	_ =	shalt  }
0x63: {  	_ =	shalt  }
0x64: {  	_ =	shalt  }
0x65: {  	_ =	shalt  }
0x66: {  	_ =	shalt  }
0x67: {  	_ =	shalt  }
0x68: {  	_ =	shalt  }
0x69: {  	_ =	shalt  }
0x6a: {  	_ =	shalt  }
0x6b: {  	_ =	shalt  }
0x6c: {  	_ =	shalt  }
0x6d: {  	_ =	shalt  }
0x6e: {  	_ =	shalt  }
0x6f: {  	_ =	shalt  }
0x70: {  	_ =	shalt  }
0x71: {  	_ =	shalt  }
0x72: {  	_ =	shalt  }
0x73: {  	_ =	shalt  }
0x74: {  	_ =	shalt  }
0x75: {  	_ =	shalt  }
0x76: {  	_ =	shalt  }
0x77: {  	_ =	shalt  }
0x78: {  	_ =	shalt  }
0x79: {  	_ =	shalt  }
0x7a: {  	_ =	shalt  }
0x7b: {  	_ =	shalt  }
0x7c: {  	_ =	shalt  }
0x7d: {  	_ =	shalt  }
0x7e: {  	_ =	shalt  }
0x7f: {  	_ =	shalt  }
0x80: {  	_ =	shalt  }
0x81: {  	_ =	shalt  }
0x82: {  	_ =	shalt  }
0x83: {  	_ =	shalt  }
0x84: {  	_ =	shalt  }
0x85: {  	_ =	shalt  }
0x86: {  	_ =	shalt  }
0x87: {  	_ =	shalt  }
.Lfunc_end0:
.L_simem_size_0:
called_computation.2_lowered:
.L_overlay_start_0:
0x88: {  	s2 =	sld [smem:$0x3FD9]  }
0x89: {  	s3 =	sld [smem:$0x3FFE];
	_ =	sdelay $0x1  }
0x8a: {  	s1 =	srdreg.scid  }
0x8b: {  	s0 =	sand.u32 $0x1, s1  }
0x8c: {  	s14 =	sshll.u32 s0, $0xA;
	s2 =	sadd.s32 s3, s2  }
0x8d: {  	s2 =	sadd.s32 s2, s14  }
0x8e: {  	[smem:$0x3F88] =	sst s2  }
0x8f: {  	_ = 	snop  }
0x90: {  	s2 =	sld [smem:$0x3FD0];
	_ =	sdelay $0x2  }
0x91: {  	s15 =	simm.s32 $0xB;
	s4 =	simm.s32 $0x10  }
0x92: {  	[smem:s4], [sflag:s15] =	dma.local [hbm:s2], $0x1  }
0x93: {  	_ =	swait.eq [sflag:s15], $0x1  }
0x94: {  	[sflag:s15] =	ssyncset.done $0x0  }
0x95: {  	[sflag:s15] =	ssyncadd.s32 $0xFFFFFFFF  }
0x96: {  	s16 =	sld [smem:$0x10];
	(tm) =	ssettm $0x1  }
0x97: {  	s17 =	sld [smem:$0x3FFB];
	_ =	sdelay $0x3  }
0x98: {  	_ =	strace s17  }
0x99: {  	s3 =	sld [smem:$0x3FFC];
	_ =	sdelay $0x3  }
0x9a: {  	_ =	strace s3  }
0x9b: {  	s3 =	sld [smem:$0x3FFD];
	_ =	sdelay $0x3  }
0x9c: {  	_ =	strace s3  }
0x9d: {  	_ =	strace $0x8FFFFFFF  }
0x9e: {  	s18 =	sld [smem:$0x3FDB];
	_ =	sdelay $0x1  }
0x9f: {  	s19 =	simm.s32 $_scs_section_size  }
0xa0: {  	s5 =	simm.s32 $_size__tile_overlayer_lowered;
	s6 =	simm.s32 $_tile_overlayer_lowered  }
0xa1: {  	s22 =	simm.s32 $0x1BFF;
	s21 =	sshll.u32 s6, $0x1;
	s3 =	sadd.s32 s19, s18  }
0xa2: {  	s7 =	simm.s32 $0x0;
	s20 =	sshll.u32 s5, $0x1;
	s5 =	sadd.s32 s21, s3  }
0xa3: {  	[timem:s7], [sflag:s22] =	dma.local [hbm:s5], s20  }
0xa4: {  	_ =	swait.ge [sflag:s22], s20  }
0xa5: {  	s4 =	ssub.s32 $0x0, s20;
	[sflag:s22] =	ssyncset.done $0x0  }
0xa6: {  	[sflag:s22] =	ssyncadd.s32 s4;
	_ =	sdelay $0x1  }
0xa7: {  	s23 =	simm.s32 $0x1B8B  }
0xa8: {  	_ =	swait.ge [sflag:s23], $0x1  }
0xa9: {  	[sflag:s23] =	ssyncset.done $0x0  }
0xaa: {  	s25 =	simm.s32 $0x1B8E;
	s24 =	sld [smem:$0x3FFE];
	[sflag:s23] =	ssyncadd.s32 $0xFFFFFFFF  }
0xab: {  	s26 =	simm.s32 $execute0_lowered;
	[smem:$0x3FD2] =	sst s25  }
0xac: {  	s5 =	sshll.u32 s26, $0x1;
	_ =	strace $0x80000049;
	[dreg:$0x1] =	wrdreg $0xFFFFFFFF  }
0xad: {  	s28 =	simm.s32 $_size_execute0_lowered;
	s3 =	sadd.s32 s3, s5;
	[dreg:$0x0] =	wrdreg $0x0  }
0xae: {  	s5 =	sshll.u32 s28, $0x1;
	[dreg:$0x2] =	wrdreg s3  }
0xaf: {  	[dreg:$0x3] =	wrdreg s5  }
0xb0: {  	[dreg:$0x4] =	wrdreg $0xC0  }
0xb1: {  	_ =	task [dreg:s7], $0x5FFFF  }
0xb2: {  	[dreg:$0x1] =	wrdreg $0xFFFFFFFF  }
0xb3: {  	[dreg:$0x0] =	wrdreg $0x60  }
0xb4: {  	[dreg:$0x2] =	wrdreg s24  }
0xb5: {  	[dreg:$0x3] =	wrdreg s16  }
0xb6: {  	[dreg:$0x4] =	wrdreg $0x9  }
0xb7: {  	_ =	task.clear_ibuf [dreg:s7], $0x5FFFF;
	_ =	strace $0x90000049  }
0xb8: {  	s29 =	simm.s32 $0x9;
	_ =	strace $0x8000004B  }
0xb9: {  	_ =	swait.ge [sflag:s29], $0x1  }
0xba: {  	[sflag:s29] =	ssyncadd.s32 $0xFFFFFFFF  }
0xbb: {  	_ =	strace $0x9000004B  }
0xbc: {  	_ =	sfence  }
0xbd: {  	s30 =	sld [smem:$0x0];
	_ =	sdelay $0x2  }
0xbe: {  	s31 =	sshll.u32 s1, $0xD;
	s1 =	sshrl.u32 s1, $0x2  }
0xbf: {  	s3 =	sand.u32 $0x4000, s31;
	s1 =	sadd.s32 s1, s30  }
0xc0: {  	s0 =	sor.u32 s3, s0;
	s1 =	sshll.u32 s1, $0x11  }
0xc1: {  	s0 =	sor.u32 s1, s0  }
0xc2: {  	s0 =	sadd.s32 $0x8F2B, s0  }
0xc3: {  	[sflag:s0] =	ssyncadd.remote.s32 $0x1  }
0xc4: {  	_ =	sfence.sel $0xFFFF  }
0xc5: {  	[dreg:$0x0] =	wrdreg $0xFFFFFFFF;
	(pc) =	sbr.abs _section_cstart, $3  }
0xc6: {  	[dreg:$0x1] =	wrdreg $0xFFFFFFFF  }
0xc7: {  	_ =	task.clear_ibuf [dreg:s7], $0x2FFFF;
	_ =	strace $0x9FFFFFFF  }
0xc8: {  	(tm) =	ssettm $0x7FFFFFFF  }
0xc9: {  	_ =	shalt  }
tec
execute0_lowered:
.L_overlay_start_1:
0x0: {  	(tag) =	ssettag $0x1  }
0x1: {  	s7 =	rddreg [dreg:$0x0]  }
0x2: {  	s2 =	rddreg [dreg:$0x1]  }
0x3: {  	s0 =	rddreg [dreg:$0x2]  }
0x4: {  	s1 =	srdreg.scid;
	_ =	strace $0x8000004A;
	s4 =	simm.s32 $0x1  }
0x5: {  	s9 =	simm.s32 $0x3;
	s12 =	simm.s32 $0x0;
	s5 =	sshll.u32 s1, $0x4  }
.Ltmp0:
0x6: {  	s1 =	stileid.u32;
	s5 =	sand.u32 $0x10, s5;
	(pc) =	sbr.rel .LBB2_1-.Ltmp0, $4  }
0x7: {  	s10 =	simm.s32 $0x0;
	s3 =	sadd.s32 $0x9C00, s7;
	s6 =	sor.u32 s1, s5  }
0x8: {  	[sflag:s4] =	ssyncpa.u1 $0x0;
	s5 =	simm.s32 $0x2;
	s6 =	sshll.u32 s6, $0x8  }
0x9: {  	s7 =	sadd.s32 $0x64600, s7;
	[sflag:s5] =	ssyncpa.u1 $0x0;
	s8 =	sadd.s32 $0x100, s6  }
0xa: {  	vm0 =	vmmov $0xff;
	vm1 =	vcmask $0x3F20;
	[sflag:s9] =	ssyncpa.u1 $0x0;
	s9 =	simm.s32 $0x100;
	s11 =	smov.u32 s6  }
.LBB2_9:
0xb: {  	p0 =	seq.s32 s10, $0x2  }
.Ltmp1:
0xc: {  	_ = 	snop;
	(pc) =	sbr.rel @p0 .LBB2_11-.Ltmp1, $1  }
0xd: {  	_ =	sdelay $0x3  }
.LBB2_10:
0xe: {  	s12 =	sadd.s32 $0x100, s11  }
0xf: {  	s13 =	smov.u32 s6;
	p0 =	slt.s32 s12, s8  }
0x10: {  	s13 =	smov.u32 @p0 s12  }
0x11: {  	s10 =	sadd.s32 $0x1, s10;
	s12 =	smov.u32 s11;
	s11 =	smov.u32 s13  }
.LBB2_1:
0x12: {  	p0 =	sne.s32 s10, $0x0  }
.Ltmp2:
0x13: {  	_ = 	snop;
	(pc) =	sbr.rel @!p0 .LBB2_2-.Ltmp2, $1  }
0x14: {  	_ =	sdelay $0x3  }
0x15: {  	s13 =	sand.u32 $0x1, s10  }
0x16: {  	p0 =	seq.s32 s13, $0x0  }
.Ltmp3:
0x17: {  	_ = 	snop;
	(pc) =	sbr.rel @p0 .LBB2_9-.Ltmp3, $1  }
0x18: {  	_ =	sdelay $0x3  }
0x19: {  	_ =	swait.ge [sflag:s5], $0x100  }
0x1a: {  	[sflag:s5] =	ssyncset.done $0x0  }
0x1b: {  	s13 =	simm.s32 $0x0;
	[sflag:s5] =	ssyncadd.s32 $0xFFFFFF00  }
0x1c: {  	v0 =	vld.msk [tilespmem:s13+$0x100 ss:$0x1], $0xffff;
	_ =	sdelay $0x4  }
0x1d: {  	vm2 =	vgt.s32 v0, $0x0  }
0x1e: {  	v0 =	vnsel vm2, $0x0, v0  }
0x1f: {  	v0 =	vmin.u32 v0, $0x1FFF  }
0x20: {  	v0 =	vshll.u32 v0, $0x4;
	_ =	sdelay $0x3  }
0x21: {  	s13 =	simm.s32 $0x8200  }
0x22: {  	[tilespmem:s13], [sflag:$0x1] =	stream.indirect_vreg.gather [hbm:s3], $0x80, v0, vm0, $0x38;
	[tilespmem:$0x10200] =	vst v63  }
0x23: {  	s14 =	simm.s32 $0x8600;
	s31 =	simm.s32 $0x10  }
0x24: {  	[tilespmem:s14], [sflag:$0x1] =	stream.indirect_vreg.gather [hbm:s3], $0x80, v0, vm1, $0x38;
	[tilespmem:$0x10200] =	vst v63  }
0x25: {  	s14 =	simm.s32 $0x80;
	v0 =	vld.msk [tilespmem:s31+$0x100 ss:$0x1], $0xffff  }
.LBB2_5:
0x26: {  	p0 =	sne.s32 s14, $0x3C0;
	_ =	sdelay $0x4  }
0x27: {  	vm2 =	vgt.s32 v0, $0x0  }
0x28: {  	v0 =	vnsel vm2, $0x0, v0  }
0x29: {  	v0 =	vmin.u32 v0, $0x1FFF  }
0x2a: {  	v0 =	vshll.u32 v0, $0x4;
	_ =	sdelay $0x3  }
.Ltmp4:
0x2b: {  	s13 =	sadd.s32 $0x800, s13;
	(pc) =	sbr.rel @p0 .LBB2_5-.Ltmp4, $4  }
0x2c: {  	[tilespmem:s13], [sflag:$0x1] =	stream.indirect_vreg.gather [hbm:s3], $0x80, v0, vm0, $0x38;
	[tilespmem:$0x10200] =	vst v63  }
0x2d: {  	s15 =	sshra.s32 s14, $0x2;
	s16 =	sadd.s32 $0x400, s13  }
0x2e: {  	[tilespmem:s16], [sflag:$0x1] =	stream.indirect_vreg.gather [hbm:s3], $0x80, v0, vm1, $0x38;
	[tilespmem:$0x10200] =	vst v63  }
0x2f: {  	s14 =	sadd.s32 $0x40, s14;
	v0 =	vld.msk [tilespmem:s15+$0x100 ss:$0x1], $0xffff  }
0x30: {  	_ =	sdelay $0x3  }
0x31: {  	vm2 =	vgt.s32 v0, $0x0  }
0x32: {  	v0 =	vnsel vm2, $0x0, v0  }
0x33: {  	v0 =	vmin.u32 v0, $0x1FFF  }
0x34: {  	v0 =	vshll.u32 v0, $0x4;
	_ =	sdelay $0x3  }
0x35: {  	s13 =	sadd.s32 $0x800, s13  }
0x36: {  	[tilespmem:s13], [sflag:$0x1] =	stream.indirect_vreg.gather [hbm:s3], $0x80, v0, vm0, $0x38;
	[tilespmem:$0x10200] =	vst v63  }
0x37: {  	s13 =	sadd.s32 $0x400, s13  }
0x38: {  	[tilespmem:s13], [sflag:$0x1] =	stream.indirect_vreg.gather [hbm:s3], $0x80, v0, vm1, $0x38;
	[tilespmem:$0x10200] =	vst v63  }
0x39: {  	s12 =	sshll.u32 s12, $0x4;
	s14 =	simm.s32 $0x80;
	_ =	swait.ge [sflag:s4], $0x8000  }
0x3a: {  	s15 =	simm.s32 $0x8600;
	s12 =	sadd.s32 s12, s7;
	[sflag:s4] =	ssyncset.done $0x0  }
0x3b: {  	s16 =	sadd.s32 $0x0, s12;
	s13 =	simm.s32 $0x8200;
	[sflag:s4] =	ssyncadd.s32 $0xFFFF8000  }
.LBB2_7:
0x3c: {  	[hbm:s16] =	stream.linear.scatter [tilespmem:s13], [sflag:$0x3], $0x400, $0x38;
	[tilespmem:$0x10200] =	vst v63  }
0x3d: {  	s16 =	smov.u32 s14;
	s13 =	smov.u32 s15;
	p0 =	sne.s32 s14, $0xF80  }
.Ltmp5:
0x3e: {  	s14 =	sadd.s32 $0x80, s14;
	(pc) =	sbr.rel @p0 .LBB2_7-.Ltmp5, $2  }
0x3f: {  	_ =	sdelay $0x2  }
0x40: {  	s15 =	sadd.s32 $0x400, s15;
	s16 =	sadd.s32 s16, s12  }
.Ltmp6:
0x41: {  	(pc) =	sbr.rel .LBB2_9-.Ltmp6, $2  }
0x42: {  	_ =	sdelay $0x2  }
0x43: {  	[hbm:s16] =	stream.linear.scatter [tilespmem:s13], [sflag:$0x3], $0x400, $0x38;
	[tilespmem:$0x10200] =	vst v63  }
.LBB2_2:
.Ltmp7:
0x44: {  	(pc) =	sbr.rel .LBB2_10-.Ltmp7, $4  }
0x45: {  	_ = 	snop  }
0x46: {  	s12 =	sshrl.u32 s11, $0x3  }
0x47: {  	s13 =	sand.u32 $0x7, s11;
	s12 =	sadd.s32 s2, s12  }
0x48: {  	[tilespmem:s9], [sflag:$0x2] =	stream.linear.gather [hbm4b:s12+s13], $0x100, $0x38;
	[tilespmem:$0x10200] =	vst v63  }
.LBB2_11:
0x49: {  	s2 =	simm.s32 $0x3  }
0x4a: {  	_ =	swait.ge [sflag:s2], $0x8000  }
0x4b: {  	[sflag:s2] =	ssyncset.done $0x0  }
0x4c: {  	[sflag:s2] =	ssyncadd.s32 $0xFFFF8000  }
0x4d: {  	_ =	sfence.sel $0x180000  }
0x4e: {  	s3 =	simm.s32 $0x2;
	[bflag:$0x0] =	sbarrier.arrive $0xFFFF  }
0x4f: {  	[sflag:s3] =	ssyncpa.u1 $0x1  }
0x50: {  	s31 =	simm.s32 $0x1;
	[sflag:s2] =	ssyncpa.u1 $0x1  }
0x51: {  	[sflag:s31] =	ssyncpa.u1 $0x1  }
0x52: {  	p0 =	sne.s32 s1, $0x0;
	_ =	strace $0x9000004A  }
0x53: {  	s0 =	sadd.s32 @!p0 $0x100000, s0;
	[bflag:$0x2] =	sbarrier.arrive $0xFFFF  }
0x54: {  	[sflag:s0] =	ssyncadd.tile.s32 @!p0 $0x1;
	_ =	shalt  }
.Lfunc_end2:
_tile_overlayer_lowered:
.L_overlay_start_2:
0x55: {  	(tag) =	ssettag $0x2  }
0x56: {  	s0 =	rddreg [dreg:$0x0];
	s2 =	stileid.u32  }
0x57: {  	s1 =	rddreg [dreg:$0x1];
	p0 =	sne.s32 s2, $0x0  }
0x58: {  	s3 =	rddreg [dreg:$0x2];
	[bflag:$0x3] =	sbarrier.arrive $0xFFFF;
	s2 =	simm.s32 @!p0 $0x1C01  }
0x59: {  	[timem:s3], [sflag:s2] =	dma.local @!p0 [hbm:s0], s1  }
0x5a: {  	s0 =	simm.s32 @!p0 $0x1  }
0x5b: {  	_ =	swait.ge @!p0 [sflag:s0], s1  }
0x5c: {  	s1 =	ssub.s32 @!p0 $0x0, s1;
	[sflag:s0] =	ssyncset.done @!p0 $0x0  }
0x5d: {  	[sflag:s0] =	ssyncadd.s32 @!p0 s1  }
0x5e: {  	[bflag:$0x3] =	sbarrier.arrive $0xFFFF  }
0x5f: {  	_ =	shalt  }

// kernel: gather_offload_async_start.3
scs
__scs_entry_jumppad:
0x0: {  	(pc) =	sbr.rel $0x88, $3  }
0x1: {  	(tag) =	ssettag $0x0;
	lr =	simm.s32 $0x1  }
0x2: {  	[smem:$0x3F61] =	sst lr;
	_ =	strace $0xD0000000  }
0x3: {  	_ = 	snop  }
0x4: {  	_ = 	snop  }
0x5: {  	_ = 	snop  }
0x6: {  	_ = 	snop  }
0x7: {  	_ = 	snop  }
__scs_overlays_trampoline_lowered:
0x8: {  	[smem:$0x3F70] =	sst s0  }
0x9: {  	[smem:$0x3F71] =	sst s1  }
0xa: {  	[smem:$0x3F72] =	sst s2  }
0xb: {  	[smem:$0x3F73] =	sst s3  }
0xc: {  	[smem:$0x3F74] =	sst s4  }
0xd: {  	[smem:$0x3F75] =	sst s5  }
0xe: {  	[smem:$0x3F76] =	sst s6  }
0xf: {  	[smem:$0x3F77] =	sst s7  }
0x10: {  	[smem:$0x3F78] =	sst s8  }
0x11: {  	[smem:$0x3F79] =	sst s9;
	s0 =	simm.s32 @!p0 $0x0  }
0x12: {  	s1 =	sld [smem:$0x3F5F];
	s0 =	simm.s32 @p0 $0x1  }
0x13: {  	[smem:$0x3F7A] =	sst s0;
	s0 =	simm.s32 @!p1 $0x0  }
0x14: {  	s2 =	sld [smem:$0x3F5E];
	s0 =	simm.s32 @p1 $0x1  }
0x15: {  	[smem:$0x3F7B] =	sst s0;
	s0 =	simm.s32 @!p2 $0x0  }
0x16: {  	s3 =	sld [smem:$0x3FDB];
	s0 =	simm.s32 @p2 $0x1  }
0x17: {  	s4 =	simm.s32 $0x1BF5;
	[smem:$0x3F7D] =	sst s0  }
0x18: {  	s0 =	sld [smem:$0x3F60];
	_ =	swait.ge [sflag:s4], $0x0  }
0x19: {  	s7 =	sld [smem:$0x3F61]  }
0x1a: {  	s8 =	sadd.s32 $0xFFFFE003, lr  }
0x1b: {  	s9 =	sadd.s32 $0xFFFFFEF7, lr;
	s5 =	simm.s32 $0xFFFFFFFF;
	p2 =	slt.u32 s8, $0xFFFFF086  }
0x1c: {  	p1 =	slt.u32 s9, $0xF7A;
	s5 =	simm.s32 @!p2 $0x0  }
0x1d: {  	s5 =	simm.s32 @p1 $0x1;
	p0 =	seq.s32 s7, s2  }
0x1e: {  	s7 =	smul.u32 @!p0 $0xF7A, s2;
	p2 =	seq.s32 @!p0 s5, $0x0  }
0x1f: {  	s9 =	smul.u32 $0xF7A, s1;
	s8 =	simm.s32 @!p0 $0x1BF5;
	p2 =	por !p2, p0  }
0x20: {  	[sflag:s8] =	ssyncset.s32 @!p0 $0xFFFFF086;
	s6 =	sadd.s32 @!p0 s3, s7;
	s7 =	simm.s32 @!p0 $0x108  }
0x21: {  	s3 =	sadd.s32 s3, s9;
	s6 =	sadd.s32 @!p0 $0x88, s6;
	s7 =	simm.s32 @p2 $0x1082  }
0x22: {  	[simem:s7], [sflag:s8] =	dma.local @!p0 [hbm:s6], $0xF7A  }
0x23: {  	s9 =	sor.u32 $0xD0000000, s2;
	s6 =	simm.s32 $0x108;
	_ =	swait.ge @!p0 [sflag:s8], $0x0  }
0x24: {  	s3 =	sadd.s32 $0x88, s3;
	s6 =	simm.s32 @!p1 $0x1082;
	[sflag:s4] =	ssyncset.s32 $0xFFFFF086  }
0x25: {  	[simem:s6], [sflag:s4] =	dma.local [hbm:s3], $0xF7A  }
0x26: {  	[smem:$0x3F61] =	sst s1;
	(tag) =	ssettag s2;
	_ =	strace s9  }
0x27: {  	s1 =	sld [smem:$0x3F71]  }
0x28: {  	s2 =	sld [smem:$0x3F72]  }
0x29: {  	s4 =	sld [smem:$0x3F74]  }
0x2a: {  	p0 =	seq.s32 s5, $0x0;
	s5 =	sld [smem:$0x3F75]  }
0x2b: {  	s6 =	sld [smem:$0x3F76]  }
0x2c: {  	s7 =	sld [smem:$0x3F77]  }
0x2d: {  	s3 =	simm.s32 $0x108;
	s8 =	sld [smem:$0x3F78]  }
0x2e: {  	s3 =	simm.s32 @!p0 $0x1082;
	s9 =	sld [smem:$0x3F79]  }
0x2f: {  	lr =	sadd.s32 s0, s3;
	s0 =	sld [smem:$0x3F70]  }
0x30: {  	s3 =	sld [smem:$0x3F73]  }
0x31: {  	[smem:$0x3F7C] =	sst s10  }
0x32: {  	s10 =	sld [smem:$0x3F7A];
	_ =	sdelay $0x3  }
0x33: {  	p0 =	seq.s32 s10, $0x1;
	s10 =	sld [smem:$0x3F7C];
	_ =	sdelay $0x3  }
0x34: {  	[smem:$0x3F7C] =	sst s10  }
0x35: {  	s10 =	sld [smem:$0x3F7B];
	_ =	sdelay $0x3  }
0x36: {  	p1 =	seq.s32 s10, $0x1;
	s10 =	sld [smem:$0x3F7C];
	_ =	sdelay $0x3  }
0x37: {  	[smem:$0x3F7C] =	sst s10  }
0x38: {  	s10 =	sld [smem:$0x3F7D]  }
0x39: {  	_ = 	snop;
	(pc) =	sbr.ind lr, $3  }
0x3a: {  	_ = 	snop  }
0x3b: {  	_ = 	snop  }
0x3c: {  	p2 =	seq.s32 s10, $0x1;
	s10 =	sld [smem:$0x3F7C]  }
0x3d: {  	_ =	shalt  }
0x3e: {  	_ =	shalt  }
0x3f: {  	_ =	shalt  }
0x40: {  	_ =	shalt  }
0x41: {  	_ =	shalt  }
0x42: {  	_ =	shalt  }
0x43: {  	_ =	shalt  }
0x44: {  	_ =	shalt  }
0x45: {  	_ =	shalt  }
0x46: {  	_ =	shalt  }
0x47: {  	_ =	shalt  }
0x48: {  	_ =	shalt  }
0x49: {  	_ =	shalt  }
0x4a: {  	_ =	shalt  }
0x4b: {  	_ =	shalt  }
0x4c: {  	_ =	shalt  }
0x4d: {  	_ =	shalt  }
0x4e: {  	_ =	shalt  }
0x4f: {  	_ =	shalt  }
0x50: {  	_ =	shalt  }
0x51: {  	_ =	shalt  }
0x52: {  	_ =	shalt  }
0x53: {  	_ =	shalt  }
0x54: {  	_ =	shalt  }
0x55: {  	_ =	shalt  }
0x56: {  	_ =	shalt  }
0x57: {  	_ =	shalt  }
0x58: {  	_ =	shalt  }
0x59: {  	_ =	shalt  }
0x5a: {  	_ =	shalt  }
0x5b: {  	_ =	shalt  }
0x5c: {  	_ =	shalt  }
0x5d: {  	_ =	shalt  }
0x5e: {  	_ =	shalt  }
0x5f: {  	_ =	shalt  }
0x60: {  	_ =	shalt  }
0x61: {  	_ =	shalt  }
0x62: {  	_ =	shalt  }
0x63: {  	_ =	shalt  }
0x64: {  	_ =	shalt  }
0x65: {  	_ =	shalt  }
0x66: {  	_ =	shalt  }
0x67: {  	_ =	shalt  }
0x68: {  	_ =	shalt  }
0x69: {  	_ =	shalt  }
0x6a: {  	_ =	shalt  }
0x6b: {  	_ =	shalt  }
0x6c: {  	_ =	shalt  }
0x6d: {  	_ =	shalt  }
0x6e: {  	_ =	shalt  }
0x6f: {  	_ =	shalt  }
0x70: {  	_ =	shalt  }
0x71: {  	_ =	shalt  }
0x72: {  	_ =	shalt  }
0x73: {  	_ =	shalt  }
0x74: {  	_ =	shalt  }
0x75: {  	_ =	shalt  }
0x76: {  	_ =	shalt  }
0x77: {  	_ =	shalt  }
0x78: {  	_ =	shalt  }
0x79: {  	_ =	shalt  }
0x7a: {  	_ =	shalt  }
0x7b: {  	_ =	shalt  }
0x7c: {  	_ =	shalt  }
0x7d: {  	_ =	shalt  }
0x7e: {  	_ =	shalt  }
0x7f: {  	_ =	shalt  }
0x80: {  	_ =	shalt  }
0x81: {  	_ =	shalt  }
0x82: {  	_ =	shalt  }
0x83: {  	_ =	shalt  }
0x84: {  	_ =	shalt  }
0x85: {  	_ =	shalt  }
0x86: {  	_ =	shalt  }
0x87: {  	_ =	shalt  }
.Lfunc_end0:
.L_simem_size_0:
called_computation.3_lowered:
.L_overlay_start_0:
0x88: {  	s2 =	sld [smem:$0x3FD9]  }
0x89: {  	s3 =	sld [smem:$0x3FFE];
	_ =	sdelay $0x1  }
0x8a: {  	s1 =	srdreg.scid  }
0x8b: {  	s0 =	sand.u32 $0x1, s1  }
0x8c: {  	s14 =	sshll.u32 s0, $0xA;
	s2 =	sadd.s32 s3, s2  }
0x8d: {  	s2 =	sadd.s32 s2, s14  }
0x8e: {  	[smem:$0x3F88] =	sst s2  }
0x8f: {  	_ = 	snop  }
0x90: {  	s2 =	sld [smem:$0x3FD0];
	_ =	sdelay $0x2  }
0x91: {  	s15 =	simm.s32 $0xB;
	s4 =	simm.s32 $0x10  }
0x92: {  	[smem:s4], [sflag:s15] =	dma.local [hbm:s2], $0x1  }
0x93: {  	_ =	swait.eq [sflag:s15], $0x1  }
0x94: {  	[sflag:s15] =	ssyncset.done $0x0  }
0x95: {  	[sflag:s15] =	ssyncadd.s32 $0xFFFFFFFF  }
0x96: {  	s16 =	sld [smem:$0x10];
	(tm) =	ssettm $0x1  }
0x97: {  	s17 =	sld [smem:$0x3FFB];
	_ =	sdelay $0x3  }
0x98: {  	_ =	strace s17  }
0x99: {  	s3 =	sld [smem:$0x3FFC];
	_ =	sdelay $0x3  }
0x9a: {  	_ =	strace s3  }
0x9b: {  	s3 =	sld [smem:$0x3FFD];
	_ =	sdelay $0x3  }
0x9c: {  	_ =	strace s3  }
0x9d: {  	_ =	strace $0x8FFFFFFF  }
0x9e: {  	s18 =	sld [smem:$0x3FDB];
	_ =	sdelay $0x1  }
0x9f: {  	s19 =	simm.s32 $_scs_section_size  }
0xa0: {  	s5 =	simm.s32 $_size__tile_overlayer_lowered;
	s6 =	simm.s32 $_tile_overlayer_lowered  }
0xa1: {  	s22 =	simm.s32 $0x1BFF;
	s21 =	sshll.u32 s6, $0x1;
	s3 =	sadd.s32 s19, s18  }
0xa2: {  	s7 =	simm.s32 $0x0;
	s20 =	sshll.u32 s5, $0x1;
	s5 =	sadd.s32 s21, s3  }
0xa3: {  	[timem:s7], [sflag:s22] =	dma.local [hbm:s5], s20  }
0xa4: {  	_ =	swait.ge [sflag:s22], s20  }
0xa5: {  	s4 =	ssub.s32 $0x0, s20;
	[sflag:s22] =	ssyncset.done $0x0  }
0xa6: {  	[sflag:s22] =	ssyncadd.s32 s4;
	_ =	sdelay $0x1  }
0xa7: {  	s23 =	simm.s32 $0x1B8B  }
0xa8: {  	_ =	swait.ge [sflag:s23], $0x1  }
0xa9: {  	[sflag:s23] =	ssyncset.done $0x0  }
0xaa: {  	s25 =	simm.s32 $0x1B8E;
	s24 =	sld [smem:$0x3FFE];
	[sflag:s23] =	ssyncadd.s32 $0xFFFFFFFF  }
0xab: {  	s26 =	simm.s32 $execute0_lowered;
	[smem:$0x3FD2] =	sst s25  }
0xac: {  	s5 =	sshll.u32 s26, $0x1;
	_ =	strace $0x80000046;
	[dreg:$0x1] =	wrdreg $0xFFFFFFFF  }
0xad: {  	s28 =	simm.s32 $_size_execute0_lowered;
	s3 =	sadd.s32 s3, s5;
	[dreg:$0x0] =	wrdreg $0x0  }
0xae: {  	s5 =	sshll.u32 s28, $0x1;
	[dreg:$0x2] =	wrdreg s3  }
0xaf: {  	[dreg:$0x3] =	wrdreg s5  }
0xb0: {  	[dreg:$0x4] =	wrdreg $0xC0  }
0xb1: {  	_ =	task [dreg:s7], $0x5FFFF  }
0xb2: {  	[dreg:$0x1] =	wrdreg $0xFFFFFFFF  }
0xb3: {  	[dreg:$0x0] =	wrdreg $0x60  }
0xb4: {  	[dreg:$0x2] =	wrdreg s24  }
0xb5: {  	[dreg:$0x3] =	wrdreg s16  }
0xb6: {  	[dreg:$0x4] =	wrdreg $0x9  }
0xb7: {  	_ =	task.clear_ibuf [dreg:s7], $0x5FFFF;
	_ =	strace $0x90000046  }
0xb8: {  	s29 =	simm.s32 $0x9;
	_ =	strace $0x80000048  }
0xb9: {  	_ =	swait.ge [sflag:s29], $0x1  }
0xba: {  	[sflag:s29] =	ssyncadd.s32 $0xFFFFFFFF  }
0xbb: {  	_ =	strace $0x90000048  }
0xbc: {  	_ =	sfence  }
0xbd: {  	s30 =	sld [smem:$0x0];
	_ =	sdelay $0x2  }
0xbe: {  	s31 =	sshll.u32 s1, $0xD;
	s1 =	sshrl.u32 s1, $0x2  }
0xbf: {  	s3 =	sand.u32 $0x4000, s31;
	s1 =	sadd.s32 s1, s30  }
0xc0: {  	s0 =	sor.u32 s3, s0;
	s1 =	sshll.u32 s1, $0x11  }
0xc1: {  	s0 =	sor.u32 s1, s0  }
0xc2: {  	s0 =	sadd.s32 $0x8F2B, s0  }
0xc3: {  	[sflag:s0] =	ssyncadd.remote.s32 $0x1  }
0xc4: {  	_ =	sfence.sel $0xFFFF  }
0xc5: {  	[dreg:$0x0] =	wrdreg $0xFFFFFFFF;
	(pc) =	sbr.abs _section_cstart, $3  }
0xc6: {  	[dreg:$0x1] =	wrdreg $0xFFFFFFFF  }
0xc7: {  	_ =	task.clear_ibuf [dreg:s7], $0x2FFFF;
	_ =	strace $0x9FFFFFFF  }
0xc8: {  	(tm) =	ssettm $0x7FFFFFFF  }
0xc9: {  	_ =	shalt  }
tec
execute0_lowered:
.L_overlay_start_1:
0x0: {  	(tag) =	ssettag $0x1  }
0x1: {  	s1 =	srdreg.scid;
	s5 =	rddreg [dreg:$0x0]  }
0x2: {  	s0 =	stileid.u32;
	s2 =	rddreg [dreg:$0x1];
	s6 =	simm.s32 $0x1  }
0x3: {  	s9 =	simm.s32 $0x1;
	s10 =	simm.s32 $0x3;
	s1 =	sshll.u32 s1, $0x7  }
0x4: {  	s13 =	simm.s32 $0x0;
	s3 =	sshll.u32 s0, $0x8;
	s4 =	sand.u32 $0x80, s1  }
0x5: {  	s12 =	simm.s32 $0x0;
	s1 =	rddreg [dreg:$0x2];
	s3 =	sor.u32 s3, s4  }
0x6: {  	_ =	strace $0x80000047;
	s4 =	sadd.s32 $0x29C00, s5;
	s8 =	ssub.s32 $0x2000, s3  }
.Ltmp0:
0x7: {  	s5 =	sadd.s32 $0x54200, s5;
	s7 =	sand.u32 $0xF80, s8;
	(pc) =	sbr.rel .LBB2_1-.Ltmp0, $4  }
0x8: {  	[sflag:s6] =	ssyncpa.u1 $0x0;
	s11 =	smov.u32 s3;
	p0 =	sne.s32 s7, $0x0  }
0x9: {  	s8 =	sshrl.u32 s8, $0xC;
	s7 =	simm.s32 $0x2;
	s9 =	simm.s32 @!p0 $0x0  }
0xa: {  	[sflag:s7] =	ssyncpa.u1 $0x0;
	p0 =	por $0x0, $0x0;
	s8 =	sadd.s32 s9, s8  }
0xb: {  	vm0 =	vmmov $0xffff;
	[sflag:s10] =	ssyncpa.u1 $0x0;
	s10 =	simm.s32 $0x0;
	s9 =	sadd.s32 $0x1, s8  }
.LBB2_4:
0xc: {  	v2 =	vnsel vm1, $0x0, v2  }
0xd: {  	vm1 =	vgt.s32 v0, $0x0;
	v2 =	vmin.u32 v2, $0x1FFF  }
0xe: {  	v0 =	vnsel vm1, $0x0, v0  }
0xf: {  	v0 =	vmin.u32 v0, $0x1FFF  }
0x10: {  	[tilespmem:s15], [sflag:$0x1] =	stream.indirect_vreg.gather [hbm4b:s4+s10], $0x1, v1, vm0, $0x4038;
	[tilespmem:$0x200] =	vst v63  }
0x11: {  	(ifvalue) =	ssetifvalue $0x7FFFFFFF  }
0x12: {  	[tilespmem:s16], [sflag:$0x1] =	stream.indirect_vreg.gather [hbm4b:s4+s10], $0x1, v2, vm0, $0x4038;
	[tilespmem:$0x200] =	vst v63  }
0x13: {  	s29 =	sadd.s32 $0x10, s16;
	(ifvalue) =	ssetifvalue $0x7FFFFFFF  }
0x14: {  	[tilespmem:s29], [sflag:$0x1] =	stream.indirect_vreg.gather [hbm4b:s4+s10], $0x1, v0, vm0, $0x4038;
	[tilespmem:$0x200] =	vst v63  }
0x15: {  	_ =	swait.ge [sflag:s6], $0x80  }
0x16: {  	s30 =	sshrl.u32 s13, $0x3;
	[sflag:s6] =	ssyncset.done $0x0  }
0x17: {  	s31 =	sand.u32 $0x7, s13;
	s15 =	sadd.s32 s5, s30;
	[sflag:s6] =	ssyncadd.s32 $0xFFFFFF80  }
0x18: {  	[hbm4b:s15+s31] =	stream.linear.scatter [tilespmem:s14], [sflag:$0x3], $0x80, $0x38;
	[tilespmem:$0x200] =	vst v63  }
.LBB2_5:
0x19: {  	s15 =	sadd.s32 $0x1000, s11  }
0x1a: {  	p2 =	sgt.s32 s15, $0x1FFF  }
0x1b: {  	s15 =	smov.u32 @p2 s3;
	p2 =	sne.s32 s12, s9  }
.Ltmp1:
0x1c: {  	p1 =	slt.u32 s12, $0x2;
	(pc) =	sbr.rel @!p2 .LBB2_6-.Ltmp1, $4  }
0x1d: {  	s14 =	simm.s32 @!p1 $0x3  }
0x1e: {  	s16 =	sadd.s32 $0x1, s12;
	_ =	swait.ge @!p1 [sflag:s14], $0x80  }
0x1f: {  	s13 =	smov.u32 s11;
	p0 =	por !p0, !p0;
	[sflag:s14] =	ssyncset.done @!p1 $0x0  }
0x20: {  	s12 =	smov.u32 s16;
	s11 =	smov.u32 s15;
	[sflag:s14] =	ssyncadd.s32 @!p1 $0xFFFFFF80  }
.LBB2_1:
0x21: {  	p1 =	sge.u32 s12, s8  }
0x22: {  	s14 =	sxor.u32 @!p1 $0xFFFFFFFF, s12  }
0x23: {  	s31 =	sadd.s32 $0xFFFFFFFF, s12;
	s15 =	sshrl.u32 @!p1 s11, $0x3;
	s14 =	sshll.u32 @!p1 s14, $0x7  }
0x24: {  	s16 =	sand.u32 @!p1 $0x7, s11;
	s15 =	sadd.s32 @!p1 s2, s15;
	s14 =	sand.u32 @!p1 $0x80, s14  }
0x25: {  	[tilespmem:s14], [sflag:$0x2] =	stream.linear.gather @!p1 [hbm4b:s15+s16], $0x80, $0x38;
	[tilespmem:$0x200] =	vst v63  }
0x26: {  	p1 =	sge.u32 s31, s8  }
.Ltmp2:
0x27: {  	_ = 	snop;
	(pc) =	sbr.rel @p1 .LBB2_5-.Ltmp2, $1  }
0x28: {  	_ =	sdelay $0x3  }
0x29: {  	s14 =	simm.s32 $0x1  }
0x2a: {  	_ =	swait.ge [sflag:s7], $0x80;
	s14 =	simm.s32 @!p0 $0x0  }
0x2b: {  	[sflag:s7] =	ssyncset.done $0x0;
	s14 =	sshll.u32 s14, $0x7  }
0x2c: {  	[sflag:s7] =	ssyncadd.s32 $0xFFFFFF80;
	(ifvalue) =	ssetifvalue $0x7FFFFFFF;
	v0 =	vld.msk [tilespmem:s14+$0x0 ss:$0x1], $0xffff;
	_ =	sdelay $0x4  }
0x2d: {  	s15 =	sadd.s32 $0x10, s14;
	vm1 =	vgt.s32 v0, $0x0  }
0x2e: {  	v2 =	vld.msk [tilespmem:s15+$0x0 ss:$0x1], $0xffff;
	v1 =	vnsel vm1, $0x0, v0  }
0x2f: {  	v1 =	vmin.u32 v1, $0x1FFF;
	_ =	sdelay $0x1  }
0x30: {  	s16 =	sshll.u32 s12, $0x7;
	s18 =	simm.s32 $0x20  }
0x31: {  	s16 =	sand.u32 $0x80, s16;
	s17 =	sadd.s32 $0x10, s15;
	s15 =	sor.u32 $0x100, s14  }
0x32: {  	s14 =	sor.u32 $0x100, s16;
	s16 =	sadd.s32 $0x10, s15;
	v0 =	vld.msk [tilespmem:s17+$0x0 ss:$0x1], $0xffff;
	vm1 =	vgt.s32 v2, $0x0;
	(ifvalue) =	ssetifvalue $0x7FFFFFFF  }
.LBB2_3:
0x33: {  	[tilespmem:s15], [sflag:$0x1] =	stream.indirect_vreg.gather [hbm4b:s4+s10], $0x1, v1, vm0, $0x4038;
	[tilespmem:$0x200] =	vst v63  }
0x34: {  	s18 =	sadd.s32 $0x10, s18  }
0x35: {  	v2 =	vnsel vm1, $0x0, v2;
	p1 =	slt.u32 s18, $0x70  }
.Ltmp3:
0x36: {  	s15 =	smov.u32 s16;
	v1 =	vmin.u32 v2, $0x1FFF;
	(pc) =	sbr.rel @p1 .LBB2_3-.Ltmp3, $3  }
0x37: {  	_ =	sdelay $0x1  }
0x38: {  	s17 =	sadd.s32 $0x10, s17  }
0x39: {  	vm1 =	vgt.s32 v0, $0x0;
	s16 =	sadd.s32 $0x10, s16;
	v2 =	vmov v0;
	(ifvalue) =	ssetifvalue $0x7FFFFFFF;
	v0 =	vld.msk [tilespmem:s17+$0x0 ss:$0x1], $0xffff  }
.Ltmp4:
0x3a: {  	_ = 	snop;
	(pc) =	sbr.rel .LBB2_4-.Ltmp4, $1  }
0x3b: {  	_ =	sdelay $0x3  }
.LBB2_6:
0x3c: {  	_ =	sfence.sel $0x180000  }
0x3d: {  	s2 =	simm.s32 $0x2;
	[bflag:$0x0] =	sbarrier.arrive $0xFFFF  }
0x3e: {  	s30 =	simm.s32 $0x3;
	[sflag:s2] =	ssyncpa.u1 $0x1  }
0x3f: {  	s31 =	simm.s32 $0x1;
	[sflag:s30] =	ssyncpa.u1 $0x1  }
0x40: {  	[sflag:s31] =	ssyncpa.u1 $0x1  }
0x41: {  	p0 =	sne.s32 s0, $0x0;
	_ =	strace $0x90000047  }
0x42: {  	s0 =	sadd.s32 @!p0 $0x100000, s1;
	[bflag:$0x2] =	sbarrier.arrive $0xFFFF  }
0x43: {  	[sflag:s0] =	ssyncadd.tile.s32 @!p0 $0x1;
	_ =	shalt  }
.Lfunc_end2:
_tile_overlayer_lowered:
.L_overlay_start_2:
0x44: {  	(tag) =	ssettag $0x2  }
0x45: {  	s0 =	rddreg [dreg:$0x0];
	s2 =	stileid.u32  }
0x46: {  	s1 =	rddreg [dreg:$0x1];
	p0 =	sne.s32 s2, $0x0  }
0x47: {  	s3 =	rddreg [dreg:$0x2];
	[bflag:$0x3] =	sbarrier.arrive $0xFFFF;
	s2 =	simm.s32 @!p0 $0x1C01  }
0x48: {  	[timem:s3], [sflag:s2] =	dma.local @!p0 [hbm:s0], s1  }
0x49: {  	s0 =	simm.s32 @!p0 $0x1  }
0x4a: {  	_ =	swait.ge @!p0 [sflag:s0], s1  }
0x4b: {  	s1 =	ssub.s32 @!p0 $0x0, s1;
	[sflag:s0] =	ssyncset.done @!p0 $0x0  }
0x4c: {  	[sflag:s0] =	ssyncadd.s32 @!p0 s1  }
0x4d: {  	[bflag:$0x3] =	sbarrier.arrive $0xFFFF  }
0x4e: {  	_ =	shalt  }

// kernel: gather_offload_async_start.4
scs
__scs_entry_jumppad:
0x0: {  	(pc) =	sbr.rel $0x88, $3  }
0x1: {  	(tag) =	ssettag $0x0;
	lr =	simm.s32 $0x1  }
0x2: {  	[smem:$0x3F61] =	sst lr;
	_ =	strace $0xD0000000  }
0x3: {  	_ = 	snop  }
0x4: {  	_ = 	snop  }
0x5: {  	_ = 	snop  }
0x6: {  	_ = 	snop  }
0x7: {  	_ = 	snop  }
__scs_overlays_trampoline_lowered:
0x8: {  	[smem:$0x3F70] =	sst s0  }
0x9: {  	[smem:$0x3F71] =	sst s1  }
0xa: {  	[smem:$0x3F72] =	sst s2  }
0xb: {  	[smem:$0x3F73] =	sst s3  }
0xc: {  	[smem:$0x3F74] =	sst s4  }
0xd: {  	[smem:$0x3F75] =	sst s5  }
0xe: {  	[smem:$0x3F76] =	sst s6  }
0xf: {  	[smem:$0x3F77] =	sst s7  }
0x10: {  	[smem:$0x3F78] =	sst s8  }
0x11: {  	[smem:$0x3F79] =	sst s9;
	s0 =	simm.s32 @!p0 $0x0  }
0x12: {  	s1 =	sld [smem:$0x3F5F];
	s0 =	simm.s32 @p0 $0x1  }
0x13: {  	[smem:$0x3F7A] =	sst s0;
	s0 =	simm.s32 @!p1 $0x0  }
0x14: {  	s2 =	sld [smem:$0x3F5E];
	s0 =	simm.s32 @p1 $0x1  }
0x15: {  	[smem:$0x3F7B] =	sst s0;
	s0 =	simm.s32 @!p2 $0x0  }
0x16: {  	s3 =	sld [smem:$0x3FDB];
	s0 =	simm.s32 @p2 $0x1  }
0x17: {  	s4 =	simm.s32 $0x1BF5;
	[smem:$0x3F7D] =	sst s0  }
0x18: {  	s0 =	sld [smem:$0x3F60];
	_ =	swait.ge [sflag:s4], $0x0  }
0x19: {  	s7 =	sld [smem:$0x3F61]  }
0x1a: {  	s8 =	sadd.s32 $0xFFFFE003, lr  }
0x1b: {  	s9 =	sadd.s32 $0xFFFFFEF7, lr;
	s5 =	simm.s32 $0xFFFFFFFF;
	p2 =	slt.u32 s8, $0xFFFFF086  }
0x1c: {  	p1 =	slt.u32 s9, $0xF7A;
	s5 =	simm.s32 @!p2 $0x0  }
0x1d: {  	s5 =	simm.s32 @p1 $0x1;
	p0 =	seq.s32 s7, s2  }
0x1e: {  	s7 =	smul.u32 @!p0 $0xF7A, s2;
	p2 =	seq.s32 @!p0 s5, $0x0  }
0x1f: {  	s9 =	smul.u32 $0xF7A, s1;
	s8 =	simm.s32 @!p0 $0x1BF5;
	p2 =	por !p2, p0  }
0x20: {  	[sflag:s8] =	ssyncset.s32 @!p0 $0xFFFFF086;
	s6 =	sadd.s32 @!p0 s3, s7;
	s7 =	simm.s32 @!p0 $0x108  }
0x21: {  	s3 =	sadd.s32 s3, s9;
	s6 =	sadd.s32 @!p0 $0x88, s6;
	s7 =	simm.s32 @p2 $0x1082  }
0x22: {  	[simem:s7], [sflag:s8] =	dma.local @!p0 [hbm:s6], $0xF7A  }
0x23: {  	s9 =	sor.u32 $0xD0000000, s2;
	s6 =	simm.s32 $0x108;
	_ =	swait.ge @!p0 [sflag:s8], $0x0  }
0x24: {  	s3 =	sadd.s32 $0x88, s3;
	s6 =	simm.s32 @!p1 $0x1082;
	[sflag:s4] =	ssyncset.s32 $0xFFFFF086  }
0x25: {  	[simem:s6], [sflag:s4] =	dma.local [hbm:s3], $0xF7A  }
0x26: {  	[smem:$0x3F61] =	sst s1;
	(tag) =	ssettag s2;
	_ =	strace s9  }
0x27: {  	s1 =	sld [smem:$0x3F71]  }
0x28: {  	s2 =	sld [smem:$0x3F72]  }
0x29: {  	s4 =	sld [smem:$0x3F74]  }
0x2a: {  	p0 =	seq.s32 s5, $0x0;
	s5 =	sld [smem:$0x3F75]  }
0x2b: {  	s6 =	sld [smem:$0x3F76]  }
0x2c: {  	s7 =	sld [smem:$0x3F77]  }
0x2d: {  	s3 =	simm.s32 $0x108;
	s8 =	sld [smem:$0x3F78]  }
0x2e: {  	s3 =	simm.s32 @!p0 $0x1082;
	s9 =	sld [smem:$0x3F79]  }
0x2f: {  	lr =	sadd.s32 s0, s3;
	s0 =	sld [smem:$0x3F70]  }
0x30: {  	s3 =	sld [smem:$0x3F73]  }
0x31: {  	[smem:$0x3F7C] =	sst s10  }
0x32: {  	s10 =	sld [smem:$0x3F7A];
	_ =	sdelay $0x3  }
0x33: {  	p0 =	seq.s32 s10, $0x1;
	s10 =	sld [smem:$0x3F7C];
	_ =	sdelay $0x3  }
0x34: {  	[smem:$0x3F7C] =	sst s10  }
0x35: {  	s10 =	sld [smem:$0x3F7B];
	_ =	sdelay $0x3  }
0x36: {  	p1 =	seq.s32 s10, $0x1;
	s10 =	sld [smem:$0x3F7C];
	_ =	sdelay $0x3  }
0x37: {  	[smem:$0x3F7C] =	sst s10  }
0x38: {  	s10 =	sld [smem:$0x3F7D]  }
0x39: {  	_ = 	snop;
	(pc) =	sbr.ind lr, $3  }
0x3a: {  	_ = 	snop  }
0x3b: {  	_ = 	snop  }
0x3c: {  	p2 =	seq.s32 s10, $0x1;
	s10 =	sld [smem:$0x3F7C]  }
0x3d: {  	_ =	shalt  }
0x3e: {  	_ =	shalt  }
0x3f: {  	_ =	shalt  }
0x40: {  	_ =	shalt  }
0x41: {  	_ =	shalt  }
0x42: {  	_ =	shalt  }
0x43: {  	_ =	shalt  }
0x44: {  	_ =	shalt  }
0x45: {  	_ =	shalt  }
0x46: {  	_ =	shalt  }
0x47: {  	_ =	shalt  }
0x48: {  	_ =	shalt  }
0x49: {  	_ =	shalt  }
0x4a: {  	_ =	shalt  }
0x4b: {  	_ =	shalt  }
0x4c: {  	_ =	shalt  }
0x4d: {  	_ =	shalt  }
0x4e: {  	_ =	shalt  }
0x4f: {  	_ =	shalt  }
0x50: {  	_ =	shalt  }
0x51: {  	_ =	shalt  }
0x52: {  	_ =	shalt  }
0x53: {  	_ =	shalt  }
0x54: {  	_ =	shalt  }
0x55: {  	_ =	shalt  }
0x56: {  	_ =	shalt  }
0x57: {  	_ =	shalt  }
0x58: {  	_ =	shalt  }
0x59: {  	_ =	shalt  }
0x5a: {  	_ =	shalt  }
0x5b: {  	_ =	shalt  }
0x5c: {  	_ =	shalt  }
0x5d: {  	_ =	shalt  }
0x5e: {  	_ =	shalt  }
0x5f: {  	_ =	shalt  }
0x60: {  	_ =	shalt  }
0x61: {  	_ =	shalt  }
0x62: {  	_ =	shalt  }
0x63: {  	_ =	shalt  }
0x64: {  	_ =	shalt  }
0x65: {  	_ =	shalt  }
0x66: {  	_ =	shalt  }
0x67: {  	_ =	shalt  }
0x68: {  	_ =	shalt  }
0x69: {  	_ =	shalt  }
0x6a: {  	_ =	shalt  }
0x6b: {  	_ =	shalt  }
0x6c: {  	_ =	shalt  }
0x6d: {  	_ =	shalt  }
0x6e: {  	_ =	shalt  }
0x6f: {  	_ =	shalt  }
0x70: {  	_ =	shalt  }
0x71: {  	_ =	shalt  }
0x72: {  	_ =	shalt  }
0x73: {  	_ =	shalt  }
0x74: {  	_ =	shalt  }
0x75: {  	_ =	shalt  }
0x76: {  	_ =	shalt  }
0x77: {  	_ =	shalt  }
0x78: {  	_ =	shalt  }
0x79: {  	_ =	shalt  }
0x7a: {  	_ =	shalt  }
0x7b: {  	_ =	shalt  }
0x7c: {  	_ =	shalt  }
0x7d: {  	_ =	shalt  }
0x7e: {  	_ =	shalt  }
0x7f: {  	_ =	shalt  }
0x80: {  	_ =	shalt  }
0x81: {  	_ =	shalt  }
0x82: {  	_ =	shalt  }
0x83: {  	_ =	shalt  }
0x84: {  	_ =	shalt  }
0x85: {  	_ =	shalt  }
0x86: {  	_ =	shalt  }
0x87: {  	_ =	shalt  }
.Lfunc_end0:
.L_simem_size_0:
called_computation.4_lowered:
.L_overlay_start_0:
0x88: {  	s2 =	sld [smem:$0x3FD9]  }
0x89: {  	s3 =	sld [smem:$0x3FFE];
	_ =	sdelay $0x1  }
0x8a: {  	s1 =	srdreg.scid  }
0x8b: {  	s0 =	sand.u32 $0x1, s1  }
0x8c: {  	s15 =	sshll.u32 s0, $0xA;
	s2 =	sadd.s32 s3, s2  }
0x8d: {  	s2 =	sadd.s32 s2, s15  }
0x8e: {  	[smem:$0x3F88] =	sst s2  }
0x8f: {  	_ = 	snop  }
0x90: {  	s16 =	sld [smem:$0x3FD0];
	_ =	sdelay $0x2  }
0x91: {  	s4 =	simm.s32 $0xB;
	s5 =	simm.s32 $0x10;
	s2 =	sld [smem:$0x3FC8]  }
0x92: {  	[smem:s5], [sflag:s4] =	dma.local [hbm:s16], $0x1  }
0x93: {  	_ =	swait.eq [sflag:s4], $0x1  }
0x94: {  	[sflag:s4] =	ssyncset.done $0x0  }
0x95: {  	[sflag:s4] =	ssyncadd.s32 $0xFFFFFFFF  }
0x96: {  	s17 =	sld [smem:$0x10];
	(tm) =	ssettm $0x1  }
0x97: {  	s18 =	sld [smem:$0x3FFB];
	_ =	sdelay $0x3  }
0x98: {  	_ =	strace s18  }
0x99: {  	s3 =	sld [smem:$0x3FFC];
	_ =	sdelay $0x3  }
0x9a: {  	_ =	strace s3  }
0x9b: {  	s3 =	sld [smem:$0x3FFD];
	_ =	sdelay $0x3  }
0x9c: {  	_ =	strace s3  }
0x9d: {  	_ =	strace $0x8FFFFFFF  }
0x9e: {  	s19 =	sld [smem:$0x3FDB];
	_ =	sdelay $0x1  }
0x9f: {  	s20 =	simm.s32 $_scs_section_size  }
0xa0: {  	s6 =	simm.s32 $_size__tile_overlayer_lowered;
	s7 =	simm.s32 $_tile_overlayer_lowered  }
0xa1: {  	s8 =	simm.s32 $0x1BFF;
	s21 =	sshll.u32 s7, $0x1;
	s5 =	sadd.s32 s20, s19  }
0xa2: {  	s22 =	simm.s32 $0x0;
	s6 =	sshll.u32 s6, $0x1;
	s7 =	sadd.s32 s21, s5  }
0xa3: {  	[timem:s22], [sflag:s8] =	dma.local [hbm:s7], s6  }
0xa4: {  	_ =	swait.ge [sflag:s8], s6  }
0xa5: {  	s6 =	ssub.s32 $0x0, s6;
	[sflag:s8] =	ssyncset.done $0x0  }
0xa6: {  	[sflag:s8] =	ssyncadd.s32 s6;
	_ =	sdelay $0x1  }
0xa7: {  	s23 =	simm.s32 $0x1B8B  }
0xa8: {  	_ =	swait.ge [sflag:s23], $0x1  }
0xa9: {  	[sflag:s23] =	ssyncset.done $0x0  }
0xaa: {  	[sflag:s23] =	ssyncadd.s32 $0xFFFFFFFF  }
0xab: {  	s6 =	sld [smem:$0x0]  }
0xac: {  	s7 =	sand.u32 $0xFFFFFFFE, s1  }
0xad: {  	p0 =	sne.s32 s1, s7  }
0xae: {  	s7 =	sshll.u32 @p0 s7, $0xE  }
0xaf: {  	s7 =	sadd.s32 @p0 $0x11B8D, s7;
	s8 =	sshll.u32 @p0 s6, $0x11  }
0xb0: {  	s7 =	sor.u32 @p0 s8, s7  }
0xb1: {  	[sflag:s7] =	ssyncadd.remote.s32 @p0 $0x1;
	_ =	sdelay $0x1  }
0xb2: {  	s7 =	simm.s32 @p0 $0x1B8D  }
0xb3: {  	_ =	swait.eq @p0 [sflag:s7], $0x1  }
0xb4: {  	[sflag:s7] =	ssyncadd.s32 @p0 $0xFFFFFFFF  }
0xb5: {  	s8 =	sshll.u32 @!p0 s1, $0xE  }
0xb6: {  	s8 =	sor.u32 @!p0 $0x4000, s8;
	s7 =	simm.s32 @!p0 $0x1B8D  }
0xb7: {  	s6 =	sshll.u32 @!p0 s6, $0x11;
	s8 =	sadd.s32 @!p0 $0x11B8D, s8;
	_ =	swait.eq @!p0 [sflag:s7], $0x1  }
0xb8: {  	s6 =	sor.u32 @!p0 s6, s8;
	[sflag:s7] =	ssyncadd.s32 @!p0 $0xFFFFFFFF  }
0xb9: {  	s25 =	simm.s32 $0x1B8E;
	s24 =	sld [smem:$0x3FFE];
	[sflag:s6] =	ssyncadd.remote.s32 @!p0 $0x1  }
0xba: {  	s26 =	simm.s32 $execute0_lowered;
	[smem:$0x3FD2] =	sst s25  }
0xbb: {  	s7 =	sshll.u32 s26, $0x1;
	_ =	strace $0x8000004C;
	[dreg:$0x1] =	wrdreg $0xFFFFFFFF  }
0xbc: {  	s28 =	simm.s32 $_size_execute0_lowered;
	s5 =	sadd.s32 s5, s7;
	[dreg:$0x0] =	wrdreg $0x0  }
0xbd: {  	s7 =	sshll.u32 s28, $0x1;
	[dreg:$0x2] =	wrdreg s5  }
0xbe: {  	[dreg:$0x3] =	wrdreg s7  }
0xbf: {  	[dreg:$0x4] =	wrdreg $0xC0  }
0xc0: {  	_ =	task [dreg:s22], $0x5FFFF  }
0xc1: {  	[dreg:$0x1] =	wrdreg $0xFFFFFFFF  }
0xc2: {  	[dreg:$0x0] =	wrdreg $0x60  }
0xc3: {  	[dreg:$0x2] =	wrdreg s2  }
0xc4: {  	[dreg:$0x3] =	wrdreg s17  }
0xc5: {  	[dreg:$0x4] =	wrdreg s24  }
0xc6: {  	[dreg:$0x5] =	wrdreg $0xA  }
0xc7: {  	_ =	task.clear_ibuf [dreg:s22], $0x6FFFF;
	_ =	strace $0x9000004C  }
0xc8: {  	s29 =	simm.s32 $0xA;
	_ =	strace $0x8000004E  }
0xc9: {  	_ =	swait.ge [sflag:s29], $0x1  }
0xca: {  	[sflag:s29] =	ssyncadd.s32 $0xFFFFFFFF  }
0xcb: {  	_ =	strace $0x9000004E  }
0xcc: {  	_ =	sfence  }
0xcd: {  	s30 =	sld [smem:$0x0];
	_ =	sdelay $0x2  }
0xce: {  	s31 =	sshll.u32 s1, $0xD;
	s1 =	sshrl.u32 s1, $0x2  }
0xcf: {  	s4 =	sand.u32 $0x4000, s31;
	s1 =	sadd.s32 s1, s30  }
0xd0: {  	s0 =	sor.u32 s4, s0;
	s1 =	sshll.u32 s1, $0x11  }
0xd1: {  	s0 =	sor.u32 s1, s0  }
0xd2: {  	s0 =	sadd.s32 $0x8F2B, s0  }
0xd3: {  	[sflag:s0] =	ssyncadd.remote.s32 $0x1  }
0xd4: {  	_ =	sfence.sel $0xFFFF  }
0xd5: {  	[dreg:$0x0] =	wrdreg $0xFFFFFFFF;
	(pc) =	sbr.abs _section_cstart, $3  }
0xd6: {  	[dreg:$0x1] =	wrdreg $0xFFFFFFFF  }
0xd7: {  	_ =	task.clear_ibuf [dreg:s22], $0x2FFFF;
	_ =	strace $0x9FFFFFFF  }
0xd8: {  	(tm) =	ssettm $0x7FFFFFFF  }
0xd9: {  	_ =	shalt  }
tec
execute0_lowered:
.L_overlay_start_1:
0x0: {  	(tag) =	ssettag $0x1  }
0x1: {  	s2 =	rddreg [dreg:$0x0]  }
0x2: {  	s1 =	srdreg.scid;
	s3 =	rddreg [dreg:$0x1]  }
0x3: {  	s0 =	stileid.u32;
	s5 =	rddreg [dreg:$0x2]  }
0x4: {  	s9 =	simm.s32 $0x1;
	s10 =	simm.s32 $0x3;
	s1 =	sshll.u32 s1, $0x7  }
0x5: {  	s13 =	simm.s32 $0x0;
	s4 =	sshll.u32 s0, $0x8;
	s6 =	sand.u32 $0x80, s1  }
0x6: {  	s12 =	simm.s32 $0x0;
	s5 =	sadd.s32 $0x29C00, s5;
	s4 =	sor.u32 s4, s6  }
0x7: {  	s1 =	rddreg [dreg:$0x3];
	_ =	strace $0x8000004D;
	s8 =	ssub.s32 $0x2000, s4  }
.Ltmp0:
0x8: {  	s6 =	simm.s32 $0x1;
	s7 =	sand.u32 $0xF80, s8;
	(pc) =	sbr.rel .LBB2_1-.Ltmp0, $4  }
0x9: {  	[sflag:s6] =	ssyncpa.u1 $0x0;
	s11 =	smov.u32 s4;
	p0 =	sne.s32 s7, $0x0  }
0xa: {  	s8 =	sshrl.u32 s8, $0xC;
	s7 =	simm.s32 $0x2;
	s9 =	simm.s32 @!p0 $0x0  }
0xb: {  	[sflag:s7] =	ssyncpa.u1 $0x0;
	p0 =	por $0x0, $0x0;
	s8 =	sadd.s32 s9, s8  }
0xc: {  	vm0 =	vmmov $0xffff;
	[sflag:s10] =	ssyncpa.u1 $0x0;
	s10 =	simm.s32 $0x0;
	s9 =	sadd.s32 $0x1, s8  }
.LBB2_4:
0xd: {  	v2 =	vnsel vm1, $0x0, v2  }
0xe: {  	vm1 =	vgt.s32 v0, $0x0;
	v2 =	vmin.u32 v2, $0x1FFF  }
0xf: {  	v0 =	vnsel vm1, $0x0, v0  }
0x10: {  	v0 =	vmin.u32 v0, $0x1FFF  }
0x11: {  	[tilespmem:s15], [sflag:$0x1] =	stream.indirect_vreg.gather [hbm4b:s2+s10], $0x1, v1, vm0, $0x4038;
	[tilespmem:$0x200] =	vst v63  }
0x12: {  	(ifvalue) =	ssetifvalue $0x7FFFFFFF  }
0x13: {  	[tilespmem:s16], [sflag:$0x1] =	stream.indirect_vreg.gather [hbm4b:s2+s10], $0x1, v2, vm0, $0x4038;
	[tilespmem:$0x200] =	vst v63  }
0x14: {  	s29 =	sadd.s32 $0x10, s16;
	(ifvalue) =	ssetifvalue $0x7FFFFFFF  }
0x15: {  	[tilespmem:s29], [sflag:$0x1] =	stream.indirect_vreg.gather [hbm4b:s2+s10], $0x1, v0, vm0, $0x4038;
	[tilespmem:$0x200] =	vst v63  }
0x16: {  	_ =	swait.ge [sflag:s6], $0x80  }
0x17: {  	s30 =	sshrl.u32 s13, $0x3;
	[sflag:s6] =	ssyncset.done $0x0  }
0x18: {  	s31 =	sand.u32 $0x7, s13;
	s15 =	sadd.s32 s5, s30;
	[sflag:s6] =	ssyncadd.s32 $0xFFFFFF80  }
0x19: {  	[hbm4b:s15+s31] =	stream.linear.scatter [tilespmem:s14], [sflag:$0x3], $0x80, $0x38;
	[tilespmem:$0x200] =	vst v63  }
.LBB2_5:
0x1a: {  	s15 =	sadd.s32 $0x1000, s11  }
0x1b: {  	p2 =	sgt.s32 s15, $0x1FFF  }
0x1c: {  	s15 =	smov.u32 @p2 s4;
	p2 =	sne.s32 s12, s9  }
.Ltmp1:
0x1d: {  	p1 =	slt.u32 s12, $0x2;
	(pc) =	sbr.rel @!p2 .LBB2_6-.Ltmp1, $4  }
0x1e: {  	s14 =	simm.s32 @!p1 $0x3  }
0x1f: {  	s16 =	sadd.s32 $0x1, s12;
	_ =	swait.ge @!p1 [sflag:s14], $0x80  }
0x20: {  	s13 =	smov.u32 s11;
	p0 =	por !p0, !p0;
	[sflag:s14] =	ssyncset.done @!p1 $0x0  }
0x21: {  	s12 =	smov.u32 s16;
	s11 =	smov.u32 s15;
	[sflag:s14] =	ssyncadd.s32 @!p1 $0xFFFFFF80  }
.LBB2_1:
0x22: {  	p1 =	sge.u32 s12, s8  }
0x23: {  	s14 =	sxor.u32 @!p1 $0xFFFFFFFF, s12  }
0x24: {  	s31 =	sadd.s32 $0xFFFFFFFF, s12;
	s15 =	sshrl.u32 @!p1 s11, $0x3;
	s14 =	sshll.u32 @!p1 s14, $0x7  }
0x25: {  	s16 =	sand.u32 @!p1 $0x7, s11;
	s15 =	sadd.s32 @!p1 s3, s15;
	s14 =	sand.u32 @!p1 $0x80, s14  }
0x26: {  	[tilespmem:s14], [sflag:$0x2] =	stream.linear.gather @!p1 [hbm4b:s15+s16], $0x80, $0x38;
	[tilespmem:$0x200] =	vst v63  }
0x27: {  	p1 =	sge.u32 s31, s8  }
.Ltmp2:
0x28: {  	_ = 	snop;
	(pc) =	sbr.rel @p1 .LBB2_5-.Ltmp2, $1  }
0x29: {  	_ =	sdelay $0x3  }
0x2a: {  	s14 =	simm.s32 $0x1  }
0x2b: {  	_ =	swait.ge [sflag:s7], $0x80;
	s14 =	simm.s32 @!p0 $0x0  }
0x2c: {  	[sflag:s7] =	ssyncset.done $0x0;
	s14 =	sshll.u32 s14, $0x7  }
0x2d: {  	[sflag:s7] =	ssyncadd.s32 $0xFFFFFF80;
	(ifvalue) =	ssetifvalue $0x7FFFFFFF;
	v0 =	vld.msk [tilespmem:s14+$0x0 ss:$0x1], $0xffff;
	_ =	sdelay $0x4  }
0x2e: {  	s15 =	sadd.s32 $0x10, s14;
	vm1 =	vgt.s32 v0, $0x0  }
0x2f: {  	v2 =	vld.msk [tilespmem:s15+$0x0 ss:$0x1], $0xffff;
	v1 =	vnsel vm1, $0x0, v0  }
0x30: {  	v1 =	vmin.u32 v1, $0x1FFF;
	_ =	sdelay $0x1  }
0x31: {  	s16 =	sshll.u32 s12, $0x7;
	s18 =	simm.s32 $0x20  }
0x32: {  	s16 =	sand.u32 $0x80, s16;
	s17 =	sadd.s32 $0x10, s15;
	s15 =	sor.u32 $0x100, s14  }
0x33: {  	s14 =	sor.u32 $0x100, s16;
	s16 =	sadd.s32 $0x10, s15;
	v0 =	vld.msk [tilespmem:s17+$0x0 ss:$0x1], $0xffff;
	vm1 =	vgt.s32 v2, $0x0;
	(ifvalue) =	ssetifvalue $0x7FFFFFFF  }
.LBB2_3:
0x34: {  	[tilespmem:s15], [sflag:$0x1] =	stream.indirect_vreg.gather [hbm4b:s2+s10], $0x1, v1, vm0, $0x4038;
	[tilespmem:$0x200] =	vst v63  }
0x35: {  	s18 =	sadd.s32 $0x10, s18  }
0x36: {  	v2 =	vnsel vm1, $0x0, v2;
	p1 =	slt.u32 s18, $0x70  }
.Ltmp3:
0x37: {  	s15 =	smov.u32 s16;
	v1 =	vmin.u32 v2, $0x1FFF;
	(pc) =	sbr.rel @p1 .LBB2_3-.Ltmp3, $3  }
0x38: {  	_ =	sdelay $0x1  }
0x39: {  	s17 =	sadd.s32 $0x10, s17  }
0x3a: {  	vm1 =	vgt.s32 v0, $0x0;
	s16 =	sadd.s32 $0x10, s16;
	v2 =	vmov v0;
	(ifvalue) =	ssetifvalue $0x7FFFFFFF;
	v0 =	vld.msk [tilespmem:s17+$0x0 ss:$0x1], $0xffff  }
.Ltmp4:
0x3b: {  	_ = 	snop;
	(pc) =	sbr.rel .LBB2_4-.Ltmp4, $1  }
0x3c: {  	_ =	sdelay $0x3  }
.LBB2_6:
0x3d: {  	_ =	sfence.sel $0x180000  }
0x3e: {  	s2 =	simm.s32 $0x2;
	[bflag:$0x0] =	sbarrier.arrive $0xFFFF  }
0x3f: {  	s30 =	simm.s32 $0x3;
	[sflag:s2] =	ssyncpa.u1 $0x1  }
0x40: {  	s31 =	simm.s32 $0x1;
	[sflag:s30] =	ssyncpa.u1 $0x1  }
0x41: {  	[sflag:s31] =	ssyncpa.u1 $0x1  }
0x42: {  	p0 =	sne.s32 s0, $0x0;
	_ =	strace $0x9000004D  }
0x43: {  	s0 =	sadd.s32 @!p0 $0x100000, s1;
	[bflag:$0x2] =	sbarrier.arrive $0xFFFF  }
0x44: {  	[sflag:s0] =	ssyncadd.tile.s32 @!p0 $0x1;
	_ =	shalt  }
.Lfunc_end2:
_tile_overlayer_lowered:
.L_overlay_start_2:
0x45: {  	(tag) =	ssettag $0x2  }
0x46: {  	s0 =	rddreg [dreg:$0x0];
	s2 =	stileid.u32  }
0x47: {  	s1 =	rddreg [dreg:$0x1];
	p0 =	sne.s32 s2, $0x0  }
0x48: {  	s3 =	rddreg [dreg:$0x2];
	[bflag:$0x3] =	sbarrier.arrive $0xFFFF;
	s2 =	simm.s32 @!p0 $0x1C01  }
0x49: {  	[timem:s3], [sflag:s2] =	dma.local @!p0 [hbm:s0], s1  }
0x4a: {  	s0 =	simm.s32 @!p0 $0x1  }
0x4b: {  	_ =	swait.ge @!p0 [sflag:s0], s1  }
0x4c: {  	s1 =	ssub.s32 @!p0 $0x0, s1;
	[sflag:s0] =	ssyncset.done @!p0 $0x0  }
0x4d: {  	[sflag:s0] =	ssyncadd.s32 @!p0 s1  }
0x4e: {  	[bflag:$0x3] =	sbarrier.arrive $0xFFFF  }
0x4f: {  	_ =	shalt  }

// kernel: gather_offload_async_start
scs
__scs_entry_jumppad:
0x0: {  	(pc) =	sbr.rel $0x88, $3  }
0x1: {  	(tag) =	ssettag $0x0;
	lr =	simm.s32 $0x1  }
0x2: {  	[smem:$0x3F61] =	sst lr;
	_ =	strace $0xD0000000  }
0x3: {  	_ = 	snop  }
0x4: {  	_ = 	snop  }
0x5: {  	_ = 	snop  }
0x6: {  	_ = 	snop  }
0x7: {  	_ = 	snop  }
__scs_overlays_trampoline_lowered:
0x8: {  	[smem:$0x3F70] =	sst s0  }
0x9: {  	[smem:$0x3F71] =	sst s1  }
0xa: {  	[smem:$0x3F72] =	sst s2  }
0xb: {  	[smem:$0x3F73] =	sst s3  }
0xc: {  	[smem:$0x3F74] =	sst s4  }
0xd: {  	[smem:$0x3F75] =	sst s5  }
0xe: {  	[smem:$0x3F76] =	sst s6  }
0xf: {  	[smem:$0x3F77] =	sst s7  }
0x10: {  	[smem:$0x3F78] =	sst s8  }
0x11: {  	[smem:$0x3F79] =	sst s9;
	s0 =	simm.s32 @!p0 $0x0  }
0x12: {  	s1 =	sld [smem:$0x3F5F];
	s0 =	simm.s32 @p0 $0x1  }
0x13: {  	[smem:$0x3F7A] =	sst s0;
	s0 =	simm.s32 @!p1 $0x0  }
0x14: {  	s2 =	sld [smem:$0x3F5E];
	s0 =	simm.s32 @p1 $0x1  }
0x15: {  	[smem:$0x3F7B] =	sst s0;
	s0 =	simm.s32 @!p2 $0x0  }
0x16: {  	s3 =	sld [smem:$0x3FDB];
	s0 =	simm.s32 @p2 $0x1  }
0x17: {  	s4 =	simm.s32 $0x1BF5;
	[smem:$0x3F7D] =	sst s0  }
0x18: {  	s0 =	sld [smem:$0x3F60];
	_ =	swait.ge [sflag:s4], $0x0  }
0x19: {  	s7 =	sld [smem:$0x3F61]  }
0x1a: {  	s8 =	sadd.s32 $0xFFFFE003, lr  }
0x1b: {  	s9 =	sadd.s32 $0xFFFFFEF7, lr;
	s5 =	simm.s32 $0xFFFFFFFF;
	p2 =	slt.u32 s8, $0xFFFFF086  }
0x1c: {  	p1 =	slt.u32 s9, $0xF7A;
	s5 =	simm.s32 @!p2 $0x0  }
0x1d: {  	s5 =	simm.s32 @p1 $0x1;
	p0 =	seq.s32 s7, s2  }
0x1e: {  	s7 =	smul.u32 @!p0 $0xF7A, s2;
	p2 =	seq.s32 @!p0 s5, $0x0  }
0x1f: {  	s9 =	smul.u32 $0xF7A, s1;
	s8 =	simm.s32 @!p0 $0x1BF5;
	p2 =	por !p2, p0  }
0x20: {  	[sflag:s8] =	ssyncset.s32 @!p0 $0xFFFFF086;
	s6 =	sadd.s32 @!p0 s3, s7;
	s7 =	simm.s32 @!p0 $0x108  }
0x21: {  	s3 =	sadd.s32 s3, s9;
	s6 =	sadd.s32 @!p0 $0x88, s6;
	s7 =	simm.s32 @p2 $0x1082  }
0x22: {  	[simem:s7], [sflag:s8] =	dma.local @!p0 [hbm:s6], $0xF7A  }
0x23: {  	s9 =	sor.u32 $0xD0000000, s2;
	s6 =	simm.s32 $0x108;
	_ =	swait.ge @!p0 [sflag:s8], $0x0  }
0x24: {  	s3 =	sadd.s32 $0x88, s3;
	s6 =	simm.s32 @!p1 $0x1082;
	[sflag:s4] =	ssyncset.s32 $0xFFFFF086  }
0x25: {  	[simem:s6], [sflag:s4] =	dma.local [hbm:s3], $0xF7A  }
0x26: {  	[smem:$0x3F61] =	sst s1;
	(tag) =	ssettag s2;
	_ =	strace s9  }
0x27: {  	s1 =	sld [smem:$0x3F71]  }
0x28: {  	s2 =	sld [smem:$0x3F72]  }
0x29: {  	s4 =	sld [smem:$0x3F74]  }
0x2a: {  	p0 =	seq.s32 s5, $0x0;
	s5 =	sld [smem:$0x3F75]  }
0x2b: {  	s6 =	sld [smem:$0x3F76]  }
0x2c: {  	s7 =	sld [smem:$0x3F77]  }
0x2d: {  	s3 =	simm.s32 $0x108;
	s8 =	sld [smem:$0x3F78]  }
0x2e: {  	s3 =	simm.s32 @!p0 $0x1082;
	s9 =	sld [smem:$0x3F79]  }
0x2f: {  	lr =	sadd.s32 s0, s3;
	s0 =	sld [smem:$0x3F70]  }
0x30: {  	s3 =	sld [smem:$0x3F73]  }
0x31: {  	[smem:$0x3F7C] =	sst s10  }
0x32: {  	s10 =	sld [smem:$0x3F7A];
	_ =	sdelay $0x3  }
0x33: {  	p0 =	seq.s32 s10, $0x1;
	s10 =	sld [smem:$0x3F7C];
	_ =	sdelay $0x3  }
0x34: {  	[smem:$0x3F7C] =	sst s10  }
0x35: {  	s10 =	sld [smem:$0x3F7B];
	_ =	sdelay $0x3  }
0x36: {  	p1 =	seq.s32 s10, $0x1;
	s10 =	sld [smem:$0x3F7C];
	_ =	sdelay $0x3  }
0x37: {  	[smem:$0x3F7C] =	sst s10  }
0x38: {  	s10 =	sld [smem:$0x3F7D]  }
0x39: {  	_ = 	snop;
	(pc) =	sbr.ind lr, $3  }
0x3a: {  	_ = 	snop  }
0x3b: {  	_ = 	snop  }
0x3c: {  	p2 =	seq.s32 s10, $0x1;
	s10 =	sld [smem:$0x3F7C]  }
0x3d: {  	_ =	shalt  }
0x3e: {  	_ =	shalt  }
0x3f: {  	_ =	shalt  }
0x40: {  	_ =	shalt  }
0x41: {  	_ =	shalt  }
0x42: {  	_ =	shalt  }
0x43: {  	_ =	shalt  }
0x44: {  	_ =	shalt  }
0x45: {  	_ =	shalt  }
0x46: {  	_ =	shalt  }
0x47: {  	_ =	shalt  }
0x48: {  	_ =	shalt  }
0x49: {  	_ =	shalt  }
0x4a: {  	_ =	shalt  }
0x4b: {  	_ =	shalt  }
0x4c: {  	_ =	shalt  }
0x4d: {  	_ =	shalt  }
0x4e: {  	_ =	shalt  }
0x4f: {  	_ =	shalt  }
0x50: {  	_ =	shalt  }
0x51: {  	_ =	shalt  }
0x52: {  	_ =	shalt  }
0x53: {  	_ =	shalt  }
0x54: {  	_ =	shalt  }
0x55: {  	_ =	shalt  }
0x56: {  	_ =	shalt  }
0x57: {  	_ =	shalt  }
0x58: {  	_ =	shalt  }
0x59: {  	_ =	shalt  }
0x5a: {  	_ =	shalt  }
0x5b: {  	_ =	shalt  }
0x5c: {  	_ =	shalt  }
0x5d: {  	_ =	shalt  }
0x5e: {  	_ =	shalt  }
0x5f: {  	_ =	shalt  }
0x60: {  	_ =	shalt  }
0x61: {  	_ =	shalt  }
0x62: {  	_ =	shalt  }
0x63: {  	_ =	shalt  }
0x64: {  	_ =	shalt  }
0x65: {  	_ =	shalt  }
0x66: {  	_ =	shalt  }
0x67: {  	_ =	shalt  }
0x68: {  	_ =	shalt  }
0x69: {  	_ =	shalt  }
0x6a: {  	_ =	shalt  }
0x6b: {  	_ =	shalt  }
0x6c: {  	_ =	shalt  }
0x6d: {  	_ =	shalt  }
0x6e: {  	_ =	shalt  }
0x6f: {  	_ =	shalt  }
0x70: {  	_ =	shalt  }
0x71: {  	_ =	shalt  }
0x72: {  	_ =	shalt  }
0x73: {  	_ =	shalt  }
0x74: {  	_ =	shalt  }
0x75: {  	_ =	shalt  }
0x76: {  	_ =	shalt  }
0x77: {  	_ =	shalt  }
0x78: {  	_ =	shalt  }
0x79: {  	_ =	shalt  }
0x7a: {  	_ =	shalt  }
0x7b: {  	_ =	shalt  }
0x7c: {  	_ =	shalt  }
0x7d: {  	_ =	shalt  }
0x7e: {  	_ =	shalt  }
0x7f: {  	_ =	shalt  }
0x80: {  	_ =	shalt  }
0x81: {  	_ =	shalt  }
0x82: {  	_ =	shalt  }
0x83: {  	_ =	shalt  }
0x84: {  	_ =	shalt  }
0x85: {  	_ =	shalt  }
0x86: {  	_ =	shalt  }
0x87: {  	_ =	shalt  }
.Lfunc_end0:
.L_simem_size_0:
called_computation_lowered:
.L_overlay_start_0:
0x88: {  	s2 =	sld [smem:$0x3FD9]  }
0x89: {  	s3 =	sld [smem:$0x3FFE];
	_ =	sdelay $0x1  }
0x8a: {  	s1 =	srdreg.scid  }
0x8b: {  	s0 =	sand.u32 $0x1, s1  }
0x8c: {  	s16 =	sshll.u32 s0, $0xA;
	s2 =	sadd.s32 s3, s2  }
0x8d: {  	s2 =	sadd.s32 s2, s16  }
0x8e: {  	[smem:$0x3F88] =	sst s2  }
0x8f: {  	_ = 	snop  }
0x90: {  	(tm) =	ssettm $0x1  }
0x91: {  	s17 =	sld [smem:$0x3FFB];
	_ =	sdelay $0x3  }
0x92: {  	_ =	strace s17  }
0x93: {  	s2 =	sld [smem:$0x3FFC];
	_ =	sdelay $0x3  }
0x94: {  	_ =	strace s2  }
0x95: {  	s2 =	sld [smem:$0x3FFD];
	_ =	sdelay $0x3  }
0x96: {  	_ =	strace s2  }
0x97: {  	_ =	strace $0x8FFFFFFF  }
0x98: {  	s18 =	sld [smem:$0x3FDB];
	_ =	sdelay $0x1  }
0x99: {  	s19 =	simm.s32 $_scs_section_size  }
0x9a: {  	s4 =	simm.s32 $_size__tile_overlayer_lowered;
	s5 =	simm.s32 $_tile_overlayer_lowered  }
0x9b: {  	s22 =	simm.s32 $0x1BFF;
	s21 =	sshll.u32 s5, $0x1;
	s2 =	sadd.s32 s19, s18  }
0x9c: {  	s6 =	simm.s32 $0x0;
	s20 =	sshll.u32 s4, $0x1;
	s4 =	sadd.s32 s21, s2  }
0x9d: {  	[timem:s6], [sflag:s22] =	dma.local [hbm:s4], s20  }
0x9e: {  	_ =	swait.ge [sflag:s22], s20  }
0x9f: {  	s3 =	ssub.s32 $0x0, s20;
	[sflag:s22] =	ssyncset.done $0x0  }
0xa0: {  	[sflag:s22] =	ssyncadd.s32 s3;
	_ =	sdelay $0x1  }
0xa1: {  	s23 =	simm.s32 $0x1B8B  }
0xa2: {  	_ =	swait.ge [sflag:s23], $0x1  }
0xa3: {  	[sflag:s23] =	ssyncset.done $0x0  }
0xa4: {  	s25 =	simm.s32 $0x1B8E;
	s24 =	sld [smem:$0x3FFE];
	[sflag:s23] =	ssyncadd.s32 $0xFFFFFFFF  }
0xa5: {  	s26 =	simm.s32 $execute0_lowered;
	[smem:$0x3FD2] =	sst s25  }
0xa6: {  	s4 =	sshll.u32 s26, $0x1;
	_ =	strace $0x8000004F;
	[dreg:$0x1] =	wrdreg $0xFFFFFFFF  }
0xa7: {  	s28 =	simm.s32 $_size_execute0_lowered;
	s2 =	sadd.s32 s2, s4;
	[dreg:$0x0] =	wrdreg $0x0  }
0xa8: {  	s4 =	sshll.u32 s28, $0x1;
	[dreg:$0x2] =	wrdreg s2  }
0xa9: {  	[dreg:$0x3] =	wrdreg s4  }
0xaa: {  	[dreg:$0x4] =	wrdreg $0xC0  }
0xab: {  	_ =	task [dreg:s6], $0x5FFFF  }
0xac: {  	[dreg:$0x1] =	wrdreg $0xFFFFFFFF  }
0xad: {  	[dreg:$0x0] =	wrdreg $0x60  }
0xae: {  	[dreg:$0x2] =	wrdreg s24  }
0xaf: {  	[dreg:$0x3] =	wrdreg $0x9  }
0xb0: {  	_ =	task.clear_ibuf [dreg:s6], $0x4FFFF;
	_ =	strace $0x9000004F  }
0xb1: {  	s29 =	simm.s32 $0x9;
	_ =	strace $0x80000051  }
0xb2: {  	_ =	swait.ge [sflag:s29], $0x1  }
0xb3: {  	[sflag:s29] =	ssyncadd.s32 $0xFFFFFFFF  }
0xb4: {  	_ =	strace $0x90000051  }
0xb5: {  	_ =	sfence  }
0xb6: {  	s30 =	sld [smem:$0x0];
	_ =	sdelay $0x2  }
0xb7: {  	s31 =	sshll.u32 s1, $0xD;
	s1 =	sshrl.u32 s1, $0x2  }
0xb8: {  	s3 =	sand.u32 $0x4000, s31;
	s1 =	sadd.s32 s1, s30  }
0xb9: {  	s0 =	sor.u32 s3, s0;
	s1 =	sshll.u32 s1, $0x11  }
0xba: {  	s0 =	sor.u32 s1, s0  }
0xbb: {  	s0 =	sadd.s32 $0x8F2B, s0  }
0xbc: {  	[sflag:s0] =	ssyncadd.remote.s32 $0x1  }
0xbd: {  	_ =	sfence.sel $0xFFFF  }
0xbe: {  	[dreg:$0x0] =	wrdreg $0xFFFFFFFF;
	(pc) =	sbr.abs _section_cstart, $3  }
0xbf: {  	[dreg:$0x1] =	wrdreg $0xFFFFFFFF  }
0xc0: {  	_ =	task.clear_ibuf [dreg:s6], $0x2FFFF;
	_ =	strace $0x9FFFFFFF  }
0xc1: {  	(tm) =	ssettm $0x7FFFFFFF  }
tec
execute0_lowered:
.L_overlay_start_1:
0x0: {  	(tag) =	ssettag $0x1  }
0x1: {  	s0 =	srdreg.scid;
	s5 =	rddreg [dreg:$0x0]  }
0x2: {  	s1 =	stileid.u32;
	s6 =	simm.s32 $0x1;
	s9 =	simm.s32 $0x1  }
0x3: {  	s10 =	simm.s32 $0x3;
	s13 =	simm.s32 $0x0;
	s2 =	sshll.u32 s0, $0x7  }
0x4: {  	s12 =	simm.s32 $0x0;
	s3 =	sshll.u32 s1, $0x8;
	s2 =	sand.u32 $0x80, s2  }
0x5: {  	s0 =	rddreg [dreg:$0x1];
	_ =	strace $0x80000050;
	s2 =	sor.u32 s3, s2  }
0x6: {  	s4 =	sadd.s32 $0x29C00, s5;
	[sflag:s6] =	ssyncpa.u1 $0x0;
	s8 =	ssub.s32 $0x2000, s2  }
.Ltmp0:
0x7: {  	s3 =	sadd.s32 $0x54200, s5;
	s7 =	sand.u32 $0xF80, s8;
	(pc) =	sbr.rel .LBB2_1-.Ltmp0, $4  }
0x8: {  	s5 =	sadd.s32 $0x64600, s5;
	s11 =	smov.u32 s2;
	p0 =	sne.s32 s7, $0x0  }
0x9: {  	s8 =	sshrl.u32 s8, $0xC;
	s7 =	simm.s32 $0x2;
	s9 =	simm.s32 @!p0 $0x0  }
0xa: {  	[sflag:s7] =	ssyncpa.u1 $0x0;
	p0 =	por $0x0, $0x0;
	s8 =	sadd.s32 s9, s8  }
0xb: {  	vm0 =	vmmov $0xffff;
	[sflag:s10] =	ssyncpa.u1 $0x0;
	s10 =	simm.s32 $0x0;
	s9 =	sadd.s32 $0x1, s8  }
.LBB2_4:
0xc: {  	v2 =	vnsel vm1, $0x0, v2  }
0xd: {  	vm1 =	vgt.s32 v0, $0x0;
	v2 =	vmin.u32 v2, $0x1FFF  }
0xe: {  	v0 =	vnsel vm1, $0x0, v0  }
0xf: {  	v0 =	vmin.u32 v0, $0x1FFF  }
0x10: {  	[tilespmem:s15], [sflag:$0x1] =	stream.indirect_vreg.gather [hbm4b:s3+s10], $0x1, v1, vm0, $0x4038;
	[tilespmem:$0x200] =	vst v63  }
0x11: {  	(ifvalue) =	ssetifvalue $0x7FFFFFFF  }
0x12: {  	[tilespmem:s16], [sflag:$0x1] =	stream.indirect_vreg.gather [hbm4b:s3+s10], $0x1, v2, vm0, $0x4038;
	[tilespmem:$0x200] =	vst v63  }
0x13: {  	s29 =	sadd.s32 $0x10, s16;
	(ifvalue) =	ssetifvalue $0x7FFFFFFF  }
0x14: {  	[tilespmem:s29], [sflag:$0x1] =	stream.indirect_vreg.gather [hbm4b:s3+s10], $0x1, v0, vm0, $0x4038;
	[tilespmem:$0x200] =	vst v63  }
0x15: {  	_ =	swait.ge [sflag:s6], $0x80  }
0x16: {  	s30 =	sshrl.u32 s13, $0x3;
	[sflag:s6] =	ssyncset.done $0x0  }
0x17: {  	s31 =	sand.u32 $0x7, s13;
	s15 =	sadd.s32 s5, s30;
	[sflag:s6] =	ssyncadd.s32 $0xFFFFFF80  }
0x18: {  	[hbm4b:s15+s31] =	stream.linear.scatter [tilespmem:s14], [sflag:$0x3], $0x80, $0x38;
	[tilespmem:$0x200] =	vst v63  }
.LBB2_5:
0x19: {  	s15 =	sadd.s32 $0x1000, s11  }
0x1a: {  	p2 =	sgt.s32 s15, $0x1FFF  }
0x1b: {  	s15 =	smov.u32 @p2 s2;
	p2 =	sne.s32 s12, s9  }
.Ltmp1:
0x1c: {  	p1 =	slt.u32 s12, $0x2;
	(pc) =	sbr.rel @!p2 .LBB2_6-.Ltmp1, $4  }
0x1d: {  	s14 =	simm.s32 @!p1 $0x3  }
0x1e: {  	s16 =	sadd.s32 $0x1, s12;
	_ =	swait.ge @!p1 [sflag:s14], $0x80  }
0x1f: {  	s13 =	smov.u32 s11;
	p0 =	por !p0, !p0;
	[sflag:s14] =	ssyncset.done @!p1 $0x0  }
0x20: {  	s12 =	smov.u32 s16;
	s11 =	smov.u32 s15;
	[sflag:s14] =	ssyncadd.s32 @!p1 $0xFFFFFF80  }
.LBB2_1:
0x21: {  	p1 =	sge.u32 s12, s8  }
0x22: {  	s14 =	sxor.u32 @!p1 $0xFFFFFFFF, s12  }
0x23: {  	s31 =	sadd.s32 $0xFFFFFFFF, s12;
	s15 =	sshrl.u32 @!p1 s11, $0x3;
	s14 =	sshll.u32 @!p1 s14, $0x7  }
0x24: {  	s16 =	sand.u32 @!p1 $0x7, s11;
	s15 =	sadd.s32 @!p1 s4, s15;
	s14 =	sand.u32 @!p1 $0x80, s14  }
0x25: {  	[tilespmem:s14], [sflag:$0x2] =	stream.linear.gather @!p1 [hbm4b:s15+s16], $0x80, $0x38;
	[tilespmem:$0x200] =	vst v63  }
0x26: {  	p1 =	sge.u32 s31, s8  }
.Ltmp2:
0x27: {  	_ = 	snop;
	(pc) =	sbr.rel @p1 .LBB2_5-.Ltmp2, $1  }
0x28: {  	_ =	sdelay $0x3  }
0x29: {  	s14 =	simm.s32 $0x1  }
0x2a: {  	_ =	swait.ge [sflag:s7], $0x80;
	s14 =	simm.s32 @!p0 $0x0  }
0x2b: {  	[sflag:s7] =	ssyncset.done $0x0;
	s14 =	sshll.u32 s14, $0x7  }
0x2c: {  	[sflag:s7] =	ssyncadd.s32 $0xFFFFFF80;
	(ifvalue) =	ssetifvalue $0x7FFFFFFF;
	v0 =	vld.msk [tilespmem:s14+$0x0 ss:$0x1], $0xffff;
	_ =	sdelay $0x4  }
0x2d: {  	s15 =	sadd.s32 $0x10, s14;
	vm1 =	vgt.s32 v0, $0x0  }
0x2e: {  	v2 =	vld.msk [tilespmem:s15+$0x0 ss:$0x1], $0xffff;
	v1 =	vnsel vm1, $0x0, v0  }
0x2f: {  	v1 =	vmin.u32 v1, $0x1FFF;
	_ =	sdelay $0x1  }
0x30: {  	s16 =	sshll.u32 s12, $0x7;
	s18 =	simm.s32 $0x20  }
0x31: {  	s16 =	sand.u32 $0x80, s16;
	s17 =	sadd.s32 $0x10, s15;
	s15 =	sor.u32 $0x100, s14  }
0x32: {  	s14 =	sor.u32 $0x100, s16;
	s16 =	sadd.s32 $0x10, s15;
	v0 =	vld.msk [tilespmem:s17+$0x0 ss:$0x1], $0xffff;
	vm1 =	vgt.s32 v2, $0x0;
	(ifvalue) =	ssetifvalue $0x7FFFFFFF  }
.LBB2_3:
0x33: {  	[tilespmem:s15], [sflag:$0x1] =	stream.indirect_vreg.gather [hbm4b:s3+s10], $0x1, v1, vm0, $0x4038;
	[tilespmem:$0x200] =	vst v63  }
0x34: {  	s18 =	sadd.s32 $0x10, s18  }
0x35: {  	v2 =	vnsel vm1, $0x0, v2;
	p1 =	slt.u32 s18, $0x70  }
.Ltmp3:
0x36: {  	s15 =	smov.u32 s16;
	v1 =	vmin.u32 v2, $0x1FFF;
	(pc) =	sbr.rel @p1 .LBB2_3-.Ltmp3, $3  }
0x37: {  	_ =	sdelay $0x1  }
0x38: {  	s17 =	sadd.s32 $0x10, s17  }
0x39: {  	vm1 =	vgt.s32 v0, $0x0;
	s16 =	sadd.s32 $0x10, s16;
	v2 =	vmov v0;
	(ifvalue) =	ssetifvalue $0x7FFFFFFF;
	v0 =	vld.msk [tilespmem:s17+$0x0 ss:$0x1], $0xffff  }
.Ltmp4:
0x3a: {  	_ = 	snop;
	(pc) =	sbr.rel .LBB2_4-.Ltmp4, $1  }
0x3b: {  	_ =	sdelay $0x3  }
.LBB2_6:
0x3c: {  	_ =	sfence.sel $0x180000  }
0x3d: {  	s2 =	simm.s32 $0x2;
	[bflag:$0x0] =	sbarrier.arrive $0xFFFF  }
0x3e: {  	s30 =	simm.s32 $0x3;
	[sflag:s2] =	ssyncpa.u1 $0x1  }
0x3f: {  	s31 =	simm.s32 $0x1;
	[sflag:s30] =	ssyncpa.u1 $0x1  }
0x40: {  	[sflag:s31] =	ssyncpa.u1 $0x1  }
0x41: {  	p0 =	sne.s32 s1, $0x0;
	_ =	strace $0x90000050  }
0x42: {  	s0 =	sadd.s32 @!p0 $0x100000, s0;
	[bflag:$0x2] =	sbarrier.arrive $0xFFFF  }
0x43: {  	[sflag:s0] =	ssyncadd.tile.s32 @!p0 $0x1;
	_ =	shalt  }
.Lfunc_end2:
_tile_overlayer_lowered:
.L_overlay_start_2:
0x44: {  	(tag) =	ssettag $0x2  }
0x45: {  	s0 =	rddreg [dreg:$0x0];
	s2 =	stileid.u32  }
0x46: {  	s1 =	rddreg [dreg:$0x1];
	p0 =	sne.s32 s2, $0x0  }
0x47: {  	s3 =	rddreg [dreg:$0x2];
	[bflag:$0x3] =	sbarrier.arrive $0xFFFF;
	s2 =	simm.s32 @!p0 $0x1C01  }
0x48: {  	[timem:s3], [sflag:s2] =	dma.local @!p0 [hbm:s0], s1  }
0x49: {  	s0 =	simm.s32 @!p0 $0x1  }
0x4a: {  	_ =	swait.ge @!p0 [sflag:s0], s1  }
0x4b: {  	s1 =	ssub.s32 @!p0 $0x0, s1;
	[sflag:s0] =	ssyncset.done @!p0 $0x0  }
0x4c: {  	[sflag:s0] =	ssyncadd.s32 @!p0 s1  }
0x4d: {  	[bflag:$0x3] =	sbarrier.arrive $0xFFFF  }
0x4e: {  	_ =	shalt  }

</sc_bundles>
